<compile_context>
chip_gen: v7x
topology: tpu7x:2x2x1
jax: 0.10.2.dev20260603
libtpu: 0.0.44.dev20260713+nightly
codegen_flags: <defaults>
</compile_context>

<pallas_src>
import jax
import jax.numpy as jnp
from jax import lax
from jax.experimental import pallas as pl
from jax.experimental.pallas import tpu as pltpu
from jax.experimental.pallas import tpu_sc as plsc

N_FEAT = 26
VOCAB = 120
EMB = 32
BATCH = 16384
HID = 256
OUT_DIM = 64
PK = EMB // 2
XW = N_FEAT * PK
TROW = PK + 1
TILE_B = 1024

NC = 2
NS = 16
NW = NC * NS
ROWS_PER = BATCH // NW
CHUNK = 128
NCHUNK = ROWS_PER // CHUNK
NPLANE = BATCH // CHUNK
TAB_WORDS = VOCAB * TROW
IDX_PER_W = N_FEAT * ROWS_PER


HALF = N_FEAT // 2
HROWS = HALF * PK


def _gather_body(*args):
    frefs = args[:N_FEAT]
    tab_hbm, x_hbm, idx_v, tab_v, xt_v, sem_a, sem_b, sem_i = args[N_FEAT:]
    wid = lax.axis_index("s") * NC + lax.axis_index("c")
    pltpu.sync_copy(tab_hbm, tab_v)
    for j in range(N_FEAT):
        pltpu.async_copy(frefs[j].at[pl.ds(wid * ROWS_PER, ROWS_PER)],
                         idx_v.at[pl.ds(j * ROWS_PER, ROWS_PER)], sem_i)
    for j in range(N_FEAT):
        pltpu.make_async_copy(
            frefs[0].at[pl.ds(0, ROWS_PER)],
            idx_v.at[pl.ds(j * ROWS_PER, ROWS_PER)], sem_i).wait()

    @pl.loop(0, NCHUNK)
    def _chunk(cl):
        gc = wid * NCHUNK + cl

        def fill(j0, j1):
            @pl.loop(j0, j1)
            def _feat(j):
                for g in range(CHUNK // 16):
                    fv = idx_v[pl.ds(j * ROWS_PER + cl * CHUNK + g * 16, 16)]
                    tbase = fv * TROW + j * TAB_WORDS
                    ws = [plsc.load_gather(tab_v, [tbase + cp])
                          for cp in range(PK)]
                    for cp in range(PK):
                        xt_v[j * PK + cp, pl.ds(g * 16, 16)] = ws[cp]

        def drain(r0, sem):
            pltpu.make_async_copy(x_hbm.at[0, pl.ds(r0, HROWS)],
                                  xt_v.at[pl.ds(r0, HROWS)], sem).wait()

        @pl.when(cl > 0)
        def _():
            drain(0, sem_a)
        fill(0, HALF)
        pltpu.async_copy(xt_v.at[pl.ds(0, HROWS)],
                         x_hbm.at[gc, pl.ds(0, HROWS)], sem_a)

        @pl.when(cl > 0)
        def _():
            drain(HROWS, sem_b)
        fill(HALF, N_FEAT)
        pltpu.async_copy(xt_v.at[pl.ds(HROWS, HROWS)],
                         x_hbm.at[gc, pl.ds(HROWS, HROWS)], sem_b)

    pltpu.make_async_copy(x_hbm.at[0, pl.ds(0, HROWS)],
                          xt_v.at[pl.ds(0, HROWS)], sem_a).wait()
    pltpu.make_async_copy(x_hbm.at[0, pl.ds(HROWS, HROWS)],
                          xt_v.at[pl.ds(HROWS, HROWS)], sem_b).wait()


def _mlp_body(x_ref, w1e_ref, w1o_ref, b1_ref, w2_ref, b2_ref, out_ref):
    hs = []
    for c in range(TILE_B // CHUNK):
        xw = x_ref[c]
        xe = lax.bitcast_convert_type(xw << 16, jnp.float32)
        xo = lax.bitcast_convert_type(xw & jnp.int32(-65536), jnp.float32)
        dn = (((0,), (0,)), ((), ()))
        hc = lax.dot_general(xe.astype(jnp.bfloat16), w1e_ref[...], dn,
                             preferred_element_type=jnp.float32)
        hc = hc + lax.dot_general(xo.astype(jnp.bfloat16), w1o_ref[...], dn,
                                  preferred_element_type=jnp.float32)
        hs.append(hc)
    h = jnp.concatenate(hs, axis=0)
    h = jnp.maximum(h + b1_ref[...], 0.0)
    z = jax.lax.dot(h, w2_ref[...], preferred_element_type=jnp.float32)
    z = z + b2_ref[...]
    n = jnp.sqrt(jnp.sum(z * z, axis=1, keepdims=True))
    out_ref[...] = z / jnp.maximum(n, 1e-12)


def kernel(f0, emb_f0, f1, emb_f1, f2, emb_f2, f3, emb_f3, f4, emb_f4,
           f5, emb_f5, f6, emb_f6, f7, emb_f7, f8, emb_f8, f9, emb_f9,
           f10, emb_f10, f11, emb_f11, f12, emb_f12, f13, emb_f13,
           f14, emb_f14, f15, emb_f15, f16, emb_f16, f17, emb_f17,
           f18, emb_f18, f19, emb_f19, f20, emb_f20, f21, emb_f21,
           f22, emb_f22, f23, emb_f23, f24, emb_f24, f25, emb_f25,
           W1, b1, W2, b2):
    feats = [f0, f1, f2, f3, f4, f5, f6, f7, f8, f9, f10, f11, f12,
             f13, f14, f15, f16, f17, f18, f19, f20, f21, f22, f23,
             f24, f25]
    tabs = [emb_f0, emb_f1, emb_f2, emb_f3, emb_f4, emb_f5, emb_f6,
            emb_f7, emb_f8, emb_f9, emb_f10, emb_f11, emb_f12, emb_f13,
            emb_f14, emb_f15, emb_f16, emb_f17, emb_f18, emb_f19,
            emb_f20, emb_f21, emb_f22, emb_f23, emb_f24, emb_f25]
    tab = lax.optimization_barrier(jnp.stack(tabs, axis=0))
    tab = tab.astype(jnp.bfloat16)
    tab = lax.bitcast_convert_type(tab.reshape(N_FEAT, VOCAB, PK, 2),
                                   jnp.int32)
    tab = jnp.pad(tab, ((0, 0), (0, 0), (0, 1))).reshape(-1)

    gather = pl.kernel(
        _gather_body,
        out_type=jax.ShapeDtypeStruct((NPLANE, XW, CHUNK), jnp.int32),
        mesh=plsc.VectorSubcoreMesh(core_axis_name="c", subcore_axis_name="s"),
        compiler_params=pltpu.CompilerParams(needs_layout_passes=False),
        scratch_types=[
            pltpu.VMEM((IDX_PER_W,), jnp.int32),
            pltpu.VMEM((N_FEAT * TAB_WORDS,), jnp.int32),
            pltpu.VMEM((XW, CHUNK), jnp.int32),
            pltpu.SemaphoreType.DMA,
            pltpu.SemaphoreType.DMA,
            pltpu.SemaphoreType.DMA,
        ],
    )
    x = gather(*feats, tab)
    w1b = lax.optimization_barrier(W1.astype(jnp.bfloat16))
    w1lo = w1b[0::2]
    w1hi = w1b[1::2]

    grid = BATCH // TILE_B
    return pl.pallas_call(
        _mlp_body,
        grid=(grid,),
        in_specs=[
            pl.BlockSpec((TILE_B // CHUNK, XW, CHUNK), lambda i: (i, 0, 0)),
            pl.BlockSpec((XW, HID), lambda i: (0, 0)),
            pl.BlockSpec((XW, HID), lambda i: (0, 0)),
            pl.BlockSpec((HID,), lambda i: (0,)),
            pl.BlockSpec((HID, OUT_DIM), lambda i: (0, 0)),
            pl.BlockSpec((OUT_DIM,), lambda i: (0,)),
        ],
        out_specs=pl.BlockSpec((TILE_B, OUT_DIM), lambda i: (i, 0)),
        out_shape=jax.ShapeDtypeStruct((BATCH, OUT_DIM), jnp.float32),
    )(x, w1lo, w1hi, b1, W2, b2)

# --- scband reference (transcript-rebuilt; emitter-appended) ---
"""Pipeline reference for scband-item-encoder-85134841741790 (READ-ONLY COPY).

The authoritative reference and input builder live on the scoring server;
editing this copy changes nothing except your own understanding.
"""

import jax, jax.numpy as jnp
import numpy as np

COLS = ["f%d" % i for i in range(26)]
VOCAB = 120
EMB = 32
BATCH = 16384
HID = 256
OUT = 64


def setup_inputs(seed: int = 0) -> dict:
    key = jax.random.key(seed)
    inp = {}
    for i, c in enumerate(COLS):
        inp[c] = jax.random.randint(jax.random.fold_in(key, i), (BATCH,), 0, 100)
        inp["emb_" + c] = 0.05 * jax.random.normal(jax.random.fold_in(key, 1000 + i), (VOCAB, EMB), dtype=jnp.float32)
    in_dim = EMB * len(COLS)
    inp["W1"] = jax.random.normal(jax.random.fold_in(key, 2001), (in_dim, HID), dtype=jnp.float32) / np.sqrt(in_dim)
    inp["b1"] = jnp.zeros((HID,), jnp.float32)
    inp["W2"] = jax.random.normal(jax.random.fold_in(key, 2002), (HID, OUT), dtype=jnp.float32) / np.sqrt(HID)
    inp["b2"] = jnp.zeros((OUT,), jnp.float32)
    return inp


def reference(
    f0, emb_f0, f1, emb_f1, f2, emb_f2, f3, emb_f3, f4, emb_f4,
    f5, emb_f5, f6, emb_f6, f7, emb_f7, f8, emb_f8, f9, emb_f9,
    f10, emb_f10, f11, emb_f11, f12, emb_f12, f13, emb_f13, f14, emb_f14,
    f15, emb_f15, f16, emb_f16, f17, emb_f17, f18, emb_f18, f19, emb_f19,
    f20, emb_f20, f21, emb_f21, f22, emb_f22, f23, emb_f23, f24, emb_f24,
    f25, emb_f25, W1, b1, W2, b2,
):
    kw = dict(locals())
    vecs = [jnp.take(kw["emb_" + c], kw[c], axis=0) for c in COLS]
    x = jnp.concatenate(vecs, axis=1)
    h = jax.nn.relu(x @ kw["W1"] + kw["b1"])
    z = h @ kw["W2"] + kw["b2"]
    n = jnp.maximum(jnp.linalg.norm(z, axis=-1, keepdims=True), 1e-12)
    return z / n

if __name__ == "__main__":
    import jax
    _d = setup_inputs()
    print(jax.jit(kernel)(*tuple(_d.values())))

</pallas_src>

<mosaic_0001>
#map = affine_map<(d0, d1) -> (0)>
#map1 = affine_map<(d0, d1) -> (0, 0, 0)>
module attributes {stable_mosaic.version = 14 : i64} {
  func.func @_gather_body(%arg0: i32, %arg1: i32, %arg2: memref<16384xi32, #tpu.memory_space<hbm>>, %arg3: memref<16384xi32, #tpu.memory_space<hbm>>, %arg4: memref<16384xi32, #tpu.memory_space<hbm>>, %arg5: memref<16384xi32, #tpu.memory_space<hbm>>, %arg6: memref<16384xi32, #tpu.memory_space<hbm>>, %arg7: memref<16384xi32, #tpu.memory_space<hbm>>, %arg8: memref<16384xi32, #tpu.memory_space<hbm>>, %arg9: memref<16384xi32, #tpu.memory_space<hbm>>, %arg10: memref<16384xi32, #tpu.memory_space<hbm>>, %arg11: memref<16384xi32, #tpu.memory_space<hbm>>, %arg12: memref<16384xi32, #tpu.memory_space<hbm>>, %arg13: memref<16384xi32, #tpu.memory_space<hbm>>, %arg14: memref<16384xi32, #tpu.memory_space<hbm>>, %arg15: memref<16384xi32, #tpu.memory_space<hbm>>, %arg16: memref<16384xi32, #tpu.memory_space<hbm>>, %arg17: memref<16384xi32, #tpu.memory_space<hbm>>, %arg18: memref<16384xi32, #tpu.memory_space<hbm>>, %arg19: memref<16384xi32, #tpu.memory_space<hbm>>, %arg20: memref<16384xi32, #tpu.memory_space<hbm>>, %arg21: memref<16384xi32, #tpu.memory_space<hbm>>, %arg22: memref<16384xi32, #tpu.memory_space<hbm>>, %arg23: memref<16384xi32, #tpu.memory_space<hbm>>, %arg24: memref<16384xi32, #tpu.memory_space<hbm>>, %arg25: memref<16384xi32, #tpu.memory_space<hbm>>, %arg26: memref<16384xi32, #tpu.memory_space<hbm>>, %arg27: memref<16384xi32, #tpu.memory_space<hbm>>, %arg28: memref<53040xi32, #tpu.memory_space<hbm>>, %arg29: memref<128x416x128xi32, #tpu.memory_space<hbm>>, %arg30: memref<13312xi32, #tpu.memory_space<vmem>>, %arg31: memref<53040xi32, #tpu.memory_space<vmem>>, %arg32: memref<416x128xi32, #tpu.memory_space<vmem>>, %arg33: memref<!tpu.dma_semaphore, #tpu.memory_space<semaphore_mem>>, %arg34: memref<!tpu.dma_semaphore, #tpu.memory_space<semaphore_mem>>, %arg35: memref<!tpu.dma_semaphore, #tpu.memory_space<semaphore_mem>>) attributes {dimension_semantics = [#tpu.dimension_semantics<core_parallel>, #tpu.dimension_semantics<subcore_parallel>], iteration_bounds = array<i64: 2, 16>, scalar_prefetch = 0 : i64, scratch_operands = 6 : i64, tpu.core_type = #tpu.core_type<sc_vector_subcore>, window_params = [{transform_indices = #map}, {transform_indices = #map}, {transform_indices = #map}, {transform_indices = #map}, {transform_indices = #map}, {transform_indices = #map}, {transform_indices = #map}, {transform_indices = #map}, {transform_indices = #map}, {transform_indices = #map}, {transform_indices = #map}, {transform_indices = #map}, {transform_indices = #map}, {transform_indices = #map}, {transform_indices = #map}, {transform_indices = #map}, {transform_indices = #map}, {transform_indices = #map}, {transform_indices = #map}, {transform_indices = #map}, {transform_indices = #map}, {transform_indices = #map}, {transform_indices = #map}, {transform_indices = #map}, {transform_indices = #map}, {transform_indices = #map}, {transform_indices = #map}, {transform_indices = #map1}]} {
    %mul3A = arith.constant 2 : i32
    %mul3A_0 = arith.muli %arg1, %mul3A : i32
    %add3A = arith.addi %mul3A_0, %arg0 : i32
    "tpu.region"() ({
      %run_scoped3A = tpu.sem_alloc : memref<!tpu.dma_semaphore, #tpu.memory_space<semaphore_mem>>
      tpu.enqueue_dma source(%arg28 : memref<53040xi32, #tpu.memory_space<hbm>>) target(%arg31 : memref<53040xi32, #tpu.memory_space<vmem>>) target_semaphore(%run_scoped3A : memref<!tpu.dma_semaphore, #tpu.memory_space<semaphore_mem>>)
      tpu.wait_dma2 semaphore(%run_scoped3A : memref<!tpu.dma_semaphore, #tpu.memory_space<semaphore_mem>>) src(%arg28 : memref<53040xi32, #tpu.memory_space<hbm>>) dst(%arg31 : memref<53040xi32, #tpu.memory_space<vmem>>)
      tpu.yield
    }) : () -> ()
    %mul3A_1 = arith.constant 512 : i32
    %mul3A_2 = arith.muli %add3A, %mul3A_1 : i32
    %dma_start3A = arith.constant 0 : i32
    %dma_start3A_3 = tpu.memref_slice %arg30[%dma_start3A] : memref<13312xi32, #tpu.memory_space<vmem>> -> memref<512xi32, #tpu.memory_space<vmem>>
    %dma_start3A_4 = tpu.memref_slice %arg2[%mul3A_2] : memref<16384xi32, #tpu.memory_space<hbm>> -> memref<512xi32, #tpu.memory_space<hbm>>
    %dma_start3A_5 = arith.constant 0 : i32
    %dma_start3A_6 = tpu.memref_slice %arg30[%dma_start3A_5] : memref<13312xi32, #tpu.memory_space<vmem>> -> memref<512xi32, #tpu.memory_space<vmem>>
    %dma_start3A_7 = tpu.memref_slice %arg2[%mul3A_2] : memref<16384xi32, #tpu.memory_space<hbm>> -> memref<512xi32, #tpu.memory_space<hbm>>
    tpu.enqueue_dma source(%dma_start3A_7 : memref<512xi32, #tpu.memory_space<hbm>>) target(%dma_start3A_6 : memref<512xi32, #tpu.memory_space<vmem>>) target_semaphore(%arg35 : memref<!tpu.dma_semaphore, #tpu.memory_space<semaphore_mem>>)
    %mul3A_8 = arith.constant 512 : i32
    %mul3A_9 = arith.muli %add3A, %mul3A_8 : i32
    %dma_start3A_10 = arith.constant 512 : i32
    %dma_start3A_11 = tpu.memref_slice %arg30[%dma_start3A_10] : memref<13312xi32, #tpu.memory_space<vmem>> -> memref<512xi32, #tpu.memory_space<vmem>>
    %dma_start3A_12 = tpu.memref_slice %arg3[%mul3A_9] : memref<16384xi32, #tpu.memory_space<hbm>> -> memref<512xi32, #tpu.memory_space<hbm>>
    %dma_start3A_13 = arith.constant 512 : i32
    %dma_start3A_14 = tpu.memref_slice %arg30[%dma_start3A_13] : memref<13312xi32, #tpu.memory_space<vmem>> -> memref<512xi32, #tpu.memory_space<vmem>>
    %dma_start3A_15 = tpu.memref_slice %arg3[%mul3A_9] : memref<16384xi32, #tpu.memory_space<hbm>> -> memref<512xi32, #tpu.memory_space<hbm>>
    tpu.enqueue_dma source(%dma_start3A_15 : memref<512xi32, #tpu.memory_space<hbm>>) target(%dma_start3A_14 : memref<512xi32, #tpu.memory_space<vmem>>) target_semaphore(%arg35 : memref<!tpu.dma_semaphore, #tpu.memory_space<semaphore_mem>>)
    %mul3A_16 = arith.constant 512 : i32
    %mul3A_17 = arith.muli %add3A, %mul3A_16 : i32
    %dma_start3A_18 = arith.constant 1024 : i32
    %dma_start3A_19 = tpu.memref_slice %arg30[%dma_start3A_18] : memref<13312xi32, #tpu.memory_space<vmem>> -> memref<512xi32, #tpu.memory_space<vmem>>
    %dma_start3A_20 = tpu.memref_slice %arg4[%mul3A_17] : memref<16384xi32, #tpu.memory_space<hbm>> -> memref<512xi32, #tpu.memory_space<hbm>>
    %dma_start3A_21 = arith.constant 1024 : i32
    %dma_start3A_22 = tpu.memref_slice %arg30[%dma_start3A_21] : memref<13312xi32, #tpu.memory_space<vmem>> -> memref<512xi32, #tpu.memory_space<vmem>>
    %dma_start3A_23 = tpu.memref_slice %arg4[%mul3A_17] : memref<16384xi32, #tpu.memory_space<hbm>> -> memref<512xi32, #tpu.memory_space<hbm>>
    tpu.enqueue_dma source(%dma_start3A_23 : memref<512xi32, #tpu.memory_space<hbm>>) target(%dma_start3A_22 : memref<512xi32, #tpu.memory_space<vmem>>) target_semaphore(%arg35 : memref<!tpu.dma_semaphore, #tpu.memory_space<semaphore_mem>>)
    %mul3A_24 = arith.constant 512 : i32
    %mul3A_25 = arith.muli %add3A, %mul3A_24 : i32
    %dma_start3A_26 = arith.constant 1536 : i32
    %dma_start3A_27 = tpu.memref_slice %arg30[%dma_start3A_26] : memref<13312xi32, #tpu.memory_space<vmem>> -> memref<512xi32, #tpu.memory_space<vmem>>
    %dma_start3A_28 = tpu.memref_slice %arg5[%mul3A_25] : memref<16384xi32, #tpu.memory_space<hbm>> -> memref<512xi32, #tpu.memory_space<hbm>>
    %dma_start3A_29 = arith.constant 1536 : i32
    %dma_start3A_30 = tpu.memref_slice %arg30[%dma_start3A_29] : memref<13312xi32, #tpu.memory_space<vmem>> -> memref<512xi32, #tpu.memory_space<vmem>>
    %dma_start3A_31 = tpu.memref_slice %arg5[%mul3A_25] : memref<16384xi32, #tpu.memory_space<hbm>> -> memref<512xi32, #tpu.memory_space<hbm>>
    tpu.enqueue_dma source(%dma_start3A_31 : memref<512xi32, #tpu.memory_space<hbm>>) target(%dma_start3A_30 : memref<512xi32, #tpu.memory_space<vmem>>) target_semaphore(%arg35 : memref<!tpu.dma_semaphore, #tpu.memory_space<semaphore_mem>>)
    %mul3A_32 = arith.constant 512 : i32
    %mul3A_33 = arith.muli %add3A, %mul3A_32 : i32
    %dma_start3A_34 = arith.constant 2048 : i32
    %dma_start3A_35 = tpu.memref_slice %arg30[%dma_start3A_34] : memref<13312xi32, #tpu.memory_space<vmem>> -> memref<512xi32, #tpu.memory_space<vmem>>
    %dma_start3A_36 = tpu.memref_slice %arg6[%mul3A_33] : memref<16384xi32, #tpu.memory_space<hbm>> -> memref<512xi32, #tpu.memory_space<hbm>>
    %dma_start3A_37 = arith.constant 2048 : i32
    %dma_start3A_38 = tpu.memref_slice %arg30[%dma_start3A_37] : memref<13312xi32, #tpu.memory_space<vmem>> -> memref<512xi32, #tpu.memory_space<vmem>>
    %dma_start3A_39 = tpu.memref_slice %arg6[%mul3A_33] : memref<16384xi32, #tpu.memory_space<hbm>> -> memref<512xi32, #tpu.memory_space<hbm>>
    tpu.enqueue_dma source(%dma_start3A_39 : memref<512xi32, #tpu.memory_space<hbm>>) target(%dma_start3A_38 : memref<512xi32, #tpu.memory_space<vmem>>) target_semaphore(%arg35 : memref<!tpu.dma_semaphore, #tpu.memory_space<semaphore_mem>>)
    %mul3A_40 = arith.constant 512 : i32
    %mul3A_41 = arith.muli %add3A, %mul3A_40 : i32
    %dma_start3A_42 = arith.constant 2560 : i32
    %dma_start3A_43 = tpu.memref_slice %arg30[%dma_start3A_42] : memref<13312xi32, #tpu.memory_space<vmem>> -> memref<512xi32, #tpu.memory_space<vmem>>
    %dma_start3A_44 = tpu.memref_slice %arg7[%mul3A_41] : memref<16384xi32, #tpu.memory_space<hbm>> -> memref<512xi32, #tpu.memory_space<hbm>>
    %dma_start3A_45 = arith.constant 2560 : i32
    %dma_start3A_46 = tpu.memref_slice %arg30[%dma_start3A_45] : memref<13312xi32, #tpu.memory_space<vmem>> -> memref<512xi32, #tpu.memory_space<vmem>>
    %dma_start3A_47 = tpu.memref_slice %arg7[%mul3A_41] : memref<16384xi32, #tpu.memory_space<hbm>> -> memref<512xi32, #tpu.memory_space<hbm>>
    tpu.enqueue_dma source(%dma_start3A_47 : memref<512xi32, #tpu.memory_space<hbm>>) target(%dma_start3A_46 : memref<512xi32, #tpu.memory_space<vmem>>) target_semaphore(%arg35 : memref<!tpu.dma_semaphore, #tpu.memory_space<semaphore_mem>>)
    %mul3A_48 = arith.constant 512 : i32
    %mul3A_49 = arith.muli %add3A, %mul3A_48 : i32
    %dma_start3A_50 = arith.constant 3072 : i32
    %dma_start3A_51 = tpu.memref_slice %arg30[%dma_start3A_50] : memref<13312xi32, #tpu.memory_space<vmem>> -> memref<512xi32, #tpu.memory_space<vmem>>
    %dma_start3A_52 = tpu.memref_slice %arg8[%mul3A_49] : memref<16384xi32, #tpu.memory_space<hbm>> -> memref<512xi32, #tpu.memory_space<hbm>>
    %dma_start3A_53 = arith.constant 3072 : i32
    %dma_start3A_54 = tpu.memref_slice %arg30[%dma_start3A_53] : memref<13312xi32, #tpu.memory_space<vmem>> -> memref<512xi32, #tpu.memory_space<vmem>>
    %dma_start3A_55 = tpu.memref_slice %arg8[%mul3A_49] : memref<16384xi32, #tpu.memory_space<hbm>> -> memref<512xi32, #tpu.memory_space<hbm>>
    tpu.enqueue_dma source(%dma_start3A_55 : memref<512xi32, #tpu.memory_space<hbm>>) target(%dma_start3A_54 : memref<512xi32, #tpu.memory_space<vmem>>) target_semaphore(%arg35 : memref<!tpu.dma_semaphore, #tpu.memory_space<semaphore_mem>>)
    %mul3A_56 = arith.constant 512 : i32
    %mul3A_57 = arith.muli %add3A, %mul3A_56 : i32
    %dma_start3A_58 = arith.constant 3584 : i32
    %dma_start3A_59 = tpu.memref_slice %arg30[%dma_start3A_58] : memref<13312xi32, #tpu.memory_space<vmem>> -> memref<512xi32, #tpu.memory_space<vmem>>
    %dma_start3A_60 = tpu.memref_slice %arg9[%mul3A_57] : memref<16384xi32, #tpu.memory_space<hbm>> -> memref<512xi32, #tpu.memory_space<hbm>>
    %dma_start3A_61 = arith.constant 3584 : i32
    %dma_start3A_62 = tpu.memref_slice %arg30[%dma_start3A_61] : memref<13312xi32, #tpu.memory_space<vmem>> -> memref<512xi32, #tpu.memory_space<vmem>>
    %dma_start3A_63 = tpu.memref_slice %arg9[%mul3A_57] : memref<16384xi32, #tpu.memory_space<hbm>> -> memref<512xi32, #tpu.memory_space<hbm>>
    tpu.enqueue_dma source(%dma_start3A_63 : memref<512xi32, #tpu.memory_space<hbm>>) target(%dma_start3A_62 : memref<512xi32, #tpu.memory_space<vmem>>) target_semaphore(%arg35 : memref<!tpu.dma_semaphore, #tpu.memory_space<semaphore_mem>>)
    %mul3A_64 = arith.constant 512 : i32
    %mul3A_65 = arith.muli %add3A, %mul3A_64 : i32
    %dma_start3A_66 = arith.constant 4096 : i32
    %dma_start3A_67 = tpu.memref_slice %arg30[%dma_start3A_66] : memref<13312xi32, #tpu.memory_space<vmem>> -> memref<512xi32, #tpu.memory_space<vmem>>
    %dma_start3A_68 = tpu.memref_slice %arg10[%mul3A_65] : memref<16384xi32, #tpu.memory_space<hbm>> -> memref<512xi32, #tpu.memory_space<hbm>>
    %dma_start3A_69 = arith.constant 4096 : i32
    %dma_start3A_70 = tpu.memref_slice %arg30[%dma_start3A_69] : memref<13312xi32, #tpu.memory_space<vmem>> -> memref<512xi32, #tpu.memory_space<vmem>>
    %dma_start3A_71 = tpu.memref_slice %arg10[%mul3A_65] : memref<16384xi32, #tpu.memory_space<hbm>> -> memref<512xi32, #tpu.memory_space<hbm>>
    tpu.enqueue_dma source(%dma_start3A_71 : memref<512xi32, #tpu.memory_space<hbm>>) target(%dma_start3A_70 : memref<512xi32, #tpu.memory_space<vmem>>) target_semaphore(%arg35 : memref<!tpu.dma_semaphore, #tpu.memory_space<semaphore_mem>>)
    %mul3A_72 = arith.constant 512 : i32
    %mul3A_73 = arith.muli %add3A, %mul3A_72 : i32
    %dma_start3A_74 = arith.constant 4608 : i32
    %dma_start3A_75 = tpu.memref_slice %arg30[%dma_start3A_74] : memref<13312xi32, #tpu.memory_space<vmem>> -> memref<512xi32, #tpu.memory_space<vmem>>
    %dma_start3A_76 = tpu.memref_slice %arg11[%mul3A_73] : memref<16384xi32, #tpu.memory_space<hbm>> -> memref<512xi32, #tpu.memory_space<hbm>>
    %dma_start3A_77 = arith.constant 4608 : i32
    %dma_start3A_78 = tpu.memref_slice %arg30[%dma_start3A_77] : memref<13312xi32, #tpu.memory_space<vmem>> -> memref<512xi32, #tpu.memory_space<vmem>>
    %dma_start3A_79 = tpu.memref_slice %arg11[%mul3A_73] : memref<16384xi32, #tpu.memory_space<hbm>> -> memref<512xi32, #tpu.memory_space<hbm>>
    tpu.enqueue_dma source(%dma_start3A_79 : memref<512xi32, #tpu.memory_space<hbm>>) target(%dma_start3A_78 : memref<512xi32, #tpu.memory_space<vmem>>) target_semaphore(%arg35 : memref<!tpu.dma_semaphore, #tpu.memory_space<semaphore_mem>>)
    %mul3A_80 = arith.constant 512 : i32
    %mul3A_81 = arith.muli %add3A, %mul3A_80 : i32
    %dma_start3A_82 = arith.constant 5120 : i32
    %dma_start3A_83 = tpu.memref_slice %arg30[%dma_start3A_82] : memref<13312xi32, #tpu.memory_space<vmem>> -> memref<512xi32, #tpu.memory_space<vmem>>
    %dma_start3A_84 = tpu.memref_slice %arg12[%mul3A_81] : memref<16384xi32, #tpu.memory_space<hbm>> -> memref<512xi32, #tpu.memory_space<hbm>>
    %dma_start3A_85 = arith.constant 5120 : i32
    %dma_start3A_86 = tpu.memref_slice %arg30[%dma_start3A_85] : memref<13312xi32, #tpu.memory_space<vmem>> -> memref<512xi32, #tpu.memory_space<vmem>>
    %dma_start3A_87 = tpu.memref_slice %arg12[%mul3A_81] : memref<16384xi32, #tpu.memory_space<hbm>> -> memref<512xi32, #tpu.memory_space<hbm>>
    tpu.enqueue_dma source(%dma_start3A_87 : memref<512xi32, #tpu.memory_space<hbm>>) target(%dma_start3A_86 : memref<512xi32, #tpu.memory_space<vmem>>) target_semaphore(%arg35 : memref<!tpu.dma_semaphore, #tpu.memory_space<semaphore_mem>>)
    %mul3A_88 = arith.constant 512 : i32
    %mul3A_89 = arith.muli %add3A, %mul3A_88 : i32
    %dma_start3A_90 = arith.constant 5632 : i32
    %dma_start3A_91 = tpu.memref_slice %arg30[%dma_start3A_90] : memref<13312xi32, #tpu.memory_space<vmem>> -> memref<512xi32, #tpu.memory_space<vmem>>
    %dma_start3A_92 = tpu.memref_slice %arg13[%mul3A_89] : memref<16384xi32, #tpu.memory_space<hbm>> -> memref<512xi32, #tpu.memory_space<hbm>>
    %dma_start3A_93 = arith.constant 5632 : i32
    %dma_start3A_94 = tpu.memref_slice %arg30[%dma_start3A_93] : memref<13312xi32, #tpu.memory_space<vmem>> -> memref<512xi32, #tpu.memory_space<vmem>>
    %dma_start3A_95 = tpu.memref_slice %arg13[%mul3A_89] : memref<16384xi32, #tpu.memory_space<hbm>> -> memref<512xi32, #tpu.memory_space<hbm>>
    tpu.enqueue_dma source(%dma_start3A_95 : memref<512xi32, #tpu.memory_space<hbm>>) target(%dma_start3A_94 : memref<512xi32, #tpu.memory_space<vmem>>) target_semaphore(%arg35 : memref<!tpu.dma_semaphore, #tpu.memory_space<semaphore_mem>>)
    %mul3A_96 = arith.constant 512 : i32
    %mul3A_97 = arith.muli %add3A, %mul3A_96 : i32
    %dma_start3A_98 = arith.constant 6144 : i32
    %dma_start3A_99 = tpu.memref_slice %arg30[%dma_start3A_98] : memref<13312xi32, #tpu.memory_space<vmem>> -> memref<512xi32, #tpu.memory_space<vmem>>
    %dma_start3A_100 = tpu.memref_slice %arg14[%mul3A_97] : memref<16384xi32, #tpu.memory_space<hbm>> -> memref<512xi32, #tpu.memory_space<hbm>>
    %dma_start3A_101 = arith.constant 6144 : i32
    %dma_start3A_102 = tpu.memref_slice %arg30[%dma_start3A_101] : memref<13312xi32, #tpu.memory_space<vmem>> -> memref<512xi32, #tpu.memory_space<vmem>>
    %dma_start3A_103 = tpu.memref_slice %arg14[%mul3A_97] : memref<16384xi32, #tpu.memory_space<hbm>> -> memref<512xi32, #tpu.memory_space<hbm>>
    tpu.enqueue_dma source(%dma_start3A_103 : memref<512xi32, #tpu.memory_space<hbm>>) target(%dma_start3A_102 : memref<512xi32, #tpu.memory_space<vmem>>) target_semaphore(%arg35 : memref<!tpu.dma_semaphore, #tpu.memory_space<semaphore_mem>>)
    %mul3A_104 = arith.constant 512 : i32
    %mul3A_105 = arith.muli %add3A, %mul3A_104 : i32
    %dma_start3A_106 = arith.constant 6656 : i32
    %dma_start3A_107 = tpu.memref_slice %arg30[%dma_start3A_106] : memref<13312xi32, #tpu.memory_space<vmem>> -> memref<512xi32, #tpu.memory_space<vmem>>
    %dma_start3A_108 = tpu.memref_slice %arg15[%mul3A_105] : memref<16384xi32, #tpu.memory_space<hbm>> -> memref<512xi32, #tpu.memory_space<hbm>>
    %dma_start3A_109 = arith.constant 6656 : i32
    %dma_start3A_110 = tpu.memref_slice %arg30[%dma_start3A_109] : memref<13312xi32, #tpu.memory_space<vmem>> -> memref<512xi32, #tpu.memory_space<vmem>>
    %dma_start3A_111 = tpu.memref_slice %arg15[%mul3A_105] : memref<16384xi32, #tpu.memory_space<hbm>> -> memref<512xi32, #tpu.memory_space<hbm>>
    tpu.enqueue_dma source(%dma_start3A_111 : memref<512xi32, #tpu.memory_space<hbm>>) target(%dma_start3A_110 : memref<512xi32, #tpu.memory_space<vmem>>) target_semaphore(%arg35 : memref<!tpu.dma_semaphore, #tpu.memory_space<semaphore_mem>>)
    %mul3A_112 = arith.constant 512 : i32
    %mul3A_113 = arith.muli %add3A, %mul3A_112 : i32
    %dma_start3A_114 = arith.constant 7168 : i32
    %dma_start3A_115 = tpu.memref_slice %arg30[%dma_start3A_114] : memref<13312xi32, #tpu.memory_space<vmem>> -> memref<512xi32, #tpu.memory_space<vmem>>
    %dma_start3A_116 = tpu.memref_slice %arg16[%mul3A_113] : memref<16384xi32, #tpu.memory_space<hbm>> -> memref<512xi32, #tpu.memory_space<hbm>>
    %dma_start3A_117 = arith.constant 7168 : i32
    %dma_start3A_118 = tpu.memref_slice %arg30[%dma_start3A_117] : memref<13312xi32, #tpu.memory_space<vmem>> -> memref<512xi32, #tpu.memory_space<vmem>>
    %dma_start3A_119 = tpu.memref_slice %arg16[%mul3A_113] : memref<16384xi32, #tpu.memory_space<hbm>> -> memref<512xi32, #tpu.memory_space<hbm>>
    tpu.enqueue_dma source(%dma_start3A_119 : memref<512xi32, #tpu.memory_space<hbm>>) target(%dma_start3A_118 : memref<512xi32, #tpu.memory_space<vmem>>) target_semaphore(%arg35 : memref<!tpu.dma_semaphore, #tpu.memory_space<semaphore_mem>>)
    %mul3A_120 = arith.constant 512 : i32
    %mul3A_121 = arith.muli %add3A, %mul3A_120 : i32
    %dma_start3A_122 = arith.constant 7680 : i32
    %dma_start3A_123 = tpu.memref_slice %arg30[%dma_start3A_122] : memref<13312xi32, #tpu.memory_space<vmem>> -> memref<512xi32, #tpu.memory_space<vmem>>
    %dma_start3A_124 = tpu.memref_slice %arg17[%mul3A_121] : memref<16384xi32, #tpu.memory_space<hbm>> -> memref<512xi32, #tpu.memory_space<hbm>>
    %dma_start3A_125 = arith.constant 7680 : i32
    %dma_start3A_126 = tpu.memref_slice %arg30[%dma_start3A_125] : memref<13312xi32, #tpu.memory_space<vmem>> -> memref<512xi32, #tpu.memory_space<vmem>>
    %dma_start3A_127 = tpu.memref_slice %arg17[%mul3A_121] : memref<16384xi32, #tpu.memory_space<hbm>> -> memref<512xi32, #tpu.memory_space<hbm>>
    tpu.enqueue_dma source(%dma_start3A_127 : memref<512xi32, #tpu.memory_space<hbm>>) target(%dma_start3A_126 : memref<512xi32, #tpu.memory_space<vmem>>) target_semaphore(%arg35 : memref<!tpu.dma_semaphore, #tpu.memory_space<semaphore_mem>>)
    %mul3A_128 = arith.constant 512 : i32
    %mul3A_129 = arith.muli %add3A, %mul3A_128 : i32
    %dma_start3A_130 = arith.constant 8192 : i32
    %dma_start3A_131 = tpu.memref_slice %arg30[%dma_start3A_130] : memref<13312xi32, #tpu.memory_space<vmem>> -> memref<512xi32, #tpu.memory_space<vmem>>
    %dma_start3A_132 = tpu.memref_slice %arg18[%mul3A_129] : memref<16384xi32, #tpu.memory_space<hbm>> -> memref<512xi32, #tpu.memory_space<hbm>>
    %dma_start3A_133 = arith.constant 8192 : i32
    %dma_start3A_134 = tpu.memref_slice %arg30[%dma_start3A_133] : memref<13312xi32, #tpu.memory_space<vmem>> -> memref<512xi32, #tpu.memory_space<vmem>>
    %dma_start3A_135 = tpu.memref_slice %arg18[%mul3A_129] : memref<16384xi32, #tpu.memory_space<hbm>> -> memref<512xi32, #tpu.memory_space<hbm>>
    tpu.enqueue_dma source(%dma_start3A_135 : memref<512xi32, #tpu.memory_space<hbm>>) target(%dma_start3A_134 : memref<512xi32, #tpu.memory_space<vmem>>) target_semaphore(%arg35 : memref<!tpu.dma_semaphore, #tpu.memory_space<semaphore_mem>>)
    %mul3A_136 = arith.constant 512 : i32
    %mul3A_137 = arith.muli %add3A, %mul3A_136 : i32
    %dma_start3A_138 = arith.constant 8704 : i32
    %dma_start3A_139 = tpu.memref_slice %arg30[%dma_start3A_138] : memref<13312xi32, #tpu.memory_space<vmem>> -> memref<512xi32, #tpu.memory_space<vmem>>
    %dma_start3A_140 = tpu.memref_slice %arg19[%mul3A_137] : memref<16384xi32, #tpu.memory_space<hbm>> -> memref<512xi32, #tpu.memory_space<hbm>>
    %dma_start3A_141 = arith.constant 8704 : i32
    %dma_start3A_142 = tpu.memref_slice %arg30[%dma_start3A_141] : memref<13312xi32, #tpu.memory_space<vmem>> -> memref<512xi32, #tpu.memory_space<vmem>>
    %dma_start3A_143 = tpu.memref_slice %arg19[%mul3A_137] : memref<16384xi32, #tpu.memory_space<hbm>> -> memref<512xi32, #tpu.memory_space<hbm>>
    tpu.enqueue_dma source(%dma_start3A_143 : memref<512xi32, #tpu.memory_space<hbm>>) target(%dma_start3A_142 : memref<512xi32, #tpu.memory_space<vmem>>) target_semaphore(%arg35 : memref<!tpu.dma_semaphore, #tpu.memory_space<semaphore_mem>>)
    %mul3A_144 = arith.constant 512 : i32
    %mul3A_145 = arith.muli %add3A, %mul3A_144 : i32
    %dma_start3A_146 = arith.constant 9216 : i32
    %dma_start3A_147 = tpu.memref_slice %arg30[%dma_start3A_146] : memref<13312xi32, #tpu.memory_space<vmem>> -> memref<512xi32, #tpu.memory_space<vmem>>
    %dma_start3A_148 = tpu.memref_slice %arg20[%mul3A_145] : memref<16384xi32, #tpu.memory_space<hbm>> -> memref<512xi32, #tpu.memory_space<hbm>>
    %dma_start3A_149 = arith.constant 9216 : i32
    %dma_start3A_150 = tpu.memref_slice %arg30[%dma_start3A_149] : memref<13312xi32, #tpu.memory_space<vmem>> -> memref<512xi32, #tpu.memory_space<vmem>>
    %dma_start3A_151 = tpu.memref_slice %arg20[%mul3A_145] : memref<16384xi32, #tpu.memory_space<hbm>> -> memref<512xi32, #tpu.memory_space<hbm>>
    tpu.enqueue_dma source(%dma_start3A_151 : memref<512xi32, #tpu.memory_space<hbm>>) target(%dma_start3A_150 : memref<512xi32, #tpu.memory_space<vmem>>) target_semaphore(%arg35 : memref<!tpu.dma_semaphore, #tpu.memory_space<semaphore_mem>>)
    %mul3A_152 = arith.constant 512 : i32
    %mul3A_153 = arith.muli %add3A, %mul3A_152 : i32
    %dma_start3A_154 = arith.constant 9728 : i32
    %dma_start3A_155 = tpu.memref_slice %arg30[%dma_start3A_154] : memref<13312xi32, #tpu.memory_space<vmem>> -> memref<512xi32, #tpu.memory_space<vmem>>
    %dma_start3A_156 = tpu.memref_slice %arg21[%mul3A_153] : memref<16384xi32, #tpu.memory_space<hbm>> -> memref<512xi32, #tpu.memory_space<hbm>>
    %dma_start3A_157 = arith.constant 9728 : i32
    %dma_start3A_158 = tpu.memref_slice %arg30[%dma_start3A_157] : memref<13312xi32, #tpu.memory_space<vmem>> -> memref<512xi32, #tpu.memory_space<vmem>>
    %dma_start3A_159 = tpu.memref_slice %arg21[%mul3A_153] : memref<16384xi32, #tpu.memory_space<hbm>> -> memref<512xi32, #tpu.memory_space<hbm>>
    tpu.enqueue_dma source(%dma_start3A_159 : memref<512xi32, #tpu.memory_space<hbm>>) target(%dma_start3A_158 : memref<512xi32, #tpu.memory_space<vmem>>) target_semaphore(%arg35 : memref<!tpu.dma_semaphore, #tpu.memory_space<semaphore_mem>>)
    %mul3A_160 = arith.constant 512 : i32
    %mul3A_161 = arith.muli %add3A, %mul3A_160 : i32
    %dma_start3A_162 = arith.constant 10240 : i32
    %dma_start3A_163 = tpu.memref_slice %arg30[%dma_start3A_162] : memref<13312xi32, #tpu.memory_space<vmem>> -> memref<512xi32, #tpu.memory_space<vmem>>
    %dma_start3A_164 = tpu.memref_slice %arg22[%mul3A_161] : memref<16384xi32, #tpu.memory_space<hbm>> -> memref<512xi32, #tpu.memory_space<hbm>>
    %dma_start3A_165 = arith.constant 10240 : i32
    %dma_start3A_166 = tpu.memref_slice %arg30[%dma_start3A_165] : memref<13312xi32, #tpu.memory_space<vmem>> -> memref<512xi32, #tpu.memory_space<vmem>>
    %dma_start3A_167 = tpu.memref_slice %arg22[%mul3A_161] : memref<16384xi32, #tpu.memory_space<hbm>> -> memref<512xi32, #tpu.memory_space<hbm>>
    tpu.enqueue_dma source(%dma_start3A_167 : memref<512xi32, #tpu.memory_space<hbm>>) target(%dma_start3A_166 : memref<512xi32, #tpu.memory_space<vmem>>) target_semaphore(%arg35 : memref<!tpu.dma_semaphore, #tpu.memory_space<semaphore_mem>>)
    %mul3A_168 = arith.constant 512 : i32
    %mul3A_169 = arith.muli %add3A, %mul3A_168 : i32
    %dma_start3A_170 = arith.constant 10752 : i32
    %dma_start3A_171 = tpu.memref_slice %arg30[%dma_start3A_170] : memref<13312xi32, #tpu.memory_space<vmem>> -> memref<512xi32, #tpu.memory_space<vmem>>
    %dma_start3A_172 = tpu.memref_slice %arg23[%mul3A_169] : memref<16384xi32, #tpu.memory_space<hbm>> -> memref<512xi32, #tpu.memory_space<hbm>>
    %dma_start3A_173 = arith.constant 10752 : i32
    %dma_start3A_174 = tpu.memref_slice %arg30[%dma_start3A_173] : memref<13312xi32, #tpu.memory_space<vmem>> -> memref<512xi32, #tpu.memory_space<vmem>>
    %dma_start3A_175 = tpu.memref_slice %arg23[%mul3A_169] : memref<16384xi32, #tpu.memory_space<hbm>> -> memref<512xi32, #tpu.memory_space<hbm>>
    tpu.enqueue_dma source(%dma_start3A_175 : memref<512xi32, #tpu.memory_space<hbm>>) target(%dma_start3A_174 : memref<512xi32, #tpu.memory_space<vmem>>) target_semaphore(%arg35 : memref<!tpu.dma_semaphore, #tpu.memory_space<semaphore_mem>>)
    %mul3A_176 = arith.constant 512 : i32
    %mul3A_177 = arith.muli %add3A, %mul3A_176 : i32
    %dma_start3A_178 = arith.constant 11264 : i32
    %dma_start3A_179 = tpu.memref_slice %arg30[%dma_start3A_178] : memref<13312xi32, #tpu.memory_space<vmem>> -> memref<512xi32, #tpu.memory_space<vmem>>
    %dma_start3A_180 = tpu.memref_slice %arg24[%mul3A_177] : memref<16384xi32, #tpu.memory_space<hbm>> -> memref<512xi32, #tpu.memory_space<hbm>>
    %dma_start3A_181 = arith.constant 11264 : i32
    %dma_start3A_182 = tpu.memref_slice %arg30[%dma_start3A_181] : memref<13312xi32, #tpu.memory_space<vmem>> -> memref<512xi32, #tpu.memory_space<vmem>>
    %dma_start3A_183 = tpu.memref_slice %arg24[%mul3A_177] : memref<16384xi32, #tpu.memory_space<hbm>> -> memref<512xi32, #tpu.memory_space<hbm>>
    tpu.enqueue_dma source(%dma_start3A_183 : memref<512xi32, #tpu.memory_space<hbm>>) target(%dma_start3A_182 : memref<512xi32, #tpu.memory_space<vmem>>) target_semaphore(%arg35 : memref<!tpu.dma_semaphore, #tpu.memory_space<semaphore_mem>>)
    %mul3A_184 = arith.constant 512 : i32
    %mul3A_185 = arith.muli %add3A, %mul3A_184 : i32
    %dma_start3A_186 = arith.constant 11776 : i32
    %dma_start3A_187 = tpu.memref_slice %arg30[%dma_start3A_186] : memref<13312xi32, #tpu.memory_space<vmem>> -> memref<512xi32, #tpu.memory_space<vmem>>
    %dma_start3A_188 = tpu.memref_slice %arg25[%mul3A_185] : memref<16384xi32, #tpu.memory_space<hbm>> -> memref<512xi32, #tpu.memory_space<hbm>>
    %dma_start3A_189 = arith.constant 11776 : i32
    %dma_start3A_190 = tpu.memref_slice %arg30[%dma_start3A_189] : memref<13312xi32, #tpu.memory_space<vmem>> -> memref<512xi32, #tpu.memory_space<vmem>>
    %dma_start3A_191 = tpu.memref_slice %arg25[%mul3A_185] : memref<16384xi32, #tpu.memory_space<hbm>> -> memref<512xi32, #tpu.memory_space<hbm>>
    tpu.enqueue_dma source(%dma_start3A_191 : memref<512xi32, #tpu.memory_space<hbm>>) target(%dma_start3A_190 : memref<512xi32, #tpu.memory_space<vmem>>) target_semaphore(%arg35 : memref<!tpu.dma_semaphore, #tpu.memory_space<semaphore_mem>>)
    %mul3A_192 = arith.constant 512 : i32
    %mul3A_193 = arith.muli %add3A, %mul3A_192 : i32
    %dma_start3A_194 = arith.constant 12288 : i32
    %dma_start3A_195 = tpu.memref_slice %arg30[%dma_start3A_194] : memref<13312xi32, #tpu.memory_space<vmem>> -> memref<512xi32, #tpu.memory_space<vmem>>
    %dma_start3A_196 = tpu.memref_slice %arg26[%mul3A_193] : memref<16384xi32, #tpu.memory_space<hbm>> -> memref<512xi32, #tpu.memory_space<hbm>>
    %dma_start3A_197 = arith.constant 12288 : i32
    %dma_start3A_198 = tpu.memref_slice %arg30[%dma_start3A_197] : memref<13312xi32, #tpu.memory_space<vmem>> -> memref<512xi32, #tpu.memory_space<vmem>>
    %dma_start3A_199 = tpu.memref_slice %arg26[%mul3A_193] : memref<16384xi32, #tpu.memory_space<hbm>> -> memref<512xi32, #tpu.memory_space<hbm>>
    tpu.enqueue_dma source(%dma_start3A_199 : memref<512xi32, #tpu.memory_space<hbm>>) target(%dma_start3A_198 : memref<512xi32, #tpu.memory_space<vmem>>) target_semaphore(%arg35 : memref<!tpu.dma_semaphore, #tpu.memory_space<semaphore_mem>>)
    %mul3A_200 = arith.constant 512 : i32
    %mul3A_201 = arith.muli %add3A, %mul3A_200 : i32
    %dma_start3A_202 = arith.constant 12800 : i32
    %dma_start3A_203 = tpu.memref_slice %arg30[%dma_start3A_202] : memref<13312xi32, #tpu.memory_space<vmem>> -> memref<512xi32, #tpu.memory_space<vmem>>
    %dma_start3A_204 = tpu.memref_slice %arg27[%mul3A_201] : memref<16384xi32, #tpu.memory_space<hbm>> -> memref<512xi32, #tpu.memory_space<hbm>>
    %dma_start3A_205 = arith.constant 12800 : i32
    %dma_start3A_206 = tpu.memref_slice %arg30[%dma_start3A_205] : memref<13312xi32, #tpu.memory_space<vmem>> -> memref<512xi32, #tpu.memory_space<vmem>>
    %dma_start3A_207 = tpu.memref_slice %arg27[%mul3A_201] : memref<16384xi32, #tpu.memory_space<hbm>> -> memref<512xi32, #tpu.memory_space<hbm>>
    tpu.enqueue_dma source(%dma_start3A_207 : memref<512xi32, #tpu.memory_space<hbm>>) target(%dma_start3A_206 : memref<512xi32, #tpu.memory_space<vmem>>) target_semaphore(%arg35 : memref<!tpu.dma_semaphore, #tpu.memory_space<semaphore_mem>>)
    %dma_wait3A = arith.constant 0 : i32
    %dma_wait3A_208 = tpu.memref_slice %arg30[%dma_wait3A] : memref<13312xi32, #tpu.memory_space<vmem>> -> memref<512xi32, #tpu.memory_space<vmem>>
    %dma_wait3A_209 = arith.constant 0 : i32
    %dma_wait3A_210 = tpu.memref_slice %arg2[%dma_wait3A_209] : memref<16384xi32, #tpu.memory_space<hbm>> -> memref<512xi32, #tpu.memory_space<hbm>>
    %dma_wait3A_211 = arith.constant 0 : i32
    %dma_wait3A_212 = tpu.memref_slice %arg30[%dma_wait3A_211] : memref<13312xi32, #tpu.memory_space<vmem>> -> memref<512xi32, #tpu.memory_space<vmem>>
    %dma_wait3A_213 = arith.constant 0 : i32
    %dma_wait3A_214 = tpu.memref_slice %arg2[%dma_wait3A_213] : memref<16384xi32, #tpu.memory_space<hbm>> -> memref<512xi32, #tpu.memory_space<hbm>>
    tpu.wait_dma2 semaphore(%arg35 : memref<!tpu.dma_semaphore, #tpu.memory_space<semaphore_mem>>) src(%dma_wait3A_214 : memref<512xi32, #tpu.memory_space<hbm>>) dst(%dma_wait3A_212 : memref<512xi32, #tpu.memory_space<vmem>>)
    %dma_wait3A_215 = arith.constant 512 : i32
    %dma_wait3A_216 = tpu.memref_slice %arg30[%dma_wait3A_215] : memref<13312xi32, #tpu.memory_space<vmem>> -> memref<512xi32, #tpu.memory_space<vmem>>
    %dma_wait3A_217 = arith.constant 0 : i32
    %dma_wait3A_218 = tpu.memref_slice %arg2[%dma_wait3A_217] : memref<16384xi32, #tpu.memory_space<hbm>> -> memref<512xi32, #tpu.memory_space<hbm>>
    %dma_wait3A_219 = arith.constant 512 : i32
    %dma_wait3A_220 = tpu.memref_slice %arg30[%dma_wait3A_219] : memref<13312xi32, #tpu.memory_space<vmem>> -> memref<512xi32, #tpu.memory_space<vmem>>
    %dma_wait3A_221 = arith.constant 0 : i32
    %dma_wait3A_222 = tpu.memref_slice %arg2[%dma_wait3A_221] : memref<16384xi32, #tpu.memory_space<hbm>> -> memref<512xi32, #tpu.memory_space<hbm>>
    tpu.wait_dma2 semaphore(%arg35 : memref<!tpu.dma_semaphore, #tpu.memory_space<semaphore_mem>>) src(%dma_wait3A_222 : memref<512xi32, #tpu.memory_space<hbm>>) dst(%dma_wait3A_220 : memref<512xi32, #tpu.memory_space<vmem>>)
    %dma_wait3A_223 = arith.constant 1024 : i32
    %dma_wait3A_224 = tpu.memref_slice %arg30[%dma_wait3A_223] : memref<13312xi32, #tpu.memory_space<vmem>> -> memref<512xi32, #tpu.memory_space<vmem>>
    %dma_wait3A_225 = arith.constant 0 : i32
    %dma_wait3A_226 = tpu.memref_slice %arg2[%dma_wait3A_225] : memref<16384xi32, #tpu.memory_space<hbm>> -> memref<512xi32, #tpu.memory_space<hbm>>
    %dma_wait3A_227 = arith.constant 1024 : i32
    %dma_wait3A_228 = tpu.memref_slice %arg30[%dma_wait3A_227] : memref<13312xi32, #tpu.memory_space<vmem>> -> memref<512xi32, #tpu.memory_space<vmem>>
    %dma_wait3A_229 = arith.constant 0 : i32
    %dma_wait3A_230 = tpu.memref_slice %arg2[%dma_wait3A_229] : memref<16384xi32, #tpu.memory_space<hbm>> -> memref<512xi32, #tpu.memory_space<hbm>>
    tpu.wait_dma2 semaphore(%arg35 : memref<!tpu.dma_semaphore, #tpu.memory_space<semaphore_mem>>) src(%dma_wait3A_230 : memref<512xi32, #tpu.memory_space<hbm>>) dst(%dma_wait3A_228 : memref<512xi32, #tpu.memory_space<vmem>>)
    %dma_wait3A_231 = arith.constant 1536 : i32
    %dma_wait3A_232 = tpu.memref_slice %arg30[%dma_wait3A_231] : memref<13312xi32, #tpu.memory_space<vmem>> -> memref<512xi32, #tpu.memory_space<vmem>>
    %dma_wait3A_233 = arith.constant 0 : i32
    %dma_wait3A_234 = tpu.memref_slice %arg2[%dma_wait3A_233] : memref<16384xi32, #tpu.memory_space<hbm>> -> memref<512xi32, #tpu.memory_space<hbm>>
    %dma_wait3A_235 = arith.constant 1536 : i32
    %dma_wait3A_236 = tpu.memref_slice %arg30[%dma_wait3A_235] : memref<13312xi32, #tpu.memory_space<vmem>> -> memref<512xi32, #tpu.memory_space<vmem>>
    %dma_wait3A_237 = arith.constant 0 : i32
    %dma_wait3A_238 = tpu.memref_slice %arg2[%dma_wait3A_237] : memref<16384xi32, #tpu.memory_space<hbm>> -> memref<512xi32, #tpu.memory_space<hbm>>
    tpu.wait_dma2 semaphore(%arg35 : memref<!tpu.dma_semaphore, #tpu.memory_space<semaphore_mem>>) src(%dma_wait3A_238 : memref<512xi32, #tpu.memory_space<hbm>>) dst(%dma_wait3A_236 : memref<512xi32, #tpu.memory_space<vmem>>)
    %dma_wait3A_239 = arith.constant 2048 : i32
    %dma_wait3A_240 = tpu.memref_slice %arg30[%dma_wait3A_239] : memref<13312xi32, #tpu.memory_space<vmem>> -> memref<512xi32, #tpu.memory_space<vmem>>
    %dma_wait3A_241 = arith.constant 0 : i32
    %dma_wait3A_242 = tpu.memref_slice %arg2[%dma_wait3A_241] : memref<16384xi32, #tpu.memory_space<hbm>> -> memref<512xi32, #tpu.memory_space<hbm>>
    %dma_wait3A_243 = arith.constant 2048 : i32
    %dma_wait3A_244 = tpu.memref_slice %arg30[%dma_wait3A_243] : memref<13312xi32, #tpu.memory_space<vmem>> -> memref<512xi32, #tpu.memory_space<vmem>>
    %dma_wait3A_245 = arith.constant 0 : i32
    %dma_wait3A_246 = tpu.memref_slice %arg2[%dma_wait3A_245] : memref<16384xi32, #tpu.memory_space<hbm>> -> memref<512xi32, #tpu.memory_space<hbm>>
    tpu.wait_dma2 semaphore(%arg35 : memref<!tpu.dma_semaphore, #tpu.memory_space<semaphore_mem>>) src(%dma_wait3A_246 : memref<512xi32, #tpu.memory_space<hbm>>) dst(%dma_wait3A_244 : memref<512xi32, #tpu.memory_space<vmem>>)
    %dma_wait3A_247 = arith.constant 2560 : i32
    %dma_wait3A_248 = tpu.memref_slice %arg30[%dma_wait3A_247] : memref<13312xi32, #tpu.memory_space<vmem>> -> memref<512xi32, #tpu.memory_space<vmem>>
    %dma_wait3A_249 = arith.constant 0 : i32
    %dma_wait3A_250 = tpu.memref_slice %arg2[%dma_wait3A_249] : memref<16384xi32, #tpu.memory_space<hbm>> -> memref<512xi32, #tpu.memory_space<hbm>>
    %dma_wait3A_251 = arith.constant 2560 : i32
    %dma_wait3A_252 = tpu.memref_slice %arg30[%dma_wait3A_251] : memref<13312xi32, #tpu.memory_space<vmem>> -> memref<512xi32, #tpu.memory_space<vmem>>
    %dma_wait3A_253 = arith.constant 0 : i32
    %dma_wait3A_254 = tpu.memref_slice %arg2[%dma_wait3A_253] : memref<16384xi32, #tpu.memory_space<hbm>> -> memref<512xi32, #tpu.memory_space<hbm>>
    tpu.wait_dma2 semaphore(%arg35 : memref<!tpu.dma_semaphore, #tpu.memory_space<semaphore_mem>>) src(%dma_wait3A_254 : memref<512xi32, #tpu.memory_space<hbm>>) dst(%dma_wait3A_252 : memref<512xi32, #tpu.memory_space<vmem>>)
    %dma_wait3A_255 = arith.constant 3072 : i32
    %dma_wait3A_256 = tpu.memref_slice %arg30[%dma_wait3A_255] : memref<13312xi32, #tpu.memory_space<vmem>> -> memref<512xi32, #tpu.memory_space<vmem>>
    %dma_wait3A_257 = arith.constant 0 : i32
    %dma_wait3A_258 = tpu.memref_slice %arg2[%dma_wait3A_257] : memref<16384xi32, #tpu.memory_space<hbm>> -> memref<512xi32, #tpu.memory_space<hbm>>
    %dma_wait3A_259 = arith.constant 3072 : i32
    %dma_wait3A_260 = tpu.memref_slice %arg30[%dma_wait3A_259] : memref<13312xi32, #tpu.memory_space<vmem>> -> memref<512xi32, #tpu.memory_space<vmem>>
    %dma_wait3A_261 = arith.constant 0 : i32
    %dma_wait3A_262 = tpu.memref_slice %arg2[%dma_wait3A_261] : memref<16384xi32, #tpu.memory_space<hbm>> -> memref<512xi32, #tpu.memory_space<hbm>>
    tpu.wait_dma2 semaphore(%arg35 : memref<!tpu.dma_semaphore, #tpu.memory_space<semaphore_mem>>) src(%dma_wait3A_262 : memref<512xi32, #tpu.memory_space<hbm>>) dst(%dma_wait3A_260 : memref<512xi32, #tpu.memory_space<vmem>>)
    %dma_wait3A_263 = arith.constant 3584 : i32
    %dma_wait3A_264 = tpu.memref_slice %arg30[%dma_wait3A_263] : memref<13312xi32, #tpu.memory_space<vmem>> -> memref<512xi32, #tpu.memory_space<vmem>>
    %dma_wait3A_265 = arith.constant 0 : i32
    %dma_wait3A_266 = tpu.memref_slice %arg2[%dma_wait3A_265] : memref<16384xi32, #tpu.memory_space<hbm>> -> memref<512xi32, #tpu.memory_space<hbm>>
    %dma_wait3A_267 = arith.constant 3584 : i32
    %dma_wait3A_268 = tpu.memref_slice %arg30[%dma_wait3A_267] : memref<13312xi32, #tpu.memory_space<vmem>> -> memref<512xi32, #tpu.memory_space<vmem>>
    %dma_wait3A_269 = arith.constant 0 : i32
    %dma_wait3A_270 = tpu.memref_slice %arg2[%dma_wait3A_269] : memref<16384xi32, #tpu.memory_space<hbm>> -> memref<512xi32, #tpu.memory_space<hbm>>
    tpu.wait_dma2 semaphore(%arg35 : memref<!tpu.dma_semaphore, #tpu.memory_space<semaphore_mem>>) src(%dma_wait3A_270 : memref<512xi32, #tpu.memory_space<hbm>>) dst(%dma_wait3A_268 : memref<512xi32, #tpu.memory_space<vmem>>)
    %dma_wait3A_271 = arith.constant 4096 : i32
    %dma_wait3A_272 = tpu.memref_slice %arg30[%dma_wait3A_271] : memref<13312xi32, #tpu.memory_space<vmem>> -> memref<512xi32, #tpu.memory_space<vmem>>
    %dma_wait3A_273 = arith.constant 0 : i32
    %dma_wait3A_274 = tpu.memref_slice %arg2[%dma_wait3A_273] : memref<16384xi32, #tpu.memory_space<hbm>> -> memref<512xi32, #tpu.memory_space<hbm>>
    %dma_wait3A_275 = arith.constant 4096 : i32
    %dma_wait3A_276 = tpu.memref_slice %arg30[%dma_wait3A_275] : memref<13312xi32, #tpu.memory_space<vmem>> -> memref<512xi32, #tpu.memory_space<vmem>>
    %dma_wait3A_277 = arith.constant 0 : i32
    %dma_wait3A_278 = tpu.memref_slice %arg2[%dma_wait3A_277] : memref<16384xi32, #tpu.memory_space<hbm>> -> memref<512xi32, #tpu.memory_space<hbm>>
    tpu.wait_dma2 semaphore(%arg35 : memref<!tpu.dma_semaphore, #tpu.memory_space<semaphore_mem>>) src(%dma_wait3A_278 : memref<512xi32, #tpu.memory_space<hbm>>) dst(%dma_wait3A_276 : memref<512xi32, #tpu.memory_space<vmem>>)
    %dma_wait3A_279 = arith.constant 4608 : i32
    %dma_wait3A_280 = tpu.memref_slice %arg30[%dma_wait3A_279] : memref<13312xi32, #tpu.memory_space<vmem>> -> memref<512xi32, #tpu.memory_space<vmem>>
    %dma_wait3A_281 = arith.constant 0 : i32
    %dma_wait3A_282 = tpu.memref_slice %arg2[%dma_wait3A_281] : memref<16384xi32, #tpu.memory_space<hbm>> -> memref<512xi32, #tpu.memory_space<hbm>>
    %dma_wait3A_283 = arith.constant 4608 : i32
    %dma_wait3A_284 = tpu.memref_slice %arg30[%dma_wait3A_283] : memref<13312xi32, #tpu.memory_space<vmem>> -> memref<512xi32, #tpu.memory_space<vmem>>
    %dma_wait3A_285 = arith.constant 0 : i32
    %dma_wait3A_286 = tpu.memref_slice %arg2[%dma_wait3A_285] : memref<16384xi32, #tpu.memory_space<hbm>> -> memref<512xi32, #tpu.memory_space<hbm>>
    tpu.wait_dma2 semaphore(%arg35 : memref<!tpu.dma_semaphore, #tpu.memory_space<semaphore_mem>>) src(%dma_wait3A_286 : memref<512xi32, #tpu.memory_space<hbm>>) dst(%dma_wait3A_284 : memref<512xi32, #tpu.memory_space<vmem>>)
    %dma_wait3A_287 = arith.constant 5120 : i32
    %dma_wait3A_288 = tpu.memref_slice %arg30[%dma_wait3A_287] : memref<13312xi32, #tpu.memory_space<vmem>> -> memref<512xi32, #tpu.memory_space<vmem>>
    %dma_wait3A_289 = arith.constant 0 : i32
    %dma_wait3A_290 = tpu.memref_slice %arg2[%dma_wait3A_289] : memref<16384xi32, #tpu.memory_space<hbm>> -> memref<512xi32, #tpu.memory_space<hbm>>
    %dma_wait3A_291 = arith.constant 5120 : i32
    %dma_wait3A_292 = tpu.memref_slice %arg30[%dma_wait3A_291] : memref<13312xi32, #tpu.memory_space<vmem>> -> memref<512xi32, #tpu.memory_space<vmem>>
    %dma_wait3A_293 = arith.constant 0 : i32
    %dma_wait3A_294 = tpu.memref_slice %arg2[%dma_wait3A_293] : memref<16384xi32, #tpu.memory_space<hbm>> -> memref<512xi32, #tpu.memory_space<hbm>>
    tpu.wait_dma2 semaphore(%arg35 : memref<!tpu.dma_semaphore, #tpu.memory_space<semaphore_mem>>) src(%dma_wait3A_294 : memref<512xi32, #tpu.memory_space<hbm>>) dst(%dma_wait3A_292 : memref<512xi32, #tpu.memory_space<vmem>>)
    %dma_wait3A_295 = arith.constant 5632 : i32
    %dma_wait3A_296 = tpu.memref_slice %arg30[%dma_wait3A_295] : memref<13312xi32, #tpu.memory_space<vmem>> -> memref<512xi32, #tpu.memory_space<vmem>>
    %dma_wait3A_297 = arith.constant 0 : i32
    %dma_wait3A_298 = tpu.memref_slice %arg2[%dma_wait3A_297] : memref<16384xi32, #tpu.memory_space<hbm>> -> memref<512xi32, #tpu.memory_space<hbm>>
    %dma_wait3A_299 = arith.constant 5632 : i32
    %dma_wait3A_300 = tpu.memref_slice %arg30[%dma_wait3A_299] : memref<13312xi32, #tpu.memory_space<vmem>> -> memref<512xi32, #tpu.memory_space<vmem>>
    %dma_wait3A_301 = arith.constant 0 : i32
    %dma_wait3A_302 = tpu.memref_slice %arg2[%dma_wait3A_301] : memref<16384xi32, #tpu.memory_space<hbm>> -> memref<512xi32, #tpu.memory_space<hbm>>
    tpu.wait_dma2 semaphore(%arg35 : memref<!tpu.dma_semaphore, #tpu.memory_space<semaphore_mem>>) src(%dma_wait3A_302 : memref<512xi32, #tpu.memory_space<hbm>>) dst(%dma_wait3A_300 : memref<512xi32, #tpu.memory_space<vmem>>)
    %dma_wait3A_303 = arith.constant 6144 : i32
    %dma_wait3A_304 = tpu.memref_slice %arg30[%dma_wait3A_303] : memref<13312xi32, #tpu.memory_space<vmem>> -> memref<512xi32, #tpu.memory_space<vmem>>
    %dma_wait3A_305 = arith.constant 0 : i32
    %dma_wait3A_306 = tpu.memref_slice %arg2[%dma_wait3A_305] : memref<16384xi32, #tpu.memory_space<hbm>> -> memref<512xi32, #tpu.memory_space<hbm>>
    %dma_wait3A_307 = arith.constant 6144 : i32
    %dma_wait3A_308 = tpu.memref_slice %arg30[%dma_wait3A_307] : memref<13312xi32, #tpu.memory_space<vmem>> -> memref<512xi32, #tpu.memory_space<vmem>>
    %dma_wait3A_309 = arith.constant 0 : i32
    %dma_wait3A_310 = tpu.memref_slice %arg2[%dma_wait3A_309] : memref<16384xi32, #tpu.memory_space<hbm>> -> memref<512xi32, #tpu.memory_space<hbm>>
    tpu.wait_dma2 semaphore(%arg35 : memref<!tpu.dma_semaphore, #tpu.memory_space<semaphore_mem>>) src(%dma_wait3A_310 : memref<512xi32, #tpu.memory_space<hbm>>) dst(%dma_wait3A_308 : memref<512xi32, #tpu.memory_space<vmem>>)
    %dma_wait3A_311 = arith.constant 6656 : i32
    %dma_wait3A_312 = tpu.memref_slice %arg30[%dma_wait3A_311] : memref<13312xi32, #tpu.memory_space<vmem>> -> memref<512xi32, #tpu.memory_space<vmem>>
    %dma_wait3A_313 = arith.constant 0 : i32
    %dma_wait3A_314 = tpu.memref_slice %arg2[%dma_wait3A_313] : memref<16384xi32, #tpu.memory_space<hbm>> -> memref<512xi32, #tpu.memory_space<hbm>>
    %dma_wait3A_315 = arith.constant 6656 : i32
    %dma_wait3A_316 = tpu.memref_slice %arg30[%dma_wait3A_315] : memref<13312xi32, #tpu.memory_space<vmem>> -> memref<512xi32, #tpu.memory_space<vmem>>
    %dma_wait3A_317 = arith.constant 0 : i32
    %dma_wait3A_318 = tpu.memref_slice %arg2[%dma_wait3A_317] : memref<16384xi32, #tpu.memory_space<hbm>> -> memref<512xi32, #tpu.memory_space<hbm>>
    tpu.wait_dma2 semaphore(%arg35 : memref<!tpu.dma_semaphore, #tpu.memory_space<semaphore_mem>>) src(%dma_wait3A_318 : memref<512xi32, #tpu.memory_space<hbm>>) dst(%dma_wait3A_316 : memref<512xi32, #tpu.memory_space<vmem>>)
    %dma_wait3A_319 = arith.constant 7168 : i32
    %dma_wait3A_320 = tpu.memref_slice %arg30[%dma_wait3A_319] : memref<13312xi32, #tpu.memory_space<vmem>> -> memref<512xi32, #tpu.memory_space<vmem>>
    %dma_wait3A_321 = arith.constant 0 : i32
    %dma_wait3A_322 = tpu.memref_slice %arg2[%dma_wait3A_321] : memref<16384xi32, #tpu.memory_space<hbm>> -> memref<512xi32, #tpu.memory_space<hbm>>
    %dma_wait3A_323 = arith.constant 7168 : i32
    %dma_wait3A_324 = tpu.memref_slice %arg30[%dma_wait3A_323] : memref<13312xi32, #tpu.memory_space<vmem>> -> memref<512xi32, #tpu.memory_space<vmem>>
    %dma_wait3A_325 = arith.constant 0 : i32
    %dma_wait3A_326 = tpu.memref_slice %arg2[%dma_wait3A_325] : memref<16384xi32, #tpu.memory_space<hbm>> -> memref<512xi32, #tpu.memory_space<hbm>>
    tpu.wait_dma2 semaphore(%arg35 : memref<!tpu.dma_semaphore, #tpu.memory_space<semaphore_mem>>) src(%dma_wait3A_326 : memref<512xi32, #tpu.memory_space<hbm>>) dst(%dma_wait3A_324 : memref<512xi32, #tpu.memory_space<vmem>>)
    %dma_wait3A_327 = arith.constant 7680 : i32
    %dma_wait3A_328 = tpu.memref_slice %arg30[%dma_wait3A_327] : memref<13312xi32, #tpu.memory_space<vmem>> -> memref<512xi32, #tpu.memory_space<vmem>>
    %dma_wait3A_329 = arith.constant 0 : i32
    %dma_wait3A_330 = tpu.memref_slice %arg2[%dma_wait3A_329] : memref<16384xi32, #tpu.memory_space<hbm>> -> memref<512xi32, #tpu.memory_space<hbm>>
    %dma_wait3A_331 = arith.constant 7680 : i32
    %dma_wait3A_332 = tpu.memref_slice %arg30[%dma_wait3A_331] : memref<13312xi32, #tpu.memory_space<vmem>> -> memref<512xi32, #tpu.memory_space<vmem>>
    %dma_wait3A_333 = arith.constant 0 : i32
    %dma_wait3A_334 = tpu.memref_slice %arg2[%dma_wait3A_333] : memref<16384xi32, #tpu.memory_space<hbm>> -> memref<512xi32, #tpu.memory_space<hbm>>
    tpu.wait_dma2 semaphore(%arg35 : memref<!tpu.dma_semaphore, #tpu.memory_space<semaphore_mem>>) src(%dma_wait3A_334 : memref<512xi32, #tpu.memory_space<hbm>>) dst(%dma_wait3A_332 : memref<512xi32, #tpu.memory_space<vmem>>)
    %dma_wait3A_335 = arith.constant 8192 : i32
    %dma_wait3A_336 = tpu.memref_slice %arg30[%dma_wait3A_335] : memref<13312xi32, #tpu.memory_space<vmem>> -> memref<512xi32, #tpu.memory_space<vmem>>
    %dma_wait3A_337 = arith.constant 0 : i32
    %dma_wait3A_338 = tpu.memref_slice %arg2[%dma_wait3A_337] : memref<16384xi32, #tpu.memory_space<hbm>> -> memref<512xi32, #tpu.memory_space<hbm>>
    %dma_wait3A_339 = arith.constant 8192 : i32
    %dma_wait3A_340 = tpu.memref_slice %arg30[%dma_wait3A_339] : memref<13312xi32, #tpu.memory_space<vmem>> -> memref<512xi32, #tpu.memory_space<vmem>>
    %dma_wait3A_341 = arith.constant 0 : i32
    %dma_wait3A_342 = tpu.memref_slice %arg2[%dma_wait3A_341] : memref<16384xi32, #tpu.memory_space<hbm>> -> memref<512xi32, #tpu.memory_space<hbm>>
    tpu.wait_dma2 semaphore(%arg35 : memref<!tpu.dma_semaphore, #tpu.memory_space<semaphore_mem>>) src(%dma_wait3A_342 : memref<512xi32, #tpu.memory_space<hbm>>) dst(%dma_wait3A_340 : memref<512xi32, #tpu.memory_space<vmem>>)
    %dma_wait3A_343 = arith.constant 8704 : i32
    %dma_wait3A_344 = tpu.memref_slice %arg30[%dma_wait3A_343] : memref<13312xi32, #tpu.memory_space<vmem>> -> memref<512xi32, #tpu.memory_space<vmem>>
    %dma_wait3A_345 = arith.constant 0 : i32
    %dma_wait3A_346 = tpu.memref_slice %arg2[%dma_wait3A_345] : memref<16384xi32, #tpu.memory_space<hbm>> -> memref<512xi32, #tpu.memory_space<hbm>>
    %dma_wait3A_347 = arith.constant 8704 : i32
    %dma_wait3A_348 = tpu.memref_slice %arg30[%dma_wait3A_347] : memref<13312xi32, #tpu.memory_space<vmem>> -> memref<512xi32, #tpu.memory_space<vmem>>
    %dma_wait3A_349 = arith.constant 0 : i32
    %dma_wait3A_350 = tpu.memref_slice %arg2[%dma_wait3A_349] : memref<16384xi32, #tpu.memory_space<hbm>> -> memref<512xi32, #tpu.memory_space<hbm>>
    tpu.wait_dma2 semaphore(%arg35 : memref<!tpu.dma_semaphore, #tpu.memory_space<semaphore_mem>>) src(%dma_wait3A_350 : memref<512xi32, #tpu.memory_space<hbm>>) dst(%dma_wait3A_348 : memref<512xi32, #tpu.memory_space<vmem>>)
    %dma_wait3A_351 = arith.constant 9216 : i32
    %dma_wait3A_352 = tpu.memref_slice %arg30[%dma_wait3A_351] : memref<13312xi32, #tpu.memory_space<vmem>> -> memref<512xi32, #tpu.memory_space<vmem>>
    %dma_wait3A_353 = arith.constant 0 : i32
    %dma_wait3A_354 = tpu.memref_slice %arg2[%dma_wait3A_353] : memref<16384xi32, #tpu.memory_space<hbm>> -> memref<512xi32, #tpu.memory_space<hbm>>
    %dma_wait3A_355 = arith.constant 9216 : i32
    %dma_wait3A_356 = tpu.memref_slice %arg30[%dma_wait3A_355] : memref<13312xi32, #tpu.memory_space<vmem>> -> memref<512xi32, #tpu.memory_space<vmem>>
    %dma_wait3A_357 = arith.constant 0 : i32
    %dma_wait3A_358 = tpu.memref_slice %arg2[%dma_wait3A_357] : memref<16384xi32, #tpu.memory_space<hbm>> -> memref<512xi32, #tpu.memory_space<hbm>>
    tpu.wait_dma2 semaphore(%arg35 : memref<!tpu.dma_semaphore, #tpu.memory_space<semaphore_mem>>) src(%dma_wait3A_358 : memref<512xi32, #tpu.memory_space<hbm>>) dst(%dma_wait3A_356 : memref<512xi32, #tpu.memory_space<vmem>>)
    %dma_wait3A_359 = arith.constant 9728 : i32
    %dma_wait3A_360 = tpu.memref_slice %arg30[%dma_wait3A_359] : memref<13312xi32, #tpu.memory_space<vmem>> -> memref<512xi32, #tpu.memory_space<vmem>>
    %dma_wait3A_361 = arith.constant 0 : i32
    %dma_wait3A_362 = tpu.memref_slice %arg2[%dma_wait3A_361] : memref<16384xi32, #tpu.memory_space<hbm>> -> memref<512xi32, #tpu.memory_space<hbm>>
    %dma_wait3A_363 = arith.constant 9728 : i32
    %dma_wait3A_364 = tpu.memref_slice %arg30[%dma_wait3A_363] : memref<13312xi32, #tpu.memory_space<vmem>> -> memref<512xi32, #tpu.memory_space<vmem>>
    %dma_wait3A_365 = arith.constant 0 : i32
    %dma_wait3A_366 = tpu.memref_slice %arg2[%dma_wait3A_365] : memref<16384xi32, #tpu.memory_space<hbm>> -> memref<512xi32, #tpu.memory_space<hbm>>
    tpu.wait_dma2 semaphore(%arg35 : memref<!tpu.dma_semaphore, #tpu.memory_space<semaphore_mem>>) src(%dma_wait3A_366 : memref<512xi32, #tpu.memory_space<hbm>>) dst(%dma_wait3A_364 : memref<512xi32, #tpu.memory_space<vmem>>)
    %dma_wait3A_367 = arith.constant 10240 : i32
    %dma_wait3A_368 = tpu.memref_slice %arg30[%dma_wait3A_367] : memref<13312xi32, #tpu.memory_space<vmem>> -> memref<512xi32, #tpu.memory_space<vmem>>
    %dma_wait3A_369 = arith.constant 0 : i32
    %dma_wait3A_370 = tpu.memref_slice %arg2[%dma_wait3A_369] : memref<16384xi32, #tpu.memory_space<hbm>> -> memref<512xi32, #tpu.memory_space<hbm>>
    %dma_wait3A_371 = arith.constant 10240 : i32
    %dma_wait3A_372 = tpu.memref_slice %arg30[%dma_wait3A_371] : memref<13312xi32, #tpu.memory_space<vmem>> -> memref<512xi32, #tpu.memory_space<vmem>>
    %dma_wait3A_373 = arith.constant 0 : i32
    %dma_wait3A_374 = tpu.memref_slice %arg2[%dma_wait3A_373] : memref<16384xi32, #tpu.memory_space<hbm>> -> memref<512xi32, #tpu.memory_space<hbm>>
    tpu.wait_dma2 semaphore(%arg35 : memref<!tpu.dma_semaphore, #tpu.memory_space<semaphore_mem>>) src(%dma_wait3A_374 : memref<512xi32, #tpu.memory_space<hbm>>) dst(%dma_wait3A_372 : memref<512xi32, #tpu.memory_space<vmem>>)
    %dma_wait3A_375 = arith.constant 10752 : i32
    %dma_wait3A_376 = tpu.memref_slice %arg30[%dma_wait3A_375] : memref<13312xi32, #tpu.memory_space<vmem>> -> memref<512xi32, #tpu.memory_space<vmem>>
    %dma_wait3A_377 = arith.constant 0 : i32
    %dma_wait3A_378 = tpu.memref_slice %arg2[%dma_wait3A_377] : memref<16384xi32, #tpu.memory_space<hbm>> -> memref<512xi32, #tpu.memory_space<hbm>>
    %dma_wait3A_379 = arith.constant 10752 : i32
    %dma_wait3A_380 = tpu.memref_slice %arg30[%dma_wait3A_379] : memref<13312xi32, #tpu.memory_space<vmem>> -> memref<512xi32, #tpu.memory_space<vmem>>
    %dma_wait3A_381 = arith.constant 0 : i32
    %dma_wait3A_382 = tpu.memref_slice %arg2[%dma_wait3A_381] : memref<16384xi32, #tpu.memory_space<hbm>> -> memref<512xi32, #tpu.memory_space<hbm>>
    tpu.wait_dma2 semaphore(%arg35 : memref<!tpu.dma_semaphore, #tpu.memory_space<semaphore_mem>>) src(%dma_wait3A_382 : memref<512xi32, #tpu.memory_space<hbm>>) dst(%dma_wait3A_380 : memref<512xi32, #tpu.memory_space<vmem>>)
    %dma_wait3A_383 = arith.constant 11264 : i32
    %dma_wait3A_384 = tpu.memref_slice %arg30[%dma_wait3A_383] : memref<13312xi32, #tpu.memory_space<vmem>> -> memref<512xi32, #tpu.memory_space<vmem>>
    %dma_wait3A_385 = arith.constant 0 : i32
    %dma_wait3A_386 = tpu.memref_slice %arg2[%dma_wait3A_385] : memref<16384xi32, #tpu.memory_space<hbm>> -> memref<512xi32, #tpu.memory_space<hbm>>
    %dma_wait3A_387 = arith.constant 11264 : i32
    %dma_wait3A_388 = tpu.memref_slice %arg30[%dma_wait3A_387] : memref<13312xi32, #tpu.memory_space<vmem>> -> memref<512xi32, #tpu.memory_space<vmem>>
    %dma_wait3A_389 = arith.constant 0 : i32
    %dma_wait3A_390 = tpu.memref_slice %arg2[%dma_wait3A_389] : memref<16384xi32, #tpu.memory_space<hbm>> -> memref<512xi32, #tpu.memory_space<hbm>>
    tpu.wait_dma2 semaphore(%arg35 : memref<!tpu.dma_semaphore, #tpu.memory_space<semaphore_mem>>) src(%dma_wait3A_390 : memref<512xi32, #tpu.memory_space<hbm>>) dst(%dma_wait3A_388 : memref<512xi32, #tpu.memory_space<vmem>>)
    %dma_wait3A_391 = arith.constant 11776 : i32
    %dma_wait3A_392 = tpu.memref_slice %arg30[%dma_wait3A_391] : memref<13312xi32, #tpu.memory_space<vmem>> -> memref<512xi32, #tpu.memory_space<vmem>>
    %dma_wait3A_393 = arith.constant 0 : i32
    %dma_wait3A_394 = tpu.memref_slice %arg2[%dma_wait3A_393] : memref<16384xi32, #tpu.memory_space<hbm>> -> memref<512xi32, #tpu.memory_space<hbm>>
    %dma_wait3A_395 = arith.constant 11776 : i32
    %dma_wait3A_396 = tpu.memref_slice %arg30[%dma_wait3A_395] : memref<13312xi32, #tpu.memory_space<vmem>> -> memref<512xi32, #tpu.memory_space<vmem>>
    %dma_wait3A_397 = arith.constant 0 : i32
    %dma_wait3A_398 = tpu.memref_slice %arg2[%dma_wait3A_397] : memref<16384xi32, #tpu.memory_space<hbm>> -> memref<512xi32, #tpu.memory_space<hbm>>
    tpu.wait_dma2 semaphore(%arg35 : memref<!tpu.dma_semaphore, #tpu.memory_space<semaphore_mem>>) src(%dma_wait3A_398 : memref<512xi32, #tpu.memory_space<hbm>>) dst(%dma_wait3A_396 : memref<512xi32, #tpu.memory_space<vmem>>)
    %dma_wait3A_399 = arith.constant 12288 : i32
    %dma_wait3A_400 = tpu.memref_slice %arg30[%dma_wait3A_399] : memref<13312xi32, #tpu.memory_space<vmem>> -> memref<512xi32, #tpu.memory_space<vmem>>
    %dma_wait3A_401 = arith.constant 0 : i32
    %dma_wait3A_402 = tpu.memref_slice %arg2[%dma_wait3A_401] : memref<16384xi32, #tpu.memory_space<hbm>> -> memref<512xi32, #tpu.memory_space<hbm>>
    %dma_wait3A_403 = arith.constant 12288 : i32
    %dma_wait3A_404 = tpu.memref_slice %arg30[%dma_wait3A_403] : memref<13312xi32, #tpu.memory_space<vmem>> -> memref<512xi32, #tpu.memory_space<vmem>>
    %dma_wait3A_405 = arith.constant 0 : i32
    %dma_wait3A_406 = tpu.memref_slice %arg2[%dma_wait3A_405] : memref<16384xi32, #tpu.memory_space<hbm>> -> memref<512xi32, #tpu.memory_space<hbm>>
    tpu.wait_dma2 semaphore(%arg35 : memref<!tpu.dma_semaphore, #tpu.memory_space<semaphore_mem>>) src(%dma_wait3A_406 : memref<512xi32, #tpu.memory_space<hbm>>) dst(%dma_wait3A_404 : memref<512xi32, #tpu.memory_space<vmem>>)
    %dma_wait3A_407 = arith.constant 12800 : i32
    %dma_wait3A_408 = tpu.memref_slice %arg30[%dma_wait3A_407] : memref<13312xi32, #tpu.memory_space<vmem>> -> memref<512xi32, #tpu.memory_space<vmem>>
    %dma_wait3A_409 = arith.constant 0 : i32
    %dma_wait3A_410 = tpu.memref_slice %arg2[%dma_wait3A_409] : memref<16384xi32, #tpu.memory_space<hbm>> -> memref<512xi32, #tpu.memory_space<hbm>>
    %dma_wait3A_411 = arith.constant 12800 : i32
    %dma_wait3A_412 = tpu.memref_slice %arg30[%dma_wait3A_411] : memref<13312xi32, #tpu.memory_space<vmem>> -> memref<512xi32, #tpu.memory_space<vmem>>
    %dma_wait3A_413 = arith.constant 0 : i32
    %dma_wait3A_414 = tpu.memref_slice %arg2[%dma_wait3A_413] : memref<16384xi32, #tpu.memory_space<hbm>> -> memref<512xi32, #tpu.memory_space<hbm>>
    tpu.wait_dma2 semaphore(%arg35 : memref<!tpu.dma_semaphore, #tpu.memory_space<semaphore_mem>>) src(%dma_wait3A_414 : memref<512xi32, #tpu.memory_space<hbm>>) dst(%dma_wait3A_412 : memref<512xi32, #tpu.memory_space<vmem>>)
    %scan3A = arith.constant 0 : i32
    %scan3A_415 = arith.constant 4 : i32
    %scan3A_416 = arith.addi %scan3A, %scan3A_415 : i32
    %scan3A_417 = arith.constant 1 : i32
    scf.for %scan3A_449 = %scan3A to %scan3A_416 step %scan3A_417  : i32 {
      %mul3A_450 = arith.constant 1 : i32
      %mul3A_451 = arith.muli %scan3A_449, %mul3A_450 : i32
      %add3A_452 = arith.constant 0 : i32
      %add3A_453 = arith.addi %add3A_452, %mul3A_451 : i32
      %mul3A_454 = arith.constant 4 : i32
      %mul3A_455 = arith.muli %add3A, %mul3A_454 : i32
      %add3A_456 = arith.addi %mul3A_455, %add3A_453 : i32
      %gt3A = arith.constant 0 : i32
      %gt3A_457 = arith.cmpi sgt, %add3A_453, %gt3A : i32
      %convert_element_type3A = arith.extui %gt3A_457 : i1 to i32
      %cond3A = arith.constant 0 : i32
      %cond3A_458 = arith.cmpi ne, %convert_element_type3A, %cond3A : i32
      scf.if %cond3A_458 {
        %dma_wait3A_502 = arith.constant 0 : i32
        %dma_wait3A_503 = arith.constant 0 : i32
        %dma_wait3A_504 = arith.constant 0 : i32
        %dma_wait3A_505 = tpu.memref_slice %arg32[%dma_wait3A_503, %dma_wait3A_504] : memref<416x128xi32, #tpu.memory_space<vmem>> -> memref<208x128xi32, #tpu.memory_space<vmem>>
        %dma_wait3A_506 = arith.constant 0 : i32
        %dma_wait3A_507 = arith.constant 0 : i32
        %dma_wait3A_508 = tpu.memref_slice %arg29[%dma_wait3A_502, %dma_wait3A_506, %dma_wait3A_507] : memref<128x416x128xi32, #tpu.memory_space<hbm>> -> memref<1x208x128xi32, #tpu.memory_space<hbm>>
        %dma_wait3A_509 = tpu.memref_squeeze %dma_wait3A_508 : memref<1x208x128xi32, #tpu.memory_space<hbm>> -> memref<208x128xi32, #tpu.memory_space<hbm>>
        %dma_wait3A_510 = arith.constant 0 : i32
        %dma_wait3A_511 = arith.constant 0 : i32
        %dma_wait3A_512 = tpu.memref_slice %arg32[%dma_wait3A_510, %dma_wait3A_511] : memref<416x128xi32, #tpu.memory_space<vmem>> -> memref<208x128xi32, #tpu.memory_space<vmem>>
        %dma_wait3A_513 = arith.constant 0 : i32
        %dma_wait3A_514 = arith.constant 0 : i32
        %dma_wait3A_515 = tpu.memref_slice %arg29[%dma_wait3A_502, %dma_wait3A_513, %dma_wait3A_514] : memref<128x416x128xi32, #tpu.memory_space<hbm>> -> memref<1x208x128xi32, #tpu.memory_space<hbm>>
        %dma_wait3A_516 = tpu.memref_squeeze %dma_wait3A_515 : memref<1x208x128xi32, #tpu.memory_space<hbm>> -> memref<208x128xi32, #tpu.memory_space<hbm>>
        tpu.wait_dma2 semaphore(%arg33 : memref<!tpu.dma_semaphore, #tpu.memory_space<semaphore_mem>>) src(%dma_wait3A_516 : memref<208x128xi32, #tpu.memory_space<hbm>>) dst(%dma_wait3A_512 : memref<208x128xi32, #tpu.memory_space<vmem>>)
      } else {
      }
      %scan3A_459 = arith.constant 0 : i32
      %scan3A_460 = arith.constant 13 : i32
      %scan3A_461 = arith.addi %scan3A_459, %scan3A_460 : i32
      %scan3A_462 = arith.constant 1 : i32
      scf.for %scan3A_502 = %scan3A_459 to %scan3A_461 step %scan3A_462  : i32 {
        %mul3A_503 = arith.constant 1 : i32
        %mul3A_504 = arith.muli %scan3A_502, %mul3A_503 : i32
        %add3A_505 = arith.constant 0 : i32
        %add3A_506 = arith.addi %add3A_505, %mul3A_504 : i32
        %mul3A_507 = arith.constant 512 : i32
        %mul3A_508 = arith.muli %add3A_506, %mul3A_507 : i32
        %mul3A_509 = arith.constant 128 : i32
        %mul3A_510 = arith.muli %add3A_453, %mul3A_509 : i32
        %add3A_511 = arith.addi %mul3A_508, %mul3A_510 : i32
        %add3A_512 = arith.constant 0 : i32
        %add3A_513 = arith.addi %add3A_511, %add3A_512 : i32
        %get3A = arith.index_cast %add3A_513 : i32 to index
        %get3A_514 = tpu.vector_load %arg30[%get3A] {strides = array<i32>} : memref<13312xi32, #tpu.memory_space<vmem>>, vector<16xi32>,
        %mul3A_515 = arith.constant 17 : i32
        %mul3A_516 = vector.broadcast %mul3A_515 : i32 to vector<16xi32>
        %mul3A_517 = arith.muli %get3A_514, %mul3A_516 : vector<16xi32>
        %mul3A_518 = arith.constant 2040 : i32
        %mul3A_519 = arith.muli %add3A_506, %mul3A_518 : i32
        %add3A_520 = vector.broadcast %mul3A_519 : i32 to vector<16xi32>
        %add3A_521 = arith.addi %mul3A_517, %add3A_520 : vector<16xi32>
        %add3A_522 = arith.constant 0 : i32
        %add3A_523 = vector.broadcast %add3A_522 : i32 to vector<16xi32>
        %add3A_524 = arith.addi %add3A_521, %add3A_523 : vector<16xi32>
        %gather3A = tpu.vector_load_idx %arg31[%add3A_524] : memref<53040xi32, #tpu.memory_space<vmem>>[vector<16xi32>], vector<16xi32>,
        %add3A_525 = arith.constant 1 : i32
        %add3A_526 = vector.broadcast %add3A_525 : i32 to vector<16xi32>
        %add3A_527 = arith.addi %add3A_521, %add3A_526 : vector<16xi32>
        %gather3A_528 = tpu.vector_load_idx %arg31[%add3A_527] : memref<53040xi32, #tpu.memory_space<vmem>>[vector<16xi32>], vector<16xi32>,
        %add3A_529 = arith.constant 2 : i32
        %add3A_530 = vector.broadcast %add3A_529 : i32 to vector<16xi32>
        %add3A_531 = arith.addi %add3A_521, %add3A_530 : vector<16xi32>
        %gather3A_532 = tpu.vector_load_idx %arg31[%add3A_531] : memref<53040xi32, #tpu.memory_space<vmem>>[vector<16xi32>], vector<16xi32>,
        %add3A_533 = arith.constant 3 : i32
        %add3A_534 = vector.broadcast %add3A_533 : i32 to vector<16xi32>
        %add3A_535 = arith.addi %add3A_521, %add3A_534 : vector<16xi32>
        %gather3A_536 = tpu.vector_load_idx %arg31[%add3A_535] : memref<53040xi32, #tpu.memory_space<vmem>>[vector<16xi32>], vector<16xi32>,
        %add3A_537 = arith.constant 4 : i32
        %add3A_538 = vector.broadcast %add3A_537 : i32 to vector<16xi32>
        %add3A_539 = arith.addi %add3A_521, %add3A_538 : vector<16xi32>
        %gather3A_540 = tpu.vector_load_idx %arg31[%add3A_539] : memref<53040xi32, #tpu.memory_space<vmem>>[vector<16xi32>], vector<16xi32>,
        %add3A_541 = arith.constant 5 : i32
        %add3A_542 = vector.broadcast %add3A_541 : i32 to vector<16xi32>
        %add3A_543 = arith.addi %add3A_521, %add3A_542 : vector<16xi32>
        %gather3A_544 = tpu.vector_load_idx %arg31[%add3A_543] : memref<53040xi32, #tpu.memory_space<vmem>>[vector<16xi32>], vector<16xi32>,
        %add3A_545 = arith.constant 6 : i32
        %add3A_546 = vector.broadcast %add3A_545 : i32 to vector<16xi32>
        %add3A_547 = arith.addi %add3A_521, %add3A_546 : vector<16xi32>
        %gather3A_548 = tpu.vector_load_idx %arg31[%add3A_547] : memref<53040xi32, #tpu.memory_space<vmem>>[vector<16xi32>], vector<16xi32>,
        %add3A_549 = arith.constant 7 : i32
        %add3A_550 = vector.broadcast %add3A_549 : i32 to vector<16xi32>
        %add3A_551 = arith.addi %add3A_521, %add3A_550 : vector<16xi32>
        %gather3A_552 = tpu.vector_load_idx %arg31[%add3A_551] : memref<53040xi32, #tpu.memory_space<vmem>>[vector<16xi32>], vector<16xi32>,
        %add3A_553 = arith.constant 8 : i32
        %add3A_554 = vector.broadcast %add3A_553 : i32 to vector<16xi32>
        %add3A_555 = arith.addi %add3A_521, %add3A_554 : vector<16xi32>
        %gather3A_556 = tpu.vector_load_idx %arg31[%add3A_555] : memref<53040xi32, #tpu.memory_space<vmem>>[vector<16xi32>], vector<16xi32>,
        %add3A_557 = arith.constant 9 : i32
        %add3A_558 = vector.broadcast %add3A_557 : i32 to vector<16xi32>
        %add3A_559 = arith.addi %add3A_521, %add3A_558 : vector<16xi32>
        %gather3A_560 = tpu.vector_load_idx %arg31[%add3A_559] : memref<53040xi32, #tpu.memory_space<vmem>>[vector<16xi32>], vector<16xi32>,
        %add3A_561 = arith.constant 10 : i32
        %add3A_562 = vector.broadcast %add3A_561 : i32 to vector<16xi32>
        %add3A_563 = arith.addi %add3A_521, %add3A_562 : vector<16xi32>
        %gather3A_564 = tpu.vector_load_idx %arg31[%add3A_563] : memref<53040xi32, #tpu.memory_space<vmem>>[vector<16xi32>], vector<16xi32>,
        %add3A_565 = arith.constant 11 : i32
        %add3A_566 = vector.broadcast %add3A_565 : i32 to vector<16xi32>
        %add3A_567 = arith.addi %add3A_521, %add3A_566 : vector<16xi32>
        %gather3A_568 = tpu.vector_load_idx %arg31[%add3A_567] : memref<53040xi32, #tpu.memory_space<vmem>>[vector<16xi32>], vector<16xi32>,
        %add3A_569 = arith.constant 12 : i32
        %add3A_570 = vector.broadcast %add3A_569 : i32 to vector<16xi32>
        %add3A_571 = arith.addi %add3A_521, %add3A_570 : vector<16xi32>
        %gather3A_572 = tpu.vector_load_idx %arg31[%add3A_571] : memref<53040xi32, #tpu.memory_space<vmem>>[vector<16xi32>], vector<16xi32>,
        %add3A_573 = arith.constant 13 : i32
        %add3A_574 = vector.broadcast %add3A_573 : i32 to vector<16xi32>
        %add3A_575 = arith.addi %add3A_521, %add3A_574 : vector<16xi32>
        %gather3A_576 = tpu.vector_load_idx %arg31[%add3A_575] : memref<53040xi32, #tpu.memory_space<vmem>>[vector<16xi32>], vector<16xi32>,
        %add3A_577 = arith.constant 14 : i32
        %add3A_578 = vector.broadcast %add3A_577 : i32 to vector<16xi32>
        %add3A_579 = arith.addi %add3A_521, %add3A_578 : vector<16xi32>
        %gather3A_580 = tpu.vector_load_idx %arg31[%add3A_579] : memref<53040xi32, #tpu.memory_space<vmem>>[vector<16xi32>], vector<16xi32>,
        %add3A_581 = arith.constant 15 : i32
        %add3A_582 = vector.broadcast %add3A_581 : i32 to vector<16xi32>
        %add3A_583 = arith.addi %add3A_521, %add3A_582 : vector<16xi32>
        %gather3A_584 = tpu.vector_load_idx %arg31[%add3A_583] : memref<53040xi32, #tpu.memory_space<vmem>>[vector<16xi32>], vector<16xi32>,
        %mul3A_585 = arith.constant 16 : i32
        %mul3A_586 = arith.muli %add3A_506, %mul3A_585 : i32
        %add3A_587 = arith.constant 0 : i32
        %add3A_588 = arith.addi %mul3A_586, %add3A_587 : i32
        %swap3A = arith.index_cast %add3A_588 : i32 to index
        %swap3A_589 = arith.constant 0 : index
        %swap3A_590 = tpu.vector_load %arg32[%swap3A, %swap3A_589] {strides = array<i32>} : memref<416x128xi32, #tpu.memory_space<vmem>>, vector<16xi32>,
        tpu.vector_store %arg32[%swap3A, %swap3A_589], %gather3A {strides = array<i32>} : memref<416x128xi32, #tpu.memory_space<vmem>>, vector<16xi32>,
        %mul3A_591 = arith.constant 16 : i32
        %mul3A_592 = arith.muli %add3A_506, %mul3A_591 : i32
        %add3A_593 = arith.constant 1 : i32
        %add3A_594 = arith.addi %mul3A_592, %add3A_593 : i32
        %swap3A_595 = arith.index_cast %add3A_594 : i32 to index
        %swap3A_596 = arith.constant 0 : index
        %swap3A_597 = tpu.vector_load %arg32[%swap3A_595, %swap3A_596] {strides = array<i32>} : memref<416x128xi32, #tpu.memory_space<vmem>>, vector<16xi32>,
        tpu.vector_store %arg32[%swap3A_595, %swap3A_596], %gather3A_528 {strides = array<i32>} : memref<416x128xi32, #tpu.memory_space<vmem>>, vector<16xi32>,
        %mul3A_598 = arith.constant 16 : i32
        %mul3A_599 = arith.muli %add3A_506, %mul3A_598 : i32
        %add3A_600 = arith.constant 2 : i32
        %add3A_601 = arith.addi %mul3A_599, %add3A_600 : i32
        %swap3A_602 = arith.index_cast %add3A_601 : i32 to index
        %swap3A_603 = arith.constant 0 : index
        %swap3A_604 = tpu.vector_load %arg32[%swap3A_602, %swap3A_603] {strides = array<i32>} : memref<416x128xi32, #tpu.memory_space<vmem>>, vector<16xi32>,
        tpu.vector_store %arg32[%swap3A_602, %swap3A_603], %gather3A_532 {strides = array<i32>} : memref<416x128xi32, #tpu.memory_space<vmem>>, vector<16xi32>,
        %mul3A_605 = arith.constant 16 : i32
        %mul3A_606 = arith.muli %add3A_506, %mul3A_605 : i32
        %add3A_607 = arith.constant 3 : i32
        %add3A_608 = arith.addi %mul3A_606, %add3A_607 : i32
        %swap3A_609 = arith.index_cast %add3A_608 : i32 to index
        %swap3A_610 = arith.constant 0 : index
        %swap3A_611 = tpu.vector_load %arg32[%swap3A_609, %swap3A_610] {strides = array<i32>} : memref<416x128xi32, #tpu.memory_space<vmem>>, vector<16xi32>,
        tpu.vector_store %arg32[%swap3A_609, %swap3A_610], %gather3A_536 {strides = array<i32>} : memref<416x128xi32, #tpu.memory_space<vmem>>, vector<16xi32>,
        %mul3A_612 = arith.constant 16 : i32
        %mul3A_613 = arith.muli %add3A_506, %mul3A_612 : i32
        %add3A_614 = arith.constant 4 : i32
        %add3A_615 = arith.addi %mul3A_613, %add3A_614 : i32
        %swap3A_616 = arith.index_cast %add3A_615 : i32 to index
        %swap3A_617 = arith.constant 0 : index
        %swap3A_618 = tpu.vector_load %arg32[%swap3A_616, %swap3A_617] {strides = array<i32>} : memref<416x128xi32, #tpu.memory_space<vmem>>, vector<16xi32>,
        tpu.vector_store %arg32[%swap3A_616, %swap3A_617], %gather3A_540 {strides = array<i32>} : memref<416x128xi32, #tpu.memory_space<vmem>>, vector<16xi32>,
        %mul3A_619 = arith.constant 16 : i32
        %mul3A_620 = arith.muli %add3A_506, %mul3A_619 : i32
        %add3A_621 = arith.constant 5 : i32
        %add3A_622 = arith.addi %mul3A_620, %add3A_621 : i32
        %swap3A_623 = arith.index_cast %add3A_622 : i32 to index
        %swap3A_624 = arith.constant 0 : index
        %swap3A_625 = tpu.vector_load %arg32[%swap3A_623, %swap3A_624] {strides = array<i32>} : memref<416x128xi32, #tpu.memory_space<vmem>>, vector<16xi32>,
        tpu.vector_store %arg32[%swap3A_623, %swap3A_624], %gather3A_544 {strides = array<i32>} : memref<416x128xi32, #tpu.memory_space<vmem>>, vector<16xi32>,
        %mul3A_626 = arith.constant 16 : i32
        %mul3A_627 = arith.muli %add3A_506, %mul3A_626 : i32
        %add3A_628 = arith.constant 6 : i32
        %add3A_629 = arith.addi %mul3A_627, %add3A_628 : i32
        %swap3A_630 = arith.index_cast %add3A_629 : i32 to index
        %swap3A_631 = arith.constant 0 : index
        %swap3A_632 = tpu.vector_load %arg32[%swap3A_630, %swap3A_631] {strides = array<i32>} : memref<416x128xi32, #tpu.memory_space<vmem>>, vector<16xi32>,
        tpu.vector_store %arg32[%swap3A_630, %swap3A_631], %gather3A_548 {strides = array<i32>} : memref<416x128xi32, #tpu.memory_space<vmem>>, vector<16xi32>,
        %mul3A_633 = arith.constant 16 : i32
        %mul3A_634 = arith.muli %add3A_506, %mul3A_633 : i32
        %add3A_635 = arith.constant 7 : i32
        %add3A_636 = arith.addi %mul3A_634, %add3A_635 : i32
        %swap3A_637 = arith.index_cast %add3A_636 : i32 to index
        %swap3A_638 = arith.constant 0 : index
        %swap3A_639 = tpu.vector_load %arg32[%swap3A_637, %swap3A_638] {strides = array<i32>} : memref<416x128xi32, #tpu.memory_space<vmem>>, vector<16xi32>,
        tpu.vector_store %arg32[%swap3A_637, %swap3A_638], %gather3A_552 {strides = array<i32>} : memref<416x128xi32, #tpu.memory_space<vmem>>, vector<16xi32>,
        %mul3A_640 = arith.constant 16 : i32
        %mul3A_641 = arith.muli %add3A_506, %mul3A_640 : i32
        %add3A_642 = arith.constant 8 : i32
        %add3A_643 = arith.addi %mul3A_641, %add3A_642 : i32
        %swap3A_644 = arith.index_cast %add3A_643 : i32 to index
        %swap3A_645 = arith.constant 0 : index
        %swap3A_646 = tpu.vector_load %arg32[%swap3A_644, %swap3A_645] {strides = array<i32>} : memref<416x128xi32, #tpu.memory_space<vmem>>, vector<16xi32>,
        tpu.vector_store %arg32[%swap3A_644, %swap3A_645], %gather3A_556 {strides = array<i32>} : memref<416x128xi32, #tpu.memory_space<vmem>>, vector<16xi32>,
        %mul3A_647 = arith.constant 16 : i32
        %mul3A_648 = arith.muli %add3A_506, %mul3A_647 : i32
        %add3A_649 = arith.constant 9 : i32
        %add3A_650 = arith.addi %mul3A_648, %add3A_649 : i32
        %swap3A_651 = arith.index_cast %add3A_650 : i32 to index
        %swap3A_652 = arith.constant 0 : index
        %swap3A_653 = tpu.vector_load %arg32[%swap3A_651, %swap3A_652] {strides = array<i32>} : memref<416x128xi32, #tpu.memory_space<vmem>>, vector<16xi32>,
        tpu.vector_store %arg32[%swap3A_651, %swap3A_652], %gather3A_560 {strides = array<i32>} : memref<416x128xi32, #tpu.memory_space<vmem>>, vector<16xi32>,
        %mul3A_654 = arith.constant 16 : i32
        %mul3A_655 = arith.muli %add3A_506, %mul3A_654 : i32
        %add3A_656 = arith.constant 10 : i32
        %add3A_657 = arith.addi %mul3A_655, %add3A_656 : i32
        %swap3A_658 = arith.index_cast %add3A_657 : i32 to index
        %swap3A_659 = arith.constant 0 : index
        %swap3A_660 = tpu.vector_load %arg32[%swap3A_658, %swap3A_659] {strides = array<i32>} : memref<416x128xi32, #tpu.memory_space<vmem>>, vector<16xi32>,
        tpu.vector_store %arg32[%swap3A_658, %swap3A_659], %gather3A_564 {strides = array<i32>} : memref<416x128xi32, #tpu.memory_space<vmem>>, vector<16xi32>,
        %mul3A_661 = arith.constant 16 : i32
        %mul3A_662 = arith.muli %add3A_506, %mul3A_661 : i32
        %add3A_663 = arith.constant 11 : i32
        %add3A_664 = arith.addi %mul3A_662, %add3A_663 : i32
        %swap3A_665 = arith.index_cast %add3A_664 : i32 to index
        %swap3A_666 = arith.constant 0 : index
        %swap3A_667 = tpu.vector_load %arg32[%swap3A_665, %swap3A_666] {strides = array<i32>} : memref<416x128xi32, #tpu.memory_space<vmem>>, vector<16xi32>,
        tpu.vector_store %arg32[%swap3A_665, %swap3A_666], %gather3A_568 {strides = array<i32>} : memref<416x128xi32, #tpu.memory_space<vmem>>, vector<16xi32>,
        %mul3A_668 = arith.constant 16 : i32
        %mul3A_669 = arith.muli %add3A_506, %mul3A_668 : i32
        %add3A_670 = arith.constant 12 : i32
        %add3A_671 = arith.addi %mul3A_669, %add3A_670 : i32
        %swap3A_672 = arith.index_cast %add3A_671 : i32 to index
        %swap3A_673 = arith.constant 0 : index
        %swap3A_674 = tpu.vector_load %arg32[%swap3A_672, %swap3A_673] {strides = array<i32>} : memref<416x128xi32, #tpu.memory_space<vmem>>, vector<16xi32>,
        tpu.vector_store %arg32[%swap3A_672, %swap3A_673], %gather3A_572 {strides = array<i32>} : memref<416x128xi32, #tpu.memory_space<vmem>>, vector<16xi32>,
        %mul3A_675 = arith.constant 16 : i32
        %mul3A_676 = arith.muli %add3A_506, %mul3A_675 : i32
        %add3A_677 = arith.constant 13 : i32
        %add3A_678 = arith.addi %mul3A_676, %add3A_677 : i32
        %swap3A_679 = arith.index_cast %add3A_678 : i32 to index
        %swap3A_680 = arith.constant 0 : index
        %swap3A_681 = tpu.vector_load %arg32[%swap3A_679, %swap3A_680] {strides = array<i32>} : memref<416x128xi32, #tpu.memory_space<vmem>>, vector<16xi32>,
        tpu.vector_store %arg32[%swap3A_679, %swap3A_680], %gather3A_576 {strides = array<i32>} : memref<416x128xi32, #tpu.memory_space<vmem>>, vector<16xi32>,
        %mul3A_682 = arith.constant 16 : i32
        %mul3A_683 = arith.muli %add3A_506, %mul3A_682 : i32
        %add3A_684 = arith.constant 14 : i32
        %add3A_685 = arith.addi %mul3A_683, %add3A_684 : i32
        %swap3A_686 = arith.index_cast %add3A_685 : i32 to index
        %swap3A_687 = arith.constant 0 : index
        %swap3A_688 = tpu.vector_load %arg32[%swap3A_686, %swap3A_687] {strides = array<i32>} : memref<416x128xi32, #tpu.memory_space<vmem>>, vector<16xi32>,
        tpu.vector_store %arg32[%swap3A_686, %swap3A_687], %gather3A_580 {strides = array<i32>} : memref<416x128xi32, #tpu.memory_space<vmem>>, vector<16xi32>,
        %mul3A_689 = arith.constant 16 : i32
        %mul3A_690 = arith.muli %add3A_506, %mul3A_689 : i32
        %add3A_691 = arith.constant 15 : i32
        %add3A_692 = arith.addi %mul3A_690, %add3A_691 : i32
        %swap3A_693 = arith.index_cast %add3A_692 : i32 to index
        %swap3A_694 = arith.constant 0 : index
        %swap3A_695 = tpu.vector_load %arg32[%swap3A_693, %swap3A_694] {strides = array<i32>} : memref<416x128xi32, #tpu.memory_space<vmem>>, vector<16xi32>,
        tpu.vector_store %arg32[%swap3A_693, %swap3A_694], %gather3A_584 {strides = array<i32>} : memref<416x128xi32, #tpu.memory_space<vmem>>, vector<16xi32>,
        %mul3A_696 = arith.constant 512 : i32
        %mul3A_697 = arith.muli %add3A_506, %mul3A_696 : i32
        %mul3A_698 = arith.constant 128 : i32
        %mul3A_699 = arith.muli %add3A_453, %mul3A_698 : i32
        %add3A_700 = arith.addi %mul3A_697, %mul3A_699 : i32
        %add3A_701 = arith.constant 16 : i32
        %add3A_702 = arith.addi %add3A_700, %add3A_701 : i32
        %get3A_703 = arith.index_cast %add3A_702 : i32 to index
        %get3A_704 = tpu.vector_load %arg30[%get3A_703] {strides = array<i32>} : memref<13312xi32, #tpu.memory_space<vmem>>, vector<16xi32>,
        %mul3A_705 = arith.constant 17 : i32
        %mul3A_706 = vector.broadcast %mul3A_705 : i32 to vector<16xi32>
        %mul3A_707 = arith.muli %get3A_704, %mul3A_706 : vector<16xi32>
        %mul3A_708 = arith.constant 2040 : i32
        %mul3A_709 = arith.muli %add3A_506, %mul3A_708 : i32
        %add3A_710 = vector.broadcast %mul3A_709 : i32 to vector<16xi32>
        %add3A_711 = arith.addi %mul3A_707, %add3A_710 : vector<16xi32>
        %add3A_712 = arith.constant 0 : i32
        %add3A_713 = vector.broadcast %add3A_712 : i32 to vector<16xi32>
        %add3A_714 = arith.addi %add3A_711, %add3A_713 : vector<16xi32>
        %gather3A_715 = tpu.vector_load_idx %arg31[%add3A_714] : memref<53040xi32, #tpu.memory_space<vmem>>[vector<16xi32>], vector<16xi32>,
        %add3A_716 = arith.constant 1 : i32
        %add3A_717 = vector.broadcast %add3A_716 : i32 to vector<16xi32>
        %add3A_718 = arith.addi %add3A_711, %add3A_717 : vector<16xi32>
        %gather3A_719 = tpu.vector_load_idx %arg31[%add3A_718] : memref<53040xi32, #tpu.memory_space<vmem>>[vector<16xi32>], vector<16xi32>,
        %add3A_720 = arith.constant 2 : i32
        %add3A_721 = vector.broadcast %add3A_720 : i32 to vector<16xi32>
        %add3A_722 = arith.addi %add3A_711, %add3A_721 : vector<16xi32>
        %gather3A_723 = tpu.vector_load_idx %arg31[%add3A_722] : memref<53040xi32, #tpu.memory_space<vmem>>[vector<16xi32>], vector<16xi32>,
        %add3A_724 = arith.constant 3 : i32
        %add3A_725 = vector.broadcast %add3A_724 : i32 to vector<16xi32>
        %add3A_726 = arith.addi %add3A_711, %add3A_725 : vector<16xi32>
        %gather3A_727 = tpu.vector_load_idx %arg31[%add3A_726] : memref<53040xi32, #tpu.memory_space<vmem>>[vector<16xi32>], vector<16xi32>,
        %add3A_728 = arith.constant 4 : i32
        %add3A_729 = vector.broadcast %add3A_728 : i32 to vector<16xi32>
        %add3A_730 = arith.addi %add3A_711, %add3A_729 : vector<16xi32>
        %gather3A_731 = tpu.vector_load_idx %arg31[%add3A_730] : memref<53040xi32, #tpu.memory_space<vmem>>[vector<16xi32>], vector<16xi32>,
        %add3A_732 = arith.constant 5 : i32
        %add3A_733 = vector.broadcast %add3A_732 : i32 to vector<16xi32>
        %add3A_734 = arith.addi %add3A_711, %add3A_733 : vector<16xi32>
        %gather3A_735 = tpu.vector_load_idx %arg31[%add3A_734] : memref<53040xi32, #tpu.memory_space<vmem>>[vector<16xi32>], vector<16xi32>,
        %add3A_736 = arith.constant 6 : i32
        %add3A_737 = vector.broadcast %add3A_736 : i32 to vector<16xi32>
        %add3A_738 = arith.addi %add3A_711, %add3A_737 : vector<16xi32>
        %gather3A_739 = tpu.vector_load_idx %arg31[%add3A_738] : memref<53040xi32, #tpu.memory_space<vmem>>[vector<16xi32>], vector<16xi32>,
        %add3A_740 = arith.constant 7 : i32
        %add3A_741 = vector.broadcast %add3A_740 : i32 to vector<16xi32>
        %add3A_742 = arith.addi %add3A_711, %add3A_741 : vector<16xi32>
        %gather3A_743 = tpu.vector_load_idx %arg31[%add3A_742] : memref<53040xi32, #tpu.memory_space<vmem>>[vector<16xi32>], vector<16xi32>,
        %add3A_744 = arith.constant 8 : i32
        %add3A_745 = vector.broadcast %add3A_744 : i32 to vector<16xi32>
        %add3A_746 = arith.addi %add3A_711, %add3A_745 : vector<16xi32>
        %gather3A_747 = tpu.vector_load_idx %arg31[%add3A_746] : memref<53040xi32, #tpu.memory_space<vmem>>[vector<16xi32>], vector<16xi32>,
        %add3A_748 = arith.constant 9 : i32
        %add3A_749 = vector.broadcast %add3A_748 : i32 to vector<16xi32>
        %add3A_750 = arith.addi %add3A_711, %add3A_749 : vector<16xi32>
        %gather3A_751 = tpu.vector_load_idx %arg31[%add3A_750] : memref<53040xi32, #tpu.memory_space<vmem>>[vector<16xi32>], vector<16xi32>,
        %add3A_752 = arith.constant 10 : i32
        %add3A_753 = vector.broadcast %add3A_752 : i32 to vector<16xi32>
        %add3A_754 = arith.addi %add3A_711, %add3A_753 : vector<16xi32>
        %gather3A_755 = tpu.vector_load_idx %arg31[%add3A_754] : memref<53040xi32, #tpu.memory_space<vmem>>[vector<16xi32>], vector<16xi32>,
        %add3A_756 = arith.constant 11 : i32
        %add3A_757 = vector.broadcast %add3A_756 : i32 to vector<16xi32>
        %add3A_758 = arith.addi %add3A_711, %add3A_757 : vector<16xi32>
        %gather3A_759 = tpu.vector_load_idx %arg31[%add3A_758] : memref<53040xi32, #tpu.memory_space<vmem>>[vector<16xi32>], vector<16xi32>,
        %add3A_760 = arith.constant 12 : i32
        %add3A_761 = vector.broadcast %add3A_760 : i32 to vector<16xi32>
        %add3A_762 = arith.addi %add3A_711, %add3A_761 : vector<16xi32>
        %gather3A_763 = tpu.vector_load_idx %arg31[%add3A_762] : memref<53040xi32, #tpu.memory_space<vmem>>[vector<16xi32>], vector<16xi32>,
        %add3A_764 = arith.constant 13 : i32
        %add3A_765 = vector.broadcast %add3A_764 : i32 to vector<16xi32>
        %add3A_766 = arith.addi %add3A_711, %add3A_765 : vector<16xi32>
        %gather3A_767 = tpu.vector_load_idx %arg31[%add3A_766] : memref<53040xi32, #tpu.memory_space<vmem>>[vector<16xi32>], vector<16xi32>,
        %add3A_768 = arith.constant 14 : i32
        %add3A_769 = vector.broadcast %add3A_768 : i32 to vector<16xi32>
        %add3A_770 = arith.addi %add3A_711, %add3A_769 : vector<16xi32>
        %gather3A_771 = tpu.vector_load_idx %arg31[%add3A_770] : memref<53040xi32, #tpu.memory_space<vmem>>[vector<16xi32>], vector<16xi32>,
        %add3A_772 = arith.constant 15 : i32
        %add3A_773 = vector.broadcast %add3A_772 : i32 to vector<16xi32>
        %add3A_774 = arith.addi %add3A_711, %add3A_773 : vector<16xi32>
        %gather3A_775 = tpu.vector_load_idx %arg31[%add3A_774] : memref<53040xi32, #tpu.memory_space<vmem>>[vector<16xi32>], vector<16xi32>,
        %mul3A_776 = arith.constant 16 : i32
        %mul3A_777 = arith.muli %add3A_506, %mul3A_776 : i32
        %add3A_778 = arith.constant 0 : i32
        %add3A_779 = arith.addi %mul3A_777, %add3A_778 : i32
        %swap3A_780 = arith.index_cast %add3A_779 : i32 to index
        %swap3A_781 = arith.constant 16 : index
        %swap3A_782 = tpu.vector_load %arg32[%swap3A_780, %swap3A_781] {strides = array<i32>} : memref<416x128xi32, #tpu.memory_space<vmem>>, vector<16xi32>,
        tpu.vector_store %arg32[%swap3A_780, %swap3A_781], %gather3A_715 {strides = array<i32>} : memref<416x128xi32, #tpu.memory_space<vmem>>, vector<16xi32>,
        %mul3A_783 = arith.constant 16 : i32
        %mul3A_784 = arith.muli %add3A_506, %mul3A_783 : i32
        %add3A_785 = arith.constant 1 : i32
        %add3A_786 = arith.addi %mul3A_784, %add3A_785 : i32
        %swap3A_787 = arith.index_cast %add3A_786 : i32 to index
        %swap3A_788 = arith.constant 16 : index
        %swap3A_789 = tpu.vector_load %arg32[%swap3A_787, %swap3A_788] {strides = array<i32>} : memref<416x128xi32, #tpu.memory_space<vmem>>, vector<16xi32>,
        tpu.vector_store %arg32[%swap3A_787, %swap3A_788], %gather3A_719 {strides = array<i32>} : memref<416x128xi32, #tpu.memory_space<vmem>>, vector<16xi32>,
        %mul3A_790 = arith.constant 16 : i32
        %mul3A_791 = arith.muli %add3A_506, %mul3A_790 : i32
        %add3A_792 = arith.constant 2 : i32
        %add3A_793 = arith.addi %mul3A_791, %add3A_792 : i32
        %swap3A_794 = arith.index_cast %add3A_793 : i32 to index
        %swap3A_795 = arith.constant 16 : index
        %swap3A_796 = tpu.vector_load %arg32[%swap3A_794, %swap3A_795] {strides = array<i32>} : memref<416x128xi32, #tpu.memory_space<vmem>>, vector<16xi32>,
        tpu.vector_store %arg32[%swap3A_794, %swap3A_795], %gather3A_723 {strides = array<i32>} : memref<416x128xi32, #tpu.memory_space<vmem>>, vector<16xi32>,
        %mul3A_797 = arith.constant 16 : i32
        %mul3A_798 = arith.muli %add3A_506, %mul3A_797 : i32
        %add3A_799 = arith.constant 3 : i32
        %add3A_800 = arith.addi %mul3A_798, %add3A_799 : i32
        %swap3A_801 = arith.index_cast %add3A_800 : i32 to index
        %swap3A_802 = arith.constant 16 : index
        %swap3A_803 = tpu.vector_load %arg32[%swap3A_801, %swap3A_802] {strides = array<i32>} : memref<416x128xi32, #tpu.memory_space<vmem>>, vector<16xi32>,
        tpu.vector_store %arg32[%swap3A_801, %swap3A_802], %gather3A_727 {strides = array<i32>} : memref<416x128xi32, #tpu.memory_space<vmem>>, vector<16xi32>,
        %mul3A_804 = arith.constant 16 : i32
        %mul3A_805 = arith.muli %add3A_506, %mul3A_804 : i32
        %add3A_806 = arith.constant 4 : i32
        %add3A_807 = arith.addi %mul3A_805, %add3A_806 : i32
        %swap3A_808 = arith.index_cast %add3A_807 : i32 to index
        %swap3A_809 = arith.constant 16 : index
        %swap3A_810 = tpu.vector_load %arg32[%swap3A_808, %swap3A_809] {strides = array<i32>} : memref<416x128xi32, #tpu.memory_space<vmem>>, vector<16xi32>,
        tpu.vector_store %arg32[%swap3A_808, %swap3A_809], %gather3A_731 {strides = array<i32>} : memref<416x128xi32, #tpu.memory_space<vmem>>, vector<16xi32>,
        %mul3A_811 = arith.constant 16 : i32
        %mul3A_812 = arith.muli %add3A_506, %mul3A_811 : i32
        %add3A_813 = arith.constant 5 : i32
        %add3A_814 = arith.addi %mul3A_812, %add3A_813 : i32
        %swap3A_815 = arith.index_cast %add3A_814 : i32 to index
        %swap3A_816 = arith.constant 16 : index
        %swap3A_817 = tpu.vector_load %arg32[%swap3A_815, %swap3A_816] {strides = array<i32>} : memref<416x128xi32, #tpu.memory_space<vmem>>, vector<16xi32>,
        tpu.vector_store %arg32[%swap3A_815, %swap3A_816], %gather3A_735 {strides = array<i32>} : memref<416x128xi32, #tpu.memory_space<vmem>>, vector<16xi32>,
        %mul3A_818 = arith.constant 16 : i32
        %mul3A_819 = arith.muli %add3A_506, %mul3A_818 : i32
        %add3A_820 = arith.constant 6 : i32
        %add3A_821 = arith.addi %mul3A_819, %add3A_820 : i32
        %swap3A_822 = arith.index_cast %add3A_821 : i32 to index
        %swap3A_823 = arith.constant 16 : index
        %swap3A_824 = tpu.vector_load %arg32[%swap3A_822, %swap3A_823] {strides = array<i32>} : memref<416x128xi32, #tpu.memory_space<vmem>>, vector<16xi32>,
        tpu.vector_store %arg32[%swap3A_822, %swap3A_823], %gather3A_739 {strides = array<i32>} : memref<416x128xi32, #tpu.memory_space<vmem>>, vector<16xi32>,
        %mul3A_825 = arith.constant 16 : i32
        %mul3A_826 = arith.muli %add3A_506, %mul3A_825 : i32
        %add3A_827 = arith.constant 7 : i32
        %add3A_828 = arith.addi %mul3A_826, %add3A_827 : i32
        %swap3A_829 = arith.index_cast %add3A_828 : i32 to index
        %swap3A_830 = arith.constant 16 : index
        %swap3A_831 = tpu.vector_load %arg32[%swap3A_829, %swap3A_830] {strides = array<i32>} : memref<416x128xi32, #tpu.memory_space<vmem>>, vector<16xi32>,
        tpu.vector_store %arg32[%swap3A_829, %swap3A_830], %gather3A_743 {strides = array<i32>} : memref<416x128xi32, #tpu.memory_space<vmem>>, vector<16xi32>,
        %mul3A_832 = arith.constant 16 : i32
        %mul3A_833 = arith.muli %add3A_506, %mul3A_832 : i32
        %add3A_834 = arith.constant 8 : i32
        %add3A_835 = arith.addi %mul3A_833, %add3A_834 : i32
        %swap3A_836 = arith.index_cast %add3A_835 : i32 to index
        %swap3A_837 = arith.constant 16 : index
        %swap3A_838 = tpu.vector_load %arg32[%swap3A_836, %swap3A_837] {strides = array<i32>} : memref<416x128xi32, #tpu.memory_space<vmem>>, vector<16xi32>,
        tpu.vector_store %arg32[%swap3A_836, %swap3A_837], %gather3A_747 {strides = array<i32>} : memref<416x128xi32, #tpu.memory_space<vmem>>, vector<16xi32>,
        %mul3A_839 = arith.constant 16 : i32
        %mul3A_840 = arith.muli %add3A_506, %mul3A_839 : i32
        %add3A_841 = arith.constant 9 : i32
        %add3A_842 = arith.addi %mul3A_840, %add3A_841 : i32
        %swap3A_843 = arith.index_cast %add3A_842 : i32 to index
        %swap3A_844 = arith.constant 16 : index
        %swap3A_845 = tpu.vector_load %arg32[%swap3A_843, %swap3A_844] {strides = array<i32>} : memref<416x128xi32, #tpu.memory_space<vmem>>, vector<16xi32>,
        tpu.vector_store %arg32[%swap3A_843, %swap3A_844], %gather3A_751 {strides = array<i32>} : memref<416x128xi32, #tpu.memory_space<vmem>>, vector<16xi32>,
        %mul3A_846 = arith.constant 16 : i32
        %mul3A_847 = arith.muli %add3A_506, %mul3A_846 : i32
        %add3A_848 = arith.constant 10 : i32
        %add3A_849 = arith.addi %mul3A_847, %add3A_848 : i32
        %swap3A_850 = arith.index_cast %add3A_849 : i32 to index
        %swap3A_851 = arith.constant 16 : index
        %swap3A_852 = tpu.vector_load %arg32[%swap3A_850, %swap3A_851] {strides = array<i32>} : memref<416x128xi32, #tpu.memory_space<vmem>>, vector<16xi32>,
        tpu.vector_store %arg32[%swap3A_850, %swap3A_851], %gather3A_755 {strides = array<i32>} : memref<416x128xi32, #tpu.memory_space<vmem>>, vector<16xi32>,
        %mul3A_853 = arith.constant 16 : i32
        %mul3A_854 = arith.muli %add3A_506, %mul3A_853 : i32
        %add3A_855 = arith.constant 11 : i32
        %add3A_856 = arith.addi %mul3A_854, %add3A_855 : i32
        %swap3A_857 = arith.index_cast %add3A_856 : i32 to index
        %swap3A_858 = arith.constant 16 : index
        %swap3A_859 = tpu.vector_load %arg32[%swap3A_857, %swap3A_858] {strides = array<i32>} : memref<416x128xi32, #tpu.memory_space<vmem>>, vector<16xi32>,
        tpu.vector_store %arg32[%swap3A_857, %swap3A_858], %gather3A_759 {strides = array<i32>} : memref<416x128xi32, #tpu.memory_space<vmem>>, vector<16xi32>,
        %mul3A_860 = arith.constant 16 : i32
        %mul3A_861 = arith.muli %add3A_506, %mul3A_860 : i32
        %add3A_862 = arith.constant 12 : i32
        %add3A_863 = arith.addi %mul3A_861, %add3A_862 : i32
        %swap3A_864 = arith.index_cast %add3A_863 : i32 to index
        %swap3A_865 = arith.constant 16 : index
        %swap3A_866 = tpu.vector_load %arg32[%swap3A_864, %swap3A_865] {strides = array<i32>} : memref<416x128xi32, #tpu.memory_space<vmem>>, vector<16xi32>,
        tpu.vector_store %arg32[%swap3A_864, %swap3A_865], %gather3A_763 {strides = array<i32>} : memref<416x128xi32, #tpu.memory_space<vmem>>, vector<16xi32>,
        %mul3A_867 = arith.constant 16 : i32
        %mul3A_868 = arith.muli %add3A_506, %mul3A_867 : i32
        %add3A_869 = arith.constant 13 : i32
        %add3A_870 = arith.addi %mul3A_868, %add3A_869 : i32
        %swap3A_871 = arith.index_cast %add3A_870 : i32 to index
        %swap3A_872 = arith.constant 16 : index
        %swap3A_873 = tpu.vector_load %arg32[%swap3A_871, %swap3A_872] {strides = array<i32>} : memref<416x128xi32, #tpu.memory_space<vmem>>, vector<16xi32>,
        tpu.vector_store %arg32[%swap3A_871, %swap3A_872], %gather3A_767 {strides = array<i32>} : memref<416x128xi32, #tpu.memory_space<vmem>>, vector<16xi32>,
        %mul3A_874 = arith.constant 16 : i32
        %mul3A_875 = arith.muli %add3A_506, %mul3A_874 : i32
        %add3A_876 = arith.constant 14 : i32
        %add3A_877 = arith.addi %mul3A_875, %add3A_876 : i32
        %swap3A_878 = arith.index_cast %add3A_877 : i32 to index
        %swap3A_879 = arith.constant 16 : index
        %swap3A_880 = tpu.vector_load %arg32[%swap3A_878, %swap3A_879] {strides = array<i32>} : memref<416x128xi32, #tpu.memory_space<vmem>>, vector<16xi32>,
        tpu.vector_store %arg32[%swap3A_878, %swap3A_879], %gather3A_771 {strides = array<i32>} : memref<416x128xi32, #tpu.memory_space<vmem>>, vector<16xi32>,
        %mul3A_881 = arith.constant 16 : i32
        %mul3A_882 = arith.muli %add3A_506, %mul3A_881 : i32
        %add3A_883 = arith.constant 15 : i32
        %add3A_884 = arith.addi %mul3A_882, %add3A_883 : i32
        %swap3A_885 = arith.index_cast %add3A_884 : i32 to index
        %swap3A_886 = arith.constant 16 : index
        %swap3A_887 = tpu.vector_load %arg32[%swap3A_885, %swap3A_886] {strides = array<i32>} : memref<416x128xi32, #tpu.memory_space<vmem>>, vector<16xi32>,
        tpu.vector_store %arg32[%swap3A_885, %swap3A_886], %gather3A_775 {strides = array<i32>} : memref<416x128xi32, #tpu.memory_space<vmem>>, vector<16xi32>,
        %mul3A_888 = arith.constant 512 : i32
        %mul3A_889 = arith.muli %add3A_506, %mul3A_888 : i32
        %mul3A_890 = arith.constant 128 : i32
        %mul3A_891 = arith.muli %add3A_453, %mul3A_890 : i32
        %add3A_892 = arith.addi %mul3A_889, %mul3A_891 : i32
        %add3A_893 = arith.constant 32 : i32
        %add3A_894 = arith.addi %add3A_892, %add3A_893 : i32
        %get3A_895 = arith.index_cast %add3A_894 : i32 to index
        %get3A_896 = tpu.vector_load %arg30[%get3A_895] {strides = array<i32>} : memref<13312xi32, #tpu.memory_space<vmem>>, vector<16xi32>,
        %mul3A_897 = arith.constant 17 : i32
        %mul3A_898 = vector.broadcast %mul3A_897 : i32 to vector<16xi32>
        %mul3A_899 = arith.muli %get3A_896, %mul3A_898 : vector<16xi32>
        %mul3A_900 = arith.constant 2040 : i32
        %mul3A_901 = arith.muli %add3A_506, %mul3A_900 : i32
        %add3A_902 = vector.broadcast %mul3A_901 : i32 to vector<16xi32>
        %add3A_903 = arith.addi %mul3A_899, %add3A_902 : vector<16xi32>
        %add3A_904 = arith.constant 0 : i32
        %add3A_905 = vector.broadcast %add3A_904 : i32 to vector<16xi32>
        %add3A_906 = arith.addi %add3A_903, %add3A_905 : vector<16xi32>
        %gather3A_907 = tpu.vector_load_idx %arg31[%add3A_906] : memref<53040xi32, #tpu.memory_space<vmem>>[vector<16xi32>], vector<16xi32>,
        %add3A_908 = arith.constant 1 : i32
        %add3A_909 = vector.broadcast %add3A_908 : i32 to vector<16xi32>
        %add3A_910 = arith.addi %add3A_903, %add3A_909 : vector<16xi32>
        %gather3A_911 = tpu.vector_load_idx %arg31[%add3A_910] : memref<53040xi32, #tpu.memory_space<vmem>>[vector<16xi32>], vector<16xi32>,
        %add3A_912 = arith.constant 2 : i32
        %add3A_913 = vector.broadcast %add3A_912 : i32 to vector<16xi32>
        %add3A_914 = arith.addi %add3A_903, %add3A_913 : vector<16xi32>
        %gather3A_915 = tpu.vector_load_idx %arg31[%add3A_914] : memref<53040xi32, #tpu.memory_space<vmem>>[vector<16xi32>], vector<16xi32>,
        %add3A_916 = arith.constant 3 : i32
        %add3A_917 = vector.broadcast %add3A_916 : i32 to vector<16xi32>
        %add3A_918 = arith.addi %add3A_903, %add3A_917 : vector<16xi32>
        %gather3A_919 = tpu.vector_load_idx %arg31[%add3A_918] : memref<53040xi32, #tpu.memory_space<vmem>>[vector<16xi32>], vector<16xi32>,
        %add3A_920 = arith.constant 4 : i32
        %add3A_921 = vector.broadcast %add3A_920 : i32 to vector<16xi32>
        %add3A_922 = arith.addi %add3A_903, %add3A_921 : vector<16xi32>
        %gather3A_923 = tpu.vector_load_idx %arg31[%add3A_922] : memref<53040xi32, #tpu.memory_space<vmem>>[vector<16xi32>], vector<16xi32>,
        %add3A_924 = arith.constant 5 : i32
        %add3A_925 = vector.broadcast %add3A_924 : i32 to vector<16xi32>
        %add3A_926 = arith.addi %add3A_903, %add3A_925 : vector<16xi32>
        %gather3A_927 = tpu.vector_load_idx %arg31[%add3A_926] : memref<53040xi32, #tpu.memory_space<vmem>>[vector<16xi32>], vector<16xi32>,
        %add3A_928 = arith.constant 6 : i32
        %add3A_929 = vector.broadcast %add3A_928 : i32 to vector<16xi32>
        %add3A_930 = arith.addi %add3A_903, %add3A_929 : vector<16xi32>
        %gather3A_931 = tpu.vector_load_idx %arg31[%add3A_930] : memref<53040xi32, #tpu.memory_space<vmem>>[vector<16xi32>], vector<16xi32>,
        %add3A_932 = arith.constant 7 : i32
        %add3A_933 = vector.broadcast %add3A_932 : i32 to vector<16xi32>
        %add3A_934 = arith.addi %add3A_903, %add3A_933 : vector<16xi32>
        %gather3A_935 = tpu.vector_load_idx %arg31[%add3A_934] : memref<53040xi32, #tpu.memory_space<vmem>>[vector<16xi32>], vector<16xi32>,
        %add3A_936 = arith.constant 8 : i32
        %add3A_937 = vector.broadcast %add3A_936 : i32 to vector<16xi32>
        %add3A_938 = arith.addi %add3A_903, %add3A_937 : vector<16xi32>
        %gather3A_939 = tpu.vector_load_idx %arg31[%add3A_938] : memref<53040xi32, #tpu.memory_space<vmem>>[vector<16xi32>], vector<16xi32>,
        %add3A_940 = arith.constant 9 : i32
        %add3A_941 = vector.broadcast %add3A_940 : i32 to vector<16xi32>
        %add3A_942 = arith.addi %add3A_903, %add3A_941 : vector<16xi32>
        %gather3A_943 = tpu.vector_load_idx %arg31[%add3A_942] : memref<53040xi32, #tpu.memory_space<vmem>>[vector<16xi32>], vector<16xi32>,
        %add3A_944 = arith.constant 10 : i32
        %add3A_945 = vector.broadcast %add3A_944 : i32 to vector<16xi32>
        %add3A_946 = arith.addi %add3A_903, %add3A_945 : vector<16xi32>
        %gather3A_947 = tpu.vector_load_idx %arg31[%add3A_946] : memref<53040xi32, #tpu.memory_space<vmem>>[vector<16xi32>], vector<16xi32>,
        %add3A_948 = arith.constant 11 : i32
        %add3A_949 = vector.broadcast %add3A_948 : i32 to vector<16xi32>
        %add3A_950 = arith.addi %add3A_903, %add3A_949 : vector<16xi32>
        %gather3A_951 = tpu.vector_load_idx %arg31[%add3A_950] : memref<53040xi32, #tpu.memory_space<vmem>>[vector<16xi32>], vector<16xi32>,
        %add3A_952 = arith.constant 12 : i32
        %add3A_953 = vector.broadcast %add3A_952 : i32 to vector<16xi32>
        %add3A_954 = arith.addi %add3A_903, %add3A_953 : vector<16xi32>
        %gather3A_955 = tpu.vector_load_idx %arg31[%add3A_954] : memref<53040xi32, #tpu.memory_space<vmem>>[vector<16xi32>], vector<16xi32>,
        %add3A_956 = arith.constant 13 : i32
        %add3A_957 = vector.broadcast %add3A_956 : i32 to vector<16xi32>
        %add3A_958 = arith.addi %add3A_903, %add3A_957 : vector<16xi32>
        %gather3A_959 = tpu.vector_load_idx %arg31[%add3A_958] : memref<53040xi32, #tpu.memory_space<vmem>>[vector<16xi32>], vector<16xi32>,
        %add3A_960 = arith.constant 14 : i32
        %add3A_961 = vector.broadcast %add3A_960 : i32 to vector<16xi32>
        %add3A_962 = arith.addi %add3A_903, %add3A_961 : vector<16xi32>
        %gather3A_963 = tpu.vector_load_idx %arg31[%add3A_962] : memref<53040xi32, #tpu.memory_space<vmem>>[vector<16xi32>], vector<16xi32>,
        %add3A_964 = arith.constant 15 : i32
        %add3A_965 = vector.broadcast %add3A_964 : i32 to vector<16xi32>
        %add3A_966 = arith.addi %add3A_903, %add3A_965 : vector<16xi32>
        %gather3A_967 = tpu.vector_load_idx %arg31[%add3A_966] : memref<53040xi32, #tpu.memory_space<vmem>>[vector<16xi32>], vector<16xi32>,
        %mul3A_968 = arith.constant 16 : i32
        %mul3A_969 = arith.muli %add3A_506, %mul3A_968 : i32
        %add3A_970 = arith.constant 0 : i32
        %add3A_971 = arith.addi %mul3A_969, %add3A_970 : i32
        %swap3A_972 = arith.index_cast %add3A_971 : i32 to index
        %swap3A_973 = arith.constant 32 : index
        %swap3A_974 = tpu.vector_load %arg32[%swap3A_972, %swap3A_973] {strides = array<i32>} : memref<416x128xi32, #tpu.memory_space<vmem>>, vector<16xi32>,
        tpu.vector_store %arg32[%swap3A_972, %swap3A_973], %gather3A_907 {strides = array<i32>} : memref<416x128xi32, #tpu.memory_space<vmem>>, vector<16xi32>,
        %mul3A_975 = arith.constant 16 : i32
        %mul3A_976 = arith.muli %add3A_506, %mul3A_975 : i32
        %add3A_977 = arith.constant 1 : i32
        %add3A_978 = arith.addi %mul3A_976, %add3A_977 : i32
        %swap3A_979 = arith.index_cast %add3A_978 : i32 to index
        %swap3A_980 = arith.constant 32 : index
        %swap3A_981 = tpu.vector_load %arg32[%swap3A_979, %swap3A_980] {strides = array<i32>} : memref<416x128xi32, #tpu.memory_space<vmem>>, vector<16xi32>,
        tpu.vector_store %arg32[%swap3A_979, %swap3A_980], %gather3A_911 {strides = array<i32>} : memref<416x128xi32, #tpu.memory_space<vmem>>, vector<16xi32>,
        %mul3A_982 = arith.constant 16 : i32
        %mul3A_983 = arith.muli %add3A_506, %mul3A_982 : i32
        %add3A_984 = arith.constant 2 : i32
        %add3A_985 = arith.addi %mul3A_983, %add3A_984 : i32
        %swap3A_986 = arith.index_cast %add3A_985 : i32 to index
        %swap3A_987 = arith.constant 32 : index
        %swap3A_988 = tpu.vector_load %arg32[%swap3A_986, %swap3A_987] {strides = array<i32>} : memref<416x128xi32, #tpu.memory_space<vmem>>, vector<16xi32>,
        tpu.vector_store %arg32[%swap3A_986, %swap3A_987], %gather3A_915 {strides = array<i32>} : memref<416x128xi32, #tpu.memory_space<vmem>>, vector<16xi32>,
        %mul3A_989 = arith.constant 16 : i32
        %mul3A_990 = arith.muli %add3A_506, %mul3A_989 : i32
        %add3A_991 = arith.constant 3 : i32
        %add3A_992 = arith.addi %mul3A_990, %add3A_991 : i32
        %swap3A_993 = arith.index_cast %add3A_992 : i32 to index
        %swap3A_994 = arith.constant 32 : index
        %swap3A_995 = tpu.vector_load %arg32[%swap3A_993, %swap3A_994] {strides = array<i32>} : memref<416x128xi32, #tpu.memory_space<vmem>>, vector<16xi32>,
        tpu.vector_store %arg32[%swap3A_993, %swap3A_994], %gather3A_919 {strides = array<i32>} : memref<416x128xi32, #tpu.memory_space<vmem>>, vector<16xi32>,
        %mul3A_996 = arith.constant 16 : i32
        %mul3A_997 = arith.muli %add3A_506, %mul3A_996 : i32
        %add3A_998 = arith.constant 4 : i32
        %add3A_999 = arith.addi %mul3A_997, %add3A_998 : i32
        %swap3A_1000 = arith.index_cast %add3A_999 : i32 to index
        %swap3A_1001 = arith.constant 32 : index
        %swap3A_1002 = tpu.vector_load %arg32[%swap3A_1000, %swap3A_1001] {strides = array<i32>} : memref<416x128xi32, #tpu.memory_space<vmem>>, vector<16xi32>,
        tpu.vector_store %arg32[%swap3A_1000, %swap3A_1001], %gather3A_923 {strides = array<i32>} : memref<416x128xi32, #tpu.memory_space<vmem>>, vector<16xi32>,
        %mul3A_1003 = arith.constant 16 : i32
        %mul3A_1004 = arith.muli %add3A_506, %mul3A_1003 : i32
        %add3A_1005 = arith.constant 5 : i32
        %add3A_1006 = arith.addi %mul3A_1004, %add3A_1005 : i32
        %swap3A_1007 = arith.index_cast %add3A_1006 : i32 to index
        %swap3A_1008 = arith.constant 32 : index
        %swap3A_1009 = tpu.vector_load %arg32[%swap3A_1007, %swap3A_1008] {strides = array<i32>} : memref<416x128xi32, #tpu.memory_space<vmem>>, vector<16xi32>,
        tpu.vector_store %arg32[%swap3A_1007, %swap3A_1008], %gather3A_927 {strides = array<i32>} : memref<416x128xi32, #tpu.memory_space<vmem>>, vector<16xi32>,
        %mul3A_1010 = arith.constant 16 : i32
        %mul3A_1011 = arith.muli %add3A_506, %mul3A_1010 : i32
        %add3A_1012 = arith.constant 6 : i32
        %add3A_1013 = arith.addi %mul3A_1011, %add3A_1012 : i32
        %swap3A_1014 = arith.index_cast %add3A_1013 : i32 to index
        %swap3A_1015 = arith.constant 32 : index
        %swap3A_1016 = tpu.vector_load %arg32[%swap3A_1014, %swap3A_1015] {strides = array<i32>} : memref<416x128xi32, #tpu.memory_space<vmem>>, vector<16xi32>,
        tpu.vector_store %arg32[%swap3A_1014, %swap3A_1015], %gather3A_931 {strides = array<i32>} : memref<416x128xi32, #tpu.memory_space<vmem>>, vector<16xi32>,
        %mul3A_1017 = arith.constant 16 : i32
        %mul3A_1018 = arith.muli %add3A_506, %mul3A_1017 : i32
        %add3A_1019 = arith.constant 7 : i32
        %add3A_1020 = arith.addi %mul3A_1018, %add3A_1019 : i32
        %swap3A_1021 = arith.index_cast %add3A_1020 : i32 to index
        %swap3A_1022 = arith.constant 32 : index
        %swap3A_1023 = tpu.vector_load %arg32[%swap3A_1021, %swap3A_1022] {strides = array<i32>} : memref<416x128xi32, #tpu.memory_space<vmem>>, vector<16xi32>,
        tpu.vector_store %arg32[%swap3A_1021, %swap3A_1022], %gather3A_935 {strides = array<i32>} : memref<416x128xi32, #tpu.memory_space<vmem>>, vector<16xi32>,
        %mul3A_1024 = arith.constant 16 : i32
        %mul3A_1025 = arith.muli %add3A_506, %mul3A_1024 : i32
        %add3A_1026 = arith.constant 8 : i32
        %add3A_1027 = arith.addi %mul3A_1025, %add3A_1026 : i32
        %swap3A_1028 = arith.index_cast %add3A_1027 : i32 to index
        %swap3A_1029 = arith.constant 32 : index
        %swap3A_1030 = tpu.vector_load %arg32[%swap3A_1028, %swap3A_1029] {strides = array<i32>} : memref<416x128xi32, #tpu.memory_space<vmem>>, vector<16xi32>,
        tpu.vector_store %arg32[%swap3A_1028, %swap3A_1029], %gather3A_939 {strides = array<i32>} : memref<416x128xi32, #tpu.memory_space<vmem>>, vector<16xi32>,
        %mul3A_1031 = arith.constant 16 : i32
        %mul3A_1032 = arith.muli %add3A_506, %mul3A_1031 : i32
        %add3A_1033 = arith.constant 9 : i32
        %add3A_1034 = arith.addi %mul3A_1032, %add3A_1033 : i32
        %swap3A_1035 = arith.index_cast %add3A_1034 : i32 to index
        %swap3A_1036 = arith.constant 32 : index
        %swap3A_1037 = tpu.vector_load %arg32[%swap3A_1035, %swap3A_1036] {strides = array<i32>} : memref<416x128xi32, #tpu.memory_space<vmem>>, vector<16xi32>,
        tpu.vector_store %arg32[%swap3A_1035, %swap3A_1036], %gather3A_943 {strides = array<i32>} : memref<416x128xi32, #tpu.memory_space<vmem>>, vector<16xi32>,
        %mul3A_1038 = arith.constant 16 : i32
        %mul3A_1039 = arith.muli %add3A_506, %mul3A_1038 : i32
        %add3A_1040 = arith.constant 10 : i32
        %add3A_1041 = arith.addi %mul3A_1039, %add3A_1040 : i32
        %swap3A_1042 = arith.index_cast %add3A_1041 : i32 to index
        %swap3A_1043 = arith.constant 32 : index
        %swap3A_1044 = tpu.vector_load %arg32[%swap3A_1042, %swap3A_1043] {strides = array<i32>} : memref<416x128xi32, #tpu.memory_space<vmem>>, vector<16xi32>,
        tpu.vector_store %arg32[%swap3A_1042, %swap3A_1043], %gather3A_947 {strides = array<i32>} : memref<416x128xi32, #tpu.memory_space<vmem>>, vector<16xi32>,
        %mul3A_1045 = arith.constant 16 : i32
        %mul3A_1046 = arith.muli %add3A_506, %mul3A_1045 : i32
        %add3A_1047 = arith.constant 11 : i32
        %add3A_1048 = arith.addi %mul3A_1046, %add3A_1047 : i32
        %swap3A_1049 = arith.index_cast %add3A_1048 : i32 to index
        %swap3A_1050 = arith.constant 32 : index
        %swap3A_1051 = tpu.vector_load %arg32[%swap3A_1049, %swap3A_1050] {strides = array<i32>} : memref<416x128xi32, #tpu.memory_space<vmem>>, vector<16xi32>,
        tpu.vector_store %arg32[%swap3A_1049, %swap3A_1050], %gather3A_951 {strides = array<i32>} : memref<416x128xi32, #tpu.memory_space<vmem>>, vector<16xi32>,
        %mul3A_1052 = arith.constant 16 : i32
        %mul3A_1053 = arith.muli %add3A_506, %mul3A_1052 : i32
        %add3A_1054 = arith.constant 12 : i32
        %add3A_1055 = arith.addi %mul3A_1053, %add3A_1054 : i32
        %swap3A_1056 = arith.index_cast %add3A_1055 : i32 to index
        %swap3A_1057 = arith.constant 32 : index
        %swap3A_1058 = tpu.vector_load %arg32[%swap3A_1056, %swap3A_1057] {strides = array<i32>} : memref<416x128xi32, #tpu.memory_space<vmem>>, vector<16xi32>,
        tpu.vector_store %arg32[%swap3A_1056, %swap3A_1057], %gather3A_955 {strides = array<i32>} : memref<416x128xi32, #tpu.memory_space<vmem>>, vector<16xi32>,
        %mul3A_1059 = arith.constant 16 : i32
        %mul3A_1060 = arith.muli %add3A_506, %mul3A_1059 : i32
        %add3A_1061 = arith.constant 13 : i32
        %add3A_1062 = arith.addi %mul3A_1060, %add3A_1061 : i32
        %swap3A_1063 = arith.index_cast %add3A_1062 : i32 to index
        %swap3A_1064 = arith.constant 32 : index
        %swap3A_1065 = tpu.vector_load %arg32[%swap3A_1063, %swap3A_1064] {strides = array<i32>} : memref<416x128xi32, #tpu.memory_space<vmem>>, vector<16xi32>,
        tpu.vector_store %arg32[%swap3A_1063, %swap3A_1064], %gather3A_959 {strides = array<i32>} : memref<416x128xi32, #tpu.memory_space<vmem>>, vector<16xi32>,
        %mul3A_1066 = arith.constant 16 : i32
        %mul3A_1067 = arith.muli %add3A_506, %mul3A_1066 : i32
        %add3A_1068 = arith.constant 14 : i32
        %add3A_1069 = arith.addi %mul3A_1067, %add3A_1068 : i32
        %swap3A_1070 = arith.index_cast %add3A_1069 : i32 to index
        %swap3A_1071 = arith.constant 32 : index
        %swap3A_1072 = tpu.vector_load %arg32[%swap3A_1070, %swap3A_1071] {strides = array<i32>} : memref<416x128xi32, #tpu.memory_space<vmem>>, vector<16xi32>,
        tpu.vector_store %arg32[%swap3A_1070, %swap3A_1071], %gather3A_963 {strides = array<i32>} : memref<416x128xi32, #tpu.memory_space<vmem>>, vector<16xi32>,
        %mul3A_1073 = arith.constant 16 : i32
        %mul3A_1074 = arith.muli %add3A_506, %mul3A_1073 : i32
        %add3A_1075 = arith.constant 15 : i32
        %add3A_1076 = arith.addi %mul3A_1074, %add3A_1075 : i32
        %swap3A_1077 = arith.index_cast %add3A_1076 : i32 to index
        %swap3A_1078 = arith.constant 32 : index
        %swap3A_1079 = tpu.vector_load %arg32[%swap3A_1077, %swap3A_1078] {strides = array<i32>} : memref<416x128xi32, #tpu.memory_space<vmem>>, vector<16xi32>,
        tpu.vector_store %arg32[%swap3A_1077, %swap3A_1078], %gather3A_967 {strides = array<i32>} : memref<416x128xi32, #tpu.memory_space<vmem>>, vector<16xi32>,
        %mul3A_1080 = arith.constant 512 : i32
        %mul3A_1081 = arith.muli %add3A_506, %mul3A_1080 : i32
        %mul3A_1082 = arith.constant 128 : i32
        %mul3A_1083 = arith.muli %add3A_453, %mul3A_1082 : i32
        %add3A_1084 = arith.addi %mul3A_1081, %mul3A_1083 : i32
        %add3A_1085 = arith.constant 48 : i32
        %add3A_1086 = arith.addi %add3A_1084, %add3A_1085 : i32
        %get3A_1087 = arith.index_cast %add3A_1086 : i32 to index
        %get3A_1088 = tpu.vector_load %arg30[%get3A_1087] {strides = array<i32>} : memref<13312xi32, #tpu.memory_space<vmem>>, vector<16xi32>,
        %mul3A_1089 = arith.constant 17 : i32
        %mul3A_1090 = vector.broadcast %mul3A_1089 : i32 to vector<16xi32>
        %mul3A_1091 = arith.muli %get3A_1088, %mul3A_1090 : vector<16xi32>
        %mul3A_1092 = arith.constant 2040 : i32
        %mul3A_1093 = arith.muli %add3A_506, %mul3A_1092 : i32
        %add3A_1094 = vector.broadcast %mul3A_1093 : i32 to vector<16xi32>
        %add3A_1095 = arith.addi %mul3A_1091, %add3A_1094 : vector<16xi32>
        %add3A_1096 = arith.constant 0 : i32
        %add3A_1097 = vector.broadcast %add3A_1096 : i32 to vector<16xi32>
        %add3A_1098 = arith.addi %add3A_1095, %add3A_1097 : vector<16xi32>
        %gather3A_1099 = tpu.vector_load_idx %arg31[%add3A_1098] : memref<53040xi32, #tpu.memory_space<vmem>>[vector<16xi32>], vector<16xi32>,
        %add3A_1100 = arith.constant 1 : i32
        %add3A_1101 = vector.broadcast %add3A_1100 : i32 to vector<16xi32>
        %add3A_1102 = arith.addi %add3A_1095, %add3A_1101 : vector<16xi32>
        %gather3A_1103 = tpu.vector_load_idx %arg31[%add3A_1102] : memref<53040xi32, #tpu.memory_space<vmem>>[vector<16xi32>], vector<16xi32>,
        %add3A_1104 = arith.constant 2 : i32
        %add3A_1105 = vector.broadcast %add3A_1104 : i32 to vector<16xi32>
        %add3A_1106 = arith.addi %add3A_1095, %add3A_1105 : vector<16xi32>
        %gather3A_1107 = tpu.vector_load_idx %arg31[%add3A_1106] : memref<53040xi32, #tpu.memory_space<vmem>>[vector<16xi32>], vector<16xi32>,
        %add3A_1108 = arith.constant 3 : i32
        %add3A_1109 = vector.broadcast %add3A_1108 : i32 to vector<16xi32>
        %add3A_1110 = arith.addi %add3A_1095, %add3A_1109 : vector<16xi32>
        %gather3A_1111 = tpu.vector_load_idx %arg31[%add3A_1110] : memref<53040xi32, #tpu.memory_space<vmem>>[vector<16xi32>], vector<16xi32>,
        %add3A_1112 = arith.constant 4 : i32
        %add3A_1113 = vector.broadcast %add3A_1112 : i32 to vector<16xi32>
        %add3A_1114 = arith.addi %add3A_1095, %add3A_1113 : vector<16xi32>
        %gather3A_1115 = tpu.vector_load_idx %arg31[%add3A_1114] : memref<53040xi32, #tpu.memory_space<vmem>>[vector<16xi32>], vector<16xi32>,
        %add3A_1116 = arith.constant 5 : i32
        %add3A_1117 = vector.broadcast %add3A_1116 : i32 to vector<16xi32>
        %add3A_1118 = arith.addi %add3A_1095, %add3A_1117 : vector<16xi32>
        %gather3A_1119 = tpu.vector_load_idx %arg31[%add3A_1118] : memref<53040xi32, #tpu.memory_space<vmem>>[vector<16xi32>], vector<16xi32>,
        %add3A_1120 = arith.constant 6 : i32
        %add3A_1121 = vector.broadcast %add3A_1120 : i32 to vector<16xi32>
        %add3A_1122 = arith.addi %add3A_1095, %add3A_1121 : vector<16xi32>
        %gather3A_1123 = tpu.vector_load_idx %arg31[%add3A_1122] : memref<53040xi32, #tpu.memory_space<vmem>>[vector<16xi32>], vector<16xi32>,
        %add3A_1124 = arith.constant 7 : i32
        %add3A_1125 = vector.broadcast %add3A_1124 : i32 to vector<16xi32>
        %add3A_1126 = arith.addi %add3A_1095, %add3A_1125 : vector<16xi32>
        %gather3A_1127 = tpu.vector_load_idx %arg31[%add3A_1126] : memref<53040xi32, #tpu.memory_space<vmem>>[vector<16xi32>], vector<16xi32>,
        %add3A_1128 = arith.constant 8 : i32
        %add3A_1129 = vector.broadcast %add3A_1128 : i32 to vector<16xi32>
        %add3A_1130 = arith.addi %add3A_1095, %add3A_1129 : vector<16xi32>
        %gather3A_1131 = tpu.vector_load_idx %arg31[%add3A_1130] : memref<53040xi32, #tpu.memory_space<vmem>>[vector<16xi32>], vector<16xi32>,
        %add3A_1132 = arith.constant 9 : i32
        %add3A_1133 = vector.broadcast %add3A_1132 : i32 to vector<16xi32>
        %add3A_1134 = arith.addi %add3A_1095, %add3A_1133 : vector<16xi32>
        %gather3A_1135 = tpu.vector_load_idx %arg31[%add3A_1134] : memref<53040xi32, #tpu.memory_space<vmem>>[vector<16xi32>], vector<16xi32>,
        %add3A_1136 = arith.constant 10 : i32
        %add3A_1137 = vector.broadcast %add3A_1136 : i32 to vector<16xi32>
        %add3A_1138 = arith.addi %add3A_1095, %add3A_1137 : vector<16xi32>
        %gather3A_1139 = tpu.vector_load_idx %arg31[%add3A_1138] : memref<53040xi32, #tpu.memory_space<vmem>>[vector<16xi32>], vector<16xi32>,
        %add3A_1140 = arith.constant 11 : i32
        %add3A_1141 = vector.broadcast %add3A_1140 : i32 to vector<16xi32>
        %add3A_1142 = arith.addi %add3A_1095, %add3A_1141 : vector<16xi32>
        %gather3A_1143 = tpu.vector_load_idx %arg31[%add3A_1142] : memref<53040xi32, #tpu.memory_space<vmem>>[vector<16xi32>], vector<16xi32>,
        %add3A_1144 = arith.constant 12 : i32
        %add3A_1145 = vector.broadcast %add3A_1144 : i32 to vector<16xi32>
        %add3A_1146 = arith.addi %add3A_1095, %add3A_1145 : vector<16xi32>
        %gather3A_1147 = tpu.vector_load_idx %arg31[%add3A_1146] : memref<53040xi32, #tpu.memory_space<vmem>>[vector<16xi32>], vector<16xi32>,
        %add3A_1148 = arith.constant 13 : i32
        %add3A_1149 = vector.broadcast %add3A_1148 : i32 to vector<16xi32>
        %add3A_1150 = arith.addi %add3A_1095, %add3A_1149 : vector<16xi32>
        %gather3A_1151 = tpu.vector_load_idx %arg31[%add3A_1150] : memref<53040xi32, #tpu.memory_space<vmem>>[vector<16xi32>], vector<16xi32>,
        %add3A_1152 = arith.constant 14 : i32
        %add3A_1153 = vector.broadcast %add3A_1152 : i32 to vector<16xi32>
        %add3A_1154 = arith.addi %add3A_1095, %add3A_1153 : vector<16xi32>
        %gather3A_1155 = tpu.vector_load_idx %arg31[%add3A_1154] : memref<53040xi32, #tpu.memory_space<vmem>>[vector<16xi32>], vector<16xi32>,
        %add3A_1156 = arith.constant 15 : i32
        %add3A_1157 = vector.broadcast %add3A_1156 : i32 to vector<16xi32>
        %add3A_1158 = arith.addi %add3A_1095, %add3A_1157 : vector<16xi32>
        %gather3A_1159 = tpu.vector_load_idx %arg31[%add3A_1158] : memref<53040xi32, #tpu.memory_space<vmem>>[vector<16xi32>], vector<16xi32>,
        %mul3A_1160 = arith.constant 16 : i32
        %mul3A_1161 = arith.muli %add3A_506, %mul3A_1160 : i32
        %add3A_1162 = arith.constant 0 : i32
        %add3A_1163 = arith.addi %mul3A_1161, %add3A_1162 : i32
        %swap3A_1164 = arith.index_cast %add3A_1163 : i32 to index
        %swap3A_1165 = arith.constant 48 : index
        %swap3A_1166 = tpu.vector_load %arg32[%swap3A_1164, %swap3A_1165] {strides = array<i32>} : memref<416x128xi32, #tpu.memory_space<vmem>>, vector<16xi32>,
        tpu.vector_store %arg32[%swap3A_1164, %swap3A_1165], %gather3A_1099 {strides = array<i32>} : memref<416x128xi32, #tpu.memory_space<vmem>>, vector<16xi32>,
        %mul3A_1167 = arith.constant 16 : i32
        %mul3A_1168 = arith.muli %add3A_506, %mul3A_1167 : i32
        %add3A_1169 = arith.constant 1 : i32
        %add3A_1170 = arith.addi %mul3A_1168, %add3A_1169 : i32
        %swap3A_1171 = arith.index_cast %add3A_1170 : i32 to index
        %swap3A_1172 = arith.constant 48 : index
        %swap3A_1173 = tpu.vector_load %arg32[%swap3A_1171, %swap3A_1172] {strides = array<i32>} : memref<416x128xi32, #tpu.memory_space<vmem>>, vector<16xi32>,
        tpu.vector_store %arg32[%swap3A_1171, %swap3A_1172], %gather3A_1103 {strides = array<i32>} : memref<416x128xi32, #tpu.memory_space<vmem>>, vector<16xi32>,
        %mul3A_1174 = arith.constant 16 : i32
        %mul3A_1175 = arith.muli %add3A_506, %mul3A_1174 : i32
        %add3A_1176 = arith.constant 2 : i32
        %add3A_1177 = arith.addi %mul3A_1175, %add3A_1176 : i32
        %swap3A_1178 = arith.index_cast %add3A_1177 : i32 to index
        %swap3A_1179 = arith.constant 48 : index
        %swap3A_1180 = tpu.vector_load %arg32[%swap3A_1178, %swap3A_1179] {strides = array<i32>} : memref<416x128xi32, #tpu.memory_space<vmem>>, vector<16xi32>,
        tpu.vector_store %arg32[%swap3A_1178, %swap3A_1179], %gather3A_1107 {strides = array<i32>} : memref<416x128xi32, #tpu.memory_space<vmem>>, vector<16xi32>,
        %mul3A_1181 = arith.constant 16 : i32
        %mul3A_1182 = arith.muli %add3A_506, %mul3A_1181 : i32
        %add3A_1183 = arith.constant 3 : i32
        %add3A_1184 = arith.addi %mul3A_1182, %add3A_1183 : i32
        %swap3A_1185 = arith.index_cast %add3A_1184 : i32 to index
        %swap3A_1186 = arith.constant 48 : index
        %swap3A_1187 = tpu.vector_load %arg32[%swap3A_1185, %swap3A_1186] {strides = array<i32>} : memref<416x128xi32, #tpu.memory_space<vmem>>, vector<16xi32>,
        tpu.vector_store %arg32[%swap3A_1185, %swap3A_1186], %gather3A_1111 {strides = array<i32>} : memref<416x128xi32, #tpu.memory_space<vmem>>, vector<16xi32>,
        %mul3A_1188 = arith.constant 16 : i32
        %mul3A_1189 = arith.muli %add3A_506, %mul3A_1188 : i32
        %add3A_1190 = arith.constant 4 : i32
        %add3A_1191 = arith.addi %mul3A_1189, %add3A_1190 : i32
        %swap3A_1192 = arith.index_cast %add3A_1191 : i32 to index
        %swap3A_1193 = arith.constant 48 : index
        %swap3A_1194 = tpu.vector_load %arg32[%swap3A_1192, %swap3A_1193] {strides = array<i32>} : memref<416x128xi32, #tpu.memory_space<vmem>>, vector<16xi32>,
        tpu.vector_store %arg32[%swap3A_1192, %swap3A_1193], %gather3A_1115 {strides = array<i32>} : memref<416x128xi32, #tpu.memory_space<vmem>>, vector<16xi32>,
        %mul3A_1195 = arith.constant 16 : i32
        %mul3A_1196 = arith.muli %add3A_506, %mul3A_1195 : i32
        %add3A_1197 = arith.constant 5 : i32
        %add3A_1198 = arith.addi %mul3A_1196, %add3A_1197 : i32
        %swap3A_1199 = arith.index_cast %add3A_1198 : i32 to index
        %swap3A_1200 = arith.constant 48 : index
        %swap3A_1201 = tpu.vector_load %arg32[%swap3A_1199, %swap3A_1200] {strides = array<i32>} : memref<416x128xi32, #tpu.memory_space<vmem>>, vector<16xi32>,
        tpu.vector_store %arg32[%swap3A_1199, %swap3A_1200], %gather3A_1119 {strides = array<i32>} : memref<416x128xi32, #tpu.memory_space<vmem>>, vector<16xi32>,
        %mul3A_1202 = arith.constant 16 : i32
        %mul3A_1203 = arith.muli %add3A_506, %mul3A_1202 : i32
        %add3A_1204 = arith.constant 6 : i32
        %add3A_1205 = arith.addi %mul3A_1203, %add3A_1204 : i32
        %swap3A_1206 = arith.index_cast %add3A_1205 : i32 to index
        %swap3A_1207 = arith.constant 48 : index
        %swap3A_1208 = tpu.vector_load %arg32[%swap3A_1206, %swap3A_1207] {strides = array<i32>} : memref<416x128xi32, #tpu.memory_space<vmem>>, vector<16xi32>,
        tpu.vector_store %arg32[%swap3A_1206, %swap3A_1207], %gather3A_1123 {strides = array<i32>} : memref<416x128xi32, #tpu.memory_space<vmem>>, vector<16xi32>,
        %mul3A_1209 = arith.constant 16 : i32
        %mul3A_1210 = arith.muli %add3A_506, %mul3A_1209 : i32
        %add3A_1211 = arith.constant 7 : i32
        %add3A_1212 = arith.addi %mul3A_1210, %add3A_1211 : i32
        %swap3A_1213 = arith.index_cast %add3A_1212 : i32 to index
        %swap3A_1214 = arith.constant 48 : index
        %swap3A_1215 = tpu.vector_load %arg32[%swap3A_1213, %swap3A_1214] {strides = array<i32>} : memref<416x128xi32, #tpu.memory_space<vmem>>, vector<16xi32>,
        tpu.vector_store %arg32[%swap3A_1213, %swap3A_1214], %gather3A_1127 {strides = array<i32>} : memref<416x128xi32, #tpu.memory_space<vmem>>, vector<16xi32>,
        %mul3A_1216 = arith.constant 16 : i32
        %mul3A_1217 = arith.muli %add3A_506, %mul3A_1216 : i32
        %add3A_1218 = arith.constant 8 : i32
        %add3A_1219 = arith.addi %mul3A_1217, %add3A_1218 : i32
        %swap3A_1220 = arith.index_cast %add3A_1219 : i32 to index
        %swap3A_1221 = arith.constant 48 : index
        %swap3A_1222 = tpu.vector_load %arg32[%swap3A_1220, %swap3A_1221] {strides = array<i32>} : memref<416x128xi32, #tpu.memory_space<vmem>>, vector<16xi32>,
        tpu.vector_store %arg32[%swap3A_1220, %swap3A_1221], %gather3A_1131 {strides = array<i32>} : memref<416x128xi32, #tpu.memory_space<vmem>>, vector<16xi32>,
        %mul3A_1223 = arith.constant 16 : i32
        %mul3A_1224 = arith.muli %add3A_506, %mul3A_1223 : i32
        %add3A_1225 = arith.constant 9 : i32
        %add3A_1226 = arith.addi %mul3A_1224, %add3A_1225 : i32
        %swap3A_1227 = arith.index_cast %add3A_1226 : i32 to index
        %swap3A_1228 = arith.constant 48 : index
        %swap3A_1229 = tpu.vector_load %arg32[%swap3A_1227, %swap3A_1228] {strides = array<i32>} : memref<416x128xi32, #tpu.memory_space<vmem>>, vector<16xi32>,
        tpu.vector_store %arg32[%swap3A_1227, %swap3A_1228], %gather3A_1135 {strides = array<i32>} : memref<416x128xi32, #tpu.memory_space<vmem>>, vector<16xi32>,
        %mul3A_1230 = arith.constant 16 : i32
        %mul3A_1231 = arith.muli %add3A_506, %mul3A_1230 : i32
        %add3A_1232 = arith.constant 10 : i32
        %add3A_1233 = arith.addi %mul3A_1231, %add3A_1232 : i32
        %swap3A_1234 = arith.index_cast %add3A_1233 : i32 to index
        %swap3A_1235 = arith.constant 48 : index
        %swap3A_1236 = tpu.vector_load %arg32[%swap3A_1234, %swap3A_1235] {strides = array<i32>} : memref<416x128xi32, #tpu.memory_space<vmem>>, vector<16xi32>,
        tpu.vector_store %arg32[%swap3A_1234, %swap3A_1235], %gather3A_1139 {strides = array<i32>} : memref<416x128xi32, #tpu.memory_space<vmem>>, vector<16xi32>,
        %mul3A_1237 = arith.constant 16 : i32
        %mul3A_1238 = arith.muli %add3A_506, %mul3A_1237 : i32
        %add3A_1239 = arith.constant 11 : i32
        %add3A_1240 = arith.addi %mul3A_1238, %add3A_1239 : i32
        %swap3A_1241 = arith.index_cast %add3A_1240 : i32 to index
        %swap3A_1242 = arith.constant 48 : index
        %swap3A_1243 = tpu.vector_load %arg32[%swap3A_1241, %swap3A_1242] {strides = array<i32>} : memref<416x128xi32, #tpu.memory_space<vmem>>, vector<16xi32>,
        tpu.vector_store %arg32[%swap3A_1241, %swap3A_1242], %gather3A_1143 {strides = array<i32>} : memref<416x128xi32, #tpu.memory_space<vmem>>, vector<16xi32>,
        %mul3A_1244 = arith.constant 16 : i32
        %mul3A_1245 = arith.muli %add3A_506, %mul3A_1244 : i32
        %add3A_1246 = arith.constant 12 : i32
        %add3A_1247 = arith.addi %mul3A_1245, %add3A_1246 : i32
        %swap3A_1248 = arith.index_cast %add3A_1247 : i32 to index
        %swap3A_1249 = arith.constant 48 : index
        %swap3A_1250 = tpu.vector_load %arg32[%swap3A_1248, %swap3A_1249] {strides = array<i32>} : memref<416x128xi32, #tpu.memory_space<vmem>>, vector<16xi32>,
        tpu.vector_store %arg32[%swap3A_1248, %swap3A_1249], %gather3A_1147 {strides = array<i32>} : memref<416x128xi32, #tpu.memory_space<vmem>>, vector<16xi32>,
        %mul3A_1251 = arith.constant 16 : i32
        %mul3A_1252 = arith.muli %add3A_506, %mul3A_1251 : i32
        %add3A_1253 = arith.constant 13 : i32
        %add3A_1254 = arith.addi %mul3A_1252, %add3A_1253 : i32
        %swap3A_1255 = arith.index_cast %add3A_1254 : i32 to index
        %swap3A_1256 = arith.constant 48 : index
        %swap3A_1257 = tpu.vector_load %arg32[%swap3A_1255, %swap3A_1256] {strides = array<i32>} : memref<416x128xi32, #tpu.memory_space<vmem>>, vector<16xi32>,
        tpu.vector_store %arg32[%swap3A_1255, %swap3A_1256], %gather3A_1151 {strides = array<i32>} : memref<416x128xi32, #tpu.memory_space<vmem>>, vector<16xi32>,
        %mul3A_1258 = arith.constant 16 : i32
        %mul3A_1259 = arith.muli %add3A_506, %mul3A_1258 : i32
        %add3A_1260 = arith.constant 14 : i32
        %add3A_1261 = arith.addi %mul3A_1259, %add3A_1260 : i32
        %swap3A_1262 = arith.index_cast %add3A_1261 : i32 to index
        %swap3A_1263 = arith.constant 48 : index
        %swap3A_1264 = tpu.vector_load %arg32[%swap3A_1262, %swap3A_1263] {strides = array<i32>} : memref<416x128xi32, #tpu.memory_space<vmem>>, vector<16xi32>,
        tpu.vector_store %arg32[%swap3A_1262, %swap3A_1263], %gather3A_1155 {strides = array<i32>} : memref<416x128xi32, #tpu.memory_space<vmem>>, vector<16xi32>,
        %mul3A_1265 = arith.constant 16 : i32
        %mul3A_1266 = arith.muli %add3A_506, %mul3A_1265 : i32
        %add3A_1267 = arith.constant 15 : i32
        %add3A_1268 = arith.addi %mul3A_1266, %add3A_1267 : i32
        %swap3A_1269 = arith.index_cast %add3A_1268 : i32 to index
        %swap3A_1270 = arith.constant 48 : index
        %swap3A_1271 = tpu.vector_load %arg32[%swap3A_1269, %swap3A_1270] {strides = array<i32>} : memref<416x128xi32, #tpu.memory_space<vmem>>, vector<16xi32>,
        tpu.vector_store %arg32[%swap3A_1269, %swap3A_1270], %gather3A_1159 {strides = array<i32>} : memref<416x128xi32, #tpu.memory_space<vmem>>, vector<16xi32>,
        %mul3A_1272 = arith.constant 512 : i32
        %mul3A_1273 = arith.muli %add3A_506, %mul3A_1272 : i32
        %mul3A_1274 = arith.constant 128 : i32
        %mul3A_1275 = arith.muli %add3A_453, %mul3A_1274 : i32
        %add3A_1276 = arith.addi %mul3A_1273, %mul3A_1275 : i32
        %add3A_1277 = arith.constant 64 : i32
        %add3A_1278 = arith.addi %add3A_1276, %add3A_1277 : i32
        %get3A_1279 = arith.index_cast %add3A_1278 : i32 to index
        %get3A_1280 = tpu.vector_load %arg30[%get3A_1279] {strides = array<i32>} : memref<13312xi32, #tpu.memory_space<vmem>>, vector<16xi32>,
        %mul3A_1281 = arith.constant 17 : i32
        %mul3A_1282 = vector.broadcast %mul3A_1281 : i32 to vector<16xi32>
        %mul3A_1283 = arith.muli %get3A_1280, %mul3A_1282 : vector<16xi32>
        %mul3A_1284 = arith.constant 2040 : i32
        %mul3A_1285 = arith.muli %add3A_506, %mul3A_1284 : i32
        %add3A_1286 = vector.broadcast %mul3A_1285 : i32 to vector<16xi32>
        %add3A_1287 = arith.addi %mul3A_1283, %add3A_1286 : vector<16xi32>
        %add3A_1288 = arith.constant 0 : i32
        %add3A_1289 = vector.broadcast %add3A_1288 : i32 to vector<16xi32>
        %add3A_1290 = arith.addi %add3A_1287, %add3A_1289 : vector<16xi32>
        %gather3A_1291 = tpu.vector_load_idx %arg31[%add3A_1290] : memref<53040xi32, #tpu.memory_space<vmem>>[vector<16xi32>], vector<16xi32>,
        %add3A_1292 = arith.constant 1 : i32
        %add3A_1293 = vector.broadcast %add3A_1292 : i32 to vector<16xi32>
        %add3A_1294 = arith.addi %add3A_1287, %add3A_1293 : vector<16xi32>
        %gather3A_1295 = tpu.vector_load_idx %arg31[%add3A_1294] : memref<53040xi32, #tpu.memory_space<vmem>>[vector<16xi32>], vector<16xi32>,
        %add3A_1296 = arith.constant 2 : i32
        %add3A_1297 = vector.broadcast %add3A_1296 : i32 to vector<16xi32>
        %add3A_1298 = arith.addi %add3A_1287, %add3A_1297 : vector<16xi32>
        %gather3A_1299 = tpu.vector_load_idx %arg31[%add3A_1298] : memref<53040xi32, #tpu.memory_space<vmem>>[vector<16xi32>], vector<16xi32>,
        %add3A_1300 = arith.constant 3 : i32
        %add3A_1301 = vector.broadcast %add3A_1300 : i32 to vector<16xi32>
        %add3A_1302 = arith.addi %add3A_1287, %add3A_1301 : vector<16xi32>
        %gather3A_1303 = tpu.vector_load_idx %arg31[%add3A_1302] : memref<53040xi32, #tpu.memory_space<vmem>>[vector<16xi32>], vector<16xi32>,
        %add3A_1304 = arith.constant 4 : i32
        %add3A_1305 = vector.broadcast %add3A_1304 : i32 to vector<16xi32>
        %add3A_1306 = arith.addi %add3A_1287, %add3A_1305 : vector<16xi32>
        %gather3A_1307 = tpu.vector_load_idx %arg31[%add3A_1306] : memref<53040xi32, #tpu.memory_space<vmem>>[vector<16xi32>], vector<16xi32>,
        %add3A_1308 = arith.constant 5 : i32
        %add3A_1309 = vector.broadcast %add3A_1308 : i32 to vector<16xi32>
        %add3A_1310 = arith.addi %add3A_1287, %add3A_1309 : vector<16xi32>
        %gather3A_1311 = tpu.vector_load_idx %arg31[%add3A_1310] : memref<53040xi32, #tpu.memory_space<vmem>>[vector<16xi32>], vector<16xi32>,
        %add3A_1312 = arith.constant 6 : i32
        %add3A_1313 = vector.broadcast %add3A_1312 : i32 to vector<16xi32>
        %add3A_1314 = arith.addi %add3A_1287, %add3A_1313 : vector<16xi32>
        %gather3A_1315 = tpu.vector_load_idx %arg31[%add3A_1314] : memref<53040xi32, #tpu.memory_space<vmem>>[vector<16xi32>], vector<16xi32>,
        %add3A_1316 = arith.constant 7 : i32
        %add3A_1317 = vector.broadcast %add3A_1316 : i32 to vector<16xi32>
        %add3A_1318 = arith.addi %add3A_1287, %add3A_1317 : vector<16xi32>
        %gather3A_1319 = tpu.vector_load_idx %arg31[%add3A_1318] : memref<53040xi32, #tpu.memory_space<vmem>>[vector<16xi32>], vector<16xi32>,
        %add3A_1320 = arith.constant 8 : i32
        %add3A_1321 = vector.broadcast %add3A_1320 : i32 to vector<16xi32>
        %add3A_1322 = arith.addi %add3A_1287, %add3A_1321 : vector<16xi32>
        %gather3A_1323 = tpu.vector_load_idx %arg31[%add3A_1322] : memref<53040xi32, #tpu.memory_space<vmem>>[vector<16xi32>], vector<16xi32>,
        %add3A_1324 = arith.constant 9 : i32
        %add3A_1325 = vector.broadcast %add3A_1324 : i32 to vector<16xi32>
        %add3A_1326 = arith.addi %add3A_1287, %add3A_1325 : vector<16xi32>
        %gather3A_1327 = tpu.vector_load_idx %arg31[%add3A_1326] : memref<53040xi32, #tpu.memory_space<vmem>>[vector<16xi32>], vector<16xi32>,
        %add3A_1328 = arith.constant 10 : i32
        %add3A_1329 = vector.broadcast %add3A_1328 : i32 to vector<16xi32>
        %add3A_1330 = arith.addi %add3A_1287, %add3A_1329 : vector<16xi32>
        %gather3A_1331 = tpu.vector_load_idx %arg31[%add3A_1330] : memref<53040xi32, #tpu.memory_space<vmem>>[vector<16xi32>], vector<16xi32>,
        %add3A_1332 = arith.constant 11 : i32
        %add3A_1333 = vector.broadcast %add3A_1332 : i32 to vector<16xi32>
        %add3A_1334 = arith.addi %add3A_1287, %add3A_1333 : vector<16xi32>
        %gather3A_1335 = tpu.vector_load_idx %arg31[%add3A_1334] : memref<53040xi32, #tpu.memory_space<vmem>>[vector<16xi32>], vector<16xi32>,
        %add3A_1336 = arith.constant 12 : i32
        %add3A_1337 = vector.broadcast %add3A_1336 : i32 to vector<16xi32>
        %add3A_1338 = arith.addi %add3A_1287, %add3A_1337 : vector<16xi32>
        %gather3A_1339 = tpu.vector_load_idx %arg31[%add3A_1338] : memref<53040xi32, #tpu.memory_space<vmem>>[vector<16xi32>], vector<16xi32>,
        %add3A_1340 = arith.constant 13 : i32
        %add3A_1341 = vector.broadcast %add3A_1340 : i32 to vector<16xi32>
        %add3A_1342 = arith.addi %add3A_1287, %add3A_1341 : vector<16xi32>
        %gather3A_1343 = tpu.vector_load_idx %arg31[%add3A_1342] : memref<53040xi32, #tpu.memory_space<vmem>>[vector<16xi32>], vector<16xi32>,
        %add3A_1344 = arith.constant 14 : i32
        %add3A_1345 = vector.broadcast %add3A_1344 : i32 to vector<16xi32>
        %add3A_1346 = arith.addi %add3A_1287, %add3A_1345 : vector<16xi32>
        %gather3A_1347 = tpu.vector_load_idx %arg31[%add3A_1346] : memref<53040xi32, #tpu.memory_space<vmem>>[vector<16xi32>], vector<16xi32>,
        %add3A_1348 = arith.constant 15 : i32
        %add3A_1349 = vector.broadcast %add3A_1348 : i32 to vector<16xi32>
        %add3A_1350 = arith.addi %add3A_1287, %add3A_1349 : vector<16xi32>
        %gather3A_1351 = tpu.vector_load_idx %arg31[%add3A_1350] : memref<53040xi32, #tpu.memory_space<vmem>>[vector<16xi32>], vector<16xi32>,
        %mul3A_1352 = arith.constant 16 : i32
        %mul3A_1353 = arith.muli %add3A_506, %mul3A_1352 : i32
        %add3A_1354 = arith.constant 0 : i32
        %add3A_1355 = arith.addi %mul3A_1353, %add3A_1354 : i32
        %swap3A_1356 = arith.index_cast %add3A_1355 : i32 to index
        %swap3A_1357 = arith.constant 64 : index
        %swap3A_1358 = tpu.vector_load %arg32[%swap3A_1356, %swap3A_1357] {strides = array<i32>} : memref<416x128xi32, #tpu.memory_space<vmem>>, vector<16xi32>,
        tpu.vector_store %arg32[%swap3A_1356, %swap3A_1357], %gather3A_1291 {strides = array<i32>} : memref<416x128xi32, #tpu.memory_space<vmem>>, vector<16xi32>,
        %mul3A_1359 = arith.constant 16 : i32
        %mul3A_1360 = arith.muli %add3A_506, %mul3A_1359 : i32
        %add3A_1361 = arith.constant 1 : i32
        %add3A_1362 = arith.addi %mul3A_1360, %add3A_1361 : i32
        %swap3A_1363 = arith.index_cast %add3A_1362 : i32 to index
        %swap3A_1364 = arith.constant 64 : index
        %swap3A_1365 = tpu.vector_load %arg32[%swap3A_1363, %swap3A_1364] {strides = array<i32>} : memref<416x128xi32, #tpu.memory_space<vmem>>, vector<16xi32>,
        tpu.vector_store %arg32[%swap3A_1363, %swap3A_1364], %gather3A_1295 {strides = array<i32>} : memref<416x128xi32, #tpu.memory_space<vmem>>, vector<16xi32>,
        %mul3A_1366 = arith.constant 16 : i32
        %mul3A_1367 = arith.muli %add3A_506, %mul3A_1366 : i32
        %add3A_1368 = arith.constant 2 : i32
        %add3A_1369 = arith.addi %mul3A_1367, %add3A_1368 : i32
        %swap3A_1370 = arith.index_cast %add3A_1369 : i32 to index
        %swap3A_1371 = arith.constant 64 : index
        %swap3A_1372 = tpu.vector_load %arg32[%swap3A_1370, %swap3A_1371] {strides = array<i32>} : memref<416x128xi32, #tpu.memory_space<vmem>>, vector<16xi32>,
        tpu.vector_store %arg32[%swap3A_1370, %swap3A_1371], %gather3A_1299 {strides = array<i32>} : memref<416x128xi32, #tpu.memory_space<vmem>>, vector<16xi32>,
        %mul3A_1373 = arith.constant 16 : i32
        %mul3A_1374 = arith.muli %add3A_506, %mul3A_1373 : i32
        %add3A_1375 = arith.constant 3 : i32
        %add3A_1376 = arith.addi %mul3A_1374, %add3A_1375 : i32
        %swap3A_1377 = arith.index_cast %add3A_1376 : i32 to index
        %swap3A_1378 = arith.constant 64 : index
        %swap3A_1379 = tpu.vector_load %arg32[%swap3A_1377, %swap3A_1378] {strides = array<i32>} : memref<416x128xi32, #tpu.memory_space<vmem>>, vector<16xi32>,
        tpu.vector_store %arg32[%swap3A_1377, %swap3A_1378], %gather3A_1303 {strides = array<i32>} : memref<416x128xi32, #tpu.memory_space<vmem>>, vector<16xi32>,
        %mul3A_1380 = arith.constant 16 : i32
        %mul3A_1381 = arith.muli %add3A_506, %mul3A_1380 : i32
        %add3A_1382 = arith.constant 4 : i32
        %add3A_1383 = arith.addi %mul3A_1381, %add3A_1382 : i32
        %swap3A_1384 = arith.index_cast %add3A_1383 : i32 to index
        %swap3A_1385 = arith.constant 64 : index
        %swap3A_1386 = tpu.vector_load %arg32[%swap3A_1384, %swap3A_1385] {strides = array<i32>} : memref<416x128xi32, #tpu.memory_space<vmem>>, vector<16xi32>,
        tpu.vector_store %arg32[%swap3A_1384, %swap3A_1385], %gather3A_1307 {strides = array<i32>} : memref<416x128xi32, #tpu.memory_space<vmem>>, vector<16xi32>,
        %mul3A_1387 = arith.constant 16 : i32
        %mul3A_1388 = arith.muli %add3A_506, %mul3A_1387 : i32
        %add3A_1389 = arith.constant 5 : i32
        %add3A_1390 = arith.addi %mul3A_1388, %add3A_1389 : i32
        %swap3A_1391 = arith.index_cast %add3A_1390 : i32 to index
        %swap3A_1392 = arith.constant 64 : index
        %swap3A_1393 = tpu.vector_load %arg32[%swap3A_1391, %swap3A_1392] {strides = array<i32>} : memref<416x128xi32, #tpu.memory_space<vmem>>, vector<16xi32>,
        tpu.vector_store %arg32[%swap3A_1391, %swap3A_1392], %gather3A_1311 {strides = array<i32>} : memref<416x128xi32, #tpu.memory_space<vmem>>, vector<16xi32>,
        %mul3A_1394 = arith.constant 16 : i32
        %mul3A_1395 = arith.muli %add3A_506, %mul3A_1394 : i32
        %add3A_1396 = arith.constant 6 : i32
        %add3A_1397 = arith.addi %mul3A_1395, %add3A_1396 : i32
        %swap3A_1398 = arith.index_cast %add3A_1397 : i32 to index
        %swap3A_1399 = arith.constant 64 : index
        %swap3A_1400 = tpu.vector_load %arg32[%swap3A_1398, %swap3A_1399] {strides = array<i32>} : memref<416x128xi32, #tpu.memory_space<vmem>>, vector<16xi32>,
        tpu.vector_store %arg32[%swap3A_1398, %swap3A_1399], %gather3A_1315 {strides = array<i32>} : memref<416x128xi32, #tpu.memory_space<vmem>>, vector<16xi32>,
        %mul3A_1401 = arith.constant 16 : i32
        %mul3A_1402 = arith.muli %add3A_506, %mul3A_1401 : i32
        %add3A_1403 = arith.constant 7 : i32
        %add3A_1404 = arith.addi %mul3A_1402, %add3A_1403 : i32
        %swap3A_1405 = arith.index_cast %add3A_1404 : i32 to index
        %swap3A_1406 = arith.constant 64 : index
        %swap3A_1407 = tpu.vector_load %arg32[%swap3A_1405, %swap3A_1406] {strides = array<i32>} : memref<416x128xi32, #tpu.memory_space<vmem>>, vector<16xi32>,
        tpu.vector_store %arg32[%swap3A_1405, %swap3A_1406], %gather3A_1319 {strides = array<i32>} : memref<416x128xi32, #tpu.memory_space<vmem>>, vector<16xi32>,
        %mul3A_1408 = arith.constant 16 : i32
        %mul3A_1409 = arith.muli %add3A_506, %mul3A_1408 : i32
        %add3A_1410 = arith.constant 8 : i32
        %add3A_1411 = arith.addi %mul3A_1409, %add3A_1410 : i32
        %swap3A_1412 = arith.index_cast %add3A_1411 : i32 to index
        %swap3A_1413 = arith.constant 64 : index
        %swap3A_1414 = tpu.vector_load %arg32[%swap3A_1412, %swap3A_1413] {strides = array<i32>} : memref<416x128xi32, #tpu.memory_space<vmem>>, vector<16xi32>,
        tpu.vector_store %arg32[%swap3A_1412, %swap3A_1413], %gather3A_1323 {strides = array<i32>} : memref<416x128xi32, #tpu.memory_space<vmem>>, vector<16xi32>,
        %mul3A_1415 = arith.constant 16 : i32
        %mul3A_1416 = arith.muli %add3A_506, %mul3A_1415 : i32
        %add3A_1417 = arith.constant 9 : i32
        %add3A_1418 = arith.addi %mul3A_1416, %add3A_1417 : i32
        %swap3A_1419 = arith.index_cast %add3A_1418 : i32 to index
        %swap3A_1420 = arith.constant 64 : index
        %swap3A_1421 = tpu.vector_load %arg32[%swap3A_1419, %swap3A_1420] {strides = array<i32>} : memref<416x128xi32, #tpu.memory_space<vmem>>, vector<16xi32>,
        tpu.vector_store %arg32[%swap3A_1419, %swap3A_1420], %gather3A_1327 {strides = array<i32>} : memref<416x128xi32, #tpu.memory_space<vmem>>, vector<16xi32>,
        %mul3A_1422 = arith.constant 16 : i32
        %mul3A_1423 = arith.muli %add3A_506, %mul3A_1422 : i32
        %add3A_1424 = arith.constant 10 : i32
        %add3A_1425 = arith.addi %mul3A_1423, %add3A_1424 : i32
        %swap3A_1426 = arith.index_cast %add3A_1425 : i32 to index
        %swap3A_1427 = arith.constant 64 : index
        %swap3A_1428 = tpu.vector_load %arg32[%swap3A_1426, %swap3A_1427] {strides = array<i32>} : memref<416x128xi32, #tpu.memory_space<vmem>>, vector<16xi32>,
        tpu.vector_store %arg32[%swap3A_1426, %swap3A_1427], %gather3A_1331 {strides = array<i32>} : memref<416x128xi32, #tpu.memory_space<vmem>>, vector<16xi32>,
        %mul3A_1429 = arith.constant 16 : i32
        %mul3A_1430 = arith.muli %add3A_506, %mul3A_1429 : i32
        %add3A_1431 = arith.constant 11 : i32
        %add3A_1432 = arith.addi %mul3A_1430, %add3A_1431 : i32
        %swap3A_1433 = arith.index_cast %add3A_1432 : i32 to index
        %swap3A_1434 = arith.constant 64 : index
        %swap3A_1435 = tpu.vector_load %arg32[%swap3A_1433, %swap3A_1434] {strides = array<i32>} : memref<416x128xi32, #tpu.memory_space<vmem>>, vector<16xi32>,
        tpu.vector_store %arg32[%swap3A_1433, %swap3A_1434], %gather3A_1335 {strides = array<i32>} : memref<416x128xi32, #tpu.memory_space<vmem>>, vector<16xi32>,
        %mul3A_1436 = arith.constant 16 : i32
        %mul3A_1437 = arith.muli %add3A_506, %mul3A_1436 : i32
        %add3A_1438 = arith.constant 12 : i32
        %add3A_1439 = arith.addi %mul3A_1437, %add3A_1438 : i32
        %swap3A_1440 = arith.index_cast %add3A_1439 : i32 to index
        %swap3A_1441 = arith.constant 64 : index
        %swap3A_1442 = tpu.vector_load %arg32[%swap3A_1440, %swap3A_1441] {strides = array<i32>} : memref<416x128xi32, #tpu.memory_space<vmem>>, vector<16xi32>,
        tpu.vector_store %arg32[%swap3A_1440, %swap3A_1441], %gather3A_1339 {strides = array<i32>} : memref<416x128xi32, #tpu.memory_space<vmem>>, vector<16xi32>,
        %mul3A_1443 = arith.constant 16 : i32
        %mul3A_1444 = arith.muli %add3A_506, %mul3A_1443 : i32
        %add3A_1445 = arith.constant 13 : i32
        %add3A_1446 = arith.addi %mul3A_1444, %add3A_1445 : i32
        %swap3A_1447 = arith.index_cast %add3A_1446 : i32 to index
        %swap3A_1448 = arith.constant 64 : index
        %swap3A_1449 = tpu.vector_load %arg32[%swap3A_1447, %swap3A_1448] {strides = array<i32>} : memref<416x128xi32, #tpu.memory_space<vmem>>, vector<16xi32>,
        tpu.vector_store %arg32[%swap3A_1447, %swap3A_1448], %gather3A_1343 {strides = array<i32>} : memref<416x128xi32, #tpu.memory_space<vmem>>, vector<16xi32>,
        %mul3A_1450 = arith.constant 16 : i32
        %mul3A_1451 = arith.muli %add3A_506, %mul3A_1450 : i32
        %add3A_1452 = arith.constant 14 : i32
        %add3A_1453 = arith.addi %mul3A_1451, %add3A_1452 : i32
        %swap3A_1454 = arith.index_cast %add3A_1453 : i32 to index
        %swap3A_1455 = arith.constant 64 : index
        %swap3A_1456 = tpu.vector_load %arg32[%swap3A_1454, %swap3A_1455] {strides = array<i32>} : memref<416x128xi32, #tpu.memory_space<vmem>>, vector<16xi32>,
        tpu.vector_store %arg32[%swap3A_1454, %swap3A_1455], %gather3A_1347 {strides = array<i32>} : memref<416x128xi32, #tpu.memory_space<vmem>>, vector<16xi32>,
        %mul3A_1457 = arith.constant 16 : i32
        %mul3A_1458 = arith.muli %add3A_506, %mul3A_1457 : i32
        %add3A_1459 = arith.constant 15 : i32
        %add3A_1460 = arith.addi %mul3A_1458, %add3A_1459 : i32
        %swap3A_1461 = arith.index_cast %add3A_1460 : i32 to index
        %swap3A_1462 = arith.constant 64 : index
        %swap3A_1463 = tpu.vector_load %arg32[%swap3A_1461, %swap3A_1462] {strides = array<i32>} : memref<416x128xi32, #tpu.memory_space<vmem>>, vector<16xi32>,
        tpu.vector_store %arg32[%swap3A_1461, %swap3A_1462], %gather3A_1351 {strides = array<i32>} : memref<416x128xi32, #tpu.memory_space<vmem>>, vector<16xi32>,
        %mul3A_1464 = arith.constant 512 : i32
        %mul3A_1465 = arith.muli %add3A_506, %mul3A_1464 : i32
        %mul3A_1466 = arith.constant 128 : i32
        %mul3A_1467 = arith.muli %add3A_453, %mul3A_1466 : i32
        %add3A_1468 = arith.addi %mul3A_1465, %mul3A_1467 : i32
        %add3A_1469 = arith.constant 80 : i32
        %add3A_1470 = arith.addi %add3A_1468, %add3A_1469 : i32
        %get3A_1471 = arith.index_cast %add3A_1470 : i32 to index
        %get3A_1472 = tpu.vector_load %arg30[%get3A_1471] {strides = array<i32>} : memref<13312xi32, #tpu.memory_space<vmem>>, vector<16xi32>,
        %mul3A_1473 = arith.constant 17 : i32
        %mul3A_1474 = vector.broadcast %mul3A_1473 : i32 to vector<16xi32>
        %mul3A_1475 = arith.muli %get3A_1472, %mul3A_1474 : vector<16xi32>
        %mul3A_1476 = arith.constant 2040 : i32
        %mul3A_1477 = arith.muli %add3A_506, %mul3A_1476 : i32
        %add3A_1478 = vector.broadcast %mul3A_1477 : i32 to vector<16xi32>
        %add3A_1479 = arith.addi %mul3A_1475, %add3A_1478 : vector<16xi32>
        %add3A_1480 = arith.constant 0 : i32
        %add3A_1481 = vector.broadcast %add3A_1480 : i32 to vector<16xi32>
        %add3A_1482 = arith.addi %add3A_1479, %add3A_1481 : vector<16xi32>
        %gather3A_1483 = tpu.vector_load_idx %arg31[%add3A_1482] : memref<53040xi32, #tpu.memory_space<vmem>>[vector<16xi32>], vector<16xi32>,
        %add3A_1484 = arith.constant 1 : i32
        %add3A_1485 = vector.broadcast %add3A_1484 : i32 to vector<16xi32>
        %add3A_1486 = arith.addi %add3A_1479, %add3A_1485 : vector<16xi32>
        %gather3A_1487 = tpu.vector_load_idx %arg31[%add3A_1486] : memref<53040xi32, #tpu.memory_space<vmem>>[vector<16xi32>], vector<16xi32>,
        %add3A_1488 = arith.constant 2 : i32
        %add3A_1489 = vector.broadcast %add3A_1488 : i32 to vector<16xi32>
        %add3A_1490 = arith.addi %add3A_1479, %add3A_1489 : vector<16xi32>
        %gather3A_1491 = tpu.vector_load_idx %arg31[%add3A_1490] : memref<53040xi32, #tpu.memory_space<vmem>>[vector<16xi32>], vector<16xi32>,
        %add3A_1492 = arith.constant 3 : i32
        %add3A_1493 = vector.broadcast %add3A_1492 : i32 to vector<16xi32>
        %add3A_1494 = arith.addi %add3A_1479, %add3A_1493 : vector<16xi32>
        %gather3A_1495 = tpu.vector_load_idx %arg31[%add3A_1494] : memref<53040xi32, #tpu.memory_space<vmem>>[vector<16xi32>], vector<16xi32>,
        %add3A_1496 = arith.constant 4 : i32
        %add3A_1497 = vector.broadcast %add3A_1496 : i32 to vector<16xi32>
        %add3A_1498 = arith.addi %add3A_1479, %add3A_1497 : vector<16xi32>
        %gather3A_1499 = tpu.vector_load_idx %arg31[%add3A_1498] : memref<53040xi32, #tpu.memory_space<vmem>>[vector<16xi32>], vector<16xi32>,
        %add3A_1500 = arith.constant 5 : i32
        %add3A_1501 = vector.broadcast %add3A_1500 : i32 to vector<16xi32>
        %add3A_1502 = arith.addi %add3A_1479, %add3A_1501 : vector<16xi32>
        %gather3A_1503 = tpu.vector_load_idx %arg31[%add3A_1502] : memref<53040xi32, #tpu.memory_space<vmem>>[vector<16xi32>], vector<16xi32>,
        %add3A_1504 = arith.constant 6 : i32
        %add3A_1505 = vector.broadcast %add3A_1504 : i32 to vector<16xi32>
        %add3A_1506 = arith.addi %add3A_1479, %add3A_1505 : vector<16xi32>
        %gather3A_1507 = tpu.vector_load_idx %arg31[%add3A_1506] : memref<53040xi32, #tpu.memory_space<vmem>>[vector<16xi32>], vector<16xi32>,
        %add3A_1508 = arith.constant 7 : i32
        %add3A_1509 = vector.broadcast %add3A_1508 : i32 to vector<16xi32>
        %add3A_1510 = arith.addi %add3A_1479, %add3A_1509 : vector<16xi32>
        %gather3A_1511 = tpu.vector_load_idx %arg31[%add3A_1510] : memref<53040xi32, #tpu.memory_space<vmem>>[vector<16xi32>], vector<16xi32>,
        %add3A_1512 = arith.constant 8 : i32
        %add3A_1513 = vector.broadcast %add3A_1512 : i32 to vector<16xi32>
        %add3A_1514 = arith.addi %add3A_1479, %add3A_1513 : vector<16xi32>
        %gather3A_1515 = tpu.vector_load_idx %arg31[%add3A_1514] : memref<53040xi32, #tpu.memory_space<vmem>>[vector<16xi32>], vector<16xi32>,
        %add3A_1516 = arith.constant 9 : i32
        %add3A_1517 = vector.broadcast %add3A_1516 : i32 to vector<16xi32>
        %add3A_1518 = arith.addi %add3A_1479, %add3A_1517 : vector<16xi32>
        %gather3A_1519 = tpu.vector_load_idx %arg31[%add3A_1518] : memref<53040xi32, #tpu.memory_space<vmem>>[vector<16xi32>], vector<16xi32>,
        %add3A_1520 = arith.constant 10 : i32
        %add3A_1521 = vector.broadcast %add3A_1520 : i32 to vector<16xi32>
        %add3A_1522 = arith.addi %add3A_1479, %add3A_1521 : vector<16xi32>
        %gather3A_1523 = tpu.vector_load_idx %arg31[%add3A_1522] : memref<53040xi32, #tpu.memory_space<vmem>>[vector<16xi32>], vector<16xi32>,
        %add3A_1524 = arith.constant 11 : i32
        %add3A_1525 = vector.broadcast %add3A_1524 : i32 to vector<16xi32>
        %add3A_1526 = arith.addi %add3A_1479, %add3A_1525 : vector<16xi32>
        %gather3A_1527 = tpu.vector_load_idx %arg31[%add3A_1526] : memref<53040xi32, #tpu.memory_space<vmem>>[vector<16xi32>], vector<16xi32>,
        %add3A_1528 = arith.constant 12 : i32
        %add3A_1529 = vector.broadcast %add3A_1528 : i32 to vector<16xi32>
        %add3A_1530 = arith.addi %add3A_1479, %add3A_1529 : vector<16xi32>
        %gather3A_1531 = tpu.vector_load_idx %arg31[%add3A_1530] : memref<53040xi32, #tpu.memory_space<vmem>>[vector<16xi32>], vector<16xi32>,
        %add3A_1532 = arith.constant 13 : i32
        %add3A_1533 = vector.broadcast %add3A_1532 : i32 to vector<16xi32>
        %add3A_1534 = arith.addi %add3A_1479, %add3A_1533 : vector<16xi32>
        %gather3A_1535 = tpu.vector_load_idx %arg31[%add3A_1534] : memref<53040xi32, #tpu.memory_space<vmem>>[vector<16xi32>], vector<16xi32>,
        %add3A_1536 = arith.constant 14 : i32
        %add3A_1537 = vector.broadcast %add3A_1536 : i32 to vector<16xi32>
        %add3A_1538 = arith.addi %add3A_1479, %add3A_1537 : vector<16xi32>
        %gather3A_1539 = tpu.vector_load_idx %arg31[%add3A_1538] : memref<53040xi32, #tpu.memory_space<vmem>>[vector<16xi32>], vector<16xi32>,
        %add3A_1540 = arith.constant 15 : i32
        %add3A_1541 = vector.broadcast %add3A_1540 : i32 to vector<16xi32>
        %add3A_1542 = arith.addi %add3A_1479, %add3A_1541 : vector<16xi32>
        %gather3A_1543 = tpu.vector_load_idx %arg31[%add3A_1542] : memref<53040xi32, #tpu.memory_space<vmem>>[vector<16xi32>], vector<16xi32>,
        %mul3A_1544 = arith.constant 16 : i32
        %mul3A_1545 = arith.muli %add3A_506, %mul3A_1544 : i32
        %add3A_1546 = arith.constant 0 : i32
        %add3A_1547 = arith.addi %mul3A_1545, %add3A_1546 : i32
        %swap3A_1548 = arith.index_cast %add3A_1547 : i32 to index
        %swap3A_1549 = arith.constant 80 : index
        %swap3A_1550 = tpu.vector_load %arg32[%swap3A_1548, %swap3A_1549] {strides = array<i32>} : memref<416x128xi32, #tpu.memory_space<vmem>>, vector<16xi32>,
        tpu.vector_store %arg32[%swap3A_1548, %swap3A_1549], %gather3A_1483 {strides = array<i32>} : memref<416x128xi32, #tpu.memory_space<vmem>>, vector<16xi32>,
        %mul3A_1551 = arith.constant 16 : i32
        %mul3A_1552 = arith.muli %add3A_506, %mul3A_1551 : i32
        %add3A_1553 = arith.constant 1 : i32
        %add3A_1554 = arith.addi %mul3A_1552, %add3A_1553 : i32
        %swap3A_1555 = arith.index_cast %add3A_1554 : i32 to index
        %swap3A_1556 = arith.constant 80 : index
        %swap3A_1557 = tpu.vector_load %arg32[%swap3A_1555, %swap3A_1556] {strides = array<i32>} : memref<416x128xi32, #tpu.memory_space<vmem>>, vector<16xi32>,
        tpu.vector_store %arg32[%swap3A_1555, %swap3A_1556], %gather3A_1487 {strides = array<i32>} : memref<416x128xi32, #tpu.memory_space<vmem>>, vector<16xi32>,
        %mul3A_1558 = arith.constant 16 : i32
        %mul3A_1559 = arith.muli %add3A_506, %mul3A_1558 : i32
        %add3A_1560 = arith.constant 2 : i32
        %add3A_1561 = arith.addi %mul3A_1559, %add3A_1560 : i32
        %swap3A_1562 = arith.index_cast %add3A_1561 : i32 to index
        %swap3A_1563 = arith.constant 80 : index
        %swap3A_1564 = tpu.vector_load %arg32[%swap3A_1562, %swap3A_1563] {strides = array<i32>} : memref<416x128xi32, #tpu.memory_space<vmem>>, vector<16xi32>,
        tpu.vector_store %arg32[%swap3A_1562, %swap3A_1563], %gather3A_1491 {strides = array<i32>} : memref<416x128xi32, #tpu.memory_space<vmem>>, vector<16xi32>,
        %mul3A_1565 = arith.constant 16 : i32
        %mul3A_1566 = arith.muli %add3A_506, %mul3A_1565 : i32
        %add3A_1567 = arith.constant 3 : i32
        %add3A_1568 = arith.addi %mul3A_1566, %add3A_1567 : i32
        %swap3A_1569 = arith.index_cast %add3A_1568 : i32 to index
        %swap3A_1570 = arith.constant 80 : index
        %swap3A_1571 = tpu.vector_load %arg32[%swap3A_1569, %swap3A_1570] {strides = array<i32>} : memref<416x128xi32, #tpu.memory_space<vmem>>, vector<16xi32>,
        tpu.vector_store %arg32[%swap3A_1569, %swap3A_1570], %gather3A_1495 {strides = array<i32>} : memref<416x128xi32, #tpu.memory_space<vmem>>, vector<16xi32>,
        %mul3A_1572 = arith.constant 16 : i32
        %mul3A_1573 = arith.muli %add3A_506, %mul3A_1572 : i32
        %add3A_1574 = arith.constant 4 : i32
        %add3A_1575 = arith.addi %mul3A_1573, %add3A_1574 : i32
        %swap3A_1576 = arith.index_cast %add3A_1575 : i32 to index
        %swap3A_1577 = arith.constant 80 : index
        %swap3A_1578 = tpu.vector_load %arg32[%swap3A_1576, %swap3A_1577] {strides = array<i32>} : memref<416x128xi32, #tpu.memory_space<vmem>>, vector<16xi32>,
        tpu.vector_store %arg32[%swap3A_1576, %swap3A_1577], %gather3A_1499 {strides = array<i32>} : memref<416x128xi32, #tpu.memory_space<vmem>>, vector<16xi32>,
        %mul3A_1579 = arith.constant 16 : i32
        %mul3A_1580 = arith.muli %add3A_506, %mul3A_1579 : i32
        %add3A_1581 = arith.constant 5 : i32
        %add3A_1582 = arith.addi %mul3A_1580, %add3A_1581 : i32
        %swap3A_1583 = arith.index_cast %add3A_1582 : i32 to index
        %swap3A_1584 = arith.constant 80 : index
        %swap3A_1585 = tpu.vector_load %arg32[%swap3A_1583, %swap3A_1584] {strides = array<i32>} : memref<416x128xi32, #tpu.memory_space<vmem>>, vector<16xi32>,
        tpu.vector_store %arg32[%swap3A_1583, %swap3A_1584], %gather3A_1503 {strides = array<i32>} : memref<416x128xi32, #tpu.memory_space<vmem>>, vector<16xi32>,
        %mul3A_1586 = arith.constant 16 : i32
        %mul3A_1587 = arith.muli %add3A_506, %mul3A_1586 : i32
        %add3A_1588 = arith.constant 6 : i32
        %add3A_1589 = arith.addi %mul3A_1587, %add3A_1588 : i32
        %swap3A_1590 = arith.index_cast %add3A_1589 : i32 to index
        %swap3A_1591 = arith.constant 80 : index
        %swap3A_1592 = tpu.vector_load %arg32[%swap3A_1590, %swap3A_1591] {strides = array<i32>} : memref<416x128xi32, #tpu.memory_space<vmem>>, vector<16xi32>,
        tpu.vector_store %arg32[%swap3A_1590, %swap3A_1591], %gather3A_1507 {strides = array<i32>} : memref<416x128xi32, #tpu.memory_space<vmem>>, vector<16xi32>,
        %mul3A_1593 = arith.constant 16 : i32
        %mul3A_1594 = arith.muli %add3A_506, %mul3A_1593 : i32
        %add3A_1595 = arith.constant 7 : i32
        %add3A_1596 = arith.addi %mul3A_1594, %add3A_1595 : i32
        %swap3A_1597 = arith.index_cast %add3A_1596 : i32 to index
        %swap3A_1598 = arith.constant 80 : index
        %swap3A_1599 = tpu.vector_load %arg32[%swap3A_1597, %swap3A_1598] {strides = array<i32>} : memref<416x128xi32, #tpu.memory_space<vmem>>, vector<16xi32>,
        tpu.vector_store %arg32[%swap3A_1597, %swap3A_1598], %gather3A_1511 {strides = array<i32>} : memref<416x128xi32, #tpu.memory_space<vmem>>, vector<16xi32>,
        %mul3A_1600 = arith.constant 16 : i32
        %mul3A_1601 = arith.muli %add3A_506, %mul3A_1600 : i32
        %add3A_1602 = arith.constant 8 : i32
        %add3A_1603 = arith.addi %mul3A_1601, %add3A_1602 : i32
        %swap3A_1604 = arith.index_cast %add3A_1603 : i32 to index
        %swap3A_1605 = arith.constant 80 : index
        %swap3A_1606 = tpu.vector_load %arg32[%swap3A_1604, %swap3A_1605] {strides = array<i32>} : memref<416x128xi32, #tpu.memory_space<vmem>>, vector<16xi32>,
        tpu.vector_store %arg32[%swap3A_1604, %swap3A_1605], %gather3A_1515 {strides = array<i32>} : memref<416x128xi32, #tpu.memory_space<vmem>>, vector<16xi32>,
        %mul3A_1607 = arith.constant 16 : i32
        %mul3A_1608 = arith.muli %add3A_506, %mul3A_1607 : i32
        %add3A_1609 = arith.constant 9 : i32
        %add3A_1610 = arith.addi %mul3A_1608, %add3A_1609 : i32
        %swap3A_1611 = arith.index_cast %add3A_1610 : i32 to index
        %swap3A_1612 = arith.constant 80 : index
        %swap3A_1613 = tpu.vector_load %arg32[%swap3A_1611, %swap3A_1612] {strides = array<i32>} : memref<416x128xi32, #tpu.memory_space<vmem>>, vector<16xi32>,
        tpu.vector_store %arg32[%swap3A_1611, %swap3A_1612], %gather3A_1519 {strides = array<i32>} : memref<416x128xi32, #tpu.memory_space<vmem>>, vector<16xi32>,
        %mul3A_1614 = arith.constant 16 : i32
        %mul3A_1615 = arith.muli %add3A_506, %mul3A_1614 : i32
        %add3A_1616 = arith.constant 10 : i32
        %add3A_1617 = arith.addi %mul3A_1615, %add3A_1616 : i32
        %swap3A_1618 = arith.index_cast %add3A_1617 : i32 to index
        %swap3A_1619 = arith.constant 80 : index
        %swap3A_1620 = tpu.vector_load %arg32[%swap3A_1618, %swap3A_1619] {strides = array<i32>} : memref<416x128xi32, #tpu.memory_space<vmem>>, vector<16xi32>,
        tpu.vector_store %arg32[%swap3A_1618, %swap3A_1619], %gather3A_1523 {strides = array<i32>} : memref<416x128xi32, #tpu.memory_space<vmem>>, vector<16xi32>,
        %mul3A_1621 = arith.constant 16 : i32
        %mul3A_1622 = arith.muli %add3A_506, %mul3A_1621 : i32
        %add3A_1623 = arith.constant 11 : i32
        %add3A_1624 = arith.addi %mul3A_1622, %add3A_1623 : i32
        %swap3A_1625 = arith.index_cast %add3A_1624 : i32 to index
        %swap3A_1626 = arith.constant 80 : index
        %swap3A_1627 = tpu.vector_load %arg32[%swap3A_1625, %swap3A_1626] {strides = array<i32>} : memref<416x128xi32, #tpu.memory_space<vmem>>, vector<16xi32>,
        tpu.vector_store %arg32[%swap3A_1625, %swap3A_1626], %gather3A_1527 {strides = array<i32>} : memref<416x128xi32, #tpu.memory_space<vmem>>, vector<16xi32>,
        %mul3A_1628 = arith.constant 16 : i32
        %mul3A_1629 = arith.muli %add3A_506, %mul3A_1628 : i32
        %add3A_1630 = arith.constant 12 : i32
        %add3A_1631 = arith.addi %mul3A_1629, %add3A_1630 : i32
        %swap3A_1632 = arith.index_cast %add3A_1631 : i32 to index
        %swap3A_1633 = arith.constant 80 : index
        %swap3A_1634 = tpu.vector_load %arg32[%swap3A_1632, %swap3A_1633] {strides = array<i32>} : memref<416x128xi32, #tpu.memory_space<vmem>>, vector<16xi32>,
        tpu.vector_store %arg32[%swap3A_1632, %swap3A_1633], %gather3A_1531 {strides = array<i32>} : memref<416x128xi32, #tpu.memory_space<vmem>>, vector<16xi32>,
        %mul3A_1635 = arith.constant 16 : i32
        %mul3A_1636 = arith.muli %add3A_506, %mul3A_1635 : i32
        %add3A_1637 = arith.constant 13 : i32
        %add3A_1638 = arith.addi %mul3A_1636, %add3A_1637 : i32
        %swap3A_1639 = arith.index_cast %add3A_1638 : i32 to index
        %swap3A_1640 = arith.constant 80 : index
        %swap3A_1641 = tpu.vector_load %arg32[%swap3A_1639, %swap3A_1640] {strides = array<i32>} : memref<416x128xi32, #tpu.memory_space<vmem>>, vector<16xi32>,
        tpu.vector_store %arg32[%swap3A_1639, %swap3A_1640], %gather3A_1535 {strides = array<i32>} : memref<416x128xi32, #tpu.memory_space<vmem>>, vector<16xi32>,
        %mul3A_1642 = arith.constant 16 : i32
        %mul3A_1643 = arith.muli %add3A_506, %mul3A_1642 : i32
        %add3A_1644 = arith.constant 14 : i32
        %add3A_1645 = arith.addi %mul3A_1643, %add3A_1644 : i32
        %swap3A_1646 = arith.index_cast %add3A_1645 : i32 to index
        %swap3A_1647 = arith.constant 80 : index
        %swap3A_1648 = tpu.vector_load %arg32[%swap3A_1646, %swap3A_1647] {strides = array<i32>} : memref<416x128xi32, #tpu.memory_space<vmem>>, vector<16xi32>,
        tpu.vector_store %arg32[%swap3A_1646, %swap3A_1647], %gather3A_1539 {strides = array<i32>} : memref<416x128xi32, #tpu.memory_space<vmem>>, vector<16xi32>,
        %mul3A_1649 = arith.constant 16 : i32
        %mul3A_1650 = arith.muli %add3A_506, %mul3A_1649 : i32
        %add3A_1651 = arith.constant 15 : i32
        %add3A_1652 = arith.addi %mul3A_1650, %add3A_1651 : i32
        %swap3A_1653 = arith.index_cast %add3A_1652 : i32 to index
        %swap3A_1654 = arith.constant 80 : index
        %swap3A_1655 = tpu.vector_load %arg32[%swap3A_1653, %swap3A_1654] {strides = array<i32>} : memref<416x128xi32, #tpu.memory_space<vmem>>, vector<16xi32>,
        tpu.vector_store %arg32[%swap3A_1653, %swap3A_1654], %gather3A_1543 {strides = array<i32>} : memref<416x128xi32, #tpu.memory_space<vmem>>, vector<16xi32>,
        %mul3A_1656 = arith.constant 512 : i32
        %mul3A_1657 = arith.muli %add3A_506, %mul3A_1656 : i32
        %mul3A_1658 = arith.constant 128 : i32
        %mul3A_1659 = arith.muli %add3A_453, %mul3A_1658 : i32
        %add3A_1660 = arith.addi %mul3A_1657, %mul3A_1659 : i32
        %add3A_1661 = arith.constant 96 : i32
        %add3A_1662 = arith.addi %add3A_1660, %add3A_1661 : i32
        %get3A_1663 = arith.index_cast %add3A_1662 : i32 to index
        %get3A_1664 = tpu.vector_load %arg30[%get3A_1663] {strides = array<i32>} : memref<13312xi32, #tpu.memory_space<vmem>>, vector<16xi32>,
        %mul3A_1665 = arith.constant 17 : i32
        %mul3A_1666 = vector.broadcast %mul3A_1665 : i32 to vector<16xi32>
        %mul3A_1667 = arith.muli %get3A_1664, %mul3A_1666 : vector<16xi32>
        %mul3A_1668 = arith.constant 2040 : i32
        %mul3A_1669 = arith.muli %add3A_506, %mul3A_1668 : i32
        %add3A_1670 = vector.broadcast %mul3A_1669 : i32 to vector<16xi32>
        %add3A_1671 = arith.addi %mul3A_1667, %add3A_1670 : vector<16xi32>
        %add3A_1672 = arith.constant 0 : i32
        %add3A_1673 = vector.broadcast %add3A_1672 : i32 to vector<16xi32>
        %add3A_1674 = arith.addi %add3A_1671, %add3A_1673 : vector<16xi32>
        %gather3A_1675 = tpu.vector_load_idx %arg31[%add3A_1674] : memref<53040xi32, #tpu.memory_space<vmem>>[vector<16xi32>], vector<16xi32>,
        %add3A_1676 = arith.constant 1 : i32
        %add3A_1677 = vector.broadcast %add3A_1676 : i32 to vector<16xi32>
        %add3A_1678 = arith.addi %add3A_1671, %add3A_1677 : vector<16xi32>
        %gather3A_1679 = tpu.vector_load_idx %arg31[%add3A_1678] : memref<53040xi32, #tpu.memory_space<vmem>>[vector<16xi32>], vector<16xi32>,
        %add3A_1680 = arith.constant 2 : i32
        %add3A_1681 = vector.broadcast %add3A_1680 : i32 to vector<16xi32>
        %add3A_1682 = arith.addi %add3A_1671, %add3A_1681 : vector<16xi32>
        %gather3A_1683 = tpu.vector_load_idx %arg31[%add3A_1682] : memref<53040xi32, #tpu.memory_space<vmem>>[vector<16xi32>], vector<16xi32>,
        %add3A_1684 = arith.constant 3 : i32
        %add3A_1685 = vector.broadcast %add3A_1684 : i32 to vector<16xi32>
        %add3A_1686 = arith.addi %add3A_1671, %add3A_1685 : vector<16xi32>
        %gather3A_1687 = tpu.vector_load_idx %arg31[%add3A_1686] : memref<53040xi32, #tpu.memory_space<vmem>>[vector<16xi32>], vector<16xi32>,
        %add3A_1688 = arith.constant 4 : i32
        %add3A_1689 = vector.broadcast %add3A_1688 : i32 to vector<16xi32>
        %add3A_1690 = arith.addi %add3A_1671, %add3A_1689 : vector<16xi32>
        %gather3A_1691 = tpu.vector_load_idx %arg31[%add3A_1690] : memref<53040xi32, #tpu.memory_space<vmem>>[vector<16xi32>], vector<16xi32>,
        %add3A_1692 = arith.constant 5 : i32
        %add3A_1693 = vector.broadcast %add3A_1692 : i32 to vector<16xi32>
        %add3A_1694 = arith.addi %add3A_1671, %add3A_1693 : vector<16xi32>
        %gather3A_1695 = tpu.vector_load_idx %arg31[%add3A_1694] : memref<53040xi32, #tpu.memory_space<vmem>>[vector<16xi32>], vector<16xi32>,
        %add3A_1696 = arith.constant 6 : i32
        %add3A_1697 = vector.broadcast %add3A_1696 : i32 to vector<16xi32>
        %add3A_1698 = arith.addi %add3A_1671, %add3A_1697 : vector<16xi32>
        %gather3A_1699 = tpu.vector_load_idx %arg31[%add3A_1698] : memref<53040xi32, #tpu.memory_space<vmem>>[vector<16xi32>], vector<16xi32>,
        %add3A_1700 = arith.constant 7 : i32
        %add3A_1701 = vector.broadcast %add3A_1700 : i32 to vector<16xi32>
        %add3A_1702 = arith.addi %add3A_1671, %add3A_1701 : vector<16xi32>
        %gather3A_1703 = tpu.vector_load_idx %arg31[%add3A_1702] : memref<53040xi32, #tpu.memory_space<vmem>>[vector<16xi32>], vector<16xi32>,
        %add3A_1704 = arith.constant 8 : i32
        %add3A_1705 = vector.broadcast %add3A_1704 : i32 to vector<16xi32>
        %add3A_1706 = arith.addi %add3A_1671, %add3A_1705 : vector<16xi32>
        %gather3A_1707 = tpu.vector_load_idx %arg31[%add3A_1706] : memref<53040xi32, #tpu.memory_space<vmem>>[vector<16xi32>], vector<16xi32>,
        %add3A_1708 = arith.constant 9 : i32
        %add3A_1709 = vector.broadcast %add3A_1708 : i32 to vector<16xi32>
        %add3A_1710 = arith.addi %add3A_1671, %add3A_1709 : vector<16xi32>
        %gather3A_1711 = tpu.vector_load_idx %arg31[%add3A_1710] : memref<53040xi32, #tpu.memory_space<vmem>>[vector<16xi32>], vector<16xi32>,
        %add3A_1712 = arith.constant 10 : i32
        %add3A_1713 = vector.broadcast %add3A_1712 : i32 to vector<16xi32>
        %add3A_1714 = arith.addi %add3A_1671, %add3A_1713 : vector<16xi32>
        %gather3A_1715 = tpu.vector_load_idx %arg31[%add3A_1714] : memref<53040xi32, #tpu.memory_space<vmem>>[vector<16xi32>], vector<16xi32>,
        %add3A_1716 = arith.constant 11 : i32
        %add3A_1717 = vector.broadcast %add3A_1716 : i32 to vector<16xi32>
        %add3A_1718 = arith.addi %add3A_1671, %add3A_1717 : vector<16xi32>
        %gather3A_1719 = tpu.vector_load_idx %arg31[%add3A_1718] : memref<53040xi32, #tpu.memory_space<vmem>>[vector<16xi32>], vector<16xi32>,
        %add3A_1720 = arith.constant 12 : i32
        %add3A_1721 = vector.broadcast %add3A_1720 : i32 to vector<16xi32>
        %add3A_1722 = arith.addi %add3A_1671, %add3A_1721 : vector<16xi32>
        %gather3A_1723 = tpu.vector_load_idx %arg31[%add3A_1722] : memref<53040xi32, #tpu.memory_space<vmem>>[vector<16xi32>], vector<16xi32>,
        %add3A_1724 = arith.constant 13 : i32
        %add3A_1725 = vector.broadcast %add3A_1724 : i32 to vector<16xi32>
        %add3A_1726 = arith.addi %add3A_1671, %add3A_1725 : vector<16xi32>
        %gather3A_1727 = tpu.vector_load_idx %arg31[%add3A_1726] : memref<53040xi32, #tpu.memory_space<vmem>>[vector<16xi32>], vector<16xi32>,
        %add3A_1728 = arith.constant 14 : i32
        %add3A_1729 = vector.broadcast %add3A_1728 : i32 to vector<16xi32>
        %add3A_1730 = arith.addi %add3A_1671, %add3A_1729 : vector<16xi32>
        %gather3A_1731 = tpu.vector_load_idx %arg31[%add3A_1730] : memref<53040xi32, #tpu.memory_space<vmem>>[vector<16xi32>], vector<16xi32>,
        %add3A_1732 = arith.constant 15 : i32
        %add3A_1733 = vector.broadcast %add3A_1732 : i32 to vector<16xi32>
        %add3A_1734 = arith.addi %add3A_1671, %add3A_1733 : vector<16xi32>
        %gather3A_1735 = tpu.vector_load_idx %arg31[%add3A_1734] : memref<53040xi32, #tpu.memory_space<vmem>>[vector<16xi32>], vector<16xi32>,
        %mul3A_1736 = arith.constant 16 : i32
        %mul3A_1737 = arith.muli %add3A_506, %mul3A_1736 : i32
        %add3A_1738 = arith.constant 0 : i32
        %add3A_1739 = arith.addi %mul3A_1737, %add3A_1738 : i32
        %swap3A_1740 = arith.index_cast %add3A_1739 : i32 to index
        %swap3A_1741 = arith.constant 96 : index
        %swap3A_1742 = tpu.vector_load %arg32[%swap3A_1740, %swap3A_1741] {strides = array<i32>} : memref<416x128xi32, #tpu.memory_space<vmem>>, vector<16xi32>,
        tpu.vector_store %arg32[%swap3A_1740, %swap3A_1741], %gather3A_1675 {strides = array<i32>} : memref<416x128xi32, #tpu.memory_space<vmem>>, vector<16xi32>,
        %mul3A_1743 = arith.constant 16 : i32
        %mul3A_1744 = arith.muli %add3A_506, %mul3A_1743 : i32
        %add3A_1745 = arith.constant 1 : i32
        %add3A_1746 = arith.addi %mul3A_1744, %add3A_1745 : i32
        %swap3A_1747 = arith.index_cast %add3A_1746 : i32 to index
        %swap3A_1748 = arith.constant 96 : index
        %swap3A_1749 = tpu.vector_load %arg32[%swap3A_1747, %swap3A_1748] {strides = array<i32>} : memref<416x128xi32, #tpu.memory_space<vmem>>, vector<16xi32>,
        tpu.vector_store %arg32[%swap3A_1747, %swap3A_1748], %gather3A_1679 {strides = array<i32>} : memref<416x128xi32, #tpu.memory_space<vmem>>, vector<16xi32>,
        %mul3A_1750 = arith.constant 16 : i32
        %mul3A_1751 = arith.muli %add3A_506, %mul3A_1750 : i32
        %add3A_1752 = arith.constant 2 : i32
        %add3A_1753 = arith.addi %mul3A_1751, %add3A_1752 : i32
        %swap3A_1754 = arith.index_cast %add3A_1753 : i32 to index
        %swap3A_1755 = arith.constant 96 : index
        %swap3A_1756 = tpu.vector_load %arg32[%swap3A_1754, %swap3A_1755] {strides = array<i32>} : memref<416x128xi32, #tpu.memory_space<vmem>>, vector<16xi32>,
        tpu.vector_store %arg32[%swap3A_1754, %swap3A_1755], %gather3A_1683 {strides = array<i32>} : memref<416x128xi32, #tpu.memory_space<vmem>>, vector<16xi32>,
        %mul3A_1757 = arith.constant 16 : i32
        %mul3A_1758 = arith.muli %add3A_506, %mul3A_1757 : i32
        %add3A_1759 = arith.constant 3 : i32
        %add3A_1760 = arith.addi %mul3A_1758, %add3A_1759 : i32
        %swap3A_1761 = arith.index_cast %add3A_1760 : i32 to index
        %swap3A_1762 = arith.constant 96 : index
        %swap3A_1763 = tpu.vector_load %arg32[%swap3A_1761, %swap3A_1762] {strides = array<i32>} : memref<416x128xi32, #tpu.memory_space<vmem>>, vector<16xi32>,
        tpu.vector_store %arg32[%swap3A_1761, %swap3A_1762], %gather3A_1687 {strides = array<i32>} : memref<416x128xi32, #tpu.memory_space<vmem>>, vector<16xi32>,
        %mul3A_1764 = arith.constant 16 : i32
        %mul3A_1765 = arith.muli %add3A_506, %mul3A_1764 : i32
        %add3A_1766 = arith.constant 4 : i32
        %add3A_1767 = arith.addi %mul3A_1765, %add3A_1766 : i32
        %swap3A_1768 = arith.index_cast %add3A_1767 : i32 to index
        %swap3A_1769 = arith.constant 96 : index
        %swap3A_1770 = tpu.vector_load %arg32[%swap3A_1768, %swap3A_1769] {strides = array<i32>} : memref<416x128xi32, #tpu.memory_space<vmem>>, vector<16xi32>,
        tpu.vector_store %arg32[%swap3A_1768, %swap3A_1769], %gather3A_1691 {strides = array<i32>} : memref<416x128xi32, #tpu.memory_space<vmem>>, vector<16xi32>,
        %mul3A_1771 = arith.constant 16 : i32
        %mul3A_1772 = arith.muli %add3A_506, %mul3A_1771 : i32
        %add3A_1773 = arith.constant 5 : i32
        %add3A_1774 = arith.addi %mul3A_1772, %add3A_1773 : i32
        %swap3A_1775 = arith.index_cast %add3A_1774 : i32 to index
        %swap3A_1776 = arith.constant 96 : index
        %swap3A_1777 = tpu.vector_load %arg32[%swap3A_1775, %swap3A_1776] {strides = array<i32>} : memref<416x128xi32, #tpu.memory_space<vmem>>, vector<16xi32>,
        tpu.vector_store %arg32[%swap3A_1775, %swap3A_1776], %gather3A_1695 {strides = array<i32>} : memref<416x128xi32, #tpu.memory_space<vmem>>, vector<16xi32>,
        %mul3A_1778 = arith.constant 16 : i32
        %mul3A_1779 = arith.muli %add3A_506, %mul3A_1778 : i32
        %add3A_1780 = arith.constant 6 : i32
        %add3A_1781 = arith.addi %mul3A_1779, %add3A_1780 : i32
        %swap3A_1782 = arith.index_cast %add3A_1781 : i32 to index
        %swap3A_1783 = arith.constant 96 : index
        %swap3A_1784 = tpu.vector_load %arg32[%swap3A_1782, %swap3A_1783] {strides = array<i32>} : memref<416x128xi32, #tpu.memory_space<vmem>>, vector<16xi32>,
        tpu.vector_store %arg32[%swap3A_1782, %swap3A_1783], %gather3A_1699 {strides = array<i32>} : memref<416x128xi32, #tpu.memory_space<vmem>>, vector<16xi32>,
        %mul3A_1785 = arith.constant 16 : i32
        %mul3A_1786 = arith.muli %add3A_506, %mul3A_1785 : i32
        %add3A_1787 = arith.constant 7 : i32
        %add3A_1788 = arith.addi %mul3A_1786, %add3A_1787 : i32
        %swap3A_1789 = arith.index_cast %add3A_1788 : i32 to index
        %swap3A_1790 = arith.constant 96 : index
        %swap3A_1791 = tpu.vector_load %arg32[%swap3A_1789, %swap3A_1790] {strides = array<i32>} : memref<416x128xi32, #tpu.memory_space<vmem>>, vector<16xi32>,
        tpu.vector_store %arg32[%swap3A_1789, %swap3A_1790], %gather3A_1703 {strides = array<i32>} : memref<416x128xi32, #tpu.memory_space<vmem>>, vector<16xi32>,
        %mul3A_1792 = arith.constant 16 : i32
        %mul3A_1793 = arith.muli %add3A_506, %mul3A_1792 : i32
        %add3A_1794 = arith.constant 8 : i32
        %add3A_1795 = arith.addi %mul3A_1793, %add3A_1794 : i32
        %swap3A_1796 = arith.index_cast %add3A_1795 : i32 to index
        %swap3A_1797 = arith.constant 96 : index
        %swap3A_1798 = tpu.vector_load %arg32[%swap3A_1796, %swap3A_1797] {strides = array<i32>} : memref<416x128xi32, #tpu.memory_space<vmem>>, vector<16xi32>,
        tpu.vector_store %arg32[%swap3A_1796, %swap3A_1797], %gather3A_1707 {strides = array<i32>} : memref<416x128xi32, #tpu.memory_space<vmem>>, vector<16xi32>,
        %mul3A_1799 = arith.constant 16 : i32
        %mul3A_1800 = arith.muli %add3A_506, %mul3A_1799 : i32
        %add3A_1801 = arith.constant 9 : i32
        %add3A_1802 = arith.addi %mul3A_1800, %add3A_1801 : i32
        %swap3A_1803 = arith.index_cast %add3A_1802 : i32 to index
        %swap3A_1804 = arith.constant 96 : index
        %swap3A_1805 = tpu.vector_load %arg32[%swap3A_1803, %swap3A_1804] {strides = array<i32>} : memref<416x128xi32, #tpu.memory_space<vmem>>, vector<16xi32>,
        tpu.vector_store %arg32[%swap3A_1803, %swap3A_1804], %gather3A_1711 {strides = array<i32>} : memref<416x128xi32, #tpu.memory_space<vmem>>, vector<16xi32>,
        %mul3A_1806 = arith.constant 16 : i32
        %mul3A_1807 = arith.muli %add3A_506, %mul3A_1806 : i32
        %add3A_1808 = arith.constant 10 : i32
        %add3A_1809 = arith.addi %mul3A_1807, %add3A_1808 : i32
        %swap3A_1810 = arith.index_cast %add3A_1809 : i32 to index
        %swap3A_1811 = arith.constant 96 : index
        %swap3A_1812 = tpu.vector_load %arg32[%swap3A_1810, %swap3A_1811] {strides = array<i32>} : memref<416x128xi32, #tpu.memory_space<vmem>>, vector<16xi32>,
        tpu.vector_store %arg32[%swap3A_1810, %swap3A_1811], %gather3A_1715 {strides = array<i32>} : memref<416x128xi32, #tpu.memory_space<vmem>>, vector<16xi32>,
        %mul3A_1813 = arith.constant 16 : i32
        %mul3A_1814 = arith.muli %add3A_506, %mul3A_1813 : i32
        %add3A_1815 = arith.constant 11 : i32
        %add3A_1816 = arith.addi %mul3A_1814, %add3A_1815 : i32
        %swap3A_1817 = arith.index_cast %add3A_1816 : i32 to index
        %swap3A_1818 = arith.constant 96 : index
        %swap3A_1819 = tpu.vector_load %arg32[%swap3A_1817, %swap3A_1818] {strides = array<i32>} : memref<416x128xi32, #tpu.memory_space<vmem>>, vector<16xi32>,
        tpu.vector_store %arg32[%swap3A_1817, %swap3A_1818], %gather3A_1719 {strides = array<i32>} : memref<416x128xi32, #tpu.memory_space<vmem>>, vector<16xi32>,
        %mul3A_1820 = arith.constant 16 : i32
        %mul3A_1821 = arith.muli %add3A_506, %mul3A_1820 : i32
        %add3A_1822 = arith.constant 12 : i32
        %add3A_1823 = arith.addi %mul3A_1821, %add3A_1822 : i32
        %swap3A_1824 = arith.index_cast %add3A_1823 : i32 to index
        %swap3A_1825 = arith.constant 96 : index
        %swap3A_1826 = tpu.vector_load %arg32[%swap3A_1824, %swap3A_1825] {strides = array<i32>} : memref<416x128xi32, #tpu.memory_space<vmem>>, vector<16xi32>,
        tpu.vector_store %arg32[%swap3A_1824, %swap3A_1825], %gather3A_1723 {strides = array<i32>} : memref<416x128xi32, #tpu.memory_space<vmem>>, vector<16xi32>,
        %mul3A_1827 = arith.constant 16 : i32
        %mul3A_1828 = arith.muli %add3A_506, %mul3A_1827 : i32
        %add3A_1829 = arith.constant 13 : i32
        %add3A_1830 = arith.addi %mul3A_1828, %add3A_1829 : i32
        %swap3A_1831 = arith.index_cast %add3A_1830 : i32 to index
        %swap3A_1832 = arith.constant 96 : index
        %swap3A_1833 = tpu.vector_load %arg32[%swap3A_1831, %swap3A_1832] {strides = array<i32>} : memref<416x128xi32, #tpu.memory_space<vmem>>, vector<16xi32>,
        tpu.vector_store %arg32[%swap3A_1831, %swap3A_1832], %gather3A_1727 {strides = array<i32>} : memref<416x128xi32, #tpu.memory_space<vmem>>, vector<16xi32>,
        %mul3A_1834 = arith.constant 16 : i32
        %mul3A_1835 = arith.muli %add3A_506, %mul3A_1834 : i32
        %add3A_1836 = arith.constant 14 : i32
        %add3A_1837 = arith.addi %mul3A_1835, %add3A_1836 : i32
        %swap3A_1838 = arith.index_cast %add3A_1837 : i32 to index
        %swap3A_1839 = arith.constant 96 : index
        %swap3A_1840 = tpu.vector_load %arg32[%swap3A_1838, %swap3A_1839] {strides = array<i32>} : memref<416x128xi32, #tpu.memory_space<vmem>>, vector<16xi32>,
        tpu.vector_store %arg32[%swap3A_1838, %swap3A_1839], %gather3A_1731 {strides = array<i32>} : memref<416x128xi32, #tpu.memory_space<vmem>>, vector<16xi32>,
        %mul3A_1841 = arith.constant 16 : i32
        %mul3A_1842 = arith.muli %add3A_506, %mul3A_1841 : i32
        %add3A_1843 = arith.constant 15 : i32
        %add3A_1844 = arith.addi %mul3A_1842, %add3A_1843 : i32
        %swap3A_1845 = arith.index_cast %add3A_1844 : i32 to index
        %swap3A_1846 = arith.constant 96 : index
        %swap3A_1847 = tpu.vector_load %arg32[%swap3A_1845, %swap3A_1846] {strides = array<i32>} : memref<416x128xi32, #tpu.memory_space<vmem>>, vector<16xi32>,
        tpu.vector_store %arg32[%swap3A_1845, %swap3A_1846], %gather3A_1735 {strides = array<i32>} : memref<416x128xi32, #tpu.memory_space<vmem>>, vector<16xi32>,
        %mul3A_1848 = arith.constant 512 : i32
        %mul3A_1849 = arith.muli %add3A_506, %mul3A_1848 : i32
        %mul3A_1850 = arith.constant 128 : i32
        %mul3A_1851 = arith.muli %add3A_453, %mul3A_1850 : i32
        %add3A_1852 = arith.addi %mul3A_1849, %mul3A_1851 : i32
        %add3A_1853 = arith.constant 112 : i32
        %add3A_1854 = arith.addi %add3A_1852, %add3A_1853 : i32
        %get3A_1855 = arith.index_cast %add3A_1854 : i32 to index
        %get3A_1856 = tpu.vector_load %arg30[%get3A_1855] {strides = array<i32>} : memref<13312xi32, #tpu.memory_space<vmem>>, vector<16xi32>,
        %mul3A_1857 = arith.constant 17 : i32
        %mul3A_1858 = vector.broadcast %mul3A_1857 : i32 to vector<16xi32>
        %mul3A_1859 = arith.muli %get3A_1856, %mul3A_1858 : vector<16xi32>
        %mul3A_1860 = arith.constant 2040 : i32
        %mul3A_1861 = arith.muli %add3A_506, %mul3A_1860 : i32
        %add3A_1862 = vector.broadcast %mul3A_1861 : i32 to vector<16xi32>
        %add3A_1863 = arith.addi %mul3A_1859, %add3A_1862 : vector<16xi32>
        %add3A_1864 = arith.constant 0 : i32
        %add3A_1865 = vector.broadcast %add3A_1864 : i32 to vector<16xi32>
        %add3A_1866 = arith.addi %add3A_1863, %add3A_1865 : vector<16xi32>
        %gather3A_1867 = tpu.vector_load_idx %arg31[%add3A_1866] : memref<53040xi32, #tpu.memory_space<vmem>>[vector<16xi32>], vector<16xi32>,
        %add3A_1868 = arith.constant 1 : i32
        %add3A_1869 = vector.broadcast %add3A_1868 : i32 to vector<16xi32>
        %add3A_1870 = arith.addi %add3A_1863, %add3A_1869 : vector<16xi32>
        %gather3A_1871 = tpu.vector_load_idx %arg31[%add3A_1870] : memref<53040xi32, #tpu.memory_space<vmem>>[vector<16xi32>], vector<16xi32>,
        %add3A_1872 = arith.constant 2 : i32
        %add3A_1873 = vector.broadcast %add3A_1872 : i32 to vector<16xi32>
        %add3A_1874 = arith.addi %add3A_1863, %add3A_1873 : vector<16xi32>
        %gather3A_1875 = tpu.vector_load_idx %arg31[%add3A_1874] : memref<53040xi32, #tpu.memory_space<vmem>>[vector<16xi32>], vector<16xi32>,
        %add3A_1876 = arith.constant 3 : i32
        %add3A_1877 = vector.broadcast %add3A_1876 : i32 to vector<16xi32>
        %add3A_1878 = arith.addi %add3A_1863, %add3A_1877 : vector<16xi32>
        %gather3A_1879 = tpu.vector_load_idx %arg31[%add3A_1878] : memref<53040xi32, #tpu.memory_space<vmem>>[vector<16xi32>], vector<16xi32>,
        %add3A_1880 = arith.constant 4 : i32
        %add3A_1881 = vector.broadcast %add3A_1880 : i32 to vector<16xi32>
        %add3A_1882 = arith.addi %add3A_1863, %add3A_1881 : vector<16xi32>
        %gather3A_1883 = tpu.vector_load_idx %arg31[%add3A_1882] : memref<53040xi32, #tpu.memory_space<vmem>>[vector<16xi32>], vector<16xi32>,
        %add3A_1884 = arith.constant 5 : i32
        %add3A_1885 = vector.broadcast %add3A_1884 : i32 to vector<16xi32>
        %add3A_1886 = arith.addi %add3A_1863, %add3A_1885 : vector<16xi32>
        %gather3A_1887 = tpu.vector_load_idx %arg31[%add3A_1886] : memref<53040xi32, #tpu.memory_space<vmem>>[vector<16xi32>], vector<16xi32>,
        %add3A_1888 = arith.constant 6 : i32
        %add3A_1889 = vector.broadcast %add3A_1888 : i32 to vector<16xi32>
        %add3A_1890 = arith.addi %add3A_1863, %add3A_1889 : vector<16xi32>
        %gather3A_1891 = tpu.vector_load_idx %arg31[%add3A_1890] : memref<53040xi32, #tpu.memory_space<vmem>>[vector<16xi32>], vector<16xi32>,
        %add3A_1892 = arith.constant 7 : i32
        %add3A_1893 = vector.broadcast %add3A_1892 : i32 to vector<16xi32>
        %add3A_1894 = arith.addi %add3A_1863, %add3A_1893 : vector<16xi32>
        %gather3A_1895 = tpu.vector_load_idx %arg31[%add3A_1894] : memref<53040xi32, #tpu.memory_space<vmem>>[vector<16xi32>], vector<16xi32>,
        %add3A_1896 = arith.constant 8 : i32
        %add3A_1897 = vector.broadcast %add3A_1896 : i32 to vector<16xi32>
        %add3A_1898 = arith.addi %add3A_1863, %add3A_1897 : vector<16xi32>
        %gather3A_1899 = tpu.vector_load_idx %arg31[%add3A_1898] : memref<53040xi32, #tpu.memory_space<vmem>>[vector<16xi32>], vector<16xi32>,
        %add3A_1900 = arith.constant 9 : i32
        %add3A_1901 = vector.broadcast %add3A_1900 : i32 to vector<16xi32>
        %add3A_1902 = arith.addi %add3A_1863, %add3A_1901 : vector<16xi32>
        %gather3A_1903 = tpu.vector_load_idx %arg31[%add3A_1902] : memref<53040xi32, #tpu.memory_space<vmem>>[vector<16xi32>], vector<16xi32>,
        %add3A_1904 = arith.constant 10 : i32
        %add3A_1905 = vector.broadcast %add3A_1904 : i32 to vector<16xi32>
        %add3A_1906 = arith.addi %add3A_1863, %add3A_1905 : vector<16xi32>
        %gather3A_1907 = tpu.vector_load_idx %arg31[%add3A_1906] : memref<53040xi32, #tpu.memory_space<vmem>>[vector<16xi32>], vector<16xi32>,
        %add3A_1908 = arith.constant 11 : i32
        %add3A_1909 = vector.broadcast %add3A_1908 : i32 to vector<16xi32>
        %add3A_1910 = arith.addi %add3A_1863, %add3A_1909 : vector<16xi32>
        %gather3A_1911 = tpu.vector_load_idx %arg31[%add3A_1910] : memref<53040xi32, #tpu.memory_space<vmem>>[vector<16xi32>], vector<16xi32>,
        %add3A_1912 = arith.constant 12 : i32
        %add3A_1913 = vector.broadcast %add3A_1912 : i32 to vector<16xi32>
        %add3A_1914 = arith.addi %add3A_1863, %add3A_1913 : vector<16xi32>
        %gather3A_1915 = tpu.vector_load_idx %arg31[%add3A_1914] : memref<53040xi32, #tpu.memory_space<vmem>>[vector<16xi32>], vector<16xi32>,
        %add3A_1916 = arith.constant 13 : i32
        %add3A_1917 = vector.broadcast %add3A_1916 : i32 to vector<16xi32>
        %add3A_1918 = arith.addi %add3A_1863, %add3A_1917 : vector<16xi32>
        %gather3A_1919 = tpu.vector_load_idx %arg31[%add3A_1918] : memref<53040xi32, #tpu.memory_space<vmem>>[vector<16xi32>], vector<16xi32>,
        %add3A_1920 = arith.constant 14 : i32
        %add3A_1921 = vector.broadcast %add3A_1920 : i32 to vector<16xi32>
        %add3A_1922 = arith.addi %add3A_1863, %add3A_1921 : vector<16xi32>
        %gather3A_1923 = tpu.vector_load_idx %arg31[%add3A_1922] : memref<53040xi32, #tpu.memory_space<vmem>>[vector<16xi32>], vector<16xi32>,
        %add3A_1924 = arith.constant 15 : i32
        %add3A_1925 = vector.broadcast %add3A_1924 : i32 to vector<16xi32>
        %add3A_1926 = arith.addi %add3A_1863, %add3A_1925 : vector<16xi32>
        %gather3A_1927 = tpu.vector_load_idx %arg31[%add3A_1926] : memref<53040xi32, #tpu.memory_space<vmem>>[vector<16xi32>], vector<16xi32>,
        %mul3A_1928 = arith.constant 16 : i32
        %mul3A_1929 = arith.muli %add3A_506, %mul3A_1928 : i32
        %add3A_1930 = arith.constant 0 : i32
        %add3A_1931 = arith.addi %mul3A_1929, %add3A_1930 : i32
        %swap3A_1932 = arith.index_cast %add3A_1931 : i32 to index
        %swap3A_1933 = arith.constant 112 : index
        %swap3A_1934 = tpu.vector_load %arg32[%swap3A_1932, %swap3A_1933] {strides = array<i32>} : memref<416x128xi32, #tpu.memory_space<vmem>>, vector<16xi32>,
        tpu.vector_store %arg32[%swap3A_1932, %swap3A_1933], %gather3A_1867 {strides = array<i32>} : memref<416x128xi32, #tpu.memory_space<vmem>>, vector<16xi32>,
        %mul3A_1935 = arith.constant 16 : i32
        %mul3A_1936 = arith.muli %add3A_506, %mul3A_1935 : i32
        %add3A_1937 = arith.constant 1 : i32
        %add3A_1938 = arith.addi %mul3A_1936, %add3A_1937 : i32
        %swap3A_1939 = arith.index_cast %add3A_1938 : i32 to index
        %swap3A_1940 = arith.constant 112 : index
        %swap3A_1941 = tpu.vector_load %arg32[%swap3A_1939, %swap3A_1940] {strides = array<i32>} : memref<416x128xi32, #tpu.memory_space<vmem>>, vector<16xi32>,
        tpu.vector_store %arg32[%swap3A_1939, %swap3A_1940], %gather3A_1871 {strides = array<i32>} : memref<416x128xi32, #tpu.memory_space<vmem>>, vector<16xi32>,
        %mul3A_1942 = arith.constant 16 : i32
        %mul3A_1943 = arith.muli %add3A_506, %mul3A_1942 : i32
        %add3A_1944 = arith.constant 2 : i32
        %add3A_1945 = arith.addi %mul3A_1943, %add3A_1944 : i32
        %swap3A_1946 = arith.index_cast %add3A_1945 : i32 to index
        %swap3A_1947 = arith.constant 112 : index
        %swap3A_1948 = tpu.vector_load %arg32[%swap3A_1946, %swap3A_1947] {strides = array<i32>} : memref<416x128xi32, #tpu.memory_space<vmem>>, vector<16xi32>,
        tpu.vector_store %arg32[%swap3A_1946, %swap3A_1947], %gather3A_1875 {strides = array<i32>} : memref<416x128xi32, #tpu.memory_space<vmem>>, vector<16xi32>,
        %mul3A_1949 = arith.constant 16 : i32
        %mul3A_1950 = arith.muli %add3A_506, %mul3A_1949 : i32
        %add3A_1951 = arith.constant 3 : i32
        %add3A_1952 = arith.addi %mul3A_1950, %add3A_1951 : i32
        %swap3A_1953 = arith.index_cast %add3A_1952 : i32 to index
        %swap3A_1954 = arith.constant 112 : index
        %swap3A_1955 = tpu.vector_load %arg32[%swap3A_1953, %swap3A_1954] {strides = array<i32>} : memref<416x128xi32, #tpu.memory_space<vmem>>, vector<16xi32>,
        tpu.vector_store %arg32[%swap3A_1953, %swap3A_1954], %gather3A_1879 {strides = array<i32>} : memref<416x128xi32, #tpu.memory_space<vmem>>, vector<16xi32>,
        %mul3A_1956 = arith.constant 16 : i32
        %mul3A_1957 = arith.muli %add3A_506, %mul3A_1956 : i32
        %add3A_1958 = arith.constant 4 : i32
        %add3A_1959 = arith.addi %mul3A_1957, %add3A_1958 : i32
        %swap3A_1960 = arith.index_cast %add3A_1959 : i32 to index
        %swap3A_1961 = arith.constant 112 : index
        %swap3A_1962 = tpu.vector_load %arg32[%swap3A_1960, %swap3A_1961] {strides = array<i32>} : memref<416x128xi32, #tpu.memory_space<vmem>>, vector<16xi32>,
        tpu.vector_store %arg32[%swap3A_1960, %swap3A_1961], %gather3A_1883 {strides = array<i32>} : memref<416x128xi32, #tpu.memory_space<vmem>>, vector<16xi32>,
        %mul3A_1963 = arith.constant 16 : i32
        %mul3A_1964 = arith.muli %add3A_506, %mul3A_1963 : i32
        %add3A_1965 = arith.constant 5 : i32
        %add3A_1966 = arith.addi %mul3A_1964, %add3A_1965 : i32
        %swap3A_1967 = arith.index_cast %add3A_1966 : i32 to index
        %swap3A_1968 = arith.constant 112 : index
        %swap3A_1969 = tpu.vector_load %arg32[%swap3A_1967, %swap3A_1968] {strides = array<i32>} : memref<416x128xi32, #tpu.memory_space<vmem>>, vector<16xi32>,
        tpu.vector_store %arg32[%swap3A_1967, %swap3A_1968], %gather3A_1887 {strides = array<i32>} : memref<416x128xi32, #tpu.memory_space<vmem>>, vector<16xi32>,
        %mul3A_1970 = arith.constant 16 : i32
        %mul3A_1971 = arith.muli %add3A_506, %mul3A_1970 : i32
        %add3A_1972 = arith.constant 6 : i32
        %add3A_1973 = arith.addi %mul3A_1971, %add3A_1972 : i32
        %swap3A_1974 = arith.index_cast %add3A_1973 : i32 to index
        %swap3A_1975 = arith.constant 112 : index
        %swap3A_1976 = tpu.vector_load %arg32[%swap3A_1974, %swap3A_1975] {strides = array<i32>} : memref<416x128xi32, #tpu.memory_space<vmem>>, vector<16xi32>,
        tpu.vector_store %arg32[%swap3A_1974, %swap3A_1975], %gather3A_1891 {strides = array<i32>} : memref<416x128xi32, #tpu.memory_space<vmem>>, vector<16xi32>,
        %mul3A_1977 = arith.constant 16 : i32
        %mul3A_1978 = arith.muli %add3A_506, %mul3A_1977 : i32
        %add3A_1979 = arith.constant 7 : i32
        %add3A_1980 = arith.addi %mul3A_1978, %add3A_1979 : i32
        %swap3A_1981 = arith.index_cast %add3A_1980 : i32 to index
        %swap3A_1982 = arith.constant 112 : index
        %swap3A_1983 = tpu.vector_load %arg32[%swap3A_1981, %swap3A_1982] {strides = array<i32>} : memref<416x128xi32, #tpu.memory_space<vmem>>, vector<16xi32>,
        tpu.vector_store %arg32[%swap3A_1981, %swap3A_1982], %gather3A_1895 {strides = array<i32>} : memref<416x128xi32, #tpu.memory_space<vmem>>, vector<16xi32>,
        %mul3A_1984 = arith.constant 16 : i32
        %mul3A_1985 = arith.muli %add3A_506, %mul3A_1984 : i32
        %add3A_1986 = arith.constant 8 : i32
        %add3A_1987 = arith.addi %mul3A_1985, %add3A_1986 : i32
        %swap3A_1988 = arith.index_cast %add3A_1987 : i32 to index
        %swap3A_1989 = arith.constant 112 : index
        %swap3A_1990 = tpu.vector_load %arg32[%swap3A_1988, %swap3A_1989] {strides = array<i32>} : memref<416x128xi32, #tpu.memory_space<vmem>>, vector<16xi32>,
        tpu.vector_store %arg32[%swap3A_1988, %swap3A_1989], %gather3A_1899 {strides = array<i32>} : memref<416x128xi32, #tpu.memory_space<vmem>>, vector<16xi32>,
        %mul3A_1991 = arith.constant 16 : i32
        %mul3A_1992 = arith.muli %add3A_506, %mul3A_1991 : i32
        %add3A_1993 = arith.constant 9 : i32
        %add3A_1994 = arith.addi %mul3A_1992, %add3A_1993 : i32
        %swap3A_1995 = arith.index_cast %add3A_1994 : i32 to index
        %swap3A_1996 = arith.constant 112 : index
        %swap3A_1997 = tpu.vector_load %arg32[%swap3A_1995, %swap3A_1996] {strides = array<i32>} : memref<416x128xi32, #tpu.memory_space<vmem>>, vector<16xi32>,
        tpu.vector_store %arg32[%swap3A_1995, %swap3A_1996], %gather3A_1903 {strides = array<i32>} : memref<416x128xi32, #tpu.memory_space<vmem>>, vector<16xi32>,
        %mul3A_1998 = arith.constant 16 : i32
        %mul3A_1999 = arith.muli %add3A_506, %mul3A_1998 : i32
        %add3A_2000 = arith.constant 10 : i32
        %add3A_2001 = arith.addi %mul3A_1999, %add3A_2000 : i32
        %swap3A_2002 = arith.index_cast %add3A_2001 : i32 to index
        %swap3A_2003 = arith.constant 112 : index
        %swap3A_2004 = tpu.vector_load %arg32[%swap3A_2002, %swap3A_2003] {strides = array<i32>} : memref<416x128xi32, #tpu.memory_space<vmem>>, vector<16xi32>,
        tpu.vector_store %arg32[%swap3A_2002, %swap3A_2003], %gather3A_1907 {strides = array<i32>} : memref<416x128xi32, #tpu.memory_space<vmem>>, vector<16xi32>,
        %mul3A_2005 = arith.constant 16 : i32
        %mul3A_2006 = arith.muli %add3A_506, %mul3A_2005 : i32
        %add3A_2007 = arith.constant 11 : i32
        %add3A_2008 = arith.addi %mul3A_2006, %add3A_2007 : i32
        %swap3A_2009 = arith.index_cast %add3A_2008 : i32 to index
        %swap3A_2010 = arith.constant 112 : index
        %swap3A_2011 = tpu.vector_load %arg32[%swap3A_2009, %swap3A_2010] {strides = array<i32>} : memref<416x128xi32, #tpu.memory_space<vmem>>, vector<16xi32>,
        tpu.vector_store %arg32[%swap3A_2009, %swap3A_2010], %gather3A_1911 {strides = array<i32>} : memref<416x128xi32, #tpu.memory_space<vmem>>, vector<16xi32>,
        %mul3A_2012 = arith.constant 16 : i32
        %mul3A_2013 = arith.muli %add3A_506, %mul3A_2012 : i32
        %add3A_2014 = arith.constant 12 : i32
        %add3A_2015 = arith.addi %mul3A_2013, %add3A_2014 : i32
        %swap3A_2016 = arith.index_cast %add3A_2015 : i32 to index
        %swap3A_2017 = arith.constant 112 : index
        %swap3A_2018 = tpu.vector_load %arg32[%swap3A_2016, %swap3A_2017] {strides = array<i32>} : memref<416x128xi32, #tpu.memory_space<vmem>>, vector<16xi32>,
        tpu.vector_store %arg32[%swap3A_2016, %swap3A_2017], %gather3A_1915 {strides = array<i32>} : memref<416x128xi32, #tpu.memory_space<vmem>>, vector<16xi32>,
        %mul3A_2019 = arith.constant 16 : i32
        %mul3A_2020 = arith.muli %add3A_506, %mul3A_2019 : i32
        %add3A_2021 = arith.constant 13 : i32
        %add3A_2022 = arith.addi %mul3A_2020, %add3A_2021 : i32
        %swap3A_2023 = arith.index_cast %add3A_2022 : i32 to index
        %swap3A_2024 = arith.constant 112 : index
        %swap3A_2025 = tpu.vector_load %arg32[%swap3A_2023, %swap3A_2024] {strides = array<i32>} : memref<416x128xi32, #tpu.memory_space<vmem>>, vector<16xi32>,
        tpu.vector_store %arg32[%swap3A_2023, %swap3A_2024], %gather3A_1919 {strides = array<i32>} : memref<416x128xi32, #tpu.memory_space<vmem>>, vector<16xi32>,
        %mul3A_2026 = arith.constant 16 : i32
        %mul3A_2027 = arith.muli %add3A_506, %mul3A_2026 : i32
        %add3A_2028 = arith.constant 14 : i32
        %add3A_2029 = arith.addi %mul3A_2027, %add3A_2028 : i32
        %swap3A_2030 = arith.index_cast %add3A_2029 : i32 to index
        %swap3A_2031 = arith.constant 112 : index
        %swap3A_2032 = tpu.vector_load %arg32[%swap3A_2030, %swap3A_2031] {strides = array<i32>} : memref<416x128xi32, #tpu.memory_space<vmem>>, vector<16xi32>,
        tpu.vector_store %arg32[%swap3A_2030, %swap3A_2031], %gather3A_1923 {strides = array<i32>} : memref<416x128xi32, #tpu.memory_space<vmem>>, vector<16xi32>,
        %mul3A_2033 = arith.constant 16 : i32
        %mul3A_2034 = arith.muli %add3A_506, %mul3A_2033 : i32
        %add3A_2035 = arith.constant 15 : i32
        %add3A_2036 = arith.addi %mul3A_2034, %add3A_2035 : i32
        %swap3A_2037 = arith.index_cast %add3A_2036 : i32 to index
        %swap3A_2038 = arith.constant 112 : index
        %swap3A_2039 = tpu.vector_load %arg32[%swap3A_2037, %swap3A_2038] {strides = array<i32>} : memref<416x128xi32, #tpu.memory_space<vmem>>, vector<16xi32>,
        tpu.vector_store %arg32[%swap3A_2037, %swap3A_2038], %gather3A_1927 {strides = array<i32>} : memref<416x128xi32, #tpu.memory_space<vmem>>, vector<16xi32>,
      }
      %scan3A_463 = arith.constant 13 : i32
      %dma_start3A_464 = arith.constant 0 : i32
      %dma_start3A_465 = arith.constant 0 : i32
      %dma_start3A_466 = tpu.memref_slice %arg32[%dma_start3A_464, %dma_start3A_465] : memref<416x128xi32, #tpu.memory_space<vmem>> -> memref<208x128xi32, #tpu.memory_space<vmem>>
      %dma_start3A_467 = arith.constant 0 : i32
      %dma_start3A_468 = arith.constant 0 : i32
      %dma_start3A_469 = tpu.memref_slice %arg29[%add3A_456, %dma_start3A_467, %dma_start3A_468] : memref<128x416x128xi32, #tpu.memory_space<hbm>> -> memref<1x208x128xi32, #tpu.memory_space<hbm>>
      %dma_start3A_470 = tpu.memref_squeeze %dma_start3A_469 : memref<1x208x128xi32, #tpu.memory_space<hbm>> -> memref<208x128xi32, #tpu.memory_space<hbm>>
      %dma_start3A_471 = arith.constant 0 : i32
      %dma_start3A_472 = arith.constant 0 : i32
      %dma_start3A_473 = tpu.memref_slice %arg29[%add3A_456, %dma_start3A_471, %dma_start3A_472] : memref<128x416x128xi32, #tpu.memory_space<hbm>> -> memref<1x208x128xi32, #tpu.memory_space<hbm>>
      %dma_start3A_474 = tpu.memref_squeeze %dma_start3A_473 : memref<1x208x128xi32, #tpu.memory_space<hbm>> -> memref<208x128xi32, #tpu.memory_space<hbm>>
      %dma_start3A_475 = arith.constant 0 : i32
      %dma_start3A_476 = arith.constant 0 : i32
      %dma_start3A_477 = tpu.memref_slice %arg32[%dma_start3A_475, %dma_start3A_476] : memref<416x128xi32, #tpu.memory_space<vmem>> -> memref<208x128xi32, #tpu.memory_space<vmem>>
      tpu.enqueue_dma source(%dma_start3A_477 : memref<208x128xi32, #tpu.memory_space<vmem>>) target(%dma_start3A_474 : memref<208x128xi32, #tpu.memory_space<hbm>>) target_semaphore(%arg33 : memref<!tpu.dma_semaphore, #tpu.memory_space<semaphore_mem>>)
      %gt3A_478 = arith.constant 0 : i32
      %gt3A_479 = arith.cmpi sgt, %add3A_453, %gt3A_478 : i32
      %convert_element_type3A_480 = arith.extui %gt3A_479 : i1 to i32
      %cond3A_481 = arith.constant 0 : i32
      %cond3A_482 = arith.cmpi ne, %convert_element_type3A_480, %cond3A_481 : i32
      scf.if %cond3A_482 {
        %dma_wait3A_502 = arith.constant 0 : i32
        %dma_wait3A_503 = arith.constant 208 : i32
        %dma_wait3A_504 = arith.constant 0 : i32
        %dma_wait3A_505 = tpu.memref_slice %arg32[%dma_wait3A_503, %dma_wait3A_504] : memref<416x128xi32, #tpu.memory_space<vmem>> -> memref<208x128xi32, #tpu.memory_space<vmem>>
        %dma_wait3A_506 = arith.constant 208 : i32
        %dma_wait3A_507 = arith.constant 0 : i32
        %dma_wait3A_508 = tpu.memref_slice %arg29[%dma_wait3A_502, %dma_wait3A_506, %dma_wait3A_507] : memref<128x416x128xi32, #tpu.memory_space<hbm>> -> memref<1x208x128xi32, #tpu.memory_space<hbm>>
        %dma_wait3A_509 = tpu.memref_squeeze %dma_wait3A_508 : memref<1x208x128xi32, #tpu.memory_space<hbm>> -> memref<208x128xi32, #tpu.memory_space<hbm>>
        %dma_wait3A_510 = arith.constant 208 : i32
        %dma_wait3A_511 = arith.constant 0 : i32
        %dma_wait3A_512 = tpu.memref_slice %arg32[%dma_wait3A_510, %dma_wait3A_511] : memref<416x128xi32, #tpu.memory_space<vmem>> -> memref<208x128xi32, #tpu.memory_space<vmem>>
        %dma_wait3A_513 = arith.constant 208 : i32
        %dma_wait3A_514 = arith.constant 0 : i32
        %dma_wait3A_515 = tpu.memref_slice %arg29[%dma_wait3A_502, %dma_wait3A_513, %dma_wait3A_514] : memref<128x416x128xi32, #tpu.memory_space<hbm>> -> memref<1x208x128xi32, #tpu.memory_space<hbm>>
        %dma_wait3A_516 = tpu.memref_squeeze %dma_wait3A_515 : memref<1x208x128xi32, #tpu.memory_space<hbm>> -> memref<208x128xi32, #tpu.memory_space<hbm>>
        tpu.wait_dma2 semaphore(%arg34 : memref<!tpu.dma_semaphore, #tpu.memory_space<semaphore_mem>>) src(%dma_wait3A_516 : memref<208x128xi32, #tpu.memory_space<hbm>>) dst(%dma_wait3A_512 : memref<208x128xi32, #tpu.memory_space<vmem>>)
      } else {
      }
      %scan3A_483 = arith.constant 0 : i32
      %scan3A_484 = arith.constant 13 : i32
      %scan3A_485 = arith.addi %scan3A_483, %scan3A_484 : i32
      %scan3A_486 = arith.constant 1 : i32
      scf.for %scan3A_502 = %scan3A_483 to %scan3A_485 step %scan3A_486  : i32 {
        %mul3A_503 = arith.constant 1 : i32
        %mul3A_504 = arith.muli %scan3A_502, %mul3A_503 : i32
        %add3A_505 = arith.constant 13 : i32
        %add3A_506 = arith.addi %add3A_505, %mul3A_504 : i32
        %mul3A_507 = arith.constant 512 : i32
        %mul3A_508 = arith.muli %add3A_506, %mul3A_507 : i32
        %mul3A_509 = arith.constant 128 : i32
        %mul3A_510 = arith.muli %add3A_453, %mul3A_509 : i32
        %add3A_511 = arith.addi %mul3A_508, %mul3A_510 : i32
        %add3A_512 = arith.constant 0 : i32
        %add3A_513 = arith.addi %add3A_511, %add3A_512 : i32
        %get3A = arith.index_cast %add3A_513 : i32 to index
        %get3A_514 = tpu.vector_load %arg30[%get3A] {strides = array<i32>} : memref<13312xi32, #tpu.memory_space<vmem>>, vector<16xi32>,
        %mul3A_515 = arith.constant 17 : i32
        %mul3A_516 = vector.broadcast %mul3A_515 : i32 to vector<16xi32>
        %mul3A_517 = arith.muli %get3A_514, %mul3A_516 : vector<16xi32>
        %mul3A_518 = arith.constant 2040 : i32
        %mul3A_519 = arith.muli %add3A_506, %mul3A_518 : i32
        %add3A_520 = vector.broadcast %mul3A_519 : i32 to vector<16xi32>
        %add3A_521 = arith.addi %mul3A_517, %add3A_520 : vector<16xi32>
        %add3A_522 = arith.constant 0 : i32
        %add3A_523 = vector.broadcast %add3A_522 : i32 to vector<16xi32>
        %add3A_524 = arith.addi %add3A_521, %add3A_523 : vector<16xi32>
        %gather3A = tpu.vector_load_idx %arg31[%add3A_524] : memref<53040xi32, #tpu.memory_space<vmem>>[vector<16xi32>], vector<16xi32>,
        %add3A_525 = arith.constant 1 : i32
        %add3A_526 = vector.broadcast %add3A_525 : i32 to vector<16xi32>
        %add3A_527 = arith.addi %add3A_521, %add3A_526 : vector<16xi32>
        %gather3A_528 = tpu.vector_load_idx %arg31[%add3A_527] : memref<53040xi32, #tpu.memory_space<vmem>>[vector<16xi32>], vector<16xi32>,
        %add3A_529 = arith.constant 2 : i32
        %add3A_530 = vector.broadcast %add3A_529 : i32 to vector<16xi32>
        %add3A_531 = arith.addi %add3A_521, %add3A_530 : vector<16xi32>
        %gather3A_532 = tpu.vector_load_idx %arg31[%add3A_531] : memref<53040xi32, #tpu.memory_space<vmem>>[vector<16xi32>], vector<16xi32>,
        %add3A_533 = arith.constant 3 : i32
        %add3A_534 = vector.broadcast %add3A_533 : i32 to vector<16xi32>
        %add3A_535 = arith.addi %add3A_521, %add3A_534 : vector<16xi32>
        %gather3A_536 = tpu.vector_load_idx %arg31[%add3A_535] : memref<53040xi32, #tpu.memory_space<vmem>>[vector<16xi32>], vector<16xi32>,
        %add3A_537 = arith.constant 4 : i32
        %add3A_538 = vector.broadcast %add3A_537 : i32 to vector<16xi32>
        %add3A_539 = arith.addi %add3A_521, %add3A_538 : vector<16xi32>
        %gather3A_540 = tpu.vector_load_idx %arg31[%add3A_539] : memref<53040xi32, #tpu.memory_space<vmem>>[vector<16xi32>], vector<16xi32>,
        %add3A_541 = arith.constant 5 : i32
        %add3A_542 = vector.broadcast %add3A_541 : i32 to vector<16xi32>
        %add3A_543 = arith.addi %add3A_521, %add3A_542 : vector<16xi32>
        %gather3A_544 = tpu.vector_load_idx %arg31[%add3A_543] : memref<53040xi32, #tpu.memory_space<vmem>>[vector<16xi32>], vector<16xi32>,
        %add3A_545 = arith.constant 6 : i32
        %add3A_546 = vector.broadcast %add3A_545 : i32 to vector<16xi32>
        %add3A_547 = arith.addi %add3A_521, %add3A_546 : vector<16xi32>
        %gather3A_548 = tpu.vector_load_idx %arg31[%add3A_547] : memref<53040xi32, #tpu.memory_space<vmem>>[vector<16xi32>], vector<16xi32>,
        %add3A_549 = arith.constant 7 : i32
        %add3A_550 = vector.broadcast %add3A_549 : i32 to vector<16xi32>
        %add3A_551 = arith.addi %add3A_521, %add3A_550 : vector<16xi32>
        %gather3A_552 = tpu.vector_load_idx %arg31[%add3A_551] : memref<53040xi32, #tpu.memory_space<vmem>>[vector<16xi32>], vector<16xi32>,
        %add3A_553 = arith.constant 8 : i32
        %add3A_554 = vector.broadcast %add3A_553 : i32 to vector<16xi32>
        %add3A_555 = arith.addi %add3A_521, %add3A_554 : vector<16xi32>
        %gather3A_556 = tpu.vector_load_idx %arg31[%add3A_555] : memref<53040xi32, #tpu.memory_space<vmem>>[vector<16xi32>], vector<16xi32>,
        %add3A_557 = arith.constant 9 : i32
        %add3A_558 = vector.broadcast %add3A_557 : i32 to vector<16xi32>
        %add3A_559 = arith.addi %add3A_521, %add3A_558 : vector<16xi32>
        %gather3A_560 = tpu.vector_load_idx %arg31[%add3A_559] : memref<53040xi32, #tpu.memory_space<vmem>>[vector<16xi32>], vector<16xi32>,
        %add3A_561 = arith.constant 10 : i32
        %add3A_562 = vector.broadcast %add3A_561 : i32 to vector<16xi32>
        %add3A_563 = arith.addi %add3A_521, %add3A_562 : vector<16xi32>
        %gather3A_564 = tpu.vector_load_idx %arg31[%add3A_563] : memref<53040xi32, #tpu.memory_space<vmem>>[vector<16xi32>], vector<16xi32>,
        %add3A_565 = arith.constant 11 : i32
        %add3A_566 = vector.broadcast %add3A_565 : i32 to vector<16xi32>
        %add3A_567 = arith.addi %add3A_521, %add3A_566 : vector<16xi32>
        %gather3A_568 = tpu.vector_load_idx %arg31[%add3A_567] : memref<53040xi32, #tpu.memory_space<vmem>>[vector<16xi32>], vector<16xi32>,
        %add3A_569 = arith.constant 12 : i32
        %add3A_570 = vector.broadcast %add3A_569 : i32 to vector<16xi32>
        %add3A_571 = arith.addi %add3A_521, %add3A_570 : vector<16xi32>
        %gather3A_572 = tpu.vector_load_idx %arg31[%add3A_571] : memref<53040xi32, #tpu.memory_space<vmem>>[vector<16xi32>], vector<16xi32>,
        %add3A_573 = arith.constant 13 : i32
        %add3A_574 = vector.broadcast %add3A_573 : i32 to vector<16xi32>
        %add3A_575 = arith.addi %add3A_521, %add3A_574 : vector<16xi32>
        %gather3A_576 = tpu.vector_load_idx %arg31[%add3A_575] : memref<53040xi32, #tpu.memory_space<vmem>>[vector<16xi32>], vector<16xi32>,
        %add3A_577 = arith.constant 14 : i32
        %add3A_578 = vector.broadcast %add3A_577 : i32 to vector<16xi32>
        %add3A_579 = arith.addi %add3A_521, %add3A_578 : vector<16xi32>
        %gather3A_580 = tpu.vector_load_idx %arg31[%add3A_579] : memref<53040xi32, #tpu.memory_space<vmem>>[vector<16xi32>], vector<16xi32>,
        %add3A_581 = arith.constant 15 : i32
        %add3A_582 = vector.broadcast %add3A_581 : i32 to vector<16xi32>
        %add3A_583 = arith.addi %add3A_521, %add3A_582 : vector<16xi32>
        %gather3A_584 = tpu.vector_load_idx %arg31[%add3A_583] : memref<53040xi32, #tpu.memory_space<vmem>>[vector<16xi32>], vector<16xi32>,
        %mul3A_585 = arith.constant 16 : i32
        %mul3A_586 = arith.muli %add3A_506, %mul3A_585 : i32
        %add3A_587 = arith.constant 0 : i32
        %add3A_588 = arith.addi %mul3A_586, %add3A_587 : i32
        %swap3A = arith.index_cast %add3A_588 : i32 to index
        %swap3A_589 = arith.constant 0 : index
        %swap3A_590 = tpu.vector_load %arg32[%swap3A, %swap3A_589] {strides = array<i32>} : memref<416x128xi32, #tpu.memory_space<vmem>>, vector<16xi32>,
        tpu.vector_store %arg32[%swap3A, %swap3A_589], %gather3A {strides = array<i32>} : memref<416x128xi32, #tpu.memory_space<vmem>>, vector<16xi32>,
        %mul3A_591 = arith.constant 16 : i32
        %mul3A_592 = arith.muli %add3A_506, %mul3A_591 : i32
        %add3A_593 = arith.constant 1 : i32
        %add3A_594 = arith.addi %mul3A_592, %add3A_593 : i32
        %swap3A_595 = arith.index_cast %add3A_594 : i32 to index
        %swap3A_596 = arith.constant 0 : index
        %swap3A_597 = tpu.vector_load %arg32[%swap3A_595, %swap3A_596] {strides = array<i32>} : memref<416x128xi32, #tpu.memory_space<vmem>>, vector<16xi32>,
        tpu.vector_store %arg32[%swap3A_595, %swap3A_596], %gather3A_528 {strides = array<i32>} : memref<416x128xi32, #tpu.memory_space<vmem>>, vector<16xi32>,
        %mul3A_598 = arith.constant 16 : i32
        %mul3A_599 = arith.muli %add3A_506, %mul3A_598 : i32
        %add3A_600 = arith.constant 2 : i32
        %add3A_601 = arith.addi %mul3A_599, %add3A_600 : i32
        %swap3A_602 = arith.index_cast %add3A_601 : i32 to index
        %swap3A_603 = arith.constant 0 : index
        %swap3A_604 = tpu.vector_load %arg32[%swap3A_602, %swap3A_603] {strides = array<i32>} : memref<416x128xi32, #tpu.memory_space<vmem>>, vector<16xi32>,
        tpu.vector_store %arg32[%swap3A_602, %swap3A_603], %gather3A_532 {strides = array<i32>} : memref<416x128xi32, #tpu.memory_space<vmem>>, vector<16xi32>,
        %mul3A_605 = arith.constant 16 : i32
        %mul3A_606 = arith.muli %add3A_506, %mul3A_605 : i32
        %add3A_607 = arith.constant 3 : i32
        %add3A_608 = arith.addi %mul3A_606, %add3A_607 : i32
        %swap3A_609 = arith.index_cast %add3A_608 : i32 to index
        %swap3A_610 = arith.constant 0 : index
        %swap3A_611 = tpu.vector_load %arg32[%swap3A_609, %swap3A_610] {strides = array<i32>} : memref<416x128xi32, #tpu.memory_space<vmem>>, vector<16xi32>,
        tpu.vector_store %arg32[%swap3A_609, %swap3A_610], %gather3A_536 {strides = array<i32>} : memref<416x128xi32, #tpu.memory_space<vmem>>, vector<16xi32>,
        %mul3A_612 = arith.constant 16 : i32
        %mul3A_613 = arith.muli %add3A_506, %mul3A_612 : i32
        %add3A_614 = arith.constant 4 : i32
        %add3A_615 = arith.addi %mul3A_613, %add3A_614 : i32
        %swap3A_616 = arith.index_cast %add3A_615 : i32 to index
        %swap3A_617 = arith.constant 0 : index
        %swap3A_618 = tpu.vector_load %arg32[%swap3A_616, %swap3A_617] {strides = array<i32>} : memref<416x128xi32, #tpu.memory_space<vmem>>, vector<16xi32>,
        tpu.vector_store %arg32[%swap3A_616, %swap3A_617], %gather3A_540 {strides = array<i32>} : memref<416x128xi32, #tpu.memory_space<vmem>>, vector<16xi32>,
        %mul3A_619 = arith.constant 16 : i32
        %mul3A_620 = arith.muli %add3A_506, %mul3A_619 : i32
        %add3A_621 = arith.constant 5 : i32
        %add3A_622 = arith.addi %mul3A_620, %add3A_621 : i32
        %swap3A_623 = arith.index_cast %add3A_622 : i32 to index
        %swap3A_624 = arith.constant 0 : index
        %swap3A_625 = tpu.vector_load %arg32[%swap3A_623, %swap3A_624] {strides = array<i32>} : memref<416x128xi32, #tpu.memory_space<vmem>>, vector<16xi32>,
        tpu.vector_store %arg32[%swap3A_623, %swap3A_624], %gather3A_544 {strides = array<i32>} : memref<416x128xi32, #tpu.memory_space<vmem>>, vector<16xi32>,
        %mul3A_626 = arith.constant 16 : i32
        %mul3A_627 = arith.muli %add3A_506, %mul3A_626 : i32
        %add3A_628 = arith.constant 6 : i32
        %add3A_629 = arith.addi %mul3A_627, %add3A_628 : i32
        %swap3A_630 = arith.index_cast %add3A_629 : i32 to index
        %swap3A_631 = arith.constant 0 : index
        %swap3A_632 = tpu.vector_load %arg32[%swap3A_630, %swap3A_631] {strides = array<i32>} : memref<416x128xi32, #tpu.memory_space<vmem>>, vector<16xi32>,
        tpu.vector_store %arg32[%swap3A_630, %swap3A_631], %gather3A_548 {strides = array<i32>} : memref<416x128xi32, #tpu.memory_space<vmem>>, vector<16xi32>,
        %mul3A_633 = arith.constant 16 : i32
        %mul3A_634 = arith.muli %add3A_506, %mul3A_633 : i32
        %add3A_635 = arith.constant 7 : i32
        %add3A_636 = arith.addi %mul3A_634, %add3A_635 : i32
        %swap3A_637 = arith.index_cast %add3A_636 : i32 to index
        %swap3A_638 = arith.constant 0 : index
        %swap3A_639 = tpu.vector_load %arg32[%swap3A_637, %swap3A_638] {strides = array<i32>} : memref<416x128xi32, #tpu.memory_space<vmem>>, vector<16xi32>,
        tpu.vector_store %arg32[%swap3A_637, %swap3A_638], %gather3A_552 {strides = array<i32>} : memref<416x128xi32, #tpu.memory_space<vmem>>, vector<16xi32>,
        %mul3A_640 = arith.constant 16 : i32
        %mul3A_641 = arith.muli %add3A_506, %mul3A_640 : i32
        %add3A_642 = arith.constant 8 : i32
        %add3A_643 = arith.addi %mul3A_641, %add3A_642 : i32
        %swap3A_644 = arith.index_cast %add3A_643 : i32 to index
        %swap3A_645 = arith.constant 0 : index
        %swap3A_646 = tpu.vector_load %arg32[%swap3A_644, %swap3A_645] {strides = array<i32>} : memref<416x128xi32, #tpu.memory_space<vmem>>, vector<16xi32>,
        tpu.vector_store %arg32[%swap3A_644, %swap3A_645], %gather3A_556 {strides = array<i32>} : memref<416x128xi32, #tpu.memory_space<vmem>>, vector<16xi32>,
        %mul3A_647 = arith.constant 16 : i32
        %mul3A_648 = arith.muli %add3A_506, %mul3A_647 : i32
        %add3A_649 = arith.constant 9 : i32
        %add3A_650 = arith.addi %mul3A_648, %add3A_649 : i32
        %swap3A_651 = arith.index_cast %add3A_650 : i32 to index
        %swap3A_652 = arith.constant 0 : index
        %swap3A_653 = tpu.vector_load %arg32[%swap3A_651, %swap3A_652] {strides = array<i32>} : memref<416x128xi32, #tpu.memory_space<vmem>>, vector<16xi32>,
        tpu.vector_store %arg32[%swap3A_651, %swap3A_652], %gather3A_560 {strides = array<i32>} : memref<416x128xi32, #tpu.memory_space<vmem>>, vector<16xi32>,
        %mul3A_654 = arith.constant 16 : i32
        %mul3A_655 = arith.muli %add3A_506, %mul3A_654 : i32
        %add3A_656 = arith.constant 10 : i32
        %add3A_657 = arith.addi %mul3A_655, %add3A_656 : i32
        %swap3A_658 = arith.index_cast %add3A_657 : i32 to index
        %swap3A_659 = arith.constant 0 : index
        %swap3A_660 = tpu.vector_load %arg32[%swap3A_658, %swap3A_659] {strides = array<i32>} : memref<416x128xi32, #tpu.memory_space<vmem>>, vector<16xi32>,
        tpu.vector_store %arg32[%swap3A_658, %swap3A_659], %gather3A_564 {strides = array<i32>} : memref<416x128xi32, #tpu.memory_space<vmem>>, vector<16xi32>,
        %mul3A_661 = arith.constant 16 : i32
        %mul3A_662 = arith.muli %add3A_506, %mul3A_661 : i32
        %add3A_663 = arith.constant 11 : i32
        %add3A_664 = arith.addi %mul3A_662, %add3A_663 : i32
        %swap3A_665 = arith.index_cast %add3A_664 : i32 to index
        %swap3A_666 = arith.constant 0 : index
        %swap3A_667 = tpu.vector_load %arg32[%swap3A_665, %swap3A_666] {strides = array<i32>} : memref<416x128xi32, #tpu.memory_space<vmem>>, vector<16xi32>,
        tpu.vector_store %arg32[%swap3A_665, %swap3A_666], %gather3A_568 {strides = array<i32>} : memref<416x128xi32, #tpu.memory_space<vmem>>, vector<16xi32>,
        %mul3A_668 = arith.constant 16 : i32
        %mul3A_669 = arith.muli %add3A_506, %mul3A_668 : i32
        %add3A_670 = arith.constant 12 : i32
        %add3A_671 = arith.addi %mul3A_669, %add3A_670 : i32
        %swap3A_672 = arith.index_cast %add3A_671 : i32 to index
        %swap3A_673 = arith.constant 0 : index
        %swap3A_674 = tpu.vector_load %arg32[%swap3A_672, %swap3A_673] {strides = array<i32>} : memref<416x128xi32, #tpu.memory_space<vmem>>, vector<16xi32>,
        tpu.vector_store %arg32[%swap3A_672, %swap3A_673], %gather3A_572 {strides = array<i32>} : memref<416x128xi32, #tpu.memory_space<vmem>>, vector<16xi32>,
        %mul3A_675 = arith.constant 16 : i32
        %mul3A_676 = arith.muli %add3A_506, %mul3A_675 : i32
        %add3A_677 = arith.constant 13 : i32
        %add3A_678 = arith.addi %mul3A_676, %add3A_677 : i32
        %swap3A_679 = arith.index_cast %add3A_678 : i32 to index
        %swap3A_680 = arith.constant 0 : index
        %swap3A_681 = tpu.vector_load %arg32[%swap3A_679, %swap3A_680] {strides = array<i32>} : memref<416x128xi32, #tpu.memory_space<vmem>>, vector<16xi32>,
        tpu.vector_store %arg32[%swap3A_679, %swap3A_680], %gather3A_576 {strides = array<i32>} : memref<416x128xi32, #tpu.memory_space<vmem>>, vector<16xi32>,
        %mul3A_682 = arith.constant 16 : i32
        %mul3A_683 = arith.muli %add3A_506, %mul3A_682 : i32
        %add3A_684 = arith.constant 14 : i32
        %add3A_685 = arith.addi %mul3A_683, %add3A_684 : i32
        %swap3A_686 = arith.index_cast %add3A_685 : i32 to index
        %swap3A_687 = arith.constant 0 : index
        %swap3A_688 = tpu.vector_load %arg32[%swap3A_686, %swap3A_687] {strides = array<i32>} : memref<416x128xi32, #tpu.memory_space<vmem>>, vector<16xi32>,
        tpu.vector_store %arg32[%swap3A_686, %swap3A_687], %gather3A_580 {strides = array<i32>} : memref<416x128xi32, #tpu.memory_space<vmem>>, vector<16xi32>,
        %mul3A_689 = arith.constant 16 : i32
        %mul3A_690 = arith.muli %add3A_506, %mul3A_689 : i32
        %add3A_691 = arith.constant 15 : i32
        %add3A_692 = arith.addi %mul3A_690, %add3A_691 : i32
        %swap3A_693 = arith.index_cast %add3A_692 : i32 to index
        %swap3A_694 = arith.constant 0 : index
        %swap3A_695 = tpu.vector_load %arg32[%swap3A_693, %swap3A_694] {strides = array<i32>} : memref<416x128xi32, #tpu.memory_space<vmem>>, vector<16xi32>,
        tpu.vector_store %arg32[%swap3A_693, %swap3A_694], %gather3A_584 {strides = array<i32>} : memref<416x128xi32, #tpu.memory_space<vmem>>, vector<16xi32>,
        %mul3A_696 = arith.constant 512 : i32
        %mul3A_697 = arith.muli %add3A_506, %mul3A_696 : i32
        %mul3A_698 = arith.constant 128 : i32
        %mul3A_699 = arith.muli %add3A_453, %mul3A_698 : i32
        %add3A_700 = arith.addi %mul3A_697, %mul3A_699 : i32
        %add3A_701 = arith.constant 16 : i32
        %add3A_702 = arith.addi %add3A_700, %add3A_701 : i32
        %get3A_703 = arith.index_cast %add3A_702 : i32 to index
        %get3A_704 = tpu.vector_load %arg30[%get3A_703] {strides = array<i32>} : memref<13312xi32, #tpu.memory_space<vmem>>, vector<16xi32>,
        %mul3A_705 = arith.constant 17 : i32
        %mul3A_706 = vector.broadcast %mul3A_705 : i32 to vector<16xi32>
        %mul3A_707 = arith.muli %get3A_704, %mul3A_706 : vector<16xi32>
        %mul3A_708 = arith.constant 2040 : i32
        %mul3A_709 = arith.muli %add3A_506, %mul3A_708 : i32
        %add3A_710 = vector.broadcast %mul3A_709 : i32 to vector<16xi32>
        %add3A_711 = arith.addi %mul3A_707, %add3A_710 : vector<16xi32>
        %add3A_712 = arith.constant 0 : i32
        %add3A_713 = vector.broadcast %add3A_712 : i32 to vector<16xi32>
        %add3A_714 = arith.addi %add3A_711, %add3A_713 : vector<16xi32>
        %gather3A_715 = tpu.vector_load_idx %arg31[%add3A_714] : memref<53040xi32, #tpu.memory_space<vmem>>[vector<16xi32>], vector<16xi32>,
        %add3A_716 = arith.constant 1 : i32
        %add3A_717 = vector.broadcast %add3A_716 : i32 to vector<16xi32>
        %add3A_718 = arith.addi %add3A_711, %add3A_717 : vector<16xi32>
        %gather3A_719 = tpu.vector_load_idx %arg31[%add3A_718] : memref<53040xi32, #tpu.memory_space<vmem>>[vector<16xi32>], vector<16xi32>,
        %add3A_720 = arith.constant 2 : i32
        %add3A_721 = vector.broadcast %add3A_720 : i32 to vector<16xi32>
        %add3A_722 = arith.addi %add3A_711, %add3A_721 : vector<16xi32>
        %gather3A_723 = tpu.vector_load_idx %arg31[%add3A_722] : memref<53040xi32, #tpu.memory_space<vmem>>[vector<16xi32>], vector<16xi32>,
        %add3A_724 = arith.constant 3 : i32
        %add3A_725 = vector.broadcast %add3A_724 : i32 to vector<16xi32>
        %add3A_726 = arith.addi %add3A_711, %add3A_725 : vector<16xi32>
        %gather3A_727 = tpu.vector_load_idx %arg31[%add3A_726] : memref<53040xi32, #tpu.memory_space<vmem>>[vector<16xi32>], vector<16xi32>,
        %add3A_728 = arith.constant 4 : i32
        %add3A_729 = vector.broadcast %add3A_728 : i32 to vector<16xi32>
        %add3A_730 = arith.addi %add3A_711, %add3A_729 : vector<16xi32>
        %gather3A_731 = tpu.vector_load_idx %arg31[%add3A_730] : memref<53040xi32, #tpu.memory_space<vmem>>[vector<16xi32>], vector<16xi32>,
        %add3A_732 = arith.constant 5 : i32
        %add3A_733 = vector.broadcast %add3A_732 : i32 to vector<16xi32>
        %add3A_734 = arith.addi %add3A_711, %add3A_733 : vector<16xi32>
        %gather3A_735 = tpu.vector_load_idx %arg31[%add3A_734] : memref<53040xi32, #tpu.memory_space<vmem>>[vector<16xi32>], vector<16xi32>,
        %add3A_736 = arith.constant 6 : i32
        %add3A_737 = vector.broadcast %add3A_736 : i32 to vector<16xi32>
        %add3A_738 = arith.addi %add3A_711, %add3A_737 : vector<16xi32>
        %gather3A_739 = tpu.vector_load_idx %arg31[%add3A_738] : memref<53040xi32, #tpu.memory_space<vmem>>[vector<16xi32>], vector<16xi32>,
        %add3A_740 = arith.constant 7 : i32
        %add3A_741 = vector.broadcast %add3A_740 : i32 to vector<16xi32>
        %add3A_742 = arith.addi %add3A_711, %add3A_741 : vector<16xi32>
        %gather3A_743 = tpu.vector_load_idx %arg31[%add3A_742] : memref<53040xi32, #tpu.memory_space<vmem>>[vector<16xi32>], vector<16xi32>,
        %add3A_744 = arith.constant 8 : i32
        %add3A_745 = vector.broadcast %add3A_744 : i32 to vector<16xi32>
        %add3A_746 = arith.addi %add3A_711, %add3A_745 : vector<16xi32>
        %gather3A_747 = tpu.vector_load_idx %arg31[%add3A_746] : memref<53040xi32, #tpu.memory_space<vmem>>[vector<16xi32>], vector<16xi32>,
        %add3A_748 = arith.constant 9 : i32
        %add3A_749 = vector.broadcast %add3A_748 : i32 to vector<16xi32>
        %add3A_750 = arith.addi %add3A_711, %add3A_749 : vector<16xi32>
        %gather3A_751 = tpu.vector_load_idx %arg31[%add3A_750] : memref<53040xi32, #tpu.memory_space<vmem>>[vector<16xi32>], vector<16xi32>,
        %add3A_752 = arith.constant 10 : i32
        %add3A_753 = vector.broadcast %add3A_752 : i32 to vector<16xi32>
        %add3A_754 = arith.addi %add3A_711, %add3A_753 : vector<16xi32>
        %gather3A_755 = tpu.vector_load_idx %arg31[%add3A_754] : memref<53040xi32, #tpu.memory_space<vmem>>[vector<16xi32>], vector<16xi32>,
        %add3A_756 = arith.constant 11 : i32
        %add3A_757 = vector.broadcast %add3A_756 : i32 to vector<16xi32>
        %add3A_758 = arith.addi %add3A_711, %add3A_757 : vector<16xi32>
        %gather3A_759 = tpu.vector_load_idx %arg31[%add3A_758] : memref<53040xi32, #tpu.memory_space<vmem>>[vector<16xi32>], vector<16xi32>,
        %add3A_760 = arith.constant 12 : i32
        %add3A_761 = vector.broadcast %add3A_760 : i32 to vector<16xi32>
        %add3A_762 = arith.addi %add3A_711, %add3A_761 : vector<16xi32>
        %gather3A_763 = tpu.vector_load_idx %arg31[%add3A_762] : memref<53040xi32, #tpu.memory_space<vmem>>[vector<16xi32>], vector<16xi32>,
        %add3A_764 = arith.constant 13 : i32
        %add3A_765 = vector.broadcast %add3A_764 : i32 to vector<16xi32>
        %add3A_766 = arith.addi %add3A_711, %add3A_765 : vector<16xi32>
        %gather3A_767 = tpu.vector_load_idx %arg31[%add3A_766] : memref<53040xi32, #tpu.memory_space<vmem>>[vector<16xi32>], vector<16xi32>,
        %add3A_768 = arith.constant 14 : i32
        %add3A_769 = vector.broadcast %add3A_768 : i32 to vector<16xi32>
        %add3A_770 = arith.addi %add3A_711, %add3A_769 : vector<16xi32>
        %gather3A_771 = tpu.vector_load_idx %arg31[%add3A_770] : memref<53040xi32, #tpu.memory_space<vmem>>[vector<16xi32>], vector<16xi32>,
        %add3A_772 = arith.constant 15 : i32
        %add3A_773 = vector.broadcast %add3A_772 : i32 to vector<16xi32>
        %add3A_774 = arith.addi %add3A_711, %add3A_773 : vector<16xi32>
        %gather3A_775 = tpu.vector_load_idx %arg31[%add3A_774] : memref<53040xi32, #tpu.memory_space<vmem>>[vector<16xi32>], vector<16xi32>,
        %mul3A_776 = arith.constant 16 : i32
        %mul3A_777 = arith.muli %add3A_506, %mul3A_776 : i32
        %add3A_778 = arith.constant 0 : i32
        %add3A_779 = arith.addi %mul3A_777, %add3A_778 : i32
        %swap3A_780 = arith.index_cast %add3A_779 : i32 to index
        %swap3A_781 = arith.constant 16 : index
        %swap3A_782 = tpu.vector_load %arg32[%swap3A_780, %swap3A_781] {strides = array<i32>} : memref<416x128xi32, #tpu.memory_space<vmem>>, vector<16xi32>,
        tpu.vector_store %arg32[%swap3A_780, %swap3A_781], %gather3A_715 {strides = array<i32>} : memref<416x128xi32, #tpu.memory_space<vmem>>, vector<16xi32>,
        %mul3A_783 = arith.constant 16 : i32
        %mul3A_784 = arith.muli %add3A_506, %mul3A_783 : i32
        %add3A_785 = arith.constant 1 : i32
        %add3A_786 = arith.addi %mul3A_784, %add3A_785 : i32
        %swap3A_787 = arith.index_cast %add3A_786 : i32 to index
        %swap3A_788 = arith.constant 16 : index
        %swap3A_789 = tpu.vector_load %arg32[%swap3A_787, %swap3A_788] {strides = array<i32>} : memref<416x128xi32, #tpu.memory_space<vmem>>, vector<16xi32>,
        tpu.vector_store %arg32[%swap3A_787, %swap3A_788], %gather3A_719 {strides = array<i32>} : memref<416x128xi32, #tpu.memory_space<vmem>>, vector<16xi32>,
        %mul3A_790 = arith.constant 16 : i32
        %mul3A_791 = arith.muli %add3A_506, %mul3A_790 : i32
        %add3A_792 = arith.constant 2 : i32
        %add3A_793 = arith.addi %mul3A_791, %add3A_792 : i32
        %swap3A_794 = arith.index_cast %add3A_793 : i32 to index
        %swap3A_795 = arith.constant 16 : index
        %swap3A_796 = tpu.vector_load %arg32[%swap3A_794, %swap3A_795] {strides = array<i32>} : memref<416x128xi32, #tpu.memory_space<vmem>>, vector<16xi32>,
        tpu.vector_store %arg32[%swap3A_794, %swap3A_795], %gather3A_723 {strides = array<i32>} : memref<416x128xi32, #tpu.memory_space<vmem>>, vector<16xi32>,
        %mul3A_797 = arith.constant 16 : i32
        %mul3A_798 = arith.muli %add3A_506, %mul3A_797 : i32
        %add3A_799 = arith.constant 3 : i32
        %add3A_800 = arith.addi %mul3A_798, %add3A_799 : i32
        %swap3A_801 = arith.index_cast %add3A_800 : i32 to index
        %swap3A_802 = arith.constant 16 : index
        %swap3A_803 = tpu.vector_load %arg32[%swap3A_801, %swap3A_802] {strides = array<i32>} : memref<416x128xi32, #tpu.memory_space<vmem>>, vector<16xi32>,
        tpu.vector_store %arg32[%swap3A_801, %swap3A_802], %gather3A_727 {strides = array<i32>} : memref<416x128xi32, #tpu.memory_space<vmem>>, vector<16xi32>,
        %mul3A_804 = arith.constant 16 : i32
        %mul3A_805 = arith.muli %add3A_506, %mul3A_804 : i32
        %add3A_806 = arith.constant 4 : i32
        %add3A_807 = arith.addi %mul3A_805, %add3A_806 : i32
        %swap3A_808 = arith.index_cast %add3A_807 : i32 to index
        %swap3A_809 = arith.constant 16 : index
        %swap3A_810 = tpu.vector_load %arg32[%swap3A_808, %swap3A_809] {strides = array<i32>} : memref<416x128xi32, #tpu.memory_space<vmem>>, vector<16xi32>,
        tpu.vector_store %arg32[%swap3A_808, %swap3A_809], %gather3A_731 {strides = array<i32>} : memref<416x128xi32, #tpu.memory_space<vmem>>, vector<16xi32>,
        %mul3A_811 = arith.constant 16 : i32
        %mul3A_812 = arith.muli %add3A_506, %mul3A_811 : i32
        %add3A_813 = arith.constant 5 : i32
        %add3A_814 = arith.addi %mul3A_812, %add3A_813 : i32
        %swap3A_815 = arith.index_cast %add3A_814 : i32 to index
        %swap3A_816 = arith.constant 16 : index
        %swap3A_817 = tpu.vector_load %arg32[%swap3A_815, %swap3A_816] {strides = array<i32>} : memref<416x128xi32, #tpu.memory_space<vmem>>, vector<16xi32>,
        tpu.vector_store %arg32[%swap3A_815, %swap3A_816], %gather3A_735 {strides = array<i32>} : memref<416x128xi32, #tpu.memory_space<vmem>>, vector<16xi32>,
        %mul3A_818 = arith.constant 16 : i32
        %mul3A_819 = arith.muli %add3A_506, %mul3A_818 : i32
        %add3A_820 = arith.constant 6 : i32
        %add3A_821 = arith.addi %mul3A_819, %add3A_820 : i32
        %swap3A_822 = arith.index_cast %add3A_821 : i32 to index
        %swap3A_823 = arith.constant 16 : index
        %swap3A_824 = tpu.vector_load %arg32[%swap3A_822, %swap3A_823] {strides = array<i32>} : memref<416x128xi32, #tpu.memory_space<vmem>>, vector<16xi32>,
        tpu.vector_store %arg32[%swap3A_822, %swap3A_823], %gather3A_739 {strides = array<i32>} : memref<416x128xi32, #tpu.memory_space<vmem>>, vector<16xi32>,
        %mul3A_825 = arith.constant 16 : i32
        %mul3A_826 = arith.muli %add3A_506, %mul3A_825 : i32
        %add3A_827 = arith.constant 7 : i32
        %add3A_828 = arith.addi %mul3A_826, %add3A_827 : i32
        %swap3A_829 = arith.index_cast %add3A_828 : i32 to index
        %swap3A_830 = arith.constant 16 : index
        %swap3A_831 = tpu.vector_load %arg32[%swap3A_829, %swap3A_830] {strides = array<i32>} : memref<416x128xi32, #tpu.memory_space<vmem>>, vector<16xi32>,
        tpu.vector_store %arg32[%swap3A_829, %swap3A_830], %gather3A_743 {strides = array<i32>} : memref<416x128xi32, #tpu.memory_space<vmem>>, vector<16xi32>,
        %mul3A_832 = arith.constant 16 : i32
        %mul3A_833 = arith.muli %add3A_506, %mul3A_832 : i32
        %add3A_834 = arith.constant 8 : i32
        %add3A_835 = arith.addi %mul3A_833, %add3A_834 : i32
        %swap3A_836 = arith.index_cast %add3A_835 : i32 to index
        %swap3A_837 = arith.constant 16 : index
        %swap3A_838 = tpu.vector_load %arg32[%swap3A_836, %swap3A_837] {strides = array<i32>} : memref<416x128xi32, #tpu.memory_space<vmem>>, vector<16xi32>,
        tpu.vector_store %arg32[%swap3A_836, %swap3A_837], %gather3A_747 {strides = array<i32>} : memref<416x128xi32, #tpu.memory_space<vmem>>, vector<16xi32>,
        %mul3A_839 = arith.constant 16 : i32
        %mul3A_840 = arith.muli %add3A_506, %mul3A_839 : i32
        %add3A_841 = arith.constant 9 : i32
        %add3A_842 = arith.addi %mul3A_840, %add3A_841 : i32
        %swap3A_843 = arith.index_cast %add3A_842 : i32 to index
        %swap3A_844 = arith.constant 16 : index
        %swap3A_845 = tpu.vector_load %arg32[%swap3A_843, %swap3A_844] {strides = array<i32>} : memref<416x128xi32, #tpu.memory_space<vmem>>, vector<16xi32>,
        tpu.vector_store %arg32[%swap3A_843, %swap3A_844], %gather3A_751 {strides = array<i32>} : memref<416x128xi32, #tpu.memory_space<vmem>>, vector<16xi32>,
        %mul3A_846 = arith.constant 16 : i32
        %mul3A_847 = arith.muli %add3A_506, %mul3A_846 : i32
        %add3A_848 = arith.constant 10 : i32
        %add3A_849 = arith.addi %mul3A_847, %add3A_848 : i32
        %swap3A_850 = arith.index_cast %add3A_849 : i32 to index
        %swap3A_851 = arith.constant 16 : index
        %swap3A_852 = tpu.vector_load %arg32[%swap3A_850, %swap3A_851] {strides = array<i32>} : memref<416x128xi32, #tpu.memory_space<vmem>>, vector<16xi32>,
        tpu.vector_store %arg32[%swap3A_850, %swap3A_851], %gather3A_755 {strides = array<i32>} : memref<416x128xi32, #tpu.memory_space<vmem>>, vector<16xi32>,
        %mul3A_853 = arith.constant 16 : i32
        %mul3A_854 = arith.muli %add3A_506, %mul3A_853 : i32
        %add3A_855 = arith.constant 11 : i32
        %add3A_856 = arith.addi %mul3A_854, %add3A_855 : i32
        %swap3A_857 = arith.index_cast %add3A_856 : i32 to index
        %swap3A_858 = arith.constant 16 : index
        %swap3A_859 = tpu.vector_load %arg32[%swap3A_857, %swap3A_858] {strides = array<i32>} : memref<416x128xi32, #tpu.memory_space<vmem>>, vector<16xi32>,
        tpu.vector_store %arg32[%swap3A_857, %swap3A_858], %gather3A_759 {strides = array<i32>} : memref<416x128xi32, #tpu.memory_space<vmem>>, vector<16xi32>,
        %mul3A_860 = arith.constant 16 : i32
        %mul3A_861 = arith.muli %add3A_506, %mul3A_860 : i32
        %add3A_862 = arith.constant 12 : i32
        %add3A_863 = arith.addi %mul3A_861, %add3A_862 : i32
        %swap3A_864 = arith.index_cast %add3A_863 : i32 to index
        %swap3A_865 = arith.constant 16 : index
        %swap3A_866 = tpu.vector_load %arg32[%swap3A_864, %swap3A_865] {strides = array<i32>} : memref<416x128xi32, #tpu.memory_space<vmem>>, vector<16xi32>,
        tpu.vector_store %arg32[%swap3A_864, %swap3A_865], %gather3A_763 {strides = array<i32>} : memref<416x128xi32, #tpu.memory_space<vmem>>, vector<16xi32>,
        %mul3A_867 = arith.constant 16 : i32
        %mul3A_868 = arith.muli %add3A_506, %mul3A_867 : i32
        %add3A_869 = arith.constant 13 : i32
        %add3A_870 = arith.addi %mul3A_868, %add3A_869 : i32
        %swap3A_871 = arith.index_cast %add3A_870 : i32 to index
        %swap3A_872 = arith.constant 16 : index
        %swap3A_873 = tpu.vector_load %arg32[%swap3A_871, %swap3A_872] {strides = array<i32>} : memref<416x128xi32, #tpu.memory_space<vmem>>, vector<16xi32>,
        tpu.vector_store %arg32[%swap3A_871, %swap3A_872], %gather3A_767 {strides = array<i32>} : memref<416x128xi32, #tpu.memory_space<vmem>>, vector<16xi32>,
        %mul3A_874 = arith.constant 16 : i32
        %mul3A_875 = arith.muli %add3A_506, %mul3A_874 : i32
        %add3A_876 = arith.constant 14 : i32
        %add3A_877 = arith.addi %mul3A_875, %add3A_876 : i32
        %swap3A_878 = arith.index_cast %add3A_877 : i32 to index
        %swap3A_879 = arith.constant 16 : index
        %swap3A_880 = tpu.vector_load %arg32[%swap3A_878, %swap3A_879] {strides = array<i32>} : memref<416x128xi32, #tpu.memory_space<vmem>>, vector<16xi32>,
        tpu.vector_store %arg32[%swap3A_878, %swap3A_879], %gather3A_771 {strides = array<i32>} : memref<416x128xi32, #tpu.memory_space<vmem>>, vector<16xi32>,
        %mul3A_881 = arith.constant 16 : i32
        %mul3A_882 = arith.muli %add3A_506, %mul3A_881 : i32
        %add3A_883 = arith.constant 15 : i32
        %add3A_884 = arith.addi %mul3A_882, %add3A_883 : i32
        %swap3A_885 = arith.index_cast %add3A_884 : i32 to index
        %swap3A_886 = arith.constant 16 : index
        %swap3A_887 = tpu.vector_load %arg32[%swap3A_885, %swap3A_886] {strides = array<i32>} : memref<416x128xi32, #tpu.memory_space<vmem>>, vector<16xi32>,
        tpu.vector_store %arg32[%swap3A_885, %swap3A_886], %gather3A_775 {strides = array<i32>} : memref<416x128xi32, #tpu.memory_space<vmem>>, vector<16xi32>,
        %mul3A_888 = arith.constant 512 : i32
        %mul3A_889 = arith.muli %add3A_506, %mul3A_888 : i32
        %mul3A_890 = arith.constant 128 : i32
        %mul3A_891 = arith.muli %add3A_453, %mul3A_890 : i32
        %add3A_892 = arith.addi %mul3A_889, %mul3A_891 : i32
        %add3A_893 = arith.constant 32 : i32
        %add3A_894 = arith.addi %add3A_892, %add3A_893 : i32
        %get3A_895 = arith.index_cast %add3A_894 : i32 to index
        %get3A_896 = tpu.vector_load %arg30[%get3A_895] {strides = array<i32>} : memref<13312xi32, #tpu.memory_space<vmem>>, vector<16xi32>,
        %mul3A_897 = arith.constant 17 : i32
        %mul3A_898 = vector.broadcast %mul3A_897 : i32 to vector<16xi32>
        %mul3A_899 = arith.muli %get3A_896, %mul3A_898 : vector<16xi32>
        %mul3A_900 = arith.constant 2040 : i32
        %mul3A_901 = arith.muli %add3A_506, %mul3A_900 : i32
        %add3A_902 = vector.broadcast %mul3A_901 : i32 to vector<16xi32>
        %add3A_903 = arith.addi %mul3A_899, %add3A_902 : vector<16xi32>
        %add3A_904 = arith.constant 0 : i32
        %add3A_905 = vector.broadcast %add3A_904 : i32 to vector<16xi32>
        %add3A_906 = arith.addi %add3A_903, %add3A_905 : vector<16xi32>
        %gather3A_907 = tpu.vector_load_idx %arg31[%add3A_906] : memref<53040xi32, #tpu.memory_space<vmem>>[vector<16xi32>], vector<16xi32>,
        %add3A_908 = arith.constant 1 : i32
        %add3A_909 = vector.broadcast %add3A_908 : i32 to vector<16xi32>
        %add3A_910 = arith.addi %add3A_903, %add3A_909 : vector<16xi32>
        %gather3A_911 = tpu.vector_load_idx %arg31[%add3A_910] : memref<53040xi32, #tpu.memory_space<vmem>>[vector<16xi32>], vector<16xi32>,
        %add3A_912 = arith.constant 2 : i32
        %add3A_913 = vector.broadcast %add3A_912 : i32 to vector<16xi32>
        %add3A_914 = arith.addi %add3A_903, %add3A_913 : vector<16xi32>
        %gather3A_915 = tpu.vector_load_idx %arg31[%add3A_914] : memref<53040xi32, #tpu.memory_space<vmem>>[vector<16xi32>], vector<16xi32>,
        %add3A_916 = arith.constant 3 : i32
        %add3A_917 = vector.broadcast %add3A_916 : i32 to vector<16xi32>
        %add3A_918 = arith.addi %add3A_903, %add3A_917 : vector<16xi32>
        %gather3A_919 = tpu.vector_load_idx %arg31[%add3A_918] : memref<53040xi32, #tpu.memory_space<vmem>>[vector<16xi32>], vector<16xi32>,
        %add3A_920 = arith.constant 4 : i32
        %add3A_921 = vector.broadcast %add3A_920 : i32 to vector<16xi32>
        %add3A_922 = arith.addi %add3A_903, %add3A_921 : vector<16xi32>
        %gather3A_923 = tpu.vector_load_idx %arg31[%add3A_922] : memref<53040xi32, #tpu.memory_space<vmem>>[vector<16xi32>], vector<16xi32>,
        %add3A_924 = arith.constant 5 : i32
        %add3A_925 = vector.broadcast %add3A_924 : i32 to vector<16xi32>
        %add3A_926 = arith.addi %add3A_903, %add3A_925 : vector<16xi32>
        %gather3A_927 = tpu.vector_load_idx %arg31[%add3A_926] : memref<53040xi32, #tpu.memory_space<vmem>>[vector<16xi32>], vector<16xi32>,
        %add3A_928 = arith.constant 6 : i32
        %add3A_929 = vector.broadcast %add3A_928 : i32 to vector<16xi32>
        %add3A_930 = arith.addi %add3A_903, %add3A_929 : vector<16xi32>
        %gather3A_931 = tpu.vector_load_idx %arg31[%add3A_930] : memref<53040xi32, #tpu.memory_space<vmem>>[vector<16xi32>], vector<16xi32>,
        %add3A_932 = arith.constant 7 : i32
        %add3A_933 = vector.broadcast %add3A_932 : i32 to vector<16xi32>
        %add3A_934 = arith.addi %add3A_903, %add3A_933 : vector<16xi32>
        %gather3A_935 = tpu.vector_load_idx %arg31[%add3A_934] : memref<53040xi32, #tpu.memory_space<vmem>>[vector<16xi32>], vector<16xi32>,
        %add3A_936 = arith.constant 8 : i32
        %add3A_937 = vector.broadcast %add3A_936 : i32 to vector<16xi32>
        %add3A_938 = arith.addi %add3A_903, %add3A_937 : vector<16xi32>
        %gather3A_939 = tpu.vector_load_idx %arg31[%add3A_938] : memref<53040xi32, #tpu.memory_space<vmem>>[vector<16xi32>], vector<16xi32>,
        %add3A_940 = arith.constant 9 : i32
        %add3A_941 = vector.broadcast %add3A_940 : i32 to vector<16xi32>
        %add3A_942 = arith.addi %add3A_903, %add3A_941 : vector<16xi32>
        %gather3A_943 = tpu.vector_load_idx %arg31[%add3A_942] : memref<53040xi32, #tpu.memory_space<vmem>>[vector<16xi32>], vector<16xi32>,
        %add3A_944 = arith.constant 10 : i32
        %add3A_945 = vector.broadcast %add3A_944 : i32 to vector<16xi32>
        %add3A_946 = arith.addi %add3A_903, %add3A_945 : vector<16xi32>
        %gather3A_947 = tpu.vector_load_idx %arg31[%add3A_946] : memref<53040xi32, #tpu.memory_space<vmem>>[vector<16xi32>], vector<16xi32>,
        %add3A_948 = arith.constant 11 : i32
        %add3A_949 = vector.broadcast %add3A_948 : i32 to vector<16xi32>
        %add3A_950 = arith.addi %add3A_903, %add3A_949 : vector<16xi32>
        %gather3A_951 = tpu.vector_load_idx %arg31[%add3A_950] : memref<53040xi32, #tpu.memory_space<vmem>>[vector<16xi32>], vector<16xi32>,
        %add3A_952 = arith.constant 12 : i32
        %add3A_953 = vector.broadcast %add3A_952 : i32 to vector<16xi32>
        %add3A_954 = arith.addi %add3A_903, %add3A_953 : vector<16xi32>
        %gather3A_955 = tpu.vector_load_idx %arg31[%add3A_954] : memref<53040xi32, #tpu.memory_space<vmem>>[vector<16xi32>], vector<16xi32>,
        %add3A_956 = arith.constant 13 : i32
        %add3A_957 = vector.broadcast %add3A_956 : i32 to vector<16xi32>
        %add3A_958 = arith.addi %add3A_903, %add3A_957 : vector<16xi32>
        %gather3A_959 = tpu.vector_load_idx %arg31[%add3A_958] : memref<53040xi32, #tpu.memory_space<vmem>>[vector<16xi32>], vector<16xi32>,
        %add3A_960 = arith.constant 14 : i32
        %add3A_961 = vector.broadcast %add3A_960 : i32 to vector<16xi32>
        %add3A_962 = arith.addi %add3A_903, %add3A_961 : vector<16xi32>
        %gather3A_963 = tpu.vector_load_idx %arg31[%add3A_962] : memref<53040xi32, #tpu.memory_space<vmem>>[vector<16xi32>], vector<16xi32>,
        %add3A_964 = arith.constant 15 : i32
        %add3A_965 = vector.broadcast %add3A_964 : i32 to vector<16xi32>
        %add3A_966 = arith.addi %add3A_903, %add3A_965 : vector<16xi32>
        %gather3A_967 = tpu.vector_load_idx %arg31[%add3A_966] : memref<53040xi32, #tpu.memory_space<vmem>>[vector<16xi32>], vector<16xi32>,
        %mul3A_968 = arith.constant 16 : i32
        %mul3A_969 = arith.muli %add3A_506, %mul3A_968 : i32
        %add3A_970 = arith.constant 0 : i32
        %add3A_971 = arith.addi %mul3A_969, %add3A_970 : i32
        %swap3A_972 = arith.index_cast %add3A_971 : i32 to index
        %swap3A_973 = arith.constant 32 : index
        %swap3A_974 = tpu.vector_load %arg32[%swap3A_972, %swap3A_973] {strides = array<i32>} : memref<416x128xi32, #tpu.memory_space<vmem>>, vector<16xi32>,
        tpu.vector_store %arg32[%swap3A_972, %swap3A_973], %gather3A_907 {strides = array<i32>} : memref<416x128xi32, #tpu.memory_space<vmem>>, vector<16xi32>,
        %mul3A_975 = arith.constant 16 : i32
        %mul3A_976 = arith.muli %add3A_506, %mul3A_975 : i32
        %add3A_977 = arith.constant 1 : i32
        %add3A_978 = arith.addi %mul3A_976, %add3A_977 : i32
        %swap3A_979 = arith.index_cast %add3A_978 : i32 to index
        %swap3A_980 = arith.constant 32 : index
        %swap3A_981 = tpu.vector_load %arg32[%swap3A_979, %swap3A_980] {strides = array<i32>} : memref<416x128xi32, #tpu.memory_space<vmem>>, vector<16xi32>,
        tpu.vector_store %arg32[%swap3A_979, %swap3A_980], %gather3A_911 {strides = array<i32>} : memref<416x128xi32, #tpu.memory_space<vmem>>, vector<16xi32>,
        %mul3A_982 = arith.constant 16 : i32
        %mul3A_983 = arith.muli %add3A_506, %mul3A_982 : i32
        %add3A_984 = arith.constant 2 : i32
        %add3A_985 = arith.addi %mul3A_983, %add3A_984 : i32
        %swap3A_986 = arith.index_cast %add3A_985 : i32 to index
        %swap3A_987 = arith.constant 32 : index
        %swap3A_988 = tpu.vector_load %arg32[%swap3A_986, %swap3A_987] {strides = array<i32>} : memref<416x128xi32, #tpu.memory_space<vmem>>, vector<16xi32>,
        tpu.vector_store %arg32[%swap3A_986, %swap3A_987], %gather3A_915 {strides = array<i32>} : memref<416x128xi32, #tpu.memory_space<vmem>>, vector<16xi32>,
        %mul3A_989 = arith.constant 16 : i32
        %mul3A_990 = arith.muli %add3A_506, %mul3A_989 : i32
        %add3A_991 = arith.constant 3 : i32
        %add3A_992 = arith.addi %mul3A_990, %add3A_991 : i32
        %swap3A_993 = arith.index_cast %add3A_992 : i32 to index
        %swap3A_994 = arith.constant 32 : index
        %swap3A_995 = tpu.vector_load %arg32[%swap3A_993, %swap3A_994] {strides = array<i32>} : memref<416x128xi32, #tpu.memory_space<vmem>>, vector<16xi32>,
        tpu.vector_store %arg32[%swap3A_993, %swap3A_994], %gather3A_919 {strides = array<i32>} : memref<416x128xi32, #tpu.memory_space<vmem>>, vector<16xi32>,
        %mul3A_996 = arith.constant 16 : i32
        %mul3A_997 = arith.muli %add3A_506, %mul3A_996 : i32
        %add3A_998 = arith.constant 4 : i32
        %add3A_999 = arith.addi %mul3A_997, %add3A_998 : i32
        %swap3A_1000 = arith.index_cast %add3A_999 : i32 to index
        %swap3A_1001 = arith.constant 32 : index
        %swap3A_1002 = tpu.vector_load %arg32[%swap3A_1000, %swap3A_1001] {strides = array<i32>} : memref<416x128xi32, #tpu.memory_space<vmem>>, vector<16xi32>,
        tpu.vector_store %arg32[%swap3A_1000, %swap3A_1001], %gather3A_923 {strides = array<i32>} : memref<416x128xi32, #tpu.memory_space<vmem>>, vector<16xi32>,
        %mul3A_1003 = arith.constant 16 : i32
        %mul3A_1004 = arith.muli %add3A_506, %mul3A_1003 : i32
        %add3A_1005 = arith.constant 5 : i32
        %add3A_1006 = arith.addi %mul3A_1004, %add3A_1005 : i32
        %swap3A_1007 = arith.index_cast %add3A_1006 : i32 to index
        %swap3A_1008 = arith.constant 32 : index
        %swap3A_1009 = tpu.vector_load %arg32[%swap3A_1007, %swap3A_1008] {strides = array<i32>} : memref<416x128xi32, #tpu.memory_space<vmem>>, vector<16xi32>,
        tpu.vector_store %arg32[%swap3A_1007, %swap3A_1008], %gather3A_927 {strides = array<i32>} : memref<416x128xi32, #tpu.memory_space<vmem>>, vector<16xi32>,
        %mul3A_1010 = arith.constant 16 : i32
        %mul3A_1011 = arith.muli %add3A_506, %mul3A_1010 : i32
        %add3A_1012 = arith.constant 6 : i32
        %add3A_1013 = arith.addi %mul3A_1011, %add3A_1012 : i32
        %swap3A_1014 = arith.index_cast %add3A_1013 : i32 to index
        %swap3A_1015 = arith.constant 32 : index
        %swap3A_1016 = tpu.vector_load %arg32[%swap3A_1014, %swap3A_1015] {strides = array<i32>} : memref<416x128xi32, #tpu.memory_space<vmem>>, vector<16xi32>,
        tpu.vector_store %arg32[%swap3A_1014, %swap3A_1015], %gather3A_931 {strides = array<i32>} : memref<416x128xi32, #tpu.memory_space<vmem>>, vector<16xi32>,
        %mul3A_1017 = arith.constant 16 : i32
        %mul3A_1018 = arith.muli %add3A_506, %mul3A_1017 : i32
        %add3A_1019 = arith.constant 7 : i32
        %add3A_1020 = arith.addi %mul3A_1018, %add3A_1019 : i32
        %swap3A_1021 = arith.index_cast %add3A_1020 : i32 to index
        %swap3A_1022 = arith.constant 32 : index
        %swap3A_1023 = tpu.vector_load %arg32[%swap3A_1021, %swap3A_1022] {strides = array<i32>} : memref<416x128xi32, #tpu.memory_space<vmem>>, vector<16xi32>,
        tpu.vector_store %arg32[%swap3A_1021, %swap3A_1022], %gather3A_935 {strides = array<i32>} : memref<416x128xi32, #tpu.memory_space<vmem>>, vector<16xi32>,
        %mul3A_1024 = arith.constant 16 : i32
        %mul3A_1025 = arith.muli %add3A_506, %mul3A_1024 : i32
        %add3A_1026 = arith.constant 8 : i32
        %add3A_1027 = arith.addi %mul3A_1025, %add3A_1026 : i32
        %swap3A_1028 = arith.index_cast %add3A_1027 : i32 to index
        %swap3A_1029 = arith.constant 32 : index
        %swap3A_1030 = tpu.vector_load %arg32[%swap3A_1028, %swap3A_1029] {strides = array<i32>} : memref<416x128xi32, #tpu.memory_space<vmem>>, vector<16xi32>,
        tpu.vector_store %arg32[%swap3A_1028, %swap3A_1029], %gather3A_939 {strides = array<i32>} : memref<416x128xi32, #tpu.memory_space<vmem>>, vector<16xi32>,
        %mul3A_1031 = arith.constant 16 : i32
        %mul3A_1032 = arith.muli %add3A_506, %mul3A_1031 : i32
        %add3A_1033 = arith.constant 9 : i32
        %add3A_1034 = arith.addi %mul3A_1032, %add3A_1033 : i32
        %swap3A_1035 = arith.index_cast %add3A_1034 : i32 to index
        %swap3A_1036 = arith.constant 32 : index
        %swap3A_1037 = tpu.vector_load %arg32[%swap3A_1035, %swap3A_1036] {strides = array<i32>} : memref<416x128xi32, #tpu.memory_space<vmem>>, vector<16xi32>,
        tpu.vector_store %arg32[%swap3A_1035, %swap3A_1036], %gather3A_943 {strides = array<i32>} : memref<416x128xi32, #tpu.memory_space<vmem>>, vector<16xi32>,
        %mul3A_1038 = arith.constant 16 : i32
        %mul3A_1039 = arith.muli %add3A_506, %mul3A_1038 : i32
        %add3A_1040 = arith.constant 10 : i32
        %add3A_1041 = arith.addi %mul3A_1039, %add3A_1040 : i32
        %swap3A_1042 = arith.index_cast %add3A_1041 : i32 to index
        %swap3A_1043 = arith.constant 32 : index
        %swap3A_1044 = tpu.vector_load %arg32[%swap3A_1042, %swap3A_1043] {strides = array<i32>} : memref<416x128xi32, #tpu.memory_space<vmem>>, vector<16xi32>,
        tpu.vector_store %arg32[%swap3A_1042, %swap3A_1043], %gather3A_947 {strides = array<i32>} : memref<416x128xi32, #tpu.memory_space<vmem>>, vector<16xi32>,
        %mul3A_1045 = arith.constant 16 : i32
        %mul3A_1046 = arith.muli %add3A_506, %mul3A_1045 : i32
        %add3A_1047 = arith.constant 11 : i32
        %add3A_1048 = arith.addi %mul3A_1046, %add3A_1047 : i32
        %swap3A_1049 = arith.index_cast %add3A_1048 : i32 to index
        %swap3A_1050 = arith.constant 32 : index
        %swap3A_1051 = tpu.vector_load %arg32[%swap3A_1049, %swap3A_1050] {strides = array<i32>} : memref<416x128xi32, #tpu.memory_space<vmem>>, vector<16xi32>,
        tpu.vector_store %arg32[%swap3A_1049, %swap3A_1050], %gather3A_951 {strides = array<i32>} : memref<416x128xi32, #tpu.memory_space<vmem>>, vector<16xi32>,
        %mul3A_1052 = arith.constant 16 : i32
        %mul3A_1053 = arith.muli %add3A_506, %mul3A_1052 : i32
        %add3A_1054 = arith.constant 12 : i32
        %add3A_1055 = arith.addi %mul3A_1053, %add3A_1054 : i32
        %swap3A_1056 = arith.index_cast %add3A_1055 : i32 to index
        %swap3A_1057 = arith.constant 32 : index
        %swap3A_1058 = tpu.vector_load %arg32[%swap3A_1056, %swap3A_1057] {strides = array<i32>} : memref<416x128xi32, #tpu.memory_space<vmem>>, vector<16xi32>,
        tpu.vector_store %arg32[%swap3A_1056, %swap3A_1057], %gather3A_955 {strides = array<i32>} : memref<416x128xi32, #tpu.memory_space<vmem>>, vector<16xi32>,
        %mul3A_1059 = arith.constant 16 : i32
        %mul3A_1060 = arith.muli %add3A_506, %mul3A_1059 : i32
        %add3A_1061 = arith.constant 13 : i32
        %add3A_1062 = arith.addi %mul3A_1060, %add3A_1061 : i32
        %swap3A_1063 = arith.index_cast %add3A_1062 : i32 to index
        %swap3A_1064 = arith.constant 32 : index
        %swap3A_1065 = tpu.vector_load %arg32[%swap3A_1063, %swap3A_1064] {strides = array<i32>} : memref<416x128xi32, #tpu.memory_space<vmem>>, vector<16xi32>,
        tpu.vector_store %arg32[%swap3A_1063, %swap3A_1064], %gather3A_959 {strides = array<i32>} : memref<416x128xi32, #tpu.memory_space<vmem>>, vector<16xi32>,
        %mul3A_1066 = arith.constant 16 : i32
        %mul3A_1067 = arith.muli %add3A_506, %mul3A_1066 : i32
        %add3A_1068 = arith.constant 14 : i32
        %add3A_1069 = arith.addi %mul3A_1067, %add3A_1068 : i32
        %swap3A_1070 = arith.index_cast %add3A_1069 : i32 to index
        %swap3A_1071 = arith.constant 32 : index
        %swap3A_1072 = tpu.vector_load %arg32[%swap3A_1070, %swap3A_1071] {strides = array<i32>} : memref<416x128xi32, #tpu.memory_space<vmem>>, vector<16xi32>,
        tpu.vector_store %arg32[%swap3A_1070, %swap3A_1071], %gather3A_963 {strides = array<i32>} : memref<416x128xi32, #tpu.memory_space<vmem>>, vector<16xi32>,
        %mul3A_1073 = arith.constant 16 : i32
        %mul3A_1074 = arith.muli %add3A_506, %mul3A_1073 : i32
        %add3A_1075 = arith.constant 15 : i32
        %add3A_1076 = arith.addi %mul3A_1074, %add3A_1075 : i32
        %swap3A_1077 = arith.index_cast %add3A_1076 : i32 to index
        %swap3A_1078 = arith.constant 32 : index
        %swap3A_1079 = tpu.vector_load %arg32[%swap3A_1077, %swap3A_1078] {strides = array<i32>} : memref<416x128xi32, #tpu.memory_space<vmem>>, vector<16xi32>,
        tpu.vector_store %arg32[%swap3A_1077, %swap3A_1078], %gather3A_967 {strides = array<i32>} : memref<416x128xi32, #tpu.memory_space<vmem>>, vector<16xi32>,
        %mul3A_1080 = arith.constant 512 : i32
        %mul3A_1081 = arith.muli %add3A_506, %mul3A_1080 : i32
        %mul3A_1082 = arith.constant 128 : i32
        %mul3A_1083 = arith.muli %add3A_453, %mul3A_1082 : i32
        %add3A_1084 = arith.addi %mul3A_1081, %mul3A_1083 : i32
        %add3A_1085 = arith.constant 48 : i32
        %add3A_1086 = arith.addi %add3A_1084, %add3A_1085 : i32
        %get3A_1087 = arith.index_cast %add3A_1086 : i32 to index
        %get3A_1088 = tpu.vector_load %arg30[%get3A_1087] {strides = array<i32>} : memref<13312xi32, #tpu.memory_space<vmem>>, vector<16xi32>,
        %mul3A_1089 = arith.constant 17 : i32
        %mul3A_1090 = vector.broadcast %mul3A_1089 : i32 to vector<16xi32>
        %mul3A_1091 = arith.muli %get3A_1088, %mul3A_1090 : vector<16xi32>
        %mul3A_1092 = arith.constant 2040 : i32
        %mul3A_1093 = arith.muli %add3A_506, %mul3A_1092 : i32
        %add3A_1094 = vector.broadcast %mul3A_1093 : i32 to vector<16xi32>
        %add3A_1095 = arith.addi %mul3A_1091, %add3A_1094 : vector<16xi32>
        %add3A_1096 = arith.constant 0 : i32
        %add3A_1097 = vector.broadcast %add3A_1096 : i32 to vector<16xi32>
        %add3A_1098 = arith.addi %add3A_1095, %add3A_1097 : vector<16xi32>
        %gather3A_1099 = tpu.vector_load_idx %arg31[%add3A_1098] : memref<53040xi32, #tpu.memory_space<vmem>>[vector<16xi32>], vector<16xi32>,
        %add3A_1100 = arith.constant 1 : i32
        %add3A_1101 = vector.broadcast %add3A_1100 : i32 to vector<16xi32>
        %add3A_1102 = arith.addi %add3A_1095, %add3A_1101 : vector<16xi32>
        %gather3A_1103 = tpu.vector_load_idx %arg31[%add3A_1102] : memref<53040xi32, #tpu.memory_space<vmem>>[vector<16xi32>], vector<16xi32>,
        %add3A_1104 = arith.constant 2 : i32
        %add3A_1105 = vector.broadcast %add3A_1104 : i32 to vector<16xi32>
        %add3A_1106 = arith.addi %add3A_1095, %add3A_1105 : vector<16xi32>
        %gather3A_1107 = tpu.vector_load_idx %arg31[%add3A_1106] : memref<53040xi32, #tpu.memory_space<vmem>>[vector<16xi32>], vector<16xi32>,
        %add3A_1108 = arith.constant 3 : i32
        %add3A_1109 = vector.broadcast %add3A_1108 : i32 to vector<16xi32>
        %add3A_1110 = arith.addi %add3A_1095, %add3A_1109 : vector<16xi32>
        %gather3A_1111 = tpu.vector_load_idx %arg31[%add3A_1110] : memref<53040xi32, #tpu.memory_space<vmem>>[vector<16xi32>], vector<16xi32>,
        %add3A_1112 = arith.constant 4 : i32
        %add3A_1113 = vector.broadcast %add3A_1112 : i32 to vector<16xi32>
        %add3A_1114 = arith.addi %add3A_1095, %add3A_1113 : vector<16xi32>
        %gather3A_1115 = tpu.vector_load_idx %arg31[%add3A_1114] : memref<53040xi32, #tpu.memory_space<vmem>>[vector<16xi32>], vector<16xi32>,
        %add3A_1116 = arith.constant 5 : i32
        %add3A_1117 = vector.broadcast %add3A_1116 : i32 to vector<16xi32>
        %add3A_1118 = arith.addi %add3A_1095, %add3A_1117 : vector<16xi32>
        %gather3A_1119 = tpu.vector_load_idx %arg31[%add3A_1118] : memref<53040xi32, #tpu.memory_space<vmem>>[vector<16xi32>], vector<16xi32>,
        %add3A_1120 = arith.constant 6 : i32
        %add3A_1121 = vector.broadcast %add3A_1120 : i32 to vector<16xi32>
        %add3A_1122 = arith.addi %add3A_1095, %add3A_1121 : vector<16xi32>
        %gather3A_1123 = tpu.vector_load_idx %arg31[%add3A_1122] : memref<53040xi32, #tpu.memory_space<vmem>>[vector<16xi32>], vector<16xi32>,
        %add3A_1124 = arith.constant 7 : i32
        %add3A_1125 = vector.broadcast %add3A_1124 : i32 to vector<16xi32>
        %add3A_1126 = arith.addi %add3A_1095, %add3A_1125 : vector<16xi32>
        %gather3A_1127 = tpu.vector_load_idx %arg31[%add3A_1126] : memref<53040xi32, #tpu.memory_space<vmem>>[vector<16xi32>], vector<16xi32>,
        %add3A_1128 = arith.constant 8 : i32
        %add3A_1129 = vector.broadcast %add3A_1128 : i32 to vector<16xi32>
        %add3A_1130 = arith.addi %add3A_1095, %add3A_1129 : vector<16xi32>
        %gather3A_1131 = tpu.vector_load_idx %arg31[%add3A_1130] : memref<53040xi32, #tpu.memory_space<vmem>>[vector<16xi32>], vector<16xi32>,
        %add3A_1132 = arith.constant 9 : i32
        %add3A_1133 = vector.broadcast %add3A_1132 : i32 to vector<16xi32>
        %add3A_1134 = arith.addi %add3A_1095, %add3A_1133 : vector<16xi32>
        %gather3A_1135 = tpu.vector_load_idx %arg31[%add3A_1134] : memref<53040xi32, #tpu.memory_space<vmem>>[vector<16xi32>], vector<16xi32>,
        %add3A_1136 = arith.constant 10 : i32
        %add3A_1137 = vector.broadcast %add3A_1136 : i32 to vector<16xi32>
        %add3A_1138 = arith.addi %add3A_1095, %add3A_1137 : vector<16xi32>
        %gather3A_1139 = tpu.vector_load_idx %arg31[%add3A_1138] : memref<53040xi32, #tpu.memory_space<vmem>>[vector<16xi32>], vector<16xi32>,
        %add3A_1140 = arith.constant 11 : i32
        %add3A_1141 = vector.broadcast %add3A_1140 : i32 to vector<16xi32>
        %add3A_1142 = arith.addi %add3A_1095, %add3A_1141 : vector<16xi32>
        %gather3A_1143 = tpu.vector_load_idx %arg31[%add3A_1142] : memref<53040xi32, #tpu.memory_space<vmem>>[vector<16xi32>], vector<16xi32>,
        %add3A_1144 = arith.constant 12 : i32
        %add3A_1145 = vector.broadcast %add3A_1144 : i32 to vector<16xi32>
        %add3A_1146 = arith.addi %add3A_1095, %add3A_1145 : vector<16xi32>
        %gather3A_1147 = tpu.vector_load_idx %arg31[%add3A_1146] : memref<53040xi32, #tpu.memory_space<vmem>>[vector<16xi32>], vector<16xi32>,
        %add3A_1148 = arith.constant 13 : i32
        %add3A_1149 = vector.broadcast %add3A_1148 : i32 to vector<16xi32>
        %add3A_1150 = arith.addi %add3A_1095, %add3A_1149 : vector<16xi32>
        %gather3A_1151 = tpu.vector_load_idx %arg31[%add3A_1150] : memref<53040xi32, #tpu.memory_space<vmem>>[vector<16xi32>], vector<16xi32>,
        %add3A_1152 = arith.constant 14 : i32
        %add3A_1153 = vector.broadcast %add3A_1152 : i32 to vector<16xi32>
        %add3A_1154 = arith.addi %add3A_1095, %add3A_1153 : vector<16xi32>
        %gather3A_1155 = tpu.vector_load_idx %arg31[%add3A_1154] : memref<53040xi32, #tpu.memory_space<vmem>>[vector<16xi32>], vector<16xi32>,
        %add3A_1156 = arith.constant 15 : i32
        %add3A_1157 = vector.broadcast %add3A_1156 : i32 to vector<16xi32>
        %add3A_1158 = arith.addi %add3A_1095, %add3A_1157 : vector<16xi32>
        %gather3A_1159 = tpu.vector_load_idx %arg31[%add3A_1158] : memref<53040xi32, #tpu.memory_space<vmem>>[vector<16xi32>], vector<16xi32>,
        %mul3A_1160 = arith.constant 16 : i32
        %mul3A_1161 = arith.muli %add3A_506, %mul3A_1160 : i32
        %add3A_1162 = arith.constant 0 : i32
        %add3A_1163 = arith.addi %mul3A_1161, %add3A_1162 : i32
        %swap3A_1164 = arith.index_cast %add3A_1163 : i32 to index
        %swap3A_1165 = arith.constant 48 : index
        %swap3A_1166 = tpu.vector_load %arg32[%swap3A_1164, %swap3A_1165] {strides = array<i32>} : memref<416x128xi32, #tpu.memory_space<vmem>>, vector<16xi32>,
        tpu.vector_store %arg32[%swap3A_1164, %swap3A_1165], %gather3A_1099 {strides = array<i32>} : memref<416x128xi32, #tpu.memory_space<vmem>>, vector<16xi32>,
        %mul3A_1167 = arith.constant 16 : i32
        %mul3A_1168 = arith.muli %add3A_506, %mul3A_1167 : i32
        %add3A_1169 = arith.constant 1 : i32
        %add3A_1170 = arith.addi %mul3A_1168, %add3A_1169 : i32
        %swap3A_1171 = arith.index_cast %add3A_1170 : i32 to index
        %swap3A_1172 = arith.constant 48 : index
        %swap3A_1173 = tpu.vector_load %arg32[%swap3A_1171, %swap3A_1172] {strides = array<i32>} : memref<416x128xi32, #tpu.memory_space<vmem>>, vector<16xi32>,
        tpu.vector_store %arg32[%swap3A_1171, %swap3A_1172], %gather3A_1103 {strides = array<i32>} : memref<416x128xi32, #tpu.memory_space<vmem>>, vector<16xi32>,
        %mul3A_1174 = arith.constant 16 : i32
        %mul3A_1175 = arith.muli %add3A_506, %mul3A_1174 : i32
        %add3A_1176 = arith.constant 2 : i32
        %add3A_1177 = arith.addi %mul3A_1175, %add3A_1176 : i32
        %swap3A_1178 = arith.index_cast %add3A_1177 : i32 to index
        %swap3A_1179 = arith.constant 48 : index
        %swap3A_1180 = tpu.vector_load %arg32[%swap3A_1178, %swap3A_1179] {strides = array<i32>} : memref<416x128xi32, #tpu.memory_space<vmem>>, vector<16xi32>,
        tpu.vector_store %arg32[%swap3A_1178, %swap3A_1179], %gather3A_1107 {strides = array<i32>} : memref<416x128xi32, #tpu.memory_space<vmem>>, vector<16xi32>,
        %mul3A_1181 = arith.constant 16 : i32
        %mul3A_1182 = arith.muli %add3A_506, %mul3A_1181 : i32
        %add3A_1183 = arith.constant 3 : i32
        %add3A_1184 = arith.addi %mul3A_1182, %add3A_1183 : i32
        %swap3A_1185 = arith.index_cast %add3A_1184 : i32 to index
        %swap3A_1186 = arith.constant 48 : index
        %swap3A_1187 = tpu.vector_load %arg32[%swap3A_1185, %swap3A_1186] {strides = array<i32>} : memref<416x128xi32, #tpu.memory_space<vmem>>, vector<16xi32>,
        tpu.vector_store %arg32[%swap3A_1185, %swap3A_1186], %gather3A_1111 {strides = array<i32>} : memref<416x128xi32, #tpu.memory_space<vmem>>, vector<16xi32>,
        %mul3A_1188 = arith.constant 16 : i32
        %mul3A_1189 = arith.muli %add3A_506, %mul3A_1188 : i32
        %add3A_1190 = arith.constant 4 : i32
        %add3A_1191 = arith.addi %mul3A_1189, %add3A_1190 : i32
        %swap3A_1192 = arith.index_cast %add3A_1191 : i32 to index
        %swap3A_1193 = arith.constant 48 : index
        %swap3A_1194 = tpu.vector_load %arg32[%swap3A_1192, %swap3A_1193] {strides = array<i32>} : memref<416x128xi32, #tpu.memory_space<vmem>>, vector<16xi32>,
        tpu.vector_store %arg32[%swap3A_1192, %swap3A_1193], %gather3A_1115 {strides = array<i32>} : memref<416x128xi32, #tpu.memory_space<vmem>>, vector<16xi32>,
        %mul3A_1195 = arith.constant 16 : i32
        %mul3A_1196 = arith.muli %add3A_506, %mul3A_1195 : i32
        %add3A_1197 = arith.constant 5 : i32
        %add3A_1198 = arith.addi %mul3A_1196, %add3A_1197 : i32
        %swap3A_1199 = arith.index_cast %add3A_1198 : i32 to index
        %swap3A_1200 = arith.constant 48 : index
        %swap3A_1201 = tpu.vector_load %arg32[%swap3A_1199, %swap3A_1200] {strides = array<i32>} : memref<416x128xi32, #tpu.memory_space<vmem>>, vector<16xi32>,
        tpu.vector_store %arg32[%swap3A_1199, %swap3A_1200], %gather3A_1119 {strides = array<i32>} : memref<416x128xi32, #tpu.memory_space<vmem>>, vector<16xi32>,
        %mul3A_1202 = arith.constant 16 : i32
        %mul3A_1203 = arith.muli %add3A_506, %mul3A_1202 : i32
        %add3A_1204 = arith.constant 6 : i32
        %add3A_1205 = arith.addi %mul3A_1203, %add3A_1204 : i32
        %swap3A_1206 = arith.index_cast %add3A_1205 : i32 to index
        %swap3A_1207 = arith.constant 48 : index
        %swap3A_1208 = tpu.vector_load %arg32[%swap3A_1206, %swap3A_1207] {strides = array<i32>} : memref<416x128xi32, #tpu.memory_space<vmem>>, vector<16xi32>,
        tpu.vector_store %arg32[%swap3A_1206, %swap3A_1207], %gather3A_1123 {strides = array<i32>} : memref<416x128xi32, #tpu.memory_space<vmem>>, vector<16xi32>,
        %mul3A_1209 = arith.constant 16 : i32
        %mul3A_1210 = arith.muli %add3A_506, %mul3A_1209 : i32
        %add3A_1211 = arith.constant 7 : i32
        %add3A_1212 = arith.addi %mul3A_1210, %add3A_1211 : i32
        %swap3A_1213 = arith.index_cast %add3A_1212 : i32 to index
        %swap3A_1214 = arith.constant 48 : index
        %swap3A_1215 = tpu.vector_load %arg32[%swap3A_1213, %swap3A_1214] {strides = array<i32>} : memref<416x128xi32, #tpu.memory_space<vmem>>, vector<16xi32>,
        tpu.vector_store %arg32[%swap3A_1213, %swap3A_1214], %gather3A_1127 {strides = array<i32>} : memref<416x128xi32, #tpu.memory_space<vmem>>, vector<16xi32>,
        %mul3A_1216 = arith.constant 16 : i32
        %mul3A_1217 = arith.muli %add3A_506, %mul3A_1216 : i32
        %add3A_1218 = arith.constant 8 : i32
        %add3A_1219 = arith.addi %mul3A_1217, %add3A_1218 : i32
        %swap3A_1220 = arith.index_cast %add3A_1219 : i32 to index
        %swap3A_1221 = arith.constant 48 : index
        %swap3A_1222 = tpu.vector_load %arg32[%swap3A_1220, %swap3A_1221] {strides = array<i32>} : memref<416x128xi32, #tpu.memory_space<vmem>>, vector<16xi32>,
        tpu.vector_store %arg32[%swap3A_1220, %swap3A_1221], %gather3A_1131 {strides = array<i32>} : memref<416x128xi32, #tpu.memory_space<vmem>>, vector<16xi32>,
        %mul3A_1223 = arith.constant 16 : i32
        %mul3A_1224 = arith.muli %add3A_506, %mul3A_1223 : i32
        %add3A_1225 = arith.constant 9 : i32
        %add3A_1226 = arith.addi %mul3A_1224, %add3A_1225 : i32
        %swap3A_1227 = arith.index_cast %add3A_1226 : i32 to index
        %swap3A_1228 = arith.constant 48 : index
        %swap3A_1229 = tpu.vector_load %arg32[%swap3A_1227, %swap3A_1228] {strides = array<i32>} : memref<416x128xi32, #tpu.memory_space<vmem>>, vector<16xi32>,
        tpu.vector_store %arg32[%swap3A_1227, %swap3A_1228], %gather3A_1135 {strides = array<i32>} : memref<416x128xi32, #tpu.memory_space<vmem>>, vector<16xi32>,
        %mul3A_1230 = arith.constant 16 : i32
        %mul3A_1231 = arith.muli %add3A_506, %mul3A_1230 : i32
        %add3A_1232 = arith.constant 10 : i32
        %add3A_1233 = arith.addi %mul3A_1231, %add3A_1232 : i32
        %swap3A_1234 = arith.index_cast %add3A_1233 : i32 to index
        %swap3A_1235 = arith.constant 48 : index
        %swap3A_1236 = tpu.vector_load %arg32[%swap3A_1234, %swap3A_1235] {strides = array<i32>} : memref<416x128xi32, #tpu.memory_space<vmem>>, vector<16xi32>,
        tpu.vector_store %arg32[%swap3A_1234, %swap3A_1235], %gather3A_1139 {strides = array<i32>} : memref<416x128xi32, #tpu.memory_space<vmem>>, vector<16xi32>,
        %mul3A_1237 = arith.constant 16 : i32
        %mul3A_1238 = arith.muli %add3A_506, %mul3A_1237 : i32
        %add3A_1239 = arith.constant 11 : i32
        %add3A_1240 = arith.addi %mul3A_1238, %add3A_1239 : i32
        %swap3A_1241 = arith.index_cast %add3A_1240 : i32 to index
        %swap3A_1242 = arith.constant 48 : index
        %swap3A_1243 = tpu.vector_load %arg32[%swap3A_1241, %swap3A_1242] {strides = array<i32>} : memref<416x128xi32, #tpu.memory_space<vmem>>, vector<16xi32>,
        tpu.vector_store %arg32[%swap3A_1241, %swap3A_1242], %gather3A_1143 {strides = array<i32>} : memref<416x128xi32, #tpu.memory_space<vmem>>, vector<16xi32>,
        %mul3A_1244 = arith.constant 16 : i32
        %mul3A_1245 = arith.muli %add3A_506, %mul3A_1244 : i32
        %add3A_1246 = arith.constant 12 : i32
        %add3A_1247 = arith.addi %mul3A_1245, %add3A_1246 : i32
        %swap3A_1248 = arith.index_cast %add3A_1247 : i32 to index
        %swap3A_1249 = arith.constant 48 : index
        %swap3A_1250 = tpu.vector_load %arg32[%swap3A_1248, %swap3A_1249] {strides = array<i32>} : memref<416x128xi32, #tpu.memory_space<vmem>>, vector<16xi32>,
        tpu.vector_store %arg32[%swap3A_1248, %swap3A_1249], %gather3A_1147 {strides = array<i32>} : memref<416x128xi32, #tpu.memory_space<vmem>>, vector<16xi32>,
        %mul3A_1251 = arith.constant 16 : i32
        %mul3A_1252 = arith.muli %add3A_506, %mul3A_1251 : i32
        %add3A_1253 = arith.constant 13 : i32
        %add3A_1254 = arith.addi %mul3A_1252, %add3A_1253 : i32
        %swap3A_1255 = arith.index_cast %add3A_1254 : i32 to index
        %swap3A_1256 = arith.constant 48 : index
        %swap3A_1257 = tpu.vector_load %arg32[%swap3A_1255, %swap3A_1256] {strides = array<i32>} : memref<416x128xi32, #tpu.memory_space<vmem>>, vector<16xi32>,
        tpu.vector_store %arg32[%swap3A_1255, %swap3A_1256], %gather3A_1151 {strides = array<i32>} : memref<416x128xi32, #tpu.memory_space<vmem>>, vector<16xi32>,
        %mul3A_1258 = arith.constant 16 : i32
        %mul3A_1259 = arith.muli %add3A_506, %mul3A_1258 : i32
        %add3A_1260 = arith.constant 14 : i32
        %add3A_1261 = arith.addi %mul3A_1259, %add3A_1260 : i32
        %swap3A_1262 = arith.index_cast %add3A_1261 : i32 to index
        %swap3A_1263 = arith.constant 48 : index
        %swap3A_1264 = tpu.vector_load %arg32[%swap3A_1262, %swap3A_1263] {strides = array<i32>} : memref<416x128xi32, #tpu.memory_space<vmem>>, vector<16xi32>,
        tpu.vector_store %arg32[%swap3A_1262, %swap3A_1263], %gather3A_1155 {strides = array<i32>} : memref<416x128xi32, #tpu.memory_space<vmem>>, vector<16xi32>,
        %mul3A_1265 = arith.constant 16 : i32
        %mul3A_1266 = arith.muli %add3A_506, %mul3A_1265 : i32
        %add3A_1267 = arith.constant 15 : i32
        %add3A_1268 = arith.addi %mul3A_1266, %add3A_1267 : i32
        %swap3A_1269 = arith.index_cast %add3A_1268 : i32 to index
        %swap3A_1270 = arith.constant 48 : index
        %swap3A_1271 = tpu.vector_load %arg32[%swap3A_1269, %swap3A_1270] {strides = array<i32>} : memref<416x128xi32, #tpu.memory_space<vmem>>, vector<16xi32>,
        tpu.vector_store %arg32[%swap3A_1269, %swap3A_1270], %gather3A_1159 {strides = array<i32>} : memref<416x128xi32, #tpu.memory_space<vmem>>, vector<16xi32>,
        %mul3A_1272 = arith.constant 512 : i32
        %mul3A_1273 = arith.muli %add3A_506, %mul3A_1272 : i32
        %mul3A_1274 = arith.constant 128 : i32
        %mul3A_1275 = arith.muli %add3A_453, %mul3A_1274 : i32
        %add3A_1276 = arith.addi %mul3A_1273, %mul3A_1275 : i32
        %add3A_1277 = arith.constant 64 : i32
        %add3A_1278 = arith.addi %add3A_1276, %add3A_1277 : i32
        %get3A_1279 = arith.index_cast %add3A_1278 : i32 to index
        %get3A_1280 = tpu.vector_load %arg30[%get3A_1279] {strides = array<i32>} : memref<13312xi32, #tpu.memory_space<vmem>>, vector<16xi32>,
        %mul3A_1281 = arith.constant 17 : i32
        %mul3A_1282 = vector.broadcast %mul3A_1281 : i32 to vector<16xi32>
        %mul3A_1283 = arith.muli %get3A_1280, %mul3A_1282 : vector<16xi32>
        %mul3A_1284 = arith.constant 2040 : i32
        %mul3A_1285 = arith.muli %add3A_506, %mul3A_1284 : i32
        %add3A_1286 = vector.broadcast %mul3A_1285 : i32 to vector<16xi32>
        %add3A_1287 = arith.addi %mul3A_1283, %add3A_1286 : vector<16xi32>
        %add3A_1288 = arith.constant 0 : i32
        %add3A_1289 = vector.broadcast %add3A_1288 : i32 to vector<16xi32>
        %add3A_1290 = arith.addi %add3A_1287, %add3A_1289 : vector<16xi32>
        %gather3A_1291 = tpu.vector_load_idx %arg31[%add3A_1290] : memref<53040xi32, #tpu.memory_space<vmem>>[vector<16xi32>], vector<16xi32>,
        %add3A_1292 = arith.constant 1 : i32
        %add3A_1293 = vector.broadcast %add3A_1292 : i32 to vector<16xi32>
        %add3A_1294 = arith.addi %add3A_1287, %add3A_1293 : vector<16xi32>
        %gather3A_1295 = tpu.vector_load_idx %arg31[%add3A_1294] : memref<53040xi32, #tpu.memory_space<vmem>>[vector<16xi32>], vector<16xi32>,
        %add3A_1296 = arith.constant 2 : i32
        %add3A_1297 = vector.broadcast %add3A_1296 : i32 to vector<16xi32>
        %add3A_1298 = arith.addi %add3A_1287, %add3A_1297 : vector<16xi32>
        %gather3A_1299 = tpu.vector_load_idx %arg31[%add3A_1298] : memref<53040xi32, #tpu.memory_space<vmem>>[vector<16xi32>], vector<16xi32>,
        %add3A_1300 = arith.constant 3 : i32
        %add3A_1301 = vector.broadcast %add3A_1300 : i32 to vector<16xi32>
        %add3A_1302 = arith.addi %add3A_1287, %add3A_1301 : vector<16xi32>
        %gather3A_1303 = tpu.vector_load_idx %arg31[%add3A_1302] : memref<53040xi32, #tpu.memory_space<vmem>>[vector<16xi32>], vector<16xi32>,
        %add3A_1304 = arith.constant 4 : i32
        %add3A_1305 = vector.broadcast %add3A_1304 : i32 to vector<16xi32>
        %add3A_1306 = arith.addi %add3A_1287, %add3A_1305 : vector<16xi32>
        %gather3A_1307 = tpu.vector_load_idx %arg31[%add3A_1306] : memref<53040xi32, #tpu.memory_space<vmem>>[vector<16xi32>], vector<16xi32>,
        %add3A_1308 = arith.constant 5 : i32
        %add3A_1309 = vector.broadcast %add3A_1308 : i32 to vector<16xi32>
        %add3A_1310 = arith.addi %add3A_1287, %add3A_1309 : vector<16xi32>
        %gather3A_1311 = tpu.vector_load_idx %arg31[%add3A_1310] : memref<53040xi32, #tpu.memory_space<vmem>>[vector<16xi32>], vector<16xi32>,
        %add3A_1312 = arith.constant 6 : i32
        %add3A_1313 = vector.broadcast %add3A_1312 : i32 to vector<16xi32>
        %add3A_1314 = arith.addi %add3A_1287, %add3A_1313 : vector<16xi32>
        %gather3A_1315 = tpu.vector_load_idx %arg31[%add3A_1314] : memref<53040xi32, #tpu.memory_space<vmem>>[vector<16xi32>], vector<16xi32>,
        %add3A_1316 = arith.constant 7 : i32
        %add3A_1317 = vector.broadcast %add3A_1316 : i32 to vector<16xi32>
        %add3A_1318 = arith.addi %add3A_1287, %add3A_1317 : vector<16xi32>
        %gather3A_1319 = tpu.vector_load_idx %arg31[%add3A_1318] : memref<53040xi32, #tpu.memory_space<vmem>>[vector<16xi32>], vector<16xi32>,
        %add3A_1320 = arith.constant 8 : i32
        %add3A_1321 = vector.broadcast %add3A_1320 : i32 to vector<16xi32>
        %add3A_1322 = arith.addi %add3A_1287, %add3A_1321 : vector<16xi32>
        %gather3A_1323 = tpu.vector_load_idx %arg31[%add3A_1322] : memref<53040xi32, #tpu.memory_space<vmem>>[vector<16xi32>], vector<16xi32>,
        %add3A_1324 = arith.constant 9 : i32
        %add3A_1325 = vector.broadcast %add3A_1324 : i32 to vector<16xi32>
        %add3A_1326 = arith.addi %add3A_1287, %add3A_1325 : vector<16xi32>
        %gather3A_1327 = tpu.vector_load_idx %arg31[%add3A_1326] : memref<53040xi32, #tpu.memory_space<vmem>>[vector<16xi32>], vector<16xi32>,
        %add3A_1328 = arith.constant 10 : i32
        %add3A_1329 = vector.broadcast %add3A_1328 : i32 to vector<16xi32>
        %add3A_1330 = arith.addi %add3A_1287, %add3A_1329 : vector<16xi32>
        %gather3A_1331 = tpu.vector_load_idx %arg31[%add3A_1330] : memref<53040xi32, #tpu.memory_space<vmem>>[vector<16xi32>], vector<16xi32>,
        %add3A_1332 = arith.constant 11 : i32
        %add3A_1333 = vector.broadcast %add3A_1332 : i32 to vector<16xi32>
        %add3A_1334 = arith.addi %add3A_1287, %add3A_1333 : vector<16xi32>
        %gather3A_1335 = tpu.vector_load_idx %arg31[%add3A_1334] : memref<53040xi32, #tpu.memory_space<vmem>>[vector<16xi32>], vector<16xi32>,
        %add3A_1336 = arith.constant 12 : i32
        %add3A_1337 = vector.broadcast %add3A_1336 : i32 to vector<16xi32>
        %add3A_1338 = arith.addi %add3A_1287, %add3A_1337 : vector<16xi32>
        %gather3A_1339 = tpu.vector_load_idx %arg31[%add3A_1338] : memref<53040xi32, #tpu.memory_space<vmem>>[vector<16xi32>], vector<16xi32>,
        %add3A_1340 = arith.constant 13 : i32
        %add3A_1341 = vector.broadcast %add3A_1340 : i32 to vector<16xi32>
        %add3A_1342 = arith.addi %add3A_1287, %add3A_1341 : vector<16xi32>
        %gather3A_1343 = tpu.vector_load_idx %arg31[%add3A_1342] : memref<53040xi32, #tpu.memory_space<vmem>>[vector<16xi32>], vector<16xi32>,
        %add3A_1344 = arith.constant 14 : i32
        %add3A_1345 = vector.broadcast %add3A_1344 : i32 to vector<16xi32>
        %add3A_1346 = arith.addi %add3A_1287, %add3A_1345 : vector<16xi32>
        %gather3A_1347 = tpu.vector_load_idx %arg31[%add3A_1346] : memref<53040xi32, #tpu.memory_space<vmem>>[vector<16xi32>], vector<16xi32>,
        %add3A_1348 = arith.constant 15 : i32
        %add3A_1349 = vector.broadcast %add3A_1348 : i32 to vector<16xi32>
        %add3A_1350 = arith.addi %add3A_1287, %add3A_1349 : vector<16xi32>
        %gather3A_1351 = tpu.vector_load_idx %arg31[%add3A_1350] : memref<53040xi32, #tpu.memory_space<vmem>>[vector<16xi32>], vector<16xi32>,
        %mul3A_1352 = arith.constant 16 : i32
        %mul3A_1353 = arith.muli %add3A_506, %mul3A_1352 : i32
        %add3A_1354 = arith.constant 0 : i32
        %add3A_1355 = arith.addi %mul3A_1353, %add3A_1354 : i32
        %swap3A_1356 = arith.index_cast %add3A_1355 : i32 to index
        %swap3A_1357 = arith.constant 64 : index
        %swap3A_1358 = tpu.vector_load %arg32[%swap3A_1356, %swap3A_1357] {strides = array<i32>} : memref<416x128xi32, #tpu.memory_space<vmem>>, vector<16xi32>,
        tpu.vector_store %arg32[%swap3A_1356, %swap3A_1357], %gather3A_1291 {strides = array<i32>} : memref<416x128xi32, #tpu.memory_space<vmem>>, vector<16xi32>,
        %mul3A_1359 = arith.constant 16 : i32
        %mul3A_1360 = arith.muli %add3A_506, %mul3A_1359 : i32
        %add3A_1361 = arith.constant 1 : i32
        %add3A_1362 = arith.addi %mul3A_1360, %add3A_1361 : i32
        %swap3A_1363 = arith.index_cast %add3A_1362 : i32 to index
        %swap3A_1364 = arith.constant 64 : index
        %swap3A_1365 = tpu.vector_load %arg32[%swap3A_1363, %swap3A_1364] {strides = array<i32>} : memref<416x128xi32, #tpu.memory_space<vmem>>, vector<16xi32>,
        tpu.vector_store %arg32[%swap3A_1363, %swap3A_1364], %gather3A_1295 {strides = array<i32>} : memref<416x128xi32, #tpu.memory_space<vmem>>, vector<16xi32>,
        %mul3A_1366 = arith.constant 16 : i32
        %mul3A_1367 = arith.muli %add3A_506, %mul3A_1366 : i32
        %add3A_1368 = arith.constant 2 : i32
        %add3A_1369 = arith.addi %mul3A_1367, %add3A_1368 : i32
        %swap3A_1370 = arith.index_cast %add3A_1369 : i32 to index
        %swap3A_1371 = arith.constant 64 : index
        %swap3A_1372 = tpu.vector_load %arg32[%swap3A_1370, %swap3A_1371] {strides = array<i32>} : memref<416x128xi32, #tpu.memory_space<vmem>>, vector<16xi32>,
        tpu.vector_store %arg32[%swap3A_1370, %swap3A_1371], %gather3A_1299 {strides = array<i32>} : memref<416x128xi32, #tpu.memory_space<vmem>>, vector<16xi32>,
        %mul3A_1373 = arith.constant 16 : i32
        %mul3A_1374 = arith.muli %add3A_506, %mul3A_1373 : i32
        %add3A_1375 = arith.constant 3 : i32
        %add3A_1376 = arith.addi %mul3A_1374, %add3A_1375 : i32
        %swap3A_1377 = arith.index_cast %add3A_1376 : i32 to index
        %swap3A_1378 = arith.constant 64 : index
        %swap3A_1379 = tpu.vector_load %arg32[%swap3A_1377, %swap3A_1378] {strides = array<i32>} : memref<416x128xi32, #tpu.memory_space<vmem>>, vector<16xi32>,
        tpu.vector_store %arg32[%swap3A_1377, %swap3A_1378], %gather3A_1303 {strides = array<i32>} : memref<416x128xi32, #tpu.memory_space<vmem>>, vector<16xi32>,
        %mul3A_1380 = arith.constant 16 : i32
        %mul3A_1381 = arith.muli %add3A_506, %mul3A_1380 : i32
        %add3A_1382 = arith.constant 4 : i32
        %add3A_1383 = arith.addi %mul3A_1381, %add3A_1382 : i32
        %swap3A_1384 = arith.index_cast %add3A_1383 : i32 to index
        %swap3A_1385 = arith.constant 64 : index
        %swap3A_1386 = tpu.vector_load %arg32[%swap3A_1384, %swap3A_1385] {strides = array<i32>} : memref<416x128xi32, #tpu.memory_space<vmem>>, vector<16xi32>,
        tpu.vector_store %arg32[%swap3A_1384, %swap3A_1385], %gather3A_1307 {strides = array<i32>} : memref<416x128xi32, #tpu.memory_space<vmem>>, vector<16xi32>,
        %mul3A_1387 = arith.constant 16 : i32
        %mul3A_1388 = arith.muli %add3A_506, %mul3A_1387 : i32
        %add3A_1389 = arith.constant 5 : i32
        %add3A_1390 = arith.addi %mul3A_1388, %add3A_1389 : i32
        %swap3A_1391 = arith.index_cast %add3A_1390 : i32 to index
        %swap3A_1392 = arith.constant 64 : index
        %swap3A_1393 = tpu.vector_load %arg32[%swap3A_1391, %swap3A_1392] {strides = array<i32>} : memref<416x128xi32, #tpu.memory_space<vmem>>, vector<16xi32>,
        tpu.vector_store %arg32[%swap3A_1391, %swap3A_1392], %gather3A_1311 {strides = array<i32>} : memref<416x128xi32, #tpu.memory_space<vmem>>, vector<16xi32>,
        %mul3A_1394 = arith.constant 16 : i32
        %mul3A_1395 = arith.muli %add3A_506, %mul3A_1394 : i32
        %add3A_1396 = arith.constant 6 : i32
        %add3A_1397 = arith.addi %mul3A_1395, %add3A_1396 : i32
        %swap3A_1398 = arith.index_cast %add3A_1397 : i32 to index
        %swap3A_1399 = arith.constant 64 : index
        %swap3A_1400 = tpu.vector_load %arg32[%swap3A_1398, %swap3A_1399] {strides = array<i32>} : memref<416x128xi32, #tpu.memory_space<vmem>>, vector<16xi32>,
        tpu.vector_store %arg32[%swap3A_1398, %swap3A_1399], %gather3A_1315 {strides = array<i32>} : memref<416x128xi32, #tpu.memory_space<vmem>>, vector<16xi32>,
        %mul3A_1401 = arith.constant 16 : i32
        %mul3A_1402 = arith.muli %add3A_506, %mul3A_1401 : i32
        %add3A_1403 = arith.constant 7 : i32
        %add3A_1404 = arith.addi %mul3A_1402, %add3A_1403 : i32
        %swap3A_1405 = arith.index_cast %add3A_1404 : i32 to index
        %swap3A_1406 = arith.constant 64 : index
        %swap3A_1407 = tpu.vector_load %arg32[%swap3A_1405, %swap3A_1406] {strides = array<i32>} : memref<416x128xi32, #tpu.memory_space<vmem>>, vector<16xi32>,
        tpu.vector_store %arg32[%swap3A_1405, %swap3A_1406], %gather3A_1319 {strides = array<i32>} : memref<416x128xi32, #tpu.memory_space<vmem>>, vector<16xi32>,
        %mul3A_1408 = arith.constant 16 : i32
        %mul3A_1409 = arith.muli %add3A_506, %mul3A_1408 : i32
        %add3A_1410 = arith.constant 8 : i32
        %add3A_1411 = arith.addi %mul3A_1409, %add3A_1410 : i32
        %swap3A_1412 = arith.index_cast %add3A_1411 : i32 to index
        %swap3A_1413 = arith.constant 64 : index
        %swap3A_1414 = tpu.vector_load %arg32[%swap3A_1412, %swap3A_1413] {strides = array<i32>} : memref<416x128xi32, #tpu.memory_space<vmem>>, vector<16xi32>,
        tpu.vector_store %arg32[%swap3A_1412, %swap3A_1413], %gather3A_1323 {strides = array<i32>} : memref<416x128xi32, #tpu.memory_space<vmem>>, vector<16xi32>,
        %mul3A_1415 = arith.constant 16 : i32
        %mul3A_1416 = arith.muli %add3A_506, %mul3A_1415 : i32
        %add3A_1417 = arith.constant 9 : i32
        %add3A_1418 = arith.addi %mul3A_1416, %add3A_1417 : i32
        %swap3A_1419 = arith.index_cast %add3A_1418 : i32 to index
        %swap3A_1420 = arith.constant 64 : index
        %swap3A_1421 = tpu.vector_load %arg32[%swap3A_1419, %swap3A_1420] {strides = array<i32>} : memref<416x128xi32, #tpu.memory_space<vmem>>, vector<16xi32>,
        tpu.vector_store %arg32[%swap3A_1419, %swap3A_1420], %gather3A_1327 {strides = array<i32>} : memref<416x128xi32, #tpu.memory_space<vmem>>, vector<16xi32>,
        %mul3A_1422 = arith.constant 16 : i32
        %mul3A_1423 = arith.muli %add3A_506, %mul3A_1422 : i32
        %add3A_1424 = arith.constant 10 : i32
        %add3A_1425 = arith.addi %mul3A_1423, %add3A_1424 : i32
        %swap3A_1426 = arith.index_cast %add3A_1425 : i32 to index
        %swap3A_1427 = arith.constant 64 : index
        %swap3A_1428 = tpu.vector_load %arg32[%swap3A_1426, %swap3A_1427] {strides = array<i32>} : memref<416x128xi32, #tpu.memory_space<vmem>>, vector<16xi32>,
        tpu.vector_store %arg32[%swap3A_1426, %swap3A_1427], %gather3A_1331 {strides = array<i32>} : memref<416x128xi32, #tpu.memory_space<vmem>>, vector<16xi32>,
        %mul3A_1429 = arith.constant 16 : i32
        %mul3A_1430 = arith.muli %add3A_506, %mul3A_1429 : i32
        %add3A_1431 = arith.constant 11 : i32
        %add3A_1432 = arith.addi %mul3A_1430, %add3A_1431 : i32
        %swap3A_1433 = arith.index_cast %add3A_1432 : i32 to index
        %swap3A_1434 = arith.constant 64 : index
        %swap3A_1435 = tpu.vector_load %arg32[%swap3A_1433, %swap3A_1434] {strides = array<i32>} : memref<416x128xi32, #tpu.memory_space<vmem>>, vector<16xi32>,
        tpu.vector_store %arg32[%swap3A_1433, %swap3A_1434], %gather3A_1335 {strides = array<i32>} : memref<416x128xi32, #tpu.memory_space<vmem>>, vector<16xi32>,
        %mul3A_1436 = arith.constant 16 : i32
        %mul3A_1437 = arith.muli %add3A_506, %mul3A_1436 : i32
        %add3A_1438 = arith.constant 12 : i32
        %add3A_1439 = arith.addi %mul3A_1437, %add3A_1438 : i32
        %swap3A_1440 = arith.index_cast %add3A_1439 : i32 to index
        %swap3A_1441 = arith.constant 64 : index
        %swap3A_1442 = tpu.vector_load %arg32[%swap3A_1440, %swap3A_1441] {strides = array<i32>} : memref<416x128xi32, #tpu.memory_space<vmem>>, vector<16xi32>,
        tpu.vector_store %arg32[%swap3A_1440, %swap3A_1441], %gather3A_1339 {strides = array<i32>} : memref<416x128xi32, #tpu.memory_space<vmem>>, vector<16xi32>,
        %mul3A_1443 = arith.constant 16 : i32
        %mul3A_1444 = arith.muli %add3A_506, %mul3A_1443 : i32
        %add3A_1445 = arith.constant 13 : i32
        %add3A_1446 = arith.addi %mul3A_1444, %add3A_1445 : i32
        %swap3A_1447 = arith.index_cast %add3A_1446 : i32 to index
        %swap3A_1448 = arith.constant 64 : index
        %swap3A_1449 = tpu.vector_load %arg32[%swap3A_1447, %swap3A_1448] {strides = array<i32>} : memref<416x128xi32, #tpu.memory_space<vmem>>, vector<16xi32>,
        tpu.vector_store %arg32[%swap3A_1447, %swap3A_1448], %gather3A_1343 {strides = array<i32>} : memref<416x128xi32, #tpu.memory_space<vmem>>, vector<16xi32>,
        %mul3A_1450 = arith.constant 16 : i32
        %mul3A_1451 = arith.muli %add3A_506, %mul3A_1450 : i32
        %add3A_1452 = arith.constant 14 : i32
        %add3A_1453 = arith.addi %mul3A_1451, %add3A_1452 : i32
        %swap3A_1454 = arith.index_cast %add3A_1453 : i32 to index
        %swap3A_1455 = arith.constant 64 : index
        %swap3A_1456 = tpu.vector_load %arg32[%swap3A_1454, %swap3A_1455] {strides = array<i32>} : memref<416x128xi32, #tpu.memory_space<vmem>>, vector<16xi32>,
        tpu.vector_store %arg32[%swap3A_1454, %swap3A_1455], %gather3A_1347 {strides = array<i32>} : memref<416x128xi32, #tpu.memory_space<vmem>>, vector<16xi32>,
        %mul3A_1457 = arith.constant 16 : i32
        %mul3A_1458 = arith.muli %add3A_506, %mul3A_1457 : i32
        %add3A_1459 = arith.constant 15 : i32
        %add3A_1460 = arith.addi %mul3A_1458, %add3A_1459 : i32
        %swap3A_1461 = arith.index_cast %add3A_1460 : i32 to index
        %swap3A_1462 = arith.constant 64 : index
        %swap3A_1463 = tpu.vector_load %arg32[%swap3A_1461, %swap3A_1462] {strides = array<i32>} : memref<416x128xi32, #tpu.memory_space<vmem>>, vector<16xi32>,
        tpu.vector_store %arg32[%swap3A_1461, %swap3A_1462], %gather3A_1351 {strides = array<i32>} : memref<416x128xi32, #tpu.memory_space<vmem>>, vector<16xi32>,
        %mul3A_1464 = arith.constant 512 : i32
        %mul3A_1465 = arith.muli %add3A_506, %mul3A_1464 : i32
        %mul3A_1466 = arith.constant 128 : i32
        %mul3A_1467 = arith.muli %add3A_453, %mul3A_1466 : i32
        %add3A_1468 = arith.addi %mul3A_1465, %mul3A_1467 : i32
        %add3A_1469 = arith.constant 80 : i32
        %add3A_1470 = arith.addi %add3A_1468, %add3A_1469 : i32
        %get3A_1471 = arith.index_cast %add3A_1470 : i32 to index
        %get3A_1472 = tpu.vector_load %arg30[%get3A_1471] {strides = array<i32>} : memref<13312xi32, #tpu.memory_space<vmem>>, vector<16xi32>,
        %mul3A_1473 = arith.constant 17 : i32
        %mul3A_1474 = vector.broadcast %mul3A_1473 : i32 to vector<16xi32>
        %mul3A_1475 = arith.muli %get3A_1472, %mul3A_1474 : vector<16xi32>
        %mul3A_1476 = arith.constant 2040 : i32
        %mul3A_1477 = arith.muli %add3A_506, %mul3A_1476 : i32
        %add3A_1478 = vector.broadcast %mul3A_1477 : i32 to vector<16xi32>
        %add3A_1479 = arith.addi %mul3A_1475, %add3A_1478 : vector<16xi32>
        %add3A_1480 = arith.constant 0 : i32
        %add3A_1481 = vector.broadcast %add3A_1480 : i32 to vector<16xi32>
        %add3A_1482 = arith.addi %add3A_1479, %add3A_1481 : vector<16xi32>
        %gather3A_1483 = tpu.vector_load_idx %arg31[%add3A_1482] : memref<53040xi32, #tpu.memory_space<vmem>>[vector<16xi32>], vector<16xi32>,
        %add3A_1484 = arith.constant 1 : i32
        %add3A_1485 = vector.broadcast %add3A_1484 : i32 to vector<16xi32>
        %add3A_1486 = arith.addi %add3A_1479, %add3A_1485 : vector<16xi32>
        %gather3A_1487 = tpu.vector_load_idx %arg31[%add3A_1486] : memref<53040xi32, #tpu.memory_space<vmem>>[vector<16xi32>], vector<16xi32>,
        %add3A_1488 = arith.constant 2 : i32
        %add3A_1489 = vector.broadcast %add3A_1488 : i32 to vector<16xi32>
        %add3A_1490 = arith.addi %add3A_1479, %add3A_1489 : vector<16xi32>
        %gather3A_1491 = tpu.vector_load_idx %arg31[%add3A_1490] : memref<53040xi32, #tpu.memory_space<vmem>>[vector<16xi32>], vector<16xi32>,
        %add3A_1492 = arith.constant 3 : i32
        %add3A_1493 = vector.broadcast %add3A_1492 : i32 to vector<16xi32>
        %add3A_1494 = arith.addi %add3A_1479, %add3A_1493 : vector<16xi32>
        %gather3A_1495 = tpu.vector_load_idx %arg31[%add3A_1494] : memref<53040xi32, #tpu.memory_space<vmem>>[vector<16xi32>], vector<16xi32>,
        %add3A_1496 = arith.constant 4 : i32
        %add3A_1497 = vector.broadcast %add3A_1496 : i32 to vector<16xi32>
        %add3A_1498 = arith.addi %add3A_1479, %add3A_1497 : vector<16xi32>
        %gather3A_1499 = tpu.vector_load_idx %arg31[%add3A_1498] : memref<53040xi32, #tpu.memory_space<vmem>>[vector<16xi32>], vector<16xi32>,
        %add3A_1500 = arith.constant 5 : i32
        %add3A_1501 = vector.broadcast %add3A_1500 : i32 to vector<16xi32>
        %add3A_1502 = arith.addi %add3A_1479, %add3A_1501 : vector<16xi32>
        %gather3A_1503 = tpu.vector_load_idx %arg31[%add3A_1502] : memref<53040xi32, #tpu.memory_space<vmem>>[vector<16xi32>], vector<16xi32>,
        %add3A_1504 = arith.constant 6 : i32
        %add3A_1505 = vector.broadcast %add3A_1504 : i32 to vector<16xi32>
        %add3A_1506 = arith.addi %add3A_1479, %add3A_1505 : vector<16xi32>
        %gather3A_1507 = tpu.vector_load_idx %arg31[%add3A_1506] : memref<53040xi32, #tpu.memory_space<vmem>>[vector<16xi32>], vector<16xi32>,
        %add3A_1508 = arith.constant 7 : i32
        %add3A_1509 = vector.broadcast %add3A_1508 : i32 to vector<16xi32>
        %add3A_1510 = arith.addi %add3A_1479, %add3A_1509 : vector<16xi32>
        %gather3A_1511 = tpu.vector_load_idx %arg31[%add3A_1510] : memref<53040xi32, #tpu.memory_space<vmem>>[vector<16xi32>], vector<16xi32>,
        %add3A_1512 = arith.constant 8 : i32
        %add3A_1513 = vector.broadcast %add3A_1512 : i32 to vector<16xi32>
        %add3A_1514 = arith.addi %add3A_1479, %add3A_1513 : vector<16xi32>
        %gather3A_1515 = tpu.vector_load_idx %arg31[%add3A_1514] : memref<53040xi32, #tpu.memory_space<vmem>>[vector<16xi32>], vector<16xi32>,
        %add3A_1516 = arith.constant 9 : i32
        %add3A_1517 = vector.broadcast %add3A_1516 : i32 to vector<16xi32>
        %add3A_1518 = arith.addi %add3A_1479, %add3A_1517 : vector<16xi32>
        %gather3A_1519 = tpu.vector_load_idx %arg31[%add3A_1518] : memref<53040xi32, #tpu.memory_space<vmem>>[vector<16xi32>], vector<16xi32>,
        %add3A_1520 = arith.constant 10 : i32
        %add3A_1521 = vector.broadcast %add3A_1520 : i32 to vector<16xi32>
        %add3A_1522 = arith.addi %add3A_1479, %add3A_1521 : vector<16xi32>
        %gather3A_1523 = tpu.vector_load_idx %arg31[%add3A_1522] : memref<53040xi32, #tpu.memory_space<vmem>>[vector<16xi32>], vector<16xi32>,
        %add3A_1524 = arith.constant 11 : i32
        %add3A_1525 = vector.broadcast %add3A_1524 : i32 to vector<16xi32>
        %add3A_1526 = arith.addi %add3A_1479, %add3A_1525 : vector<16xi32>
        %gather3A_1527 = tpu.vector_load_idx %arg31[%add3A_1526] : memref<53040xi32, #tpu.memory_space<vmem>>[vector<16xi32>], vector<16xi32>,
        %add3A_1528 = arith.constant 12 : i32
        %add3A_1529 = vector.broadcast %add3A_1528 : i32 to vector<16xi32>
        %add3A_1530 = arith.addi %add3A_1479, %add3A_1529 : vector<16xi32>
        %gather3A_1531 = tpu.vector_load_idx %arg31[%add3A_1530] : memref<53040xi32, #tpu.memory_space<vmem>>[vector<16xi32>], vector<16xi32>,
        %add3A_1532 = arith.constant 13 : i32
        %add3A_1533 = vector.broadcast %add3A_1532 : i32 to vector<16xi32>
        %add3A_1534 = arith.addi %add3A_1479, %add3A_1533 : vector<16xi32>
        %gather3A_1535 = tpu.vector_load_idx %arg31[%add3A_1534] : memref<53040xi32, #tpu.memory_space<vmem>>[vector<16xi32>], vector<16xi32>,
        %add3A_1536 = arith.constant 14 : i32
        %add3A_1537 = vector.broadcast %add3A_1536 : i32 to vector<16xi32>
        %add3A_1538 = arith.addi %add3A_1479, %add3A_1537 : vector<16xi32>
        %gather3A_1539 = tpu.vector_load_idx %arg31[%add3A_1538] : memref<53040xi32, #tpu.memory_space<vmem>>[vector<16xi32>], vector<16xi32>,
        %add3A_1540 = arith.constant 15 : i32
        %add3A_1541 = vector.broadcast %add3A_1540 : i32 to vector<16xi32>
        %add3A_1542 = arith.addi %add3A_1479, %add3A_1541 : vector<16xi32>
        %gather3A_1543 = tpu.vector_load_idx %arg31[%add3A_1542] : memref<53040xi32, #tpu.memory_space<vmem>>[vector<16xi32>], vector<16xi32>,
        %mul3A_1544 = arith.constant 16 : i32
        %mul3A_1545 = arith.muli %add3A_506, %mul3A_1544 : i32
        %add3A_1546 = arith.constant 0 : i32
        %add3A_1547 = arith.addi %mul3A_1545, %add3A_1546 : i32
        %swap3A_1548 = arith.index_cast %add3A_1547 : i32 to index
        %swap3A_1549 = arith.constant 80 : index
        %swap3A_1550 = tpu.vector_load %arg32[%swap3A_1548, %swap3A_1549] {strides = array<i32>} : memref<416x128xi32, #tpu.memory_space<vmem>>, vector<16xi32>,
        tpu.vector_store %arg32[%swap3A_1548, %swap3A_1549], %gather3A_1483 {strides = array<i32>} : memref<416x128xi32, #tpu.memory_space<vmem>>, vector<16xi32>,
        %mul3A_1551 = arith.constant 16 : i32
        %mul3A_1552 = arith.muli %add3A_506, %mul3A_1551 : i32
        %add3A_1553 = arith.constant 1 : i32
        %add3A_1554 = arith.addi %mul3A_1552, %add3A_1553 : i32
        %swap3A_1555 = arith.index_cast %add3A_1554 : i32 to index
        %swap3A_1556 = arith.constant 80 : index
        %swap3A_1557 = tpu.vector_load %arg32[%swap3A_1555, %swap3A_1556] {strides = array<i32>} : memref<416x128xi32, #tpu.memory_space<vmem>>, vector<16xi32>,
        tpu.vector_store %arg32[%swap3A_1555, %swap3A_1556], %gather3A_1487 {strides = array<i32>} : memref<416x128xi32, #tpu.memory_space<vmem>>, vector<16xi32>,
        %mul3A_1558 = arith.constant 16 : i32
        %mul3A_1559 = arith.muli %add3A_506, %mul3A_1558 : i32
        %add3A_1560 = arith.constant 2 : i32
        %add3A_1561 = arith.addi %mul3A_1559, %add3A_1560 : i32
        %swap3A_1562 = arith.index_cast %add3A_1561 : i32 to index
        %swap3A_1563 = arith.constant 80 : index
        %swap3A_1564 = tpu.vector_load %arg32[%swap3A_1562, %swap3A_1563] {strides = array<i32>} : memref<416x128xi32, #tpu.memory_space<vmem>>, vector<16xi32>,
        tpu.vector_store %arg32[%swap3A_1562, %swap3A_1563], %gather3A_1491 {strides = array<i32>} : memref<416x128xi32, #tpu.memory_space<vmem>>, vector<16xi32>,
        %mul3A_1565 = arith.constant 16 : i32
        %mul3A_1566 = arith.muli %add3A_506, %mul3A_1565 : i32
        %add3A_1567 = arith.constant 3 : i32
        %add3A_1568 = arith.addi %mul3A_1566, %add3A_1567 : i32
        %swap3A_1569 = arith.index_cast %add3A_1568 : i32 to index
        %swap3A_1570 = arith.constant 80 : index
        %swap3A_1571 = tpu.vector_load %arg32[%swap3A_1569, %swap3A_1570] {strides = array<i32>} : memref<416x128xi32, #tpu.memory_space<vmem>>, vector<16xi32>,
        tpu.vector_store %arg32[%swap3A_1569, %swap3A_1570], %gather3A_1495 {strides = array<i32>} : memref<416x128xi32, #tpu.memory_space<vmem>>, vector<16xi32>,
        %mul3A_1572 = arith.constant 16 : i32
        %mul3A_1573 = arith.muli %add3A_506, %mul3A_1572 : i32
        %add3A_1574 = arith.constant 4 : i32
        %add3A_1575 = arith.addi %mul3A_1573, %add3A_1574 : i32
        %swap3A_1576 = arith.index_cast %add3A_1575 : i32 to index
        %swap3A_1577 = arith.constant 80 : index
        %swap3A_1578 = tpu.vector_load %arg32[%swap3A_1576, %swap3A_1577] {strides = array<i32>} : memref<416x128xi32, #tpu.memory_space<vmem>>, vector<16xi32>,
        tpu.vector_store %arg32[%swap3A_1576, %swap3A_1577], %gather3A_1499 {strides = array<i32>} : memref<416x128xi32, #tpu.memory_space<vmem>>, vector<16xi32>,
        %mul3A_1579 = arith.constant 16 : i32
        %mul3A_1580 = arith.muli %add3A_506, %mul3A_1579 : i32
        %add3A_1581 = arith.constant 5 : i32
        %add3A_1582 = arith.addi %mul3A_1580, %add3A_1581 : i32
        %swap3A_1583 = arith.index_cast %add3A_1582 : i32 to index
        %swap3A_1584 = arith.constant 80 : index
        %swap3A_1585 = tpu.vector_load %arg32[%swap3A_1583, %swap3A_1584] {strides = array<i32>} : memref<416x128xi32, #tpu.memory_space<vmem>>, vector<16xi32>,
        tpu.vector_store %arg32[%swap3A_1583, %swap3A_1584], %gather3A_1503 {strides = array<i32>} : memref<416x128xi32, #tpu.memory_space<vmem>>, vector<16xi32>,
        %mul3A_1586 = arith.constant 16 : i32
        %mul3A_1587 = arith.muli %add3A_506, %mul3A_1586 : i32
        %add3A_1588 = arith.constant 6 : i32
        %add3A_1589 = arith.addi %mul3A_1587, %add3A_1588 : i32
        %swap3A_1590 = arith.index_cast %add3A_1589 : i32 to index
        %swap3A_1591 = arith.constant 80 : index
        %swap3A_1592 = tpu.vector_load %arg32[%swap3A_1590, %swap3A_1591] {strides = array<i32>} : memref<416x128xi32, #tpu.memory_space<vmem>>, vector<16xi32>,
        tpu.vector_store %arg32[%swap3A_1590, %swap3A_1591], %gather3A_1507 {strides = array<i32>} : memref<416x128xi32, #tpu.memory_space<vmem>>, vector<16xi32>,
        %mul3A_1593 = arith.constant 16 : i32
        %mul3A_1594 = arith.muli %add3A_506, %mul3A_1593 : i32
        %add3A_1595 = arith.constant 7 : i32
        %add3A_1596 = arith.addi %mul3A_1594, %add3A_1595 : i32
        %swap3A_1597 = arith.index_cast %add3A_1596 : i32 to index
        %swap3A_1598 = arith.constant 80 : index
        %swap3A_1599 = tpu.vector_load %arg32[%swap3A_1597, %swap3A_1598] {strides = array<i32>} : memref<416x128xi32, #tpu.memory_space<vmem>>, vector<16xi32>,
        tpu.vector_store %arg32[%swap3A_1597, %swap3A_1598], %gather3A_1511 {strides = array<i32>} : memref<416x128xi32, #tpu.memory_space<vmem>>, vector<16xi32>,
        %mul3A_1600 = arith.constant 16 : i32
        %mul3A_1601 = arith.muli %add3A_506, %mul3A_1600 : i32
        %add3A_1602 = arith.constant 8 : i32
        %add3A_1603 = arith.addi %mul3A_1601, %add3A_1602 : i32
        %swap3A_1604 = arith.index_cast %add3A_1603 : i32 to index
        %swap3A_1605 = arith.constant 80 : index
        %swap3A_1606 = tpu.vector_load %arg32[%swap3A_1604, %swap3A_1605] {strides = array<i32>} : memref<416x128xi32, #tpu.memory_space<vmem>>, vector<16xi32>,
        tpu.vector_store %arg32[%swap3A_1604, %swap3A_1605], %gather3A_1515 {strides = array<i32>} : memref<416x128xi32, #tpu.memory_space<vmem>>, vector<16xi32>,
        %mul3A_1607 = arith.constant 16 : i32
        %mul3A_1608 = arith.muli %add3A_506, %mul3A_1607 : i32
        %add3A_1609 = arith.constant 9 : i32
        %add3A_1610 = arith.addi %mul3A_1608, %add3A_1609 : i32
        %swap3A_1611 = arith.index_cast %add3A_1610 : i32 to index
        %swap3A_1612 = arith.constant 80 : index
        %swap3A_1613 = tpu.vector_load %arg32[%swap3A_1611, %swap3A_1612] {strides = array<i32>} : memref<416x128xi32, #tpu.memory_space<vmem>>, vector<16xi32>,
        tpu.vector_store %arg32[%swap3A_1611, %swap3A_1612], %gather3A_1519 {strides = array<i32>} : memref<416x128xi32, #tpu.memory_space<vmem>>, vector<16xi32>,
        %mul3A_1614 = arith.constant 16 : i32
        %mul3A_1615 = arith.muli %add3A_506, %mul3A_1614 : i32
        %add3A_1616 = arith.constant 10 : i32
        %add3A_1617 = arith.addi %mul3A_1615, %add3A_1616 : i32
        %swap3A_1618 = arith.index_cast %add3A_1617 : i32 to index
        %swap3A_1619 = arith.constant 80 : index
        %swap3A_1620 = tpu.vector_load %arg32[%swap3A_1618, %swap3A_1619] {strides = array<i32>} : memref<416x128xi32, #tpu.memory_space<vmem>>, vector<16xi32>,
        tpu.vector_store %arg32[%swap3A_1618, %swap3A_1619], %gather3A_1523 {strides = array<i32>} : memref<416x128xi32, #tpu.memory_space<vmem>>, vector<16xi32>,
        %mul3A_1621 = arith.constant 16 : i32
        %mul3A_1622 = arith.muli %add3A_506, %mul3A_1621 : i32
        %add3A_1623 = arith.constant 11 : i32
        %add3A_1624 = arith.addi %mul3A_1622, %add3A_1623 : i32
        %swap3A_1625 = arith.index_cast %add3A_1624 : i32 to index
        %swap3A_1626 = arith.constant 80 : index
        %swap3A_1627 = tpu.vector_load %arg32[%swap3A_1625, %swap3A_1626] {strides = array<i32>} : memref<416x128xi32, #tpu.memory_space<vmem>>, vector<16xi32>,
        tpu.vector_store %arg32[%swap3A_1625, %swap3A_1626], %gather3A_1527 {strides = array<i32>} : memref<416x128xi32, #tpu.memory_space<vmem>>, vector<16xi32>,
        %mul3A_1628 = arith.constant 16 : i32
        %mul3A_1629 = arith.muli %add3A_506, %mul3A_1628 : i32
        %add3A_1630 = arith.constant 12 : i32
        %add3A_1631 = arith.addi %mul3A_1629, %add3A_1630 : i32
        %swap3A_1632 = arith.index_cast %add3A_1631 : i32 to index
        %swap3A_1633 = arith.constant 80 : index
        %swap3A_1634 = tpu.vector_load %arg32[%swap3A_1632, %swap3A_1633] {strides = array<i32>} : memref<416x128xi32, #tpu.memory_space<vmem>>, vector<16xi32>,
        tpu.vector_store %arg32[%swap3A_1632, %swap3A_1633], %gather3A_1531 {strides = array<i32>} : memref<416x128xi32, #tpu.memory_space<vmem>>, vector<16xi32>,
        %mul3A_1635 = arith.constant 16 : i32
        %mul3A_1636 = arith.muli %add3A_506, %mul3A_1635 : i32
        %add3A_1637 = arith.constant 13 : i32
        %add3A_1638 = arith.addi %mul3A_1636, %add3A_1637 : i32
        %swap3A_1639 = arith.index_cast %add3A_1638 : i32 to index
        %swap3A_1640 = arith.constant 80 : index
        %swap3A_1641 = tpu.vector_load %arg32[%swap3A_1639, %swap3A_1640] {strides = array<i32>} : memref<416x128xi32, #tpu.memory_space<vmem>>, vector<16xi32>,
        tpu.vector_store %arg32[%swap3A_1639, %swap3A_1640], %gather3A_1535 {strides = array<i32>} : memref<416x128xi32, #tpu.memory_space<vmem>>, vector<16xi32>,
        %mul3A_1642 = arith.constant 16 : i32
        %mul3A_1643 = arith.muli %add3A_506, %mul3A_1642 : i32
        %add3A_1644 = arith.constant 14 : i32
        %add3A_1645 = arith.addi %mul3A_1643, %add3A_1644 : i32
        %swap3A_1646 = arith.index_cast %add3A_1645 : i32 to index
        %swap3A_1647 = arith.constant 80 : index
        %swap3A_1648 = tpu.vector_load %arg32[%swap3A_1646, %swap3A_1647] {strides = array<i32>} : memref<416x128xi32, #tpu.memory_space<vmem>>, vector<16xi32>,
        tpu.vector_store %arg32[%swap3A_1646, %swap3A_1647], %gather3A_1539 {strides = array<i32>} : memref<416x128xi32, #tpu.memory_space<vmem>>, vector<16xi32>,
        %mul3A_1649 = arith.constant 16 : i32
        %mul3A_1650 = arith.muli %add3A_506, %mul3A_1649 : i32
        %add3A_1651 = arith.constant 15 : i32
        %add3A_1652 = arith.addi %mul3A_1650, %add3A_1651 : i32
        %swap3A_1653 = arith.index_cast %add3A_1652 : i32 to index
        %swap3A_1654 = arith.constant 80 : index
        %swap3A_1655 = tpu.vector_load %arg32[%swap3A_1653, %swap3A_1654] {strides = array<i32>} : memref<416x128xi32, #tpu.memory_space<vmem>>, vector<16xi32>,
        tpu.vector_store %arg32[%swap3A_1653, %swap3A_1654], %gather3A_1543 {strides = array<i32>} : memref<416x128xi32, #tpu.memory_space<vmem>>, vector<16xi32>,
        %mul3A_1656 = arith.constant 512 : i32
        %mul3A_1657 = arith.muli %add3A_506, %mul3A_1656 : i32
        %mul3A_1658 = arith.constant 128 : i32
        %mul3A_1659 = arith.muli %add3A_453, %mul3A_1658 : i32
        %add3A_1660 = arith.addi %mul3A_1657, %mul3A_1659 : i32
        %add3A_1661 = arith.constant 96 : i32
        %add3A_1662 = arith.addi %add3A_1660, %add3A_1661 : i32
        %get3A_1663 = arith.index_cast %add3A_1662 : i32 to index
        %get3A_1664 = tpu.vector_load %arg30[%get3A_1663] {strides = array<i32>} : memref<13312xi32, #tpu.memory_space<vmem>>, vector<16xi32>,
        %mul3A_1665 = arith.constant 17 : i32
        %mul3A_1666 = vector.broadcast %mul3A_1665 : i32 to vector<16xi32>
        %mul3A_1667 = arith.muli %get3A_1664, %mul3A_1666 : vector<16xi32>
        %mul3A_1668 = arith.constant 2040 : i32
        %mul3A_1669 = arith.muli %add3A_506, %mul3A_1668 : i32
        %add3A_1670 = vector.broadcast %mul3A_1669 : i32 to vector<16xi32>
        %add3A_1671 = arith.addi %mul3A_1667, %add3A_1670 : vector<16xi32>
        %add3A_1672 = arith.constant 0 : i32
        %add3A_1673 = vector.broadcast %add3A_1672 : i32 to vector<16xi32>
        %add3A_1674 = arith.addi %add3A_1671, %add3A_1673 : vector<16xi32>
        %gather3A_1675 = tpu.vector_load_idx %arg31[%add3A_1674] : memref<53040xi32, #tpu.memory_space<vmem>>[vector<16xi32>], vector<16xi32>,
        %add3A_1676 = arith.constant 1 : i32
        %add3A_1677 = vector.broadcast %add3A_1676 : i32 to vector<16xi32>
        %add3A_1678 = arith.addi %add3A_1671, %add3A_1677 : vector<16xi32>
        %gather3A_1679 = tpu.vector_load_idx %arg31[%add3A_1678] : memref<53040xi32, #tpu.memory_space<vmem>>[vector<16xi32>], vector<16xi32>,
        %add3A_1680 = arith.constant 2 : i32
        %add3A_1681 = vector.broadcast %add3A_1680 : i32 to vector<16xi32>
        %add3A_1682 = arith.addi %add3A_1671, %add3A_1681 : vector<16xi32>
        %gather3A_1683 = tpu.vector_load_idx %arg31[%add3A_1682] : memref<53040xi32, #tpu.memory_space<vmem>>[vector<16xi32>], vector<16xi32>,
        %add3A_1684 = arith.constant 3 : i32
        %add3A_1685 = vector.broadcast %add3A_1684 : i32 to vector<16xi32>
        %add3A_1686 = arith.addi %add3A_1671, %add3A_1685 : vector<16xi32>
        %gather3A_1687 = tpu.vector_load_idx %arg31[%add3A_1686] : memref<53040xi32, #tpu.memory_space<vmem>>[vector<16xi32>], vector<16xi32>,
        %add3A_1688 = arith.constant 4 : i32
        %add3A_1689 = vector.broadcast %add3A_1688 : i32 to vector<16xi32>
        %add3A_1690 = arith.addi %add3A_1671, %add3A_1689 : vector<16xi32>
        %gather3A_1691 = tpu.vector_load_idx %arg31[%add3A_1690] : memref<53040xi32, #tpu.memory_space<vmem>>[vector<16xi32>], vector<16xi32>,
        %add3A_1692 = arith.constant 5 : i32
        %add3A_1693 = vector.broadcast %add3A_1692 : i32 to vector<16xi32>
        %add3A_1694 = arith.addi %add3A_1671, %add3A_1693 : vector<16xi32>
        %gather3A_1695 = tpu.vector_load_idx %arg31[%add3A_1694] : memref<53040xi32, #tpu.memory_space<vmem>>[vector<16xi32>], vector<16xi32>,
        %add3A_1696 = arith.constant 6 : i32
        %add3A_1697 = vector.broadcast %add3A_1696 : i32 to vector<16xi32>
        %add3A_1698 = arith.addi %add3A_1671, %add3A_1697 : vector<16xi32>
        %gather3A_1699 = tpu.vector_load_idx %arg31[%add3A_1698] : memref<53040xi32, #tpu.memory_space<vmem>>[vector<16xi32>], vector<16xi32>,
        %add3A_1700 = arith.constant 7 : i32
        %add3A_1701 = vector.broadcast %add3A_1700 : i32 to vector<16xi32>
        %add3A_1702 = arith.addi %add3A_1671, %add3A_1701 : vector<16xi32>
        %gather3A_1703 = tpu.vector_load_idx %arg31[%add3A_1702] : memref<53040xi32, #tpu.memory_space<vmem>>[vector<16xi32>], vector<16xi32>,
        %add3A_1704 = arith.constant 8 : i32
        %add3A_1705 = vector.broadcast %add3A_1704 : i32 to vector<16xi32>
        %add3A_1706 = arith.addi %add3A_1671, %add3A_1705 : vector<16xi32>
        %gather3A_1707 = tpu.vector_load_idx %arg31[%add3A_1706] : memref<53040xi32, #tpu.memory_space<vmem>>[vector<16xi32>], vector<16xi32>,
        %add3A_1708 = arith.constant 9 : i32
        %add3A_1709 = vector.broadcast %add3A_1708 : i32 to vector<16xi32>
        %add3A_1710 = arith.addi %add3A_1671, %add3A_1709 : vector<16xi32>
        %gather3A_1711 = tpu.vector_load_idx %arg31[%add3A_1710] : memref<53040xi32, #tpu.memory_space<vmem>>[vector<16xi32>], vector<16xi32>,
        %add3A_1712 = arith.constant 10 : i32
        %add3A_1713 = vector.broadcast %add3A_1712 : i32 to vector<16xi32>
        %add3A_1714 = arith.addi %add3A_1671, %add3A_1713 : vector<16xi32>
        %gather3A_1715 = tpu.vector_load_idx %arg31[%add3A_1714] : memref<53040xi32, #tpu.memory_space<vmem>>[vector<16xi32>], vector<16xi32>,
        %add3A_1716 = arith.constant 11 : i32
        %add3A_1717 = vector.broadcast %add3A_1716 : i32 to vector<16xi32>
        %add3A_1718 = arith.addi %add3A_1671, %add3A_1717 : vector<16xi32>
        %gather3A_1719 = tpu.vector_load_idx %arg31[%add3A_1718] : memref<53040xi32, #tpu.memory_space<vmem>>[vector<16xi32>], vector<16xi32>,
        %add3A_1720 = arith.constant 12 : i32
        %add3A_1721 = vector.broadcast %add3A_1720 : i32 to vector<16xi32>
        %add3A_1722 = arith.addi %add3A_1671, %add3A_1721 : vector<16xi32>
        %gather3A_1723 = tpu.vector_load_idx %arg31[%add3A_1722] : memref<53040xi32, #tpu.memory_space<vmem>>[vector<16xi32>], vector<16xi32>,
        %add3A_1724 = arith.constant 13 : i32
        %add3A_1725 = vector.broadcast %add3A_1724 : i32 to vector<16xi32>
        %add3A_1726 = arith.addi %add3A_1671, %add3A_1725 : vector<16xi32>
        %gather3A_1727 = tpu.vector_load_idx %arg31[%add3A_1726] : memref<53040xi32, #tpu.memory_space<vmem>>[vector<16xi32>], vector<16xi32>,
        %add3A_1728 = arith.constant 14 : i32
        %add3A_1729 = vector.broadcast %add3A_1728 : i32 to vector<16xi32>
        %add3A_1730 = arith.addi %add3A_1671, %add3A_1729 : vector<16xi32>
        %gather3A_1731 = tpu.vector_load_idx %arg31[%add3A_1730] : memref<53040xi32, #tpu.memory_space<vmem>>[vector<16xi32>], vector<16xi32>,
        %add3A_1732 = arith.constant 15 : i32
        %add3A_1733 = vector.broadcast %add3A_1732 : i32 to vector<16xi32>
        %add3A_1734 = arith.addi %add3A_1671, %add3A_1733 : vector<16xi32>
        %gather3A_1735 = tpu.vector_load_idx %arg31[%add3A_1734] : memref<53040xi32, #tpu.memory_space<vmem>>[vector<16xi32>], vector<16xi32>,
        %mul3A_1736 = arith.constant 16 : i32
        %mul3A_1737 = arith.muli %add3A_506, %mul3A_1736 : i32
        %add3A_1738 = arith.constant 0 : i32
        %add3A_1739 = arith.addi %mul3A_1737, %add3A_1738 : i32
        %swap3A_1740 = arith.index_cast %add3A_1739 : i32 to index
        %swap3A_1741 = arith.constant 96 : index
        %swap3A_1742 = tpu.vector_load %arg32[%swap3A_1740, %swap3A_1741] {strides = array<i32>} : memref<416x128xi32, #tpu.memory_space<vmem>>, vector<16xi32>,
        tpu.vector_store %arg32[%swap3A_1740, %swap3A_1741], %gather3A_1675 {strides = array<i32>} : memref<416x128xi32, #tpu.memory_space<vmem>>, vector<16xi32>,
        %mul3A_1743 = arith.constant 16 : i32
        %mul3A_1744 = arith.muli %add3A_506, %mul3A_1743 : i32
        %add3A_1745 = arith.constant 1 : i32
        %add3A_1746 = arith.addi %mul3A_1744, %add3A_1745 : i32
        %swap3A_1747 = arith.index_cast %add3A_1746 : i32 to index
        %swap3A_1748 = arith.constant 96 : index
        %swap3A_1749 = tpu.vector_load %arg32[%swap3A_1747, %swap3A_1748] {strides = array<i32>} : memref<416x128xi32, #tpu.memory_space<vmem>>, vector<16xi32>,
        tpu.vector_store %arg32[%swap3A_1747, %swap3A_1748], %gather3A_1679 {strides = array<i32>} : memref<416x128xi32, #tpu.memory_space<vmem>>, vector<16xi32>,
        %mul3A_1750 = arith.constant 16 : i32
        %mul3A_1751 = arith.muli %add3A_506, %mul3A_1750 : i32
        %add3A_1752 = arith.constant 2 : i32
        %add3A_1753 = arith.addi %mul3A_1751, %add3A_1752 : i32
        %swap3A_1754 = arith.index_cast %add3A_1753 : i32 to index
        %swap3A_1755 = arith.constant 96 : index
        %swap3A_1756 = tpu.vector_load %arg32[%swap3A_1754, %swap3A_1755] {strides = array<i32>} : memref<416x128xi32, #tpu.memory_space<vmem>>, vector<16xi32>,
        tpu.vector_store %arg32[%swap3A_1754, %swap3A_1755], %gather3A_1683 {strides = array<i32>} : memref<416x128xi32, #tpu.memory_space<vmem>>, vector<16xi32>,
        %mul3A_1757 = arith.constant 16 : i32
        %mul3A_1758 = arith.muli %add3A_506, %mul3A_1757 : i32
        %add3A_1759 = arith.constant 3 : i32
        %add3A_1760 = arith.addi %mul3A_1758, %add3A_1759 : i32
        %swap3A_1761 = arith.index_cast %add3A_1760 : i32 to index
        %swap3A_1762 = arith.constant 96 : index
        %swap3A_1763 = tpu.vector_load %arg32[%swap3A_1761, %swap3A_1762] {strides = array<i32>} : memref<416x128xi32, #tpu.memory_space<vmem>>, vector<16xi32>,
        tpu.vector_store %arg32[%swap3A_1761, %swap3A_1762], %gather3A_1687 {strides = array<i32>} : memref<416x128xi32, #tpu.memory_space<vmem>>, vector<16xi32>,
        %mul3A_1764 = arith.constant 16 : i32
        %mul3A_1765 = arith.muli %add3A_506, %mul3A_1764 : i32
        %add3A_1766 = arith.constant 4 : i32
        %add3A_1767 = arith.addi %mul3A_1765, %add3A_1766 : i32
        %swap3A_1768 = arith.index_cast %add3A_1767 : i32 to index
        %swap3A_1769 = arith.constant 96 : index
        %swap3A_1770 = tpu.vector_load %arg32[%swap3A_1768, %swap3A_1769] {strides = array<i32>} : memref<416x128xi32, #tpu.memory_space<vmem>>, vector<16xi32>,
        tpu.vector_store %arg32[%swap3A_1768, %swap3A_1769], %gather3A_1691 {strides = array<i32>} : memref<416x128xi32, #tpu.memory_space<vmem>>, vector<16xi32>,
        %mul3A_1771 = arith.constant 16 : i32
        %mul3A_1772 = arith.muli %add3A_506, %mul3A_1771 : i32
        %add3A_1773 = arith.constant 5 : i32
        %add3A_1774 = arith.addi %mul3A_1772, %add3A_1773 : i32
        %swap3A_1775 = arith.index_cast %add3A_1774 : i32 to index
        %swap3A_1776 = arith.constant 96 : index
        %swap3A_1777 = tpu.vector_load %arg32[%swap3A_1775, %swap3A_1776] {strides = array<i32>} : memref<416x128xi32, #tpu.memory_space<vmem>>, vector<16xi32>,
        tpu.vector_store %arg32[%swap3A_1775, %swap3A_1776], %gather3A_1695 {strides = array<i32>} : memref<416x128xi32, #tpu.memory_space<vmem>>, vector<16xi32>,
        %mul3A_1778 = arith.constant 16 : i32
        %mul3A_1779 = arith.muli %add3A_506, %mul3A_1778 : i32
        %add3A_1780 = arith.constant 6 : i32
        %add3A_1781 = arith.addi %mul3A_1779, %add3A_1780 : i32
        %swap3A_1782 = arith.index_cast %add3A_1781 : i32 to index
        %swap3A_1783 = arith.constant 96 : index
        %swap3A_1784 = tpu.vector_load %arg32[%swap3A_1782, %swap3A_1783] {strides = array<i32>} : memref<416x128xi32, #tpu.memory_space<vmem>>, vector<16xi32>,
        tpu.vector_store %arg32[%swap3A_1782, %swap3A_1783], %gather3A_1699 {strides = array<i32>} : memref<416x128xi32, #tpu.memory_space<vmem>>, vector<16xi32>,
        %mul3A_1785 = arith.constant 16 : i32
        %mul3A_1786 = arith.muli %add3A_506, %mul3A_1785 : i32
        %add3A_1787 = arith.constant 7 : i32
        %add3A_1788 = arith.addi %mul3A_1786, %add3A_1787 : i32
        %swap3A_1789 = arith.index_cast %add3A_1788 : i32 to index
        %swap3A_1790 = arith.constant 96 : index
        %swap3A_1791 = tpu.vector_load %arg32[%swap3A_1789, %swap3A_1790] {strides = array<i32>} : memref<416x128xi32, #tpu.memory_space<vmem>>, vector<16xi32>,
        tpu.vector_store %arg32[%swap3A_1789, %swap3A_1790], %gather3A_1703 {strides = array<i32>} : memref<416x128xi32, #tpu.memory_space<vmem>>, vector<16xi32>,
        %mul3A_1792 = arith.constant 16 : i32
        %mul3A_1793 = arith.muli %add3A_506, %mul3A_1792 : i32
        %add3A_1794 = arith.constant 8 : i32
        %add3A_1795 = arith.addi %mul3A_1793, %add3A_1794 : i32
        %swap3A_1796 = arith.index_cast %add3A_1795 : i32 to index
        %swap3A_1797 = arith.constant 96 : index
        %swap3A_1798 = tpu.vector_load %arg32[%swap3A_1796, %swap3A_1797] {strides = array<i32>} : memref<416x128xi32, #tpu.memory_space<vmem>>, vector<16xi32>,
        tpu.vector_store %arg32[%swap3A_1796, %swap3A_1797], %gather3A_1707 {strides = array<i32>} : memref<416x128xi32, #tpu.memory_space<vmem>>, vector<16xi32>,
        %mul3A_1799 = arith.constant 16 : i32
        %mul3A_1800 = arith.muli %add3A_506, %mul3A_1799 : i32
        %add3A_1801 = arith.constant 9 : i32
        %add3A_1802 = arith.addi %mul3A_1800, %add3A_1801 : i32
        %swap3A_1803 = arith.index_cast %add3A_1802 : i32 to index
        %swap3A_1804 = arith.constant 96 : index
        %swap3A_1805 = tpu.vector_load %arg32[%swap3A_1803, %swap3A_1804] {strides = array<i32>} : memref<416x128xi32, #tpu.memory_space<vmem>>, vector<16xi32>,
        tpu.vector_store %arg32[%swap3A_1803, %swap3A_1804], %gather3A_1711 {strides = array<i32>} : memref<416x128xi32, #tpu.memory_space<vmem>>, vector<16xi32>,
        %mul3A_1806 = arith.constant 16 : i32
        %mul3A_1807 = arith.muli %add3A_506, %mul3A_1806 : i32
        %add3A_1808 = arith.constant 10 : i32
        %add3A_1809 = arith.addi %mul3A_1807, %add3A_1808 : i32
        %swap3A_1810 = arith.index_cast %add3A_1809 : i32 to index
        %swap3A_1811 = arith.constant 96 : index
        %swap3A_1812 = tpu.vector_load %arg32[%swap3A_1810, %swap3A_1811] {strides = array<i32>} : memref<416x128xi32, #tpu.memory_space<vmem>>, vector<16xi32>,
        tpu.vector_store %arg32[%swap3A_1810, %swap3A_1811], %gather3A_1715 {strides = array<i32>} : memref<416x128xi32, #tpu.memory_space<vmem>>, vector<16xi32>,
        %mul3A_1813 = arith.constant 16 : i32
        %mul3A_1814 = arith.muli %add3A_506, %mul3A_1813 : i32
        %add3A_1815 = arith.constant 11 : i32
        %add3A_1816 = arith.addi %mul3A_1814, %add3A_1815 : i32
        %swap3A_1817 = arith.index_cast %add3A_1816 : i32 to index
        %swap3A_1818 = arith.constant 96 : index
        %swap3A_1819 = tpu.vector_load %arg32[%swap3A_1817, %swap3A_1818] {strides = array<i32>} : memref<416x128xi32, #tpu.memory_space<vmem>>, vector<16xi32>,
        tpu.vector_store %arg32[%swap3A_1817, %swap3A_1818], %gather3A_1719 {strides = array<i32>} : memref<416x128xi32, #tpu.memory_space<vmem>>, vector<16xi32>,
        %mul3A_1820 = arith.constant 16 : i32
        %mul3A_1821 = arith.muli %add3A_506, %mul3A_1820 : i32
        %add3A_1822 = arith.constant 12 : i32
        %add3A_1823 = arith.addi %mul3A_1821, %add3A_1822 : i32
        %swap3A_1824 = arith.index_cast %add3A_1823 : i32 to index
        %swap3A_1825 = arith.constant 96 : index
        %swap3A_1826 = tpu.vector_load %arg32[%swap3A_1824, %swap3A_1825] {strides = array<i32>} : memref<416x128xi32, #tpu.memory_space<vmem>>, vector<16xi32>,
        tpu.vector_store %arg32[%swap3A_1824, %swap3A_1825], %gather3A_1723 {strides = array<i32>} : memref<416x128xi32, #tpu.memory_space<vmem>>, vector<16xi32>,
        %mul3A_1827 = arith.constant 16 : i32
        %mul3A_1828 = arith.muli %add3A_506, %mul3A_1827 : i32
        %add3A_1829 = arith.constant 13 : i32
        %add3A_1830 = arith.addi %mul3A_1828, %add3A_1829 : i32
        %swap3A_1831 = arith.index_cast %add3A_1830 : i32 to index
        %swap3A_1832 = arith.constant 96 : index
        %swap3A_1833 = tpu.vector_load %arg32[%swap3A_1831, %swap3A_1832] {strides = array<i32>} : memref<416x128xi32, #tpu.memory_space<vmem>>, vector<16xi32>,
        tpu.vector_store %arg32[%swap3A_1831, %swap3A_1832], %gather3A_1727 {strides = array<i32>} : memref<416x128xi32, #tpu.memory_space<vmem>>, vector<16xi32>,
        %mul3A_1834 = arith.constant 16 : i32
        %mul3A_1835 = arith.muli %add3A_506, %mul3A_1834 : i32
        %add3A_1836 = arith.constant 14 : i32
        %add3A_1837 = arith.addi %mul3A_1835, %add3A_1836 : i32
        %swap3A_1838 = arith.index_cast %add3A_1837 : i32 to index
        %swap3A_1839 = arith.constant 96 : index
        %swap3A_1840 = tpu.vector_load %arg32[%swap3A_1838, %swap3A_1839] {strides = array<i32>} : memref<416x128xi32, #tpu.memory_space<vmem>>, vector<16xi32>,
        tpu.vector_store %arg32[%swap3A_1838, %swap3A_1839], %gather3A_1731 {strides = array<i32>} : memref<416x128xi32, #tpu.memory_space<vmem>>, vector<16xi32>,
        %mul3A_1841 = arith.constant 16 : i32
        %mul3A_1842 = arith.muli %add3A_506, %mul3A_1841 : i32
        %add3A_1843 = arith.constant 15 : i32
        %add3A_1844 = arith.addi %mul3A_1842, %add3A_1843 : i32
        %swap3A_1845 = arith.index_cast %add3A_1844 : i32 to index
        %swap3A_1846 = arith.constant 96 : index
        %swap3A_1847 = tpu.vector_load %arg32[%swap3A_1845, %swap3A_1846] {strides = array<i32>} : memref<416x128xi32, #tpu.memory_space<vmem>>, vector<16xi32>,
        tpu.vector_store %arg32[%swap3A_1845, %swap3A_1846], %gather3A_1735 {strides = array<i32>} : memref<416x128xi32, #tpu.memory_space<vmem>>, vector<16xi32>,
        %mul3A_1848 = arith.constant 512 : i32
        %mul3A_1849 = arith.muli %add3A_506, %mul3A_1848 : i32
        %mul3A_1850 = arith.constant 128 : i32
        %mul3A_1851 = arith.muli %add3A_453, %mul3A_1850 : i32
        %add3A_1852 = arith.addi %mul3A_1849, %mul3A_1851 : i32
        %add3A_1853 = arith.constant 112 : i32
        %add3A_1854 = arith.addi %add3A_1852, %add3A_1853 : i32
        %get3A_1855 = arith.index_cast %add3A_1854 : i32 to index
        %get3A_1856 = tpu.vector_load %arg30[%get3A_1855] {strides = array<i32>} : memref<13312xi32, #tpu.memory_space<vmem>>, vector<16xi32>,
        %mul3A_1857 = arith.constant 17 : i32
        %mul3A_1858 = vector.broadcast %mul3A_1857 : i32 to vector<16xi32>
        %mul3A_1859 = arith.muli %get3A_1856, %mul3A_1858 : vector<16xi32>
        %mul3A_1860 = arith.constant 2040 : i32
        %mul3A_1861 = arith.muli %add3A_506, %mul3A_1860 : i32
        %add3A_1862 = vector.broadcast %mul3A_1861 : i32 to vector<16xi32>
        %add3A_1863 = arith.addi %mul3A_1859, %add3A_1862 : vector<16xi32>
        %add3A_1864 = arith.constant 0 : i32
        %add3A_1865 = vector.broadcast %add3A_1864 : i32 to vector<16xi32>
        %add3A_1866 = arith.addi %add3A_1863, %add3A_1865 : vector<16xi32>
        %gather3A_1867 = tpu.vector_load_idx %arg31[%add3A_1866] : memref<53040xi32, #tpu.memory_space<vmem>>[vector<16xi32>], vector<16xi32>,
        %add3A_1868 = arith.constant 1 : i32
        %add3A_1869 = vector.broadcast %add3A_1868 : i32 to vector<16xi32>
        %add3A_1870 = arith.addi %add3A_1863, %add3A_1869 : vector<16xi32>
        %gather3A_1871 = tpu.vector_load_idx %arg31[%add3A_1870] : memref<53040xi32, #tpu.memory_space<vmem>>[vector<16xi32>], vector<16xi32>,
        %add3A_1872 = arith.constant 2 : i32
        %add3A_1873 = vector.broadcast %add3A_1872 : i32 to vector<16xi32>
        %add3A_1874 = arith.addi %add3A_1863, %add3A_1873 : vector<16xi32>
        %gather3A_1875 = tpu.vector_load_idx %arg31[%add3A_1874] : memref<53040xi32, #tpu.memory_space<vmem>>[vector<16xi32>], vector<16xi32>,
        %add3A_1876 = arith.constant 3 : i32
        %add3A_1877 = vector.broadcast %add3A_1876 : i32 to vector<16xi32>
        %add3A_1878 = arith.addi %add3A_1863, %add3A_1877 : vector<16xi32>
        %gather3A_1879 = tpu.vector_load_idx %arg31[%add3A_1878] : memref<53040xi32, #tpu.memory_space<vmem>>[vector<16xi32>], vector<16xi32>,
        %add3A_1880 = arith.constant 4 : i32
        %add3A_1881 = vector.broadcast %add3A_1880 : i32 to vector<16xi32>
        %add3A_1882 = arith.addi %add3A_1863, %add3A_1881 : vector<16xi32>
        %gather3A_1883 = tpu.vector_load_idx %arg31[%add3A_1882] : memref<53040xi32, #tpu.memory_space<vmem>>[vector<16xi32>], vector<16xi32>,
        %add3A_1884 = arith.constant 5 : i32
        %add3A_1885 = vector.broadcast %add3A_1884 : i32 to vector<16xi32>
        %add3A_1886 = arith.addi %add3A_1863, %add3A_1885 : vector<16xi32>
        %gather3A_1887 = tpu.vector_load_idx %arg31[%add3A_1886] : memref<53040xi32, #tpu.memory_space<vmem>>[vector<16xi32>], vector<16xi32>,
        %add3A_1888 = arith.constant 6 : i32
        %add3A_1889 = vector.broadcast %add3A_1888 : i32 to vector<16xi32>
        %add3A_1890 = arith.addi %add3A_1863, %add3A_1889 : vector<16xi32>
        %gather3A_1891 = tpu.vector_load_idx %arg31[%add3A_1890] : memref<53040xi32, #tpu.memory_space<vmem>>[vector<16xi32>], vector<16xi32>,
        %add3A_1892 = arith.constant 7 : i32
        %add3A_1893 = vector.broadcast %add3A_1892 : i32 to vector<16xi32>
        %add3A_1894 = arith.addi %add3A_1863, %add3A_1893 : vector<16xi32>
        %gather3A_1895 = tpu.vector_load_idx %arg31[%add3A_1894] : memref<53040xi32, #tpu.memory_space<vmem>>[vector<16xi32>], vector<16xi32>,
        %add3A_1896 = arith.constant 8 : i32
        %add3A_1897 = vector.broadcast %add3A_1896 : i32 to vector<16xi32>
        %add3A_1898 = arith.addi %add3A_1863, %add3A_1897 : vector<16xi32>
        %gather3A_1899 = tpu.vector_load_idx %arg31[%add3A_1898] : memref<53040xi32, #tpu.memory_space<vmem>>[vector<16xi32>], vector<16xi32>,
        %add3A_1900 = arith.constant 9 : i32
        %add3A_1901 = vector.broadcast %add3A_1900 : i32 to vector<16xi32>
        %add3A_1902 = arith.addi %add3A_1863, %add3A_1901 : vector<16xi32>
        %gather3A_1903 = tpu.vector_load_idx %arg31[%add3A_1902] : memref<53040xi32, #tpu.memory_space<vmem>>[vector<16xi32>], vector<16xi32>,
        %add3A_1904 = arith.constant 10 : i32
        %add3A_1905 = vector.broadcast %add3A_1904 : i32 to vector<16xi32>
        %add3A_1906 = arith.addi %add3A_1863, %add3A_1905 : vector<16xi32>
        %gather3A_1907 = tpu.vector_load_idx %arg31[%add3A_1906] : memref<53040xi32, #tpu.memory_space<vmem>>[vector<16xi32>], vector<16xi32>,
        %add3A_1908 = arith.constant 11 : i32
        %add3A_1909 = vector.broadcast %add3A_1908 : i32 to vector<16xi32>
        %add3A_1910 = arith.addi %add3A_1863, %add3A_1909 : vector<16xi32>
        %gather3A_1911 = tpu.vector_load_idx %arg31[%add3A_1910] : memref<53040xi32, #tpu.memory_space<vmem>>[vector<16xi32>], vector<16xi32>,
        %add3A_1912 = arith.constant 12 : i32
        %add3A_1913 = vector.broadcast %add3A_1912 : i32 to vector<16xi32>
        %add3A_1914 = arith.addi %add3A_1863, %add3A_1913 : vector<16xi32>
        %gather3A_1915 = tpu.vector_load_idx %arg31[%add3A_1914] : memref<53040xi32, #tpu.memory_space<vmem>>[vector<16xi32>], vector<16xi32>,
        %add3A_1916 = arith.constant 13 : i32
        %add3A_1917 = vector.broadcast %add3A_1916 : i32 to vector<16xi32>
        %add3A_1918 = arith.addi %add3A_1863, %add3A_1917 : vector<16xi32>
        %gather3A_1919 = tpu.vector_load_idx %arg31[%add3A_1918] : memref<53040xi32, #tpu.memory_space<vmem>>[vector<16xi32>], vector<16xi32>,
        %add3A_1920 = arith.constant 14 : i32
        %add3A_1921 = vector.broadcast %add3A_1920 : i32 to vector<16xi32>
        %add3A_1922 = arith.addi %add3A_1863, %add3A_1921 : vector<16xi32>
        %gather3A_1923 = tpu.vector_load_idx %arg31[%add3A_1922] : memref<53040xi32, #tpu.memory_space<vmem>>[vector<16xi32>], vector<16xi32>,
        %add3A_1924 = arith.constant 15 : i32
        %add3A_1925 = vector.broadcast %add3A_1924 : i32 to vector<16xi32>
        %add3A_1926 = arith.addi %add3A_1863, %add3A_1925 : vector<16xi32>
        %gather3A_1927 = tpu.vector_load_idx %arg31[%add3A_1926] : memref<53040xi32, #tpu.memory_space<vmem>>[vector<16xi32>], vector<16xi32>,
        %mul3A_1928 = arith.constant 16 : i32
        %mul3A_1929 = arith.muli %add3A_506, %mul3A_1928 : i32
        %add3A_1930 = arith.constant 0 : i32
        %add3A_1931 = arith.addi %mul3A_1929, %add3A_1930 : i32
        %swap3A_1932 = arith.index_cast %add3A_1931 : i32 to index
        %swap3A_1933 = arith.constant 112 : index
        %swap3A_1934 = tpu.vector_load %arg32[%swap3A_1932, %swap3A_1933] {strides = array<i32>} : memref<416x128xi32, #tpu.memory_space<vmem>>, vector<16xi32>,
        tpu.vector_store %arg32[%swap3A_1932, %swap3A_1933], %gather3A_1867 {strides = array<i32>} : memref<416x128xi32, #tpu.memory_space<vmem>>, vector<16xi32>,
        %mul3A_1935 = arith.constant 16 : i32
        %mul3A_1936 = arith.muli %add3A_506, %mul3A_1935 : i32
        %add3A_1937 = arith.constant 1 : i32
        %add3A_1938 = arith.addi %mul3A_1936, %add3A_1937 : i32
        %swap3A_1939 = arith.index_cast %add3A_1938 : i32 to index
        %swap3A_1940 = arith.constant 112 : index
        %swap3A_1941 = tpu.vector_load %arg32[%swap3A_1939, %swap3A_1940] {strides = array<i32>} : memref<416x128xi32, #tpu.memory_space<vmem>>, vector<16xi32>,
        tpu.vector_store %arg32[%swap3A_1939, %swap3A_1940], %gather3A_1871 {strides = array<i32>} : memref<416x128xi32, #tpu.memory_space<vmem>>, vector<16xi32>,
        %mul3A_1942 = arith.constant 16 : i32
        %mul3A_1943 = arith.muli %add3A_506, %mul3A_1942 : i32
        %add3A_1944 = arith.constant 2 : i32
        %add3A_1945 = arith.addi %mul3A_1943, %add3A_1944 : i32
        %swap3A_1946 = arith.index_cast %add3A_1945 : i32 to index
        %swap3A_1947 = arith.constant 112 : index
        %swap3A_1948 = tpu.vector_load %arg32[%swap3A_1946, %swap3A_1947] {strides = array<i32>} : memref<416x128xi32, #tpu.memory_space<vmem>>, vector<16xi32>,
        tpu.vector_store %arg32[%swap3A_1946, %swap3A_1947], %gather3A_1875 {strides = array<i32>} : memref<416x128xi32, #tpu.memory_space<vmem>>, vector<16xi32>,
        %mul3A_1949 = arith.constant 16 : i32
        %mul3A_1950 = arith.muli %add3A_506, %mul3A_1949 : i32
        %add3A_1951 = arith.constant 3 : i32
        %add3A_1952 = arith.addi %mul3A_1950, %add3A_1951 : i32
        %swap3A_1953 = arith.index_cast %add3A_1952 : i32 to index
        %swap3A_1954 = arith.constant 112 : index
        %swap3A_1955 = tpu.vector_load %arg32[%swap3A_1953, %swap3A_1954] {strides = array<i32>} : memref<416x128xi32, #tpu.memory_space<vmem>>, vector<16xi32>,
        tpu.vector_store %arg32[%swap3A_1953, %swap3A_1954], %gather3A_1879 {strides = array<i32>} : memref<416x128xi32, #tpu.memory_space<vmem>>, vector<16xi32>,
        %mul3A_1956 = arith.constant 16 : i32
        %mul3A_1957 = arith.muli %add3A_506, %mul3A_1956 : i32
        %add3A_1958 = arith.constant 4 : i32
        %add3A_1959 = arith.addi %mul3A_1957, %add3A_1958 : i32
        %swap3A_1960 = arith.index_cast %add3A_1959 : i32 to index
        %swap3A_1961 = arith.constant 112 : index
        %swap3A_1962 = tpu.vector_load %arg32[%swap3A_1960, %swap3A_1961] {strides = array<i32>} : memref<416x128xi32, #tpu.memory_space<vmem>>, vector<16xi32>,
        tpu.vector_store %arg32[%swap3A_1960, %swap3A_1961], %gather3A_1883 {strides = array<i32>} : memref<416x128xi32, #tpu.memory_space<vmem>>, vector<16xi32>,
        %mul3A_1963 = arith.constant 16 : i32
        %mul3A_1964 = arith.muli %add3A_506, %mul3A_1963 : i32
        %add3A_1965 = arith.constant 5 : i32
        %add3A_1966 = arith.addi %mul3A_1964, %add3A_1965 : i32
        %swap3A_1967 = arith.index_cast %add3A_1966 : i32 to index
        %swap3A_1968 = arith.constant 112 : index
        %swap3A_1969 = tpu.vector_load %arg32[%swap3A_1967, %swap3A_1968] {strides = array<i32>} : memref<416x128xi32, #tpu.memory_space<vmem>>, vector<16xi32>,
        tpu.vector_store %arg32[%swap3A_1967, %swap3A_1968], %gather3A_1887 {strides = array<i32>} : memref<416x128xi32, #tpu.memory_space<vmem>>, vector<16xi32>,
        %mul3A_1970 = arith.constant 16 : i32
        %mul3A_1971 = arith.muli %add3A_506, %mul3A_1970 : i32
        %add3A_1972 = arith.constant 6 : i32
        %add3A_1973 = arith.addi %mul3A_1971, %add3A_1972 : i32
        %swap3A_1974 = arith.index_cast %add3A_1973 : i32 to index
        %swap3A_1975 = arith.constant 112 : index
        %swap3A_1976 = tpu.vector_load %arg32[%swap3A_1974, %swap3A_1975] {strides = array<i32>} : memref<416x128xi32, #tpu.memory_space<vmem>>, vector<16xi32>,
        tpu.vector_store %arg32[%swap3A_1974, %swap3A_1975], %gather3A_1891 {strides = array<i32>} : memref<416x128xi32, #tpu.memory_space<vmem>>, vector<16xi32>,
        %mul3A_1977 = arith.constant 16 : i32
        %mul3A_1978 = arith.muli %add3A_506, %mul3A_1977 : i32
        %add3A_1979 = arith.constant 7 : i32
        %add3A_1980 = arith.addi %mul3A_1978, %add3A_1979 : i32
        %swap3A_1981 = arith.index_cast %add3A_1980 : i32 to index
        %swap3A_1982 = arith.constant 112 : index
        %swap3A_1983 = tpu.vector_load %arg32[%swap3A_1981, %swap3A_1982] {strides = array<i32>} : memref<416x128xi32, #tpu.memory_space<vmem>>, vector<16xi32>,
        tpu.vector_store %arg32[%swap3A_1981, %swap3A_1982], %gather3A_1895 {strides = array<i32>} : memref<416x128xi32, #tpu.memory_space<vmem>>, vector<16xi32>,
        %mul3A_1984 = arith.constant 16 : i32
        %mul3A_1985 = arith.muli %add3A_506, %mul3A_1984 : i32
        %add3A_1986 = arith.constant 8 : i32
        %add3A_1987 = arith.addi %mul3A_1985, %add3A_1986 : i32
        %swap3A_1988 = arith.index_cast %add3A_1987 : i32 to index
        %swap3A_1989 = arith.constant 112 : index
        %swap3A_1990 = tpu.vector_load %arg32[%swap3A_1988, %swap3A_1989] {strides = array<i32>} : memref<416x128xi32, #tpu.memory_space<vmem>>, vector<16xi32>,
        tpu.vector_store %arg32[%swap3A_1988, %swap3A_1989], %gather3A_1899 {strides = array<i32>} : memref<416x128xi32, #tpu.memory_space<vmem>>, vector<16xi32>,
        %mul3A_1991 = arith.constant 16 : i32
        %mul3A_1992 = arith.muli %add3A_506, %mul3A_1991 : i32
        %add3A_1993 = arith.constant 9 : i32
        %add3A_1994 = arith.addi %mul3A_1992, %add3A_1993 : i32
        %swap3A_1995 = arith.index_cast %add3A_1994 : i32 to index
        %swap3A_1996 = arith.constant 112 : index
        %swap3A_1997 = tpu.vector_load %arg32[%swap3A_1995, %swap3A_1996] {strides = array<i32>} : memref<416x128xi32, #tpu.memory_space<vmem>>, vector<16xi32>,
        tpu.vector_store %arg32[%swap3A_1995, %swap3A_1996], %gather3A_1903 {strides = array<i32>} : memref<416x128xi32, #tpu.memory_space<vmem>>, vector<16xi32>,
        %mul3A_1998 = arith.constant 16 : i32
        %mul3A_1999 = arith.muli %add3A_506, %mul3A_1998 : i32
        %add3A_2000 = arith.constant 10 : i32
        %add3A_2001 = arith.addi %mul3A_1999, %add3A_2000 : i32
        %swap3A_2002 = arith.index_cast %add3A_2001 : i32 to index
        %swap3A_2003 = arith.constant 112 : index
        %swap3A_2004 = tpu.vector_load %arg32[%swap3A_2002, %swap3A_2003] {strides = array<i32>} : memref<416x128xi32, #tpu.memory_space<vmem>>, vector<16xi32>,
        tpu.vector_store %arg32[%swap3A_2002, %swap3A_2003], %gather3A_1907 {strides = array<i32>} : memref<416x128xi32, #tpu.memory_space<vmem>>, vector<16xi32>,
        %mul3A_2005 = arith.constant 16 : i32
        %mul3A_2006 = arith.muli %add3A_506, %mul3A_2005 : i32
        %add3A_2007 = arith.constant 11 : i32
        %add3A_2008 = arith.addi %mul3A_2006, %add3A_2007 : i32
        %swap3A_2009 = arith.index_cast %add3A_2008 : i32 to index
        %swap3A_2010 = arith.constant 112 : index
        %swap3A_2011 = tpu.vector_load %arg32[%swap3A_2009, %swap3A_2010] {strides = array<i32>} : memref<416x128xi32, #tpu.memory_space<vmem>>, vector<16xi32>,
        tpu.vector_store %arg32[%swap3A_2009, %swap3A_2010], %gather3A_1911 {strides = array<i32>} : memref<416x128xi32, #tpu.memory_space<vmem>>, vector<16xi32>,
        %mul3A_2012 = arith.constant 16 : i32
        %mul3A_2013 = arith.muli %add3A_506, %mul3A_2012 : i32
        %add3A_2014 = arith.constant 12 : i32
        %add3A_2015 = arith.addi %mul3A_2013, %add3A_2014 : i32
        %swap3A_2016 = arith.index_cast %add3A_2015 : i32 to index
        %swap3A_2017 = arith.constant 112 : index
        %swap3A_2018 = tpu.vector_load %arg32[%swap3A_2016, %swap3A_2017] {strides = array<i32>} : memref<416x128xi32, #tpu.memory_space<vmem>>, vector<16xi32>,
        tpu.vector_store %arg32[%swap3A_2016, %swap3A_2017], %gather3A_1915 {strides = array<i32>} : memref<416x128xi32, #tpu.memory_space<vmem>>, vector<16xi32>,
        %mul3A_2019 = arith.constant 16 : i32
        %mul3A_2020 = arith.muli %add3A_506, %mul3A_2019 : i32
        %add3A_2021 = arith.constant 13 : i32
        %add3A_2022 = arith.addi %mul3A_2020, %add3A_2021 : i32
        %swap3A_2023 = arith.index_cast %add3A_2022 : i32 to index
        %swap3A_2024 = arith.constant 112 : index
        %swap3A_2025 = tpu.vector_load %arg32[%swap3A_2023, %swap3A_2024] {strides = array<i32>} : memref<416x128xi32, #tpu.memory_space<vmem>>, vector<16xi32>,
        tpu.vector_store %arg32[%swap3A_2023, %swap3A_2024], %gather3A_1919 {strides = array<i32>} : memref<416x128xi32, #tpu.memory_space<vmem>>, vector<16xi32>,
        %mul3A_2026 = arith.constant 16 : i32
        %mul3A_2027 = arith.muli %add3A_506, %mul3A_2026 : i32
        %add3A_2028 = arith.constant 14 : i32
        %add3A_2029 = arith.addi %mul3A_2027, %add3A_2028 : i32
        %swap3A_2030 = arith.index_cast %add3A_2029 : i32 to index
        %swap3A_2031 = arith.constant 112 : index
        %swap3A_2032 = tpu.vector_load %arg32[%swap3A_2030, %swap3A_2031] {strides = array<i32>} : memref<416x128xi32, #tpu.memory_space<vmem>>, vector<16xi32>,
        tpu.vector_store %arg32[%swap3A_2030, %swap3A_2031], %gather3A_1923 {strides = array<i32>} : memref<416x128xi32, #tpu.memory_space<vmem>>, vector<16xi32>,
        %mul3A_2033 = arith.constant 16 : i32
        %mul3A_2034 = arith.muli %add3A_506, %mul3A_2033 : i32
        %add3A_2035 = arith.constant 15 : i32
        %add3A_2036 = arith.addi %mul3A_2034, %add3A_2035 : i32
        %swap3A_2037 = arith.index_cast %add3A_2036 : i32 to index
        %swap3A_2038 = arith.constant 112 : index
        %swap3A_2039 = tpu.vector_load %arg32[%swap3A_2037, %swap3A_2038] {strides = array<i32>} : memref<416x128xi32, #tpu.memory_space<vmem>>, vector<16xi32>,
        tpu.vector_store %arg32[%swap3A_2037, %swap3A_2038], %gather3A_1927 {strides = array<i32>} : memref<416x128xi32, #tpu.memory_space<vmem>>, vector<16xi32>,
      }
      %scan3A_487 = arith.constant 13 : i32
      %dma_start3A_488 = arith.constant 208 : i32
      %dma_start3A_489 = arith.constant 0 : i32
      %dma_start3A_490 = tpu.memref_slice %arg32[%dma_start3A_488, %dma_start3A_489] : memref<416x128xi32, #tpu.memory_space<vmem>> -> memref<208x128xi32, #tpu.memory_space<vmem>>
      %dma_start3A_491 = arith.constant 208 : i32
      %dma_start3A_492 = arith.constant 0 : i32
      %dma_start3A_493 = tpu.memref_slice %arg29[%add3A_456, %dma_start3A_491, %dma_start3A_492] : memref<128x416x128xi32, #tpu.memory_space<hbm>> -> memref<1x208x128xi32, #tpu.memory_space<hbm>>
      %dma_start3A_494 = tpu.memref_squeeze %dma_start3A_493 : memref<1x208x128xi32, #tpu.memory_space<hbm>> -> memref<208x128xi32, #tpu.memory_space<hbm>>
      %dma_start3A_495 = arith.constant 208 : i32
      %dma_start3A_496 = arith.constant 0 : i32
      %dma_start3A_497 = tpu.memref_slice %arg29[%add3A_456, %dma_start3A_495, %dma_start3A_496] : memref<128x416x128xi32, #tpu.memory_space<hbm>> -> memref<1x208x128xi32, #tpu.memory_space<hbm>>
      %dma_start3A_498 = tpu.memref_squeeze %dma_start3A_497 : memref<1x208x128xi32, #tpu.memory_space<hbm>> -> memref<208x128xi32, #tpu.memory_space<hbm>>
      %dma_start3A_499 = arith.constant 208 : i32
      %dma_start3A_500 = arith.constant 0 : i32
      %dma_start3A_501 = tpu.memref_slice %arg32[%dma_start3A_499, %dma_start3A_500] : memref<416x128xi32, #tpu.memory_space<vmem>> -> memref<208x128xi32, #tpu.memory_space<vmem>>
      tpu.enqueue_dma source(%dma_start3A_501 : memref<208x128xi32, #tpu.memory_space<vmem>>) target(%dma_start3A_498 : memref<208x128xi32, #tpu.memory_space<hbm>>) target_semaphore(%arg34 : memref<!tpu.dma_semaphore, #tpu.memory_space<semaphore_mem>>)
    }
    %scan3A_418 = arith.constant 4 : i32
    %dma_wait3A_419 = arith.constant 0 : i32
    %dma_wait3A_420 = arith.constant 0 : i32
    %dma_wait3A_421 = arith.constant 0 : i32
    %dma_wait3A_422 = tpu.memref_slice %arg32[%dma_wait3A_420, %dma_wait3A_421] : memref<416x128xi32, #tpu.memory_space<vmem>> -> memref<208x128xi32, #tpu.memory_space<vmem>>
    %dma_wait3A_423 = arith.constant 0 : i32
    %dma_wait3A_424 = arith.constant 0 : i32
    %dma_wait3A_425 = tpu.memref_slice %arg29[%dma_wait3A_419, %dma_wait3A_423, %dma_wait3A_424] : memref<128x416x128xi32, #tpu.memory_space<hbm>> -> memref<1x208x128xi32, #tpu.memory_space<hbm>>
    %dma_wait3A_426 = tpu.memref_squeeze %dma_wait3A_425 : memref<1x208x128xi32, #tpu.memory_space<hbm>> -> memref<208x128xi32, #tpu.memory_space<hbm>>
    %dma_wait3A_427 = arith.constant 0 : i32
    %dma_wait3A_428 = arith.constant 0 : i32
    %dma_wait3A_429 = tpu.memref_slice %arg32[%dma_wait3A_427, %dma_wait3A_428] : memref<416x128xi32, #tpu.memory_space<vmem>> -> memref<208x128xi32, #tpu.memory_space<vmem>>
    %dma_wait3A_430 = arith.constant 0 : i32
    %dma_wait3A_431 = arith.constant 0 : i32
    %dma_wait3A_432 = tpu.memref_slice %arg29[%dma_wait3A_419, %dma_wait3A_430, %dma_wait3A_431] : memref<128x416x128xi32, #tpu.memory_space<hbm>> -> memref<1x208x128xi32, #tpu.memory_space<hbm>>
    %dma_wait3A_433 = tpu.memref_squeeze %dma_wait3A_432 : memref<1x208x128xi32, #tpu.memory_space<hbm>> -> memref<208x128xi32, #tpu.memory_space<hbm>>
    tpu.wait_dma2 semaphore(%arg33 : memref<!tpu.dma_semaphore, #tpu.memory_space<semaphore_mem>>) src(%dma_wait3A_433 : memref<208x128xi32, #tpu.memory_space<hbm>>) dst(%dma_wait3A_429 : memref<208x128xi32, #tpu.memory_space<vmem>>)
    %dma_wait3A_434 = arith.constant 0 : i32
    %dma_wait3A_435 = arith.constant 208 : i32
    %dma_wait3A_436 = arith.constant 0 : i32
    %dma_wait3A_437 = tpu.memref_slice %arg32[%dma_wait3A_435, %dma_wait3A_436] : memref<416x128xi32, #tpu.memory_space<vmem>> -> memref<208x128xi32, #tpu.memory_space<vmem>>
    %dma_wait3A_438 = arith.constant 208 : i32
    %dma_wait3A_439 = arith.constant 0 : i32
    %dma_wait3A_440 = tpu.memref_slice %arg29[%dma_wait3A_434, %dma_wait3A_438, %dma_wait3A_439] : memref<128x416x128xi32, #tpu.memory_space<hbm>> -> memref<1x208x128xi32, #tpu.memory_space<hbm>>
    %dma_wait3A_441 = tpu.memref_squeeze %dma_wait3A_440 : memref<1x208x128xi32, #tpu.memory_space<hbm>> -> memref<208x128xi32, #tpu.memory_space<hbm>>
    %dma_wait3A_442 = arith.constant 208 : i32
    %dma_wait3A_443 = arith.constant 0 : i32
    %dma_wait3A_444 = tpu.memref_slice %arg32[%dma_wait3A_442, %dma_wait3A_443] : memref<416x128xi32, #tpu.memory_space<vmem>> -> memref<208x128xi32, #tpu.memory_space<vmem>>
    %dma_wait3A_445 = arith.constant 208 : i32
    %dma_wait3A_446 = arith.constant 0 : i32
    %dma_wait3A_447 = tpu.memref_slice %arg29[%dma_wait3A_434, %dma_wait3A_445, %dma_wait3A_446] : memref<128x416x128xi32, #tpu.memory_space<hbm>> -> memref<1x208x128xi32, #tpu.memory_space<hbm>>
    %dma_wait3A_448 = tpu.memref_squeeze %dma_wait3A_447 : memref<1x208x128xi32, #tpu.memory_space<hbm>> -> memref<208x128xi32, #tpu.memory_space<hbm>>
    tpu.wait_dma2 semaphore(%arg34 : memref<!tpu.dma_semaphore, #tpu.memory_space<semaphore_mem>>) src(%dma_wait3A_448 : memref<208x128xi32, #tpu.memory_space<hbm>>) dst(%dma_wait3A_444 : memref<208x128xi32, #tpu.memory_space<vmem>>)
    return
  }
}

module attributes {stable_mosaic.version = 14 : i64} {
  func.func @_mlp_body(%arg0: i32, %arg1: memref<8x416x128xi32, #tpu.memory_space<vmem>>, %arg2: memref<416x256xbf16, #tpu.memory_space<vmem>>, %arg3: memref<416x256xbf16, #tpu.memory_space<vmem>>, %arg4: memref<256xf32, #tpu.memory_space<vmem>>, %arg5: memref<256x64xf32, #tpu.memory_space<vmem>>, %arg6: memref<64xf32, #tpu.memory_space<vmem>>, %arg7: memref<1024x64xf32, #tpu.memory_space<vmem>>) attributes {dimension_semantics = [#tpu.dimension_semantics<arbitrary>], iteration_bounds = array<i64: 16>, scalar_prefetch = 0 : i64, scratch_operands = 0 : i64, tpu.core_type = #tpu.core_type<tc>, window_params = [{transform_indices = @transform_0, window_bounds = array<i64: 8, 416, 128>}, {pipeline_mode = #tpu.pipeline_mode<synchronous>, transform_indices = @transform_1, window_bounds = array<i64: 416, 256>}, {pipeline_mode = #tpu.pipeline_mode<synchronous>, transform_indices = @transform_2, window_bounds = array<i64: 416, 256>}, {pipeline_mode = #tpu.pipeline_mode<synchronous>, transform_indices = @transform_3, window_bounds = array<i64: 256>}, {pipeline_mode = #tpu.pipeline_mode<synchronous>, transform_indices = @transform_4, window_bounds = array<i64: 256, 64>}, {pipeline_mode = #tpu.pipeline_mode<synchronous>, transform_indices = @transform_5, window_bounds = array<i64: 64>}, {transform_indices = @transform_6, window_bounds = array<i64: 1024, 64>}]} {
    %get3A = arith.constant 0 : index
    %get3A_0 = arith.constant 0 : index
    %get3A_1 = arith.constant 0 : index
    %get3A_2 = vector.load %arg1[%get3A, %get3A_0, %get3A_1] : memref<8x416x128xi32, #tpu.memory_space<vmem>>, vector<1x416x128xi32>
    %get3A_3 = vector.shape_cast %get3A_2 : vector<1x416x128xi32> to vector<416x128xi32>
    %shift_left3A = arith.constant 16 : i32
    %shift_left3A_4 = vector.broadcast %shift_left3A : i32 to vector<416x128xi32>
    %shift_left3A_5 = arith.shli %get3A_3, %shift_left3A_4 : vector<416x128xi32>
    %bitcast_convert_type3A = tpu.bitcast %shift_left3A_5 : vector<416x128xi32> -> vector<416x128xf32>
    %and3A = arith.constant -65536 : i32
    %and3A_6 = vector.broadcast %and3A : i32 to vector<416x128xi32>
    %and3A_7 = arith.andi %get3A_3, %and3A_6 : vector<416x128xi32>
    %bitcast_convert_type3A_8 = tpu.bitcast %and3A_7 : vector<416x128xi32> -> vector<416x128xf32>
    %convert_element_type3A = arith.truncf %bitcast_convert_type3A : vector<416x128xf32> to vector<416x128xbf16>
    %get3A_9 = arith.constant 0 : index
    %get3A_10 = arith.constant 0 : index
    %get3A_11 = vector.load %arg2[%get3A_9, %get3A_10] : memref<416x256xbf16, #tpu.memory_space<vmem>>, vector<416x256xbf16>
    %dot_general3A = arith.constant dense<0.000000e+00> : vector<128x256xf32>
    %dot_general3A_12 = tpu.matmul %convert_element_type3A, %get3A_11, %dot_general3A {dimension_numbers = #tpu.dot_dimension_numbers<[0], [0], [1], [1], [0, 1, 1, 1], [], []>, transpose_lhs_hint = false} : vector<416x128xbf16>, vector<416x256xbf16>, vector<128x256xf32> -> vector<128x256xf32>
    %convert_element_type3A_13 = arith.truncf %bitcast_convert_type3A_8 : vector<416x128xf32> to vector<416x128xbf16>
    %get3A_14 = arith.constant 0 : index
    %get3A_15 = arith.constant 0 : index
    %get3A_16 = vector.load %arg3[%get3A_14, %get3A_15] : memref<416x256xbf16, #tpu.memory_space<vmem>>, vector<416x256xbf16>
    %dot_general3A_17 = arith.constant dense<0.000000e+00> : vector<128x256xf32>
    %dot_general3A_18 = tpu.matmul %convert_element_type3A_13, %get3A_16, %dot_general3A_17 {dimension_numbers = #tpu.dot_dimension_numbers<[0], [0], [1], [1], [0, 1, 1, 1], [], []>, transpose_lhs_hint = false} : vector<416x128xbf16>, vector<416x256xbf16>, vector<128x256xf32> -> vector<128x256xf32>
    %add3A = arith.addf %dot_general3A_12, %dot_general3A_18 : vector<128x256xf32>
    %get3A_19 = arith.constant 1 : index
    %get3A_20 = arith.constant 0 : index
    %get3A_21 = arith.constant 0 : index
    %get3A_22 = vector.load %arg1[%get3A_19, %get3A_20, %get3A_21] : memref<8x416x128xi32, #tpu.memory_space<vmem>>, vector<1x416x128xi32>
    %get3A_23 = vector.shape_cast %get3A_22 : vector<1x416x128xi32> to vector<416x128xi32>
    %shift_left3A_24 = arith.constant 16 : i32
    %shift_left3A_25 = vector.broadcast %shift_left3A_24 : i32 to vector<416x128xi32>
    %shift_left3A_26 = arith.shli %get3A_23, %shift_left3A_25 : vector<416x128xi32>
    %bitcast_convert_type3A_27 = tpu.bitcast %shift_left3A_26 : vector<416x128xi32> -> vector<416x128xf32>
    %and3A_28 = arith.constant -65536 : i32
    %and3A_29 = vector.broadcast %and3A_28 : i32 to vector<416x128xi32>
    %and3A_30 = arith.andi %get3A_23, %and3A_29 : vector<416x128xi32>
    %bitcast_convert_type3A_31 = tpu.bitcast %and3A_30 : vector<416x128xi32> -> vector<416x128xf32>
    %convert_element_type3A_32 = arith.truncf %bitcast_convert_type3A_27 : vector<416x128xf32> to vector<416x128xbf16>
    %get3A_33 = arith.constant 0 : index
    %get3A_34 = arith.constant 0 : index
    %get3A_35 = vector.load %arg2[%get3A_33, %get3A_34] : memref<416x256xbf16, #tpu.memory_space<vmem>>, vector<416x256xbf16>
    %dot_general3A_36 = arith.constant dense<0.000000e+00> : vector<128x256xf32>
    %dot_general3A_37 = tpu.matmul %convert_element_type3A_32, %get3A_35, %dot_general3A_36 {dimension_numbers = #tpu.dot_dimension_numbers<[0], [0], [1], [1], [0, 1, 1, 1], [], []>, transpose_lhs_hint = false} : vector<416x128xbf16>, vector<416x256xbf16>, vector<128x256xf32> -> vector<128x256xf32>
    %convert_element_type3A_38 = arith.truncf %bitcast_convert_type3A_31 : vector<416x128xf32> to vector<416x128xbf16>
    %get3A_39 = arith.constant 0 : index
    %get3A_40 = arith.constant 0 : index
    %get3A_41 = vector.load %arg3[%get3A_39, %get3A_40] : memref<416x256xbf16, #tpu.memory_space<vmem>>, vector<416x256xbf16>
    %dot_general3A_42 = arith.constant dense<0.000000e+00> : vector<128x256xf32>
    %dot_general3A_43 = tpu.matmul %convert_element_type3A_38, %get3A_41, %dot_general3A_42 {dimension_numbers = #tpu.dot_dimension_numbers<[0], [0], [1], [1], [0, 1, 1, 1], [], []>, transpose_lhs_hint = false} : vector<416x128xbf16>, vector<416x256xbf16>, vector<128x256xf32> -> vector<128x256xf32>
    %add3A_44 = arith.addf %dot_general3A_37, %dot_general3A_43 : vector<128x256xf32>
    %get3A_45 = arith.constant 2 : index
    %get3A_46 = arith.constant 0 : index
    %get3A_47 = arith.constant 0 : index
    %get3A_48 = vector.load %arg1[%get3A_45, %get3A_46, %get3A_47] : memref<8x416x128xi32, #tpu.memory_space<vmem>>, vector<1x416x128xi32>
    %get3A_49 = vector.shape_cast %get3A_48 : vector<1x416x128xi32> to vector<416x128xi32>
    %shift_left3A_50 = arith.constant 16 : i32
    %shift_left3A_51 = vector.broadcast %shift_left3A_50 : i32 to vector<416x128xi32>
    %shift_left3A_52 = arith.shli %get3A_49, %shift_left3A_51 : vector<416x128xi32>
    %bitcast_convert_type3A_53 = tpu.bitcast %shift_left3A_52 : vector<416x128xi32> -> vector<416x128xf32>
    %and3A_54 = arith.constant -65536 : i32
    %and3A_55 = vector.broadcast %and3A_54 : i32 to vector<416x128xi32>
    %and3A_56 = arith.andi %get3A_49, %and3A_55 : vector<416x128xi32>
    %bitcast_convert_type3A_57 = tpu.bitcast %and3A_56 : vector<416x128xi32> -> vector<416x128xf32>
    %convert_element_type3A_58 = arith.truncf %bitcast_convert_type3A_53 : vector<416x128xf32> to vector<416x128xbf16>
    %get3A_59 = arith.constant 0 : index
    %get3A_60 = arith.constant 0 : index
    %get3A_61 = vector.load %arg2[%get3A_59, %get3A_60] : memref<416x256xbf16, #tpu.memory_space<vmem>>, vector<416x256xbf16>
    %dot_general3A_62 = arith.constant dense<0.000000e+00> : vector<128x256xf32>
    %dot_general3A_63 = tpu.matmul %convert_element_type3A_58, %get3A_61, %dot_general3A_62 {dimension_numbers = #tpu.dot_dimension_numbers<[0], [0], [1], [1], [0, 1, 1, 1], [], []>, transpose_lhs_hint = false} : vector<416x128xbf16>, vector<416x256xbf16>, vector<128x256xf32> -> vector<128x256xf32>
    %convert_element_type3A_64 = arith.truncf %bitcast_convert_type3A_57 : vector<416x128xf32> to vector<416x128xbf16>
    %get3A_65 = arith.constant 0 : index
    %get3A_66 = arith.constant 0 : index
    %get3A_67 = vector.load %arg3[%get3A_65, %get3A_66] : memref<416x256xbf16, #tpu.memory_space<vmem>>, vector<416x256xbf16>
    %dot_general3A_68 = arith.constant dense<0.000000e+00> : vector<128x256xf32>
    %dot_general3A_69 = tpu.matmul %convert_element_type3A_64, %get3A_67, %dot_general3A_68 {dimension_numbers = #tpu.dot_dimension_numbers<[0], [0], [1], [1], [0, 1, 1, 1], [], []>, transpose_lhs_hint = false} : vector<416x128xbf16>, vector<416x256xbf16>, vector<128x256xf32> -> vector<128x256xf32>
    %add3A_70 = arith.addf %dot_general3A_63, %dot_general3A_69 : vector<128x256xf32>
    %get3A_71 = arith.constant 3 : index
    %get3A_72 = arith.constant 0 : index
    %get3A_73 = arith.constant 0 : index
    %get3A_74 = vector.load %arg1[%get3A_71, %get3A_72, %get3A_73] : memref<8x416x128xi32, #tpu.memory_space<vmem>>, vector<1x416x128xi32>
    %get3A_75 = vector.shape_cast %get3A_74 : vector<1x416x128xi32> to vector<416x128xi32>
    %shift_left3A_76 = arith.constant 16 : i32
    %shift_left3A_77 = vector.broadcast %shift_left3A_76 : i32 to vector<416x128xi32>
    %shift_left3A_78 = arith.shli %get3A_75, %shift_left3A_77 : vector<416x128xi32>
    %bitcast_convert_type3A_79 = tpu.bitcast %shift_left3A_78 : vector<416x128xi32> -> vector<416x128xf32>
    %and3A_80 = arith.constant -65536 : i32
    %and3A_81 = vector.broadcast %and3A_80 : i32 to vector<416x128xi32>
    %and3A_82 = arith.andi %get3A_75, %and3A_81 : vector<416x128xi32>
    %bitcast_convert_type3A_83 = tpu.bitcast %and3A_82 : vector<416x128xi32> -> vector<416x128xf32>
    %convert_element_type3A_84 = arith.truncf %bitcast_convert_type3A_79 : vector<416x128xf32> to vector<416x128xbf16>
    %get3A_85 = arith.constant 0 : index
    %get3A_86 = arith.constant 0 : index
    %get3A_87 = vector.load %arg2[%get3A_85, %get3A_86] : memref<416x256xbf16, #tpu.memory_space<vmem>>, vector<416x256xbf16>
    %dot_general3A_88 = arith.constant dense<0.000000e+00> : vector<128x256xf32>
    %dot_general3A_89 = tpu.matmul %convert_element_type3A_84, %get3A_87, %dot_general3A_88 {dimension_numbers = #tpu.dot_dimension_numbers<[0], [0], [1], [1], [0, 1, 1, 1], [], []>, transpose_lhs_hint = false} : vector<416x128xbf16>, vector<416x256xbf16>, vector<128x256xf32> -> vector<128x256xf32>
    %convert_element_type3A_90 = arith.truncf %bitcast_convert_type3A_83 : vector<416x128xf32> to vector<416x128xbf16>
    %get3A_91 = arith.constant 0 : index
    %get3A_92 = arith.constant 0 : index
    %get3A_93 = vector.load %arg3[%get3A_91, %get3A_92] : memref<416x256xbf16, #tpu.memory_space<vmem>>, vector<416x256xbf16>
    %dot_general3A_94 = arith.constant dense<0.000000e+00> : vector<128x256xf32>
    %dot_general3A_95 = tpu.matmul %convert_element_type3A_90, %get3A_93, %dot_general3A_94 {dimension_numbers = #tpu.dot_dimension_numbers<[0], [0], [1], [1], [0, 1, 1, 1], [], []>, transpose_lhs_hint = false} : vector<416x128xbf16>, vector<416x256xbf16>, vector<128x256xf32> -> vector<128x256xf32>
    %add3A_96 = arith.addf %dot_general3A_89, %dot_general3A_95 : vector<128x256xf32>
    %get3A_97 = arith.constant 4 : index
    %get3A_98 = arith.constant 0 : index
    %get3A_99 = arith.constant 0 : index
    %get3A_100 = vector.load %arg1[%get3A_97, %get3A_98, %get3A_99] : memref<8x416x128xi32, #tpu.memory_space<vmem>>, vector<1x416x128xi32>
    %get3A_101 = vector.shape_cast %get3A_100 : vector<1x416x128xi32> to vector<416x128xi32>
    %shift_left3A_102 = arith.constant 16 : i32
    %shift_left3A_103 = vector.broadcast %shift_left3A_102 : i32 to vector<416x128xi32>
    %shift_left3A_104 = arith.shli %get3A_101, %shift_left3A_103 : vector<416x128xi32>
    %bitcast_convert_type3A_105 = tpu.bitcast %shift_left3A_104 : vector<416x128xi32> -> vector<416x128xf32>
    %and3A_106 = arith.constant -65536 : i32
    %and3A_107 = vector.broadcast %and3A_106 : i32 to vector<416x128xi32>
    %and3A_108 = arith.andi %get3A_101, %and3A_107 : vector<416x128xi32>
    %bitcast_convert_type3A_109 = tpu.bitcast %and3A_108 : vector<416x128xi32> -> vector<416x128xf32>
    %convert_element_type3A_110 = arith.truncf %bitcast_convert_type3A_105 : vector<416x128xf32> to vector<416x128xbf16>
    %get3A_111 = arith.constant 0 : index
    %get3A_112 = arith.constant 0 : index
    %get3A_113 = vector.load %arg2[%get3A_111, %get3A_112] : memref<416x256xbf16, #tpu.memory_space<vmem>>, vector<416x256xbf16>
    %dot_general3A_114 = arith.constant dense<0.000000e+00> : vector<128x256xf32>
    %dot_general3A_115 = tpu.matmul %convert_element_type3A_110, %get3A_113, %dot_general3A_114 {dimension_numbers = #tpu.dot_dimension_numbers<[0], [0], [1], [1], [0, 1, 1, 1], [], []>, transpose_lhs_hint = false} : vector<416x128xbf16>, vector<416x256xbf16>, vector<128x256xf32> -> vector<128x256xf32>
    %convert_element_type3A_116 = arith.truncf %bitcast_convert_type3A_109 : vector<416x128xf32> to vector<416x128xbf16>
    %get3A_117 = arith.constant 0 : index
    %get3A_118 = arith.constant 0 : index
    %get3A_119 = vector.load %arg3[%get3A_117, %get3A_118] : memref<416x256xbf16, #tpu.memory_space<vmem>>, vector<416x256xbf16>
    %dot_general3A_120 = arith.constant dense<0.000000e+00> : vector<128x256xf32>
    %dot_general3A_121 = tpu.matmul %convert_element_type3A_116, %get3A_119, %dot_general3A_120 {dimension_numbers = #tpu.dot_dimension_numbers<[0], [0], [1], [1], [0, 1, 1, 1], [], []>, transpose_lhs_hint = false} : vector<416x128xbf16>, vector<416x256xbf16>, vector<128x256xf32> -> vector<128x256xf32>
    %add3A_122 = arith.addf %dot_general3A_115, %dot_general3A_121 : vector<128x256xf32>
    %get3A_123 = arith.constant 5 : index
    %get3A_124 = arith.constant 0 : index
    %get3A_125 = arith.constant 0 : index
    %get3A_126 = vector.load %arg1[%get3A_123, %get3A_124, %get3A_125] : memref<8x416x128xi32, #tpu.memory_space<vmem>>, vector<1x416x128xi32>
    %get3A_127 = vector.shape_cast %get3A_126 : vector<1x416x128xi32> to vector<416x128xi32>
    %shift_left3A_128 = arith.constant 16 : i32
    %shift_left3A_129 = vector.broadcast %shift_left3A_128 : i32 to vector<416x128xi32>
    %shift_left3A_130 = arith.shli %get3A_127, %shift_left3A_129 : vector<416x128xi32>
    %bitcast_convert_type3A_131 = tpu.bitcast %shift_left3A_130 : vector<416x128xi32> -> vector<416x128xf32>
    %and3A_132 = arith.constant -65536 : i32
    %and3A_133 = vector.broadcast %and3A_132 : i32 to vector<416x128xi32>
    %and3A_134 = arith.andi %get3A_127, %and3A_133 : vector<416x128xi32>
    %bitcast_convert_type3A_135 = tpu.bitcast %and3A_134 : vector<416x128xi32> -> vector<416x128xf32>
    %convert_element_type3A_136 = arith.truncf %bitcast_convert_type3A_131 : vector<416x128xf32> to vector<416x128xbf16>
    %get3A_137 = arith.constant 0 : index
    %get3A_138 = arith.constant 0 : index
    %get3A_139 = vector.load %arg2[%get3A_137, %get3A_138] : memref<416x256xbf16, #tpu.memory_space<vmem>>, vector<416x256xbf16>
    %dot_general3A_140 = arith.constant dense<0.000000e+00> : vector<128x256xf32>
    %dot_general3A_141 = tpu.matmul %convert_element_type3A_136, %get3A_139, %dot_general3A_140 {dimension_numbers = #tpu.dot_dimension_numbers<[0], [0], [1], [1], [0, 1, 1, 1], [], []>, transpose_lhs_hint = false} : vector<416x128xbf16>, vector<416x256xbf16>, vector<128x256xf32> -> vector<128x256xf32>
    %convert_element_type3A_142 = arith.truncf %bitcast_convert_type3A_135 : vector<416x128xf32> to vector<416x128xbf16>
    %get3A_143 = arith.constant 0 : index
    %get3A_144 = arith.constant 0 : index
    %get3A_145 = vector.load %arg3[%get3A_143, %get3A_144] : memref<416x256xbf16, #tpu.memory_space<vmem>>, vector<416x256xbf16>
    %dot_general3A_146 = arith.constant dense<0.000000e+00> : vector<128x256xf32>
    %dot_general3A_147 = tpu.matmul %convert_element_type3A_142, %get3A_145, %dot_general3A_146 {dimension_numbers = #tpu.dot_dimension_numbers<[0], [0], [1], [1], [0, 1, 1, 1], [], []>, transpose_lhs_hint = false} : vector<416x128xbf16>, vector<416x256xbf16>, vector<128x256xf32> -> vector<128x256xf32>
    %add3A_148 = arith.addf %dot_general3A_141, %dot_general3A_147 : vector<128x256xf32>
    %get3A_149 = arith.constant 6 : index
    %get3A_150 = arith.constant 0 : index
    %get3A_151 = arith.constant 0 : index
    %get3A_152 = vector.load %arg1[%get3A_149, %get3A_150, %get3A_151] : memref<8x416x128xi32, #tpu.memory_space<vmem>>, vector<1x416x128xi32>
    %get3A_153 = vector.shape_cast %get3A_152 : vector<1x416x128xi32> to vector<416x128xi32>
    %shift_left3A_154 = arith.constant 16 : i32
    %shift_left3A_155 = vector.broadcast %shift_left3A_154 : i32 to vector<416x128xi32>
    %shift_left3A_156 = arith.shli %get3A_153, %shift_left3A_155 : vector<416x128xi32>
    %bitcast_convert_type3A_157 = tpu.bitcast %shift_left3A_156 : vector<416x128xi32> -> vector<416x128xf32>
    %and3A_158 = arith.constant -65536 : i32
    %and3A_159 = vector.broadcast %and3A_158 : i32 to vector<416x128xi32>
    %and3A_160 = arith.andi %get3A_153, %and3A_159 : vector<416x128xi32>
    %bitcast_convert_type3A_161 = tpu.bitcast %and3A_160 : vector<416x128xi32> -> vector<416x128xf32>
    %convert_element_type3A_162 = arith.truncf %bitcast_convert_type3A_157 : vector<416x128xf32> to vector<416x128xbf16>
    %get3A_163 = arith.constant 0 : index
    %get3A_164 = arith.constant 0 : index
    %get3A_165 = vector.load %arg2[%get3A_163, %get3A_164] : memref<416x256xbf16, #tpu.memory_space<vmem>>, vector<416x256xbf16>
    %dot_general3A_166 = arith.constant dense<0.000000e+00> : vector<128x256xf32>
    %dot_general3A_167 = tpu.matmul %convert_element_type3A_162, %get3A_165, %dot_general3A_166 {dimension_numbers = #tpu.dot_dimension_numbers<[0], [0], [1], [1], [0, 1, 1, 1], [], []>, transpose_lhs_hint = false} : vector<416x128xbf16>, vector<416x256xbf16>, vector<128x256xf32> -> vector<128x256xf32>
    %convert_element_type3A_168 = arith.truncf %bitcast_convert_type3A_161 : vector<416x128xf32> to vector<416x128xbf16>
    %get3A_169 = arith.constant 0 : index
    %get3A_170 = arith.constant 0 : index
    %get3A_171 = vector.load %arg3[%get3A_169, %get3A_170] : memref<416x256xbf16, #tpu.memory_space<vmem>>, vector<416x256xbf16>
    %dot_general3A_172 = arith.constant dense<0.000000e+00> : vector<128x256xf32>
    %dot_general3A_173 = tpu.matmul %convert_element_type3A_168, %get3A_171, %dot_general3A_172 {dimension_numbers = #tpu.dot_dimension_numbers<[0], [0], [1], [1], [0, 1, 1, 1], [], []>, transpose_lhs_hint = false} : vector<416x128xbf16>, vector<416x256xbf16>, vector<128x256xf32> -> vector<128x256xf32>
    %add3A_174 = arith.addf %dot_general3A_167, %dot_general3A_173 : vector<128x256xf32>
    %get3A_175 = arith.constant 7 : index
    %get3A_176 = arith.constant 0 : index
    %get3A_177 = arith.constant 0 : index
    %get3A_178 = vector.load %arg1[%get3A_175, %get3A_176, %get3A_177] : memref<8x416x128xi32, #tpu.memory_space<vmem>>, vector<1x416x128xi32>
    %get3A_179 = vector.shape_cast %get3A_178 : vector<1x416x128xi32> to vector<416x128xi32>
    %shift_left3A_180 = arith.constant 16 : i32
    %shift_left3A_181 = vector.broadcast %shift_left3A_180 : i32 to vector<416x128xi32>
    %shift_left3A_182 = arith.shli %get3A_179, %shift_left3A_181 : vector<416x128xi32>
    %bitcast_convert_type3A_183 = tpu.bitcast %shift_left3A_182 : vector<416x128xi32> -> vector<416x128xf32>
    %and3A_184 = arith.constant -65536 : i32
    %and3A_185 = vector.broadcast %and3A_184 : i32 to vector<416x128xi32>
    %and3A_186 = arith.andi %get3A_179, %and3A_185 : vector<416x128xi32>
    %bitcast_convert_type3A_187 = tpu.bitcast %and3A_186 : vector<416x128xi32> -> vector<416x128xf32>
    %convert_element_type3A_188 = arith.truncf %bitcast_convert_type3A_183 : vector<416x128xf32> to vector<416x128xbf16>
    %get3A_189 = arith.constant 0 : index
    %get3A_190 = arith.constant 0 : index
    %get3A_191 = vector.load %arg2[%get3A_189, %get3A_190] : memref<416x256xbf16, #tpu.memory_space<vmem>>, vector<416x256xbf16>
    %dot_general3A_192 = arith.constant dense<0.000000e+00> : vector<128x256xf32>
    %dot_general3A_193 = tpu.matmul %convert_element_type3A_188, %get3A_191, %dot_general3A_192 {dimension_numbers = #tpu.dot_dimension_numbers<[0], [0], [1], [1], [0, 1, 1, 1], [], []>, transpose_lhs_hint = false} : vector<416x128xbf16>, vector<416x256xbf16>, vector<128x256xf32> -> vector<128x256xf32>
    %convert_element_type3A_194 = arith.truncf %bitcast_convert_type3A_187 : vector<416x128xf32> to vector<416x128xbf16>
    %get3A_195 = arith.constant 0 : index
    %get3A_196 = arith.constant 0 : index
    %get3A_197 = vector.load %arg3[%get3A_195, %get3A_196] : memref<416x256xbf16, #tpu.memory_space<vmem>>, vector<416x256xbf16>
    %dot_general3A_198 = arith.constant dense<0.000000e+00> : vector<128x256xf32>
    %dot_general3A_199 = tpu.matmul %convert_element_type3A_194, %get3A_197, %dot_general3A_198 {dimension_numbers = #tpu.dot_dimension_numbers<[0], [0], [1], [1], [0, 1, 1, 1], [], []>, transpose_lhs_hint = false} : vector<416x128xbf16>, vector<416x256xbf16>, vector<128x256xf32> -> vector<128x256xf32>
    %add3A_200 = arith.addf %dot_general3A_193, %dot_general3A_199 : vector<128x256xf32>
    %concatenate3A = tpu.concatenate %add3A, %add3A_44, %add3A_70, %add3A_96, %add3A_122, %add3A_148, %add3A_174, %add3A_200 in 0 : vector<128x256xf32>, vector<128x256xf32>, vector<128x256xf32>, vector<128x256xf32>, vector<128x256xf32>, vector<128x256xf32>, vector<128x256xf32>, vector<128x256xf32> -> vector<1024x256xf32>
    %get3A_201 = arith.constant 0 : index
    %get3A_202 = vector.load %arg4[%get3A_201] : memref<256xf32, #tpu.memory_space<vmem>>, vector<256xf32>
    %broadcast_in_dim3A = vector.shape_cast %get3A_202 : vector<256xf32> to vector<1x256xf32>
    %add3A_203 = vector.broadcast %broadcast_in_dim3A : vector<1x256xf32> to vector<1024x256xf32>
    %add3A_204 = arith.addf %concatenate3A, %add3A_203 : vector<1024x256xf32>
    %max3A = arith.constant 0.000000e+00 : f32
    %max3A_205 = vector.broadcast %max3A : f32 to vector<1024x256xf32>
    %max3A_206 = arith.maximumf %add3A_204, %max3A_205 : vector<1024x256xf32>
    %get3A_207 = arith.constant 0 : index
    %get3A_208 = arith.constant 0 : index
    %get3A_209 = vector.load %arg5[%get3A_207, %get3A_208] : memref<256x64xf32, #tpu.memory_space<vmem>>, vector<256x64xf32>
    %dot_general3A_210 = arith.constant dense<0.000000e+00> : vector<1024x64xf32>
    %dot_general3A_211 = tpu.matmul %max3A_206, %get3A_209, %dot_general3A_210 {dimension_numbers = #tpu.dot_dimension_numbers<[1], [0], [0], [1], [0, 0, 1, 1], [], []>, transpose_lhs_hint = false} : vector<1024x256xf32>, vector<256x64xf32>, vector<1024x64xf32> -> vector<1024x64xf32>
    %get3A_212 = arith.constant 0 : index
    %get3A_213 = vector.load %arg6[%get3A_212] : memref<64xf32, #tpu.memory_space<vmem>>, vector<64xf32>
    %broadcast_in_dim3A_214 = vector.shape_cast %get3A_213 : vector<64xf32> to vector<1x64xf32>
    %add3A_215 = vector.broadcast %broadcast_in_dim3A_214 : vector<1x64xf32> to vector<1024x64xf32>
    %add3A_216 = arith.addf %dot_general3A_211, %add3A_215 : vector<1024x64xf32>
    %mul3A = arith.mulf %add3A_216, %add3A_216 : vector<1024x64xf32>
    %reduce_sum3A = arith.constant dense<0.000000e+00> : vector<1024xf32>
    %reduce_sum3A_217 = vector.multi_reduction <add>, %mul3A, %reduce_sum3A [1] : vector<1024x64xf32> to vector<1024xf32>
    %broadcast_in_dim3A_218 = vector.shape_cast %reduce_sum3A_217 : vector<1024xf32> to vector<1024x1xf32>
    %sqrt3A = math.sqrt %broadcast_in_dim3A_218 : vector<1024x1xf32>
    %max3A_219 = arith.constant 9.99999996E-13 : f32
    %max3A_220 = vector.broadcast %max3A_219 : f32 to vector<1024x1xf32>
    %max3A_221 = arith.maximumf %sqrt3A, %max3A_220 : vector<1024x1xf32>
    %div3A = vector.broadcast %max3A_221 : vector<1024x1xf32> to vector<1024x64xf32>
    %div3A_222 = arith.divf %add3A_216, %div3A : vector<1024x64xf32>
    %swap3A = arith.constant 0 : index
    %swap3A_223 = arith.constant 0 : index
    %swap3A_224 = vector.load %arg7[%swap3A, %swap3A_223] : memref<1024x64xf32, #tpu.memory_space<vmem>>, vector<1024x64xf32>
    tpu.vector_store %arg7[%swap3A, %swap3A_223], %div3A_222 {strides = array<i32>} : memref<1024x64xf32, #tpu.memory_space<vmem>>, vector<1024x64xf32>,
    return
  }
  func.func @transform_0(%arg0: i32) -> (i32, i32, i32) {
    %c0_i32 = arith.constant 0 : i32
    %c0_i32_0 = arith.constant 0 : i32
    %c0_i32_1 = arith.constant 0 : i32
    return %arg0, %c0_i32, %c0_i32_0 : i32, i32, i32
  }
  func.func @transform_1(%arg0: i32) -> (i32, i32) {
    %c0_i32 = arith.constant 0 : i32
    %c0_i32_0 = arith.constant 0 : i32
    %c0_i32_1 = arith.constant 0 : i32
    return %c0_i32, %c0_i32_0 : i32, i32
  }
  func.func @transform_2(%arg0: i32) -> (i32, i32) {
    %c0_i32 = arith.constant 0 : i32
    %c0_i32_0 = arith.constant 0 : i32
    %c0_i32_1 = arith.constant 0 : i32
    return %c0_i32, %c0_i32_0 : i32, i32
  }
  func.func @transform_3(%arg0: i32) -> i32 {
    %c0_i32 = arith.constant 0 : i32
    %c0_i32_0 = arith.constant 0 : i32
    return %c0_i32 : i32
  }
  func.func @transform_4(%arg0: i32) -> (i32, i32) {
    %c0_i32 = arith.constant 0 : i32
    %c0_i32_0 = arith.constant 0 : i32
    %c0_i32_1 = arith.constant 0 : i32
    return %c0_i32, %c0_i32_0 : i32, i32
  }
  func.func @transform_5(%arg0: i32) -> i32 {
    %c0_i32 = arith.constant 0 : i32
    %c0_i32_0 = arith.constant 0 : i32
    return %c0_i32 : i32
  }
  func.func @transform_6(%arg0: i32) -> (i32, i32) {
    %c0_i32 = arith.constant 0 : i32
    %c0_i32_0 = arith.constant 0 : i32
    return %arg0, %c0_i32 : i32, i32
  }
}

</mosaic_0001>

<sc_bundles>
// kernel: kernel.4.cloned.1.call-start
scs
__scs_entry_jumppad:
0x0: {  	(pc) =	sbr.rel $0x88, $3  }
0x1: {  	(tag) =	ssettag $0x0;
	lr =	simm.s32 $0x1  }
0x2: {  	[smem:$0x3F69] =	sst lr;
	_ =	strace $0xD0000000  }
0x3: {  	_ = 	snop  }
0x4: {  	_ = 	snop  }
0x5: {  	_ = 	snop  }
0x6: {  	_ = 	snop  }
0x7: {  	_ = 	snop  }
__scs_overlays_trampoline_lowered:
0x8: {  	[smem:$0x3F78] =	sst s0  }
0x9: {  	[smem:$0x3F79] =	sst s1  }
0xa: {  	[smem:$0x3F7A] =	sst s2  }
0xb: {  	[smem:$0x3F7B] =	sst s3  }
0xc: {  	[smem:$0x3F7C] =	sst s4  }
0xd: {  	[smem:$0x3F7D] =	sst s5  }
0xe: {  	[smem:$0x3F7E] =	sst s6  }
0xf: {  	[smem:$0x3F7F] =	sst s7  }
0x10: {  	[smem:$0x3F80] =	sst s8  }
0x11: {  	[smem:$0x3F81] =	sst s9;
	s0 =	simm.s32 @!p0 $0x0  }
0x12: {  	s1 =	sld [smem:$0x3F67];
	s0 =	simm.s32 @p0 $0x1  }
0x13: {  	[smem:$0x3F82] =	sst s0;
	s0 =	simm.s32 @!p1 $0x0  }
0x14: {  	s2 =	sld [smem:$0x3F66];
	s0 =	simm.s32 @p1 $0x1  }
0x15: {  	[smem:$0x3F83] =	sst s0;
	s0 =	simm.s32 @!p2 $0x0  }
0x16: {  	s3 =	sld [smem:$0x3FDB];
	s0 =	simm.s32 @p2 $0x1  }
0x17: {  	s4 =	simm.s32 $0x1BF5;
	[smem:$0x3F85] =	sst s0  }
0x18: {  	s0 =	sld [smem:$0x3F68];
	_ =	swait.ge [sflag:s4], $0x0  }
0x19: {  	s7 =	sld [smem:$0x3F69]  }
0x1a: {  	s8 =	sadd.s32 $0xFFFFE003, lr  }
0x1b: {  	s9 =	sadd.s32 $0xFFFFFEF7, lr;
	s5 =	simm.s32 $0xFFFFFFFF;
	p2 =	slt.u32 s8, $0xFFFFF086  }
0x1c: {  	p1 =	slt.u32 s9, $0xF7A;
	s5 =	simm.s32 @!p2 $0x0  }
0x1d: {  	s5 =	simm.s32 @p1 $0x1;
	p0 =	seq.s32 s7, s2  }
0x1e: {  	s7 =	smul.u32 @!p0 $0xF7A, s2;
	p2 =	seq.s32 @!p0 s5, $0x0  }
0x1f: {  	s9 =	smul.u32 $0xF7A, s1;
	s8 =	simm.s32 @!p0 $0x1BF5;
	p2 =	por !p2, p0  }
0x20: {  	[sflag:s8] =	ssyncset.s32 @!p0 $0xFFFFF086;
	s6 =	sadd.s32 @!p0 s3, s7;
	s7 =	simm.s32 @!p0 $0x108  }
0x21: {  	s3 =	sadd.s32 s3, s9;
	s6 =	sadd.s32 @!p0 $0x88, s6;
	s7 =	simm.s32 @p2 $0x1082  }
0x22: {  	[simem:s7], [sflag:s8] =	dma.local @!p0 [hbm:s6], $0xF7A  }
0x23: {  	s9 =	sor.u32 $0xD0000000, s2;
	s6 =	simm.s32 $0x108;
	_ =	swait.ge @!p0 [sflag:s8], $0x0  }
0x24: {  	s3 =	sadd.s32 $0x88, s3;
	s6 =	simm.s32 @!p1 $0x1082;
	[sflag:s4] =	ssyncset.s32 $0xFFFFF086  }
0x25: {  	[simem:s6], [sflag:s4] =	dma.local [hbm:s3], $0xF7A  }
0x26: {  	[smem:$0x3F69] =	sst s1;
	(tag) =	ssettag s2;
	_ =	strace s9  }
0x27: {  	s1 =	sld [smem:$0x3F79]  }
0x28: {  	s2 =	sld [smem:$0x3F7A]  }
0x29: {  	s4 =	sld [smem:$0x3F7C]  }
0x2a: {  	p0 =	seq.s32 s5, $0x0;
	s5 =	sld [smem:$0x3F7D]  }
0x2b: {  	s6 =	sld [smem:$0x3F7E]  }
0x2c: {  	s7 =	sld [smem:$0x3F7F]  }
0x2d: {  	s3 =	simm.s32 $0x108;
	s8 =	sld [smem:$0x3F80]  }
0x2e: {  	s3 =	simm.s32 @!p0 $0x1082;
	s9 =	sld [smem:$0x3F81]  }
0x2f: {  	lr =	sadd.s32 s0, s3;
	s0 =	sld [smem:$0x3F78]  }
0x30: {  	s3 =	sld [smem:$0x3F7B]  }
0x31: {  	[smem:$0x3F84] =	sst s10  }
0x32: {  	s10 =	sld [smem:$0x3F82];
	_ =	sdelay $0x3  }
0x33: {  	p0 =	seq.s32 s10, $0x1;
	s10 =	sld [smem:$0x3F84];
	_ =	sdelay $0x3  }
0x34: {  	[smem:$0x3F84] =	sst s10  }
0x35: {  	s10 =	sld [smem:$0x3F83];
	_ =	sdelay $0x3  }
0x36: {  	p1 =	seq.s32 s10, $0x1;
	s10 =	sld [smem:$0x3F84];
	_ =	sdelay $0x3  }
0x37: {  	[smem:$0x3F84] =	sst s10  }
0x38: {  	s10 =	sld [smem:$0x3F85]  }
0x39: {  	_ = 	snop;
	(pc) =	sbr.ind lr, $3  }
0x3a: {  	_ = 	snop  }
0x3b: {  	_ = 	snop  }
0x3c: {  	p2 =	seq.s32 s10, $0x1;
	s10 =	sld [smem:$0x3F84]  }
0x3d: {  	_ =	shalt  }
0x3e: {  	_ =	shalt  }
0x3f: {  	_ =	shalt  }
0x40: {  	_ =	shalt  }
0x41: {  	_ =	shalt  }
0x42: {  	_ =	shalt  }
0x43: {  	_ =	shalt  }
0x44: {  	_ =	shalt  }
0x45: {  	_ =	shalt  }
0x46: {  	_ =	shalt  }
0x47: {  	_ =	shalt  }
0x48: {  	_ =	shalt  }
0x49: {  	_ =	shalt  }
0x4a: {  	_ =	shalt  }
0x4b: {  	_ =	shalt  }
0x4c: {  	_ =	shalt  }
0x4d: {  	_ =	shalt  }
0x4e: {  	_ =	shalt  }
0x4f: {  	_ =	shalt  }
0x50: {  	_ =	shalt  }
0x51: {  	_ =	shalt  }
0x52: {  	_ =	shalt  }
0x53: {  	_ =	shalt  }
0x54: {  	_ =	shalt  }
0x55: {  	_ =	shalt  }
0x56: {  	_ =	shalt  }
0x57: {  	_ =	shalt  }
0x58: {  	_ =	shalt  }
0x59: {  	_ =	shalt  }
0x5a: {  	_ =	shalt  }
0x5b: {  	_ =	shalt  }
0x5c: {  	_ =	shalt  }
0x5d: {  	_ =	shalt  }
0x5e: {  	_ =	shalt  }
0x5f: {  	_ =	shalt  }
0x60: {  	_ =	shalt  }
0x61: {  	_ =	shalt  }
0x62: {  	_ =	shalt  }
0x63: {  	_ =	shalt  }
0x64: {  	_ =	shalt  }
0x65: {  	_ =	shalt  }
0x66: {  	_ =	shalt  }
0x67: {  	_ =	shalt  }
0x68: {  	_ =	shalt  }
0x69: {  	_ =	shalt  }
0x6a: {  	_ =	shalt  }
0x6b: {  	_ =	shalt  }
0x6c: {  	_ =	shalt  }
0x6d: {  	_ =	shalt  }
0x6e: {  	_ =	shalt  }
0x6f: {  	_ =	shalt  }
0x70: {  	_ =	shalt  }
0x71: {  	_ =	shalt  }
0x72: {  	_ =	shalt  }
0x73: {  	_ =	shalt  }
0x74: {  	_ =	shalt  }
0x75: {  	_ =	shalt  }
0x76: {  	_ =	shalt  }
0x77: {  	_ =	shalt  }
0x78: {  	_ =	shalt  }
0x79: {  	_ =	shalt  }
0x7a: {  	_ =	shalt  }
0x7b: {  	_ =	shalt  }
0x7c: {  	_ =	shalt  }
0x7d: {  	_ =	shalt  }
0x7e: {  	_ =	shalt  }
0x7f: {  	_ =	shalt  }
0x80: {  	_ =	shalt  }
0x81: {  	_ =	shalt  }
0x82: {  	_ =	shalt  }
0x83: {  	_ =	shalt  }
0x84: {  	_ =	shalt  }
0x85: {  	_ =	shalt  }
0x86: {  	_ =	shalt  }
0x87: {  	_ =	shalt  }
.Lfunc_end0:
.L_simem_size_0:
called_computation_lowered:
.L_overlay_start_0:
0x88: {  	s2 =	sld [smem:$0x3FD9]  }
0x89: {  	s3 =	sld [smem:$0x3FFE];
	_ =	sdelay $0x1  }
0x8a: {  	s5 =	srdreg.scid  }
0x8b: {  	s4 =	sand.u32 $0x1, s5  }
0x8c: {  	s1 =	sshll.u32 s4, $0xA;
	s2 =	sadd.s32 s3, s2  }
0x8d: {  	s2 =	sadd.s32 s2, s1  }
0x8e: {  	[smem:$0x3F90] =	sst s2  }
0x8f: {  	_ = 	snop  }
0x90: {  	s3 =	sld [smem:$0x3FC7]  }
0x91: {  	s6 =	sld [smem:$0x3FC1]  }
0x92: {  	s7 =	sld [smem:$0x3FBF]  }
0x93: {  	s8 =	sld [smem:$0x3FBD]  }
0x94: {  	s9 =	sld [smem:$0x3FBB]  }
0x95: {  	s10 =	sld [smem:$0x3FB9]  }
0x96: {  	s11 =	sld [smem:$0x3FB7]  }
0x97: {  	s12 =	sld [smem:$0x3FB5]  }
0x98: {  	s13 =	sld [smem:$0x3FB3]  }
0x99: {  	s14 =	sld [smem:$0x3FB1]  }
0x9a: {  	s15 =	sld [smem:$0x3FAF]  }
0x9b: {  	s17 =	sld [smem:$0x3FAD]  }
0x9c: {  	s18 =	sld [smem:$0x3FAB]  }
0x9d: {  	s19 =	sld [smem:$0x3FA9]  }
0x9e: {  	s20 =	sld [smem:$0x3FA7]  }
0x9f: {  	s21 =	sld [smem:$0x3FA5]  }
0xa0: {  	s22 =	sld [smem:$0x3FA3]  }
0xa1: {  	s23 =	sld [smem:$0x3FA1]  }
0xa2: {  	s24 =	sld [smem:$0x3F9F]  }
0xa3: {  	s25 =	sld [smem:$0x3F9D]  }
0xa4: {  	s26 =	sld [smem:$0x3F9B]  }
0xa5: {  	s28 =	sld [smem:$0x3F99]  }
0xa6: {  	s29 =	sld [smem:$0x3F97]  }
0xa7: {  	s30 =	sld [smem:$0x3FD0];
	(tm) =	ssettm $0x1  }
0xa8: {  	s16 =	sld [smem:$0x3FFB];
	_ =	sdelay $0x3  }
0xa9: {  	_ =	strace s16  }
0xaa: {  	s16 =	sld [smem:$0x3FFC];
	_ =	sdelay $0x3  }
0xab: {  	_ =	strace s16  }
0xac: {  	s16 =	sld [smem:$0x3FFD];
	_ =	sdelay $0x3  }
0xad: {  	_ =	strace s16  }
0xae: {  	_ =	strace $0x8FFFFFFF  }
0xaf: {  	s2 =	sld [smem:$0x3FDB];
	_ =	sdelay $0x1  }
0xb0: {  	s31 =	simm.s32 $_scs_section_size  }
0xb1: {  	s0 =	simm.s32 $_size__tile_task_arg_handler_lowered;
	s1 =	simm.s32 $_tile_task_arg_handler_lowered  }
0xb2: {  	s0 =	sshll.u32 s0, $0x1;
	s1 =	sshll.u32 s1, $0x1;
	s31 =	sadd.s32 s31, s2  }
0xb3: {  	s16 =	simm.s32 $0x1BFF;
	s2 =	simm.s32 $0x60;
	s1 =	sadd.s32 s1, s31  }
0xb4: {  	[timem:s2], [sflag:s16] =	dma.local [hbm:s1], s0  }
0xb5: {  	_ =	swait.ge [sflag:s16], s0  }
0xb6: {  	s2 =	simm.s32 $_tile_overlayer_lowered;
	s0 =	ssub.s32 $0x0, s0;
	[sflag:s16] =	ssyncset.done $0x0  }
0xb7: {  	[sflag:s16] =	ssyncadd.s32 s0;
	s0 =	sshll.u32 s2, $0x1;
	s2 =	simm.s32 $_size__tile_overlayer_lowered  }
0xb8: {  	s1 =	sshll.u32 s2, $0x1;
	s2 =	sadd.s32 s0, s31;
	s0 =	simm.s32 $0x0  }
0xb9: {  	[timem:s0], [sflag:s16] =	dma.local [hbm:s2], s1  }
0xba: {  	_ =	swait.ge [sflag:s16], s1  }
0xbb: {  	s1 =	ssub.s32 $0x0, s1;
	[sflag:s16] =	ssyncset.done $0x0  }
0xbc: {  	[sflag:s16] =	ssyncadd.s32 s1;
	_ =	sdelay $0x1  }
0xbd: {  	s16 =	simm.s32 $0x1B8B  }
0xbe: {  	_ =	swait.ge [sflag:s16], $0x1  }
0xbf: {  	[sflag:s16] =	ssyncset.done $0x0  }
0xc0: {  	s2 =	simm.s32 $0x1B8E;
	s1 =	sld [smem:$0x3FFE];
	[sflag:s16] =	ssyncadd.s32 $0xFFFFFFFF  }
0xc1: {  	s16 =	simm.s32 $execute0_lowered;
	[smem:$0x3FD2] =	sst s2  }
0xc2: {  	s2 =	sshll.u32 s16, $0x1;
	_ =	strace $0x80000046;
	[dreg:$0x1] =	wrdreg $0xFFFFFFFF  }
0xc3: {  	s2 =	sadd.s32 s31, s2;
	s31 =	simm.s32 $_size_execute0_lowered;
	[dreg:$0x0] =	wrdreg $0x0  }
0xc4: {  	s16 =	sshll.u32 s31, $0x1;
	[dreg:$0x2] =	wrdreg s2  }
0xc5: {  	[dreg:$0x3] =	wrdreg s16  }
0xc6: {  	[dreg:$0x4] =	wrdreg $0xC0  }
0xc7: {  	_ =	task [dreg:s0], $0x5FFFF  }
0xc8: {  	[dreg:$0x1] =	wrdreg $0xFFFFFFFF  }
0xc9: {  	[dreg:$0x0] =	wrdreg $0x30  }
0xca: {  	[dreg:$0x2] =	wrdreg $0x0  }
0xcb: {  	[dreg:$0x3] =	wrdreg s17  }
0xcc: {  	[dreg:$0x4] =	wrdreg s18  }
0xcd: {  	[dreg:$0x5] =	wrdreg s19  }
0xce: {  	[dreg:$0x6] =	wrdreg s20  }
0xcf: {  	[dreg:$0x7] =	wrdreg s21  }
0xd0: {  	[dreg:$0x8] =	wrdreg s22  }
0xd1: {  	[dreg:$0x9] =	wrdreg s23  }
0xd2: {  	[dreg:$0xa] =	wrdreg s24  }
0xd3: {  	[dreg:$0xb] =	wrdreg s25  }
0xd4: {  	[dreg:$0xc] =	wrdreg s26  }
0xd5: {  	[dreg:$0xd] =	wrdreg s28  }
0xd6: {  	[dreg:$0xe] =	wrdreg s29  }
0xd7: {  	[dreg:$0xf] =	wrdreg s30  }
0xd8: {  	_ =	task [dreg:s0], $0x10FFFF  }
0xd9: {  	[dreg:$0x1] =	wrdreg $0xFFFFFFFF  }
0xda: {  	[dreg:$0x0] =	wrdreg $0x30  }
0xdb: {  	[dreg:$0x2] =	wrdreg $0xD  }
0xdc: {  	[dreg:$0x3] =	wrdreg s1  }
0xdd: {  	[dreg:$0x4] =	wrdreg $0x9  }
0xde: {  	_ =	task [dreg:s0], $0x5FFFF  }
0xdf: {  	[dreg:$0x1] =	wrdreg $0xFFFFFFFF  }
0xe0: {  	s24 =	sld [smem:$0x3FC9]  }
0xe1: {  	s25 =	sld [smem:$0x3FC5]  }
0xe2: {  	s26 =	sld [smem:$0x3FC3]  }
0xe3: {  	[dreg:$0x0] =	wrdreg $0x60  }
0xe4: {  	[dreg:$0x2] =	wrdreg s24  }
0xe5: {  	[dreg:$0x3] =	wrdreg s3  }
0xe6: {  	[dreg:$0x4] =	wrdreg s25  }
0xe7: {  	[dreg:$0x5] =	wrdreg s26  }
0xe8: {  	[dreg:$0x6] =	wrdreg s6  }
0xe9: {  	[dreg:$0x7] =	wrdreg s7  }
0xea: {  	[dreg:$0x8] =	wrdreg s8  }
0xeb: {  	[dreg:$0x9] =	wrdreg s9  }
0xec: {  	[dreg:$0xa] =	wrdreg s10  }
0xed: {  	[dreg:$0xb] =	wrdreg s11  }
0xee: {  	[dreg:$0xc] =	wrdreg s12  }
0xef: {  	[dreg:$0xd] =	wrdreg s13  }
0xf0: {  	[dreg:$0xe] =	wrdreg s14  }
0xf1: {  	[dreg:$0xf] =	wrdreg s15  }
0xf2: {  	_ =	task.clear_ibuf [dreg:s0], $0x10FFFF;
	_ =	strace $0x90000046  }
0xf3: {  	s28 =	simm.s32 $0x9;
	_ =	strace $0x80000048  }
0xf4: {  	_ =	swait.ge [sflag:s28], $0x1  }
0xf5: {  	[sflag:s28] =	ssyncadd.s32 $0xFFFFFFFF  }
0xf6: {  	_ =	strace $0x90000048  }
0xf7: {  	_ =	sfence  }
0xf8: {  	s29 =	sld [smem:$0x0];
	_ =	sdelay $0x2  }
0xf9: {  	s31 =	sshrl.u32 s5, $0x2;
	s30 =	sshll.u32 s5, $0xD  }
0xfa: {  	s2 =	sand.u32 $0x4000, s30;
	s1 =	sadd.s32 s31, s29  }
0xfb: {  	s2 =	sor.u32 s2, s4;
	s1 =	sshll.u32 s1, $0x11  }
0xfc: {  	s1 =	sor.u32 s1, s2  }
0xfd: {  	s1 =	sadd.s32 $0x8F2B, s1  }
0xfe: {  	[sflag:s1] =	ssyncadd.remote.s32 $0x1  }
0xff: {  	_ =	sfence.sel $0xFFFF  }
0x100: {  	[dreg:$0x0] =	wrdreg $0xFFFFFFFF;
	(pc) =	sbr.abs _section_cstart, $3  }
0x101: {  	[dreg:$0x1] =	wrdreg $0xFFFFFFFF  }
0x102: {  	_ =	task.clear_ibuf [dreg:s0], $0x2FFFF;
	_ =	strace $0x9FFFFFFF  }
0x103: {  	(tm) =	ssettm $0x7FFFFFFF  }
tec
_tile_task_arg_handler_lowered:
.L_overlay_start_1:
0x0: {  	(tag) =	ssettag $0x1  }
0x1: {  	s0 =	rddreg [dreg:$0x0]  }
0x2: {  	s1 =	rddreg [dreg:$0x1]  }
0x3: {  	s2 =	rddreg [dreg:$0x2]  }
0x4: {  	s3 =	rddreg [dreg:$0x3]  }
0x5: {  	s4 =	rddreg [dreg:$0x4]  }
0x6: {  	s5 =	rddreg [dreg:$0x5]  }
0x7: {  	s6 =	rddreg [dreg:$0x6]  }
0x8: {  	s7 =	rddreg [dreg:$0x7]  }
0x9: {  	s8 =	rddreg [dreg:$0x8]  }
0xa: {  	s9 =	rddreg [dreg:$0x9]  }
0xb: {  	s10 =	rddreg [dreg:$0xa]  }
0xc: {  	s11 =	rddreg [dreg:$0xb]  }
0xd: {  	s12 =	rddreg [dreg:$0xc]  }
0xe: {  	s13 =	rddreg [dreg:$0xd]  }
0xf: {  	[smem:s0] =	sst s1  }
0x10: {  	[smem:s0+$0x1] =	sst s2  }
0x11: {  	[smem:s0+$0x2] =	sst s3  }
0x12: {  	[smem:s0+$0x3] =	sst s4  }
0x13: {  	[smem:s0+$0x4] =	sst s5  }
0x14: {  	[smem:s0+$0x5] =	sst s6  }
0x15: {  	[smem:s0+$0x6] =	sst s7  }
0x16: {  	[smem:s0+$0x7] =	sst s8  }
0x17: {  	[smem:s0+$0x8] =	sst s9  }
0x18: {  	[smem:s0+$0x9] =	sst s10  }
0x19: {  	[smem:s0+$0xA] =	sst s11  }
0x1a: {  	[smem:s0+$0xB] =	sst s12  }
0x1b: {  	[smem:s0+$0xC] =	sst s13;
	_ =	shalt  }
.Lfunc_end2:
execute0_lowered:
.L_overlay_start_2:
0x1c: {  	(tag) =	ssettag $0x2  }
0x1d: {  	s1 =	rddreg [dreg:$0x0]  }
0x1e: {  	s2 =	rddreg [dreg:$0x1]  }
0x1f: {  	s3 =	rddreg [dreg:$0x2]  }
0x20: {  	s4 =	rddreg [dreg:$0x3]  }
0x21: {  	s5 =	rddreg [dreg:$0x4]  }
0x22: {  	s6 =	rddreg [dreg:$0x5]  }
0x23: {  	s7 =	rddreg [dreg:$0x6]  }
0x24: {  	s8 =	rddreg [dreg:$0x7]  }
0x25: {  	s9 =	rddreg [dreg:$0x8]  }
0x26: {  	s10 =	rddreg [dreg:$0x9]  }
0x27: {  	s11 =	rddreg [dreg:$0xa]  }
0x28: {  	s12 =	rddreg [dreg:$0xb]  }
0x29: {  	s24 =	rddreg [dreg:$0xc]  }
0x2a: {  	s14 =	rddreg [dreg:$0xd];
	s0 =	simm.s32 $0x0  }
0x2b: {  	[smem:$0x7FF] =	sst s0  }
0x2c: {  	s15 =	sld [smem:$0x0]  }
0x2d: {  	s16 =	sld [smem:$0x1]  }
0x2e: {  	s17 =	srdreg.scid;
	s18 =	sld [smem:$0x2]  }
0x2f: {  	s13 =	stileid.u32;
	s19 =	sld [smem:$0x3]  }
0x30: {  	s17 =	sand.u32 $0x1, s17;
	s21 =	sshll.u32 s13, $0x1;
	s22 =	sld [smem:$0x4]  }
0x31: {  	s20 =	ssub.s32 $0x2, s17;
	s17 =	sor.u32 s17, s21;
	s21 =	sld [smem:$0x5]  }
0x32: {  	s25 =	sld [smem:$0x6];
	s23 =	sshrl.u32 s20, $0x1  }
0x33: {  	s26 =	sld [smem:$0x7];
	s30 =	sshll.u32 s17, $0x6;
	s13 =	ssub.s32 s20, s23  }
0x34: {  	s1 =	sadd.s32 s1, s30;
	s23 =	sadd.s32 s10, s30;
	s10 =	sld [smem:$0x9]  }
0x35: {  	s20 =	sadd.s32 s9, s30;
	s9 =	sadd.s32 s14, s30;
	s14 =	sld [smem:$0xA]  }
0x36: {  	s2 =	sadd.s32 s2, s30;
	[dreg:$0xe] =	wrdreg s1  }
0x37: {  	s3 =	sadd.s32 s3, s30;
	[dreg:$0xf] =	wrdreg s2  }
0x38: {  	s4 =	sadd.s32 s4, s30;
	[dreg:$0x10] =	wrdreg s3  }
0x39: {  	s5 =	sadd.s32 s5, s30;
	[dreg:$0x11] =	wrdreg s4  }
0x3a: {  	s6 =	sadd.s32 s6, s30;
	[dreg:$0x12] =	wrdreg s5  }
0x3b: {  	s7 =	sadd.s32 s7, s30;
	[dreg:$0x13] =	wrdreg s6  }
0x3c: {  	s8 =	sadd.s32 s8, s30;
	[dreg:$0x14] =	wrdreg s7  }
0x3d: {  	[dreg:$0x15] =	wrdreg s8  }
0x3e: {  	[dreg:$0x16] =	wrdreg s20  }
0x3f: {  	[dreg:$0x17] =	wrdreg s23  }
0x40: {  	s7 =	sld [smem:$0x8]  }
0x41: {  	[dreg:$0x1b] =	wrdreg s9  }
0x42: {  	s5 =	sadd.s32 s11, s30;
	s11 =	sadd.s32 s15, s30;
	s15 =	sld [smem:$0xB]  }
0x43: {  	s23 =	sld [smem:$0xC]  }
0x44: {  	s6 =	sadd.s32 s12, s30;
	s12 =	sadd.s32 s16, s30;
	s16 =	sld [smem:$0xD]  }
0x45: {  	s8 =	sadd.s32 s24, s30;
	s20 =	sadd.s32 s22, s30;
	s22 =	sld [smem:$0xE]  }
0x46: {  	s18 =	sadd.s32 s18, s30;
	s19 =	sadd.s32 s19, s30;
	[dreg:$0x18] =	wrdreg s5  }
0x47: {  	s21 =	sadd.s32 s21, s30;
	s24 =	sadd.s32 s25, s30;
	[dreg:$0x19] =	wrdreg s6  }
0x48: {  	s25 =	sadd.s32 s26, s30;
	s1 =	sshll.u32 s17, $0x2;
	[dreg:$0x1a] =	wrdreg s8  }
0x49: {  	s2 =	simm.s32 $0x3400;
	s3 =	simm.s32 $0x4;
	[dreg:$0x1c] =	wrdreg s11  }
0x4a: {  	s4 =	simm.s32 $0x3;
	s9 =	simm.s32 $0x0;
	[dreg:$0x1d] =	wrdreg s12  }
0x4b: {  	s5 =	simm.s32 $0x10380;
	s6 =	simm.s32 $0x16B80;
	s8 =	simm.s32 $0x2  }
0x4c: {  	s28 =	sadd.s32 s10, s30;
	s29 =	sadd.s32 s14, s30;
	s26 =	sadd.s32 s7, s30  }
0x4d: {  	[dreg:$0x1e] =	wrdreg s22;
	s30 =	sadd.s32 s15, s30;
	s31 =	sadd.s32 $0x800, s16  }
0x4e: {  	s22 =	smax.u32 s13, $0x1;
	s7 =	simm.s32 $0x1;
	_ =	strace $0x80000047  }
.LBB3_1:
0x4f: {  	[tilespmem:s2], [sflag:$0x4] =	stream.linear.gather [hbm4b:s23+s0], $0xCF80, $0x38;
	[tilespmem:$0x1D380] =	vst v63  }
0x50: {  	_ =	swait.ge [sflag:s3], $0xCF80  }
0x51: {  	[sflag:s3] =	ssyncset.done $0x0  }
0x52: {  	s10 =	rddreg [dreg:$0xe];
	[sflag:s3] =	ssyncadd.s32 $0xFFFF3080  }
0x53: {  	[tilespmem:s0], [sflag:$0x3] =	stream.linear.gather [hbm4b:s10+s0], $0x200, $0x38;
	[tilespmem:$0x1D380] =	vst v63  }
0x54: {  	s11 =	simm.s32 $0x200;
	s17 =	rddreg [dreg:$0xf]  }
0x55: {  	[tilespmem:s11], [sflag:$0x3] =	stream.linear.gather [hbm4b:s17+s0], $0x200, $0x38;
	[tilespmem:$0x1D380] =	vst v63  }
0x56: {  	s13 =	simm.s32 $0x400;
	s12 =	rddreg [dreg:$0x10]  }
0x57: {  	[tilespmem:s13], [sflag:$0x3] =	stream.linear.gather [hbm4b:s12+s0], $0x200, $0x38;
	[tilespmem:$0x1D380] =	vst v63  }
0x58: {  	s15 =	simm.s32 $0x600;
	s14 =	rddreg [dreg:$0x11]  }
0x59: {  	[tilespmem:s15], [sflag:$0x3] =	stream.linear.gather [hbm4b:s14+s0], $0x200, $0x38;
	[tilespmem:$0x1D380] =	vst v63  }
0x5a: {  	s16 =	rddreg [dreg:$0x12];
	s17 =	simm.s32 $0x800  }
0x5b: {  	[tilespmem:s17], [sflag:$0x3] =	stream.linear.gather [hbm4b:s16+s0], $0x200, $0x38;
	[tilespmem:$0x1D380] =	vst v63  }
0x5c: {  	s12 =	rddreg [dreg:$0x13];
	s13 =	simm.s32 $0xA00  }
0x5d: {  	[tilespmem:s13], [sflag:$0x3] =	stream.linear.gather [hbm4b:s12+s0], $0x200, $0x38;
	[tilespmem:$0x1D380] =	vst v63  }
0x5e: {  	s14 =	rddreg [dreg:$0x14];
	s15 =	simm.s32 $0xC00  }
0x5f: {  	[tilespmem:s15], [sflag:$0x3] =	stream.linear.gather [hbm4b:s14+s0], $0x200, $0x38;
	[tilespmem:$0x1D380] =	vst v63  }
0x60: {  	s16 =	rddreg [dreg:$0x15];
	s17 =	simm.s32 $0xE00  }
0x61: {  	[tilespmem:s17], [sflag:$0x3] =	stream.linear.gather [hbm4b:s16+s0], $0x200, $0x38;
	[tilespmem:$0x1D380] =	vst v63  }
0x62: {  	s12 =	rddreg [dreg:$0x16];
	s13 =	simm.s32 $0x1000  }
0x63: {  	[tilespmem:s13], [sflag:$0x3] =	stream.linear.gather [hbm4b:s12+s0], $0x200, $0x38;
	[tilespmem:$0x1D380] =	vst v63  }
0x64: {  	s14 =	rddreg [dreg:$0x17];
	s15 =	simm.s32 $0x1200  }
0x65: {  	[tilespmem:s15], [sflag:$0x3] =	stream.linear.gather [hbm4b:s14+s0], $0x200, $0x38;
	[tilespmem:$0x1D380] =	vst v63  }
0x66: {  	s16 =	rddreg [dreg:$0x18];
	s17 =	simm.s32 $0x1400  }
0x67: {  	[tilespmem:s17], [sflag:$0x3] =	stream.linear.gather [hbm4b:s16+s0], $0x200, $0x38;
	[tilespmem:$0x1D380] =	vst v63  }
0x68: {  	s12 =	rddreg [dreg:$0x19];
	s13 =	simm.s32 $0x1600  }
0x69: {  	[tilespmem:s13], [sflag:$0x3] =	stream.linear.gather [hbm4b:s12+s0], $0x200, $0x38;
	[tilespmem:$0x1D380] =	vst v63  }
0x6a: {  	s14 =	rddreg [dreg:$0x1a];
	s15 =	simm.s32 $0x1800  }
0x6b: {  	[tilespmem:s15], [sflag:$0x3] =	stream.linear.gather [hbm4b:s14+s0], $0x200, $0x38;
	[tilespmem:$0x1D380] =	vst v63  }
0x6c: {  	s16 =	rddreg [dreg:$0x1b];
	s17 =	simm.s32 $0x1A00  }
0x6d: {  	[tilespmem:s17], [sflag:$0x3] =	stream.linear.gather [hbm4b:s16+s0], $0x200, $0x38;
	[tilespmem:$0x1D380] =	vst v63  }
0x6e: {  	s11 =	rddreg [dreg:$0x1c];
	s12 =	simm.s32 $0x1C00  }
0x6f: {  	[tilespmem:s12], [sflag:$0x3] =	stream.linear.gather [hbm4b:s11+s0], $0x200, $0x38;
	[tilespmem:$0x1D380] =	vst v63  }
0x70: {  	s13 =	rddreg [dreg:$0x1d];
	s14 =	simm.s32 $0x1E00  }
0x71: {  	[tilespmem:s14], [sflag:$0x3] =	stream.linear.gather [hbm4b:s13+s0], $0x200, $0x38;
	[tilespmem:$0x1D380] =	vst v63  }
0x72: {  	s15 =	simm.s32 $0x2000  }
0x73: {  	[tilespmem:s15], [sflag:$0x3] =	stream.linear.gather [hbm4b:s18+s0], $0x200, $0x38;
	[tilespmem:$0x1D380] =	vst v63  }
0x74: {  	s16 =	simm.s32 $0x2200  }
0x75: {  	[tilespmem:s16], [sflag:$0x3] =	stream.linear.gather [hbm4b:s19+s0], $0x200, $0x38;
	[tilespmem:$0x1D380] =	vst v63  }
0x76: {  	s17 =	simm.s32 $0x2400  }
0x77: {  	[tilespmem:s17], [sflag:$0x3] =	stream.linear.gather [hbm4b:s20+s0], $0x200, $0x38;
	[tilespmem:$0x1D380] =	vst v63  }
0x78: {  	s11 =	simm.s32 $0x2600  }
0x79: {  	[tilespmem:s11], [sflag:$0x3] =	stream.linear.gather [hbm4b:s21+s0], $0x200, $0x38;
	[tilespmem:$0x1D380] =	vst v63  }
0x7a: {  	s12 =	simm.s32 $0x2800  }
0x7b: {  	[tilespmem:s12], [sflag:$0x3] =	stream.linear.gather [hbm4b:s24+s0], $0x200, $0x38;
	[tilespmem:$0x1D380] =	vst v63  }
0x7c: {  	s13 =	simm.s32 $0x2A00  }
0x7d: {  	[tilespmem:s13], [sflag:$0x3] =	stream.linear.gather [hbm4b:s25+s0], $0x200, $0x38;
	[tilespmem:$0x1D380] =	vst v63  }
0x7e: {  	s14 =	simm.s32 $0x2C00  }
0x7f: {  	[tilespmem:s14], [sflag:$0x3] =	stream.linear.gather [hbm4b:s26+s0], $0x200, $0x38;
	[tilespmem:$0x1D380] =	vst v63  }
0x80: {  	s15 =	simm.s32 $0x2E00  }
0x81: {  	[tilespmem:s15], [sflag:$0x3] =	stream.linear.gather [hbm4b:s28+s0], $0x200, $0x38;
	[tilespmem:$0x1D380] =	vst v63  }
0x82: {  	s16 =	simm.s32 $0x3000  }
0x83: {  	[tilespmem:s16], [sflag:$0x3] =	stream.linear.gather [hbm4b:s29+s0], $0x200, $0x38;
	[tilespmem:$0x1D380] =	vst v63  }
0x84: {  	s17 =	simm.s32 $0x3200  }
0x85: {  	[tilespmem:s17], [sflag:$0x3] =	stream.linear.gather [hbm4b:s30+s0], $0x200, $0x38;
	[tilespmem:$0x1D380] =	vst v63  }
0x86: {  	_ =	swait.ge [sflag:s4], $0x200  }
0x87: {  	[sflag:s4] =	ssyncset.done $0x0  }
0x88: {  	[sflag:s4] =	ssyncadd.s32 $0xFFFFFE00  }
0x89: {  	_ =	swait.ge [sflag:s4], $0x200  }
0x8a: {  	[sflag:s4] =	ssyncset.done $0x0  }
0x8b: {  	[sflag:s4] =	ssyncadd.s32 $0xFFFFFE00  }
0x8c: {  	_ =	swait.ge [sflag:s4], $0x200  }
0x8d: {  	[sflag:s4] =	ssyncset.done $0x0  }
0x8e: {  	[sflag:s4] =	ssyncadd.s32 $0xFFFFFE00  }
0x8f: {  	_ =	swait.ge [sflag:s4], $0x200  }
0x90: {  	[sflag:s4] =	ssyncset.done $0x0  }
0x91: {  	[sflag:s4] =	ssyncadd.s32 $0xFFFFFE00  }
0x92: {  	_ =	swait.ge [sflag:s4], $0x200  }
0x93: {  	[sflag:s4] =	ssyncset.done $0x0  }
0x94: {  	[sflag:s4] =	ssyncadd.s32 $0xFFFFFE00  }
0x95: {  	_ =	swait.ge [sflag:s4], $0x200  }
0x96: {  	[sflag:s4] =	ssyncset.done $0x0  }
0x97: {  	[sflag:s4] =	ssyncadd.s32 $0xFFFFFE00  }
0x98: {  	_ =	swait.ge [sflag:s4], $0x200  }
0x99: {  	[sflag:s4] =	ssyncset.done $0x0  }
0x9a: {  	[sflag:s4] =	ssyncadd.s32 $0xFFFFFE00  }
0x9b: {  	_ =	swait.ge [sflag:s4], $0x200  }
0x9c: {  	[sflag:s4] =	ssyncset.done $0x0  }
0x9d: {  	[sflag:s4] =	ssyncadd.s32 $0xFFFFFE00  }
0x9e: {  	_ =	swait.ge [sflag:s4], $0x200  }
0x9f: {  	[sflag:s4] =	ssyncset.done $0x0  }
0xa0: {  	[sflag:s4] =	ssyncadd.s32 $0xFFFFFE00  }
0xa1: {  	_ =	swait.ge [sflag:s4], $0x200  }
0xa2: {  	[sflag:s4] =	ssyncset.done $0x0  }
0xa3: {  	[sflag:s4] =	ssyncadd.s32 $0xFFFFFE00  }
0xa4: {  	_ =	swait.ge [sflag:s4], $0x200  }
0xa5: {  	[sflag:s4] =	ssyncset.done $0x0  }
0xa6: {  	[sflag:s4] =	ssyncadd.s32 $0xFFFFFE00  }
0xa7: {  	_ =	swait.ge [sflag:s4], $0x200  }
0xa8: {  	[sflag:s4] =	ssyncset.done $0x0  }
0xa9: {  	[sflag:s4] =	ssyncadd.s32 $0xFFFFFE00  }
0xaa: {  	_ =	swait.ge [sflag:s4], $0x200  }
0xab: {  	[sflag:s4] =	ssyncset.done $0x0  }
0xac: {  	[sflag:s4] =	ssyncadd.s32 $0xFFFFFE00  }
0xad: {  	_ =	swait.ge [sflag:s4], $0x200  }
0xae: {  	[sflag:s4] =	ssyncset.done $0x0  }
0xaf: {  	[sflag:s4] =	ssyncadd.s32 $0xFFFFFE00  }
0xb0: {  	_ =	swait.ge [sflag:s4], $0x200  }
0xb1: {  	[sflag:s4] =	ssyncset.done $0x0  }
0xb2: {  	[sflag:s4] =	ssyncadd.s32 $0xFFFFFE00  }
0xb3: {  	_ =	swait.ge [sflag:s4], $0x200  }
0xb4: {  	[sflag:s4] =	ssyncset.done $0x0  }
0xb5: {  	[sflag:s4] =	ssyncadd.s32 $0xFFFFFE00  }
0xb6: {  	_ =	swait.ge [sflag:s4], $0x200  }
0xb7: {  	[sflag:s4] =	ssyncset.done $0x0  }
0xb8: {  	[sflag:s4] =	ssyncadd.s32 $0xFFFFFE00  }
0xb9: {  	_ =	swait.ge [sflag:s4], $0x200  }
0xba: {  	[sflag:s4] =	ssyncset.done $0x0  }
0xbb: {  	[sflag:s4] =	ssyncadd.s32 $0xFFFFFE00  }
0xbc: {  	_ =	swait.ge [sflag:s4], $0x200  }
0xbd: {  	[sflag:s4] =	ssyncset.done $0x0  }
0xbe: {  	[sflag:s4] =	ssyncadd.s32 $0xFFFFFE00  }
0xbf: {  	_ =	swait.ge [sflag:s4], $0x200  }
0xc0: {  	[sflag:s4] =	ssyncset.done $0x0  }
0xc1: {  	[sflag:s4] =	ssyncadd.s32 $0xFFFFFE00  }
0xc2: {  	_ =	swait.ge [sflag:s4], $0x200  }
0xc3: {  	[sflag:s4] =	ssyncset.done $0x0  }
0xc4: {  	[sflag:s4] =	ssyncadd.s32 $0xFFFFFE00  }
0xc5: {  	_ =	swait.ge [sflag:s4], $0x200  }
0xc6: {  	[sflag:s4] =	ssyncset.done $0x0  }
0xc7: {  	[sflag:s4] =	ssyncadd.s32 $0xFFFFFE00  }
0xc8: {  	_ =	swait.ge [sflag:s4], $0x200  }
0xc9: {  	[sflag:s4] =	ssyncset.done $0x0  }
0xca: {  	[sflag:s4] =	ssyncadd.s32 $0xFFFFFE00  }
0xcb: {  	_ =	swait.ge [sflag:s4], $0x200  }
0xcc: {  	[sflag:s4] =	ssyncset.done $0x0  }
0xcd: {  	[sflag:s4] =	ssyncadd.s32 $0xFFFFFE00  }
0xce: {  	_ =	swait.ge [sflag:s4], $0x200  }
0xcf: {  	[sflag:s4] =	ssyncset.done $0x0  }
0xd0: {  	[sflag:s4] =	ssyncadd.s32 $0xFFFFFE00  }
0xd1: {  	_ =	swait.ge [sflag:s4], $0x200  }
0xd2: {  	s10 =	simm.s32 $0x40;
	[sflag:s4] =	ssyncset.done $0x0  }
0xd3: {  	s12 =	simm.s32 $0x0;
	s16 =	simm.s32 $0x1A70;
	[sflag:s4] =	ssyncadd.s32 $0xFFFFFE00  }
.LBB3_2:
0xd4: {  	p0 =	seq.s32 s12, $0x0  }
0xd5: {  	s11 =	simm.s32 @!p0 $0x1  }
0xd6: {  	_ =	swait.ge @!p0 [sflag:s11], $0x6800  }
0xd7: {  	s13 =	sadd.s32 s1, s12;
	s14 =	simm.s32 $0x0;
	[sflag:s11] =	ssyncset.done @!p0 $0x0  }
0xd8: {  	s15 =	simm.s32 $0x10780;
	[sflag:s11] =	ssyncadd.s32 @!p0 $0xFFFF9800;
	s11 =	smov.u32 s10  }
.LBB3_3:
0xd9: {  	v0 =	vld [tilespmem:s11+$0xFFFFFFC0];
	_ =	sdelay $0x4  }
0xda: {  	v0 =	vmul.u32 $0x11, v0;
	_ =	sdelay $0x1  }
0xdb: {  	v0 =	vadd.s32 s14, v0  }
0xdc: {  	v1 =	vadd.s32 $0x1, v0  }
0xdd: {  	v2 =	vadd.s32 $0x2, v0  }
0xde: {  	v3 =	vadd.s32 $0x3, v0  }
0xdf: {  	v4 =	vadd.s32 $0x4, v0  }
0xe0: {  	v6 =	vadd.s32 $0x5, v0;
	v5 =	vld.idx.msk [tilespmem:v0+s2+$0x0], $0xffff  }
0xe1: {  	v7 =	vadd.s32 $0x6, v0;
	v1 =	vld.idx.msk [tilespmem:v1+s2+$0x0], $0xffff  }
0xe2: {  	v8 =	vadd.s32 $0x7, v0;
	v2 =	vld.idx.msk [tilespmem:v2+s2+$0x0], $0xffff  }
0xe3: {  	v9 =	vadd.s32 $0x8, v0;
	v3 =	vld.idx.msk [tilespmem:v3+s2+$0x0], $0xffff  }
0xe4: {  	v10 =	vadd.s32 $0x9, v0;
	v4 =	vld.idx.msk [tilespmem:v4+s2+$0x0], $0xffff  }
0xe5: {  	v11 =	vadd.s32 $0xA, v0;
	v6 =	vld.idx.msk [tilespmem:v6+s2+$0x0], $0xffff  }
0xe6: {  	v12 =	vadd.s32 $0xB, v0;
	v7 =	vld.idx.msk [tilespmem:v7+s2+$0x0], $0xffff  }
0xe7: {  	v13 =	vadd.s32 $0xC, v0;
	v8 =	vld.idx.msk [tilespmem:v8+s2+$0x0], $0xffff  }
0xe8: {  	v14 =	vadd.s32 $0xD, v0;
	v9 =	vld.idx.msk [tilespmem:v9+s2+$0x0], $0xffff  }
0xe9: {  	v15 =	vadd.s32 $0xE, v0;
	v10 =	vld.idx.msk [tilespmem:v10+s2+$0x0], $0xffff  }
0xea: {  	v0 =	vadd.s32 $0xF, v0;
	v11 =	vld.idx.msk [tilespmem:v11+s2+$0x0], $0xffff  }
0xeb: {  	v12 =	vld.idx.msk [tilespmem:v12+s2+$0x0], $0xffff  }
0xec: {  	v13 =	vld.idx.msk [tilespmem:v13+s2+$0x0], $0xffff  }
0xed: {  	v14 =	vld.idx.msk [tilespmem:v14+s2+$0x0], $0xffff  }
0xee: {  	v15 =	vld.idx.msk [tilespmem:v15+s2+$0x0], $0xffff  }
0xef: {  	v0 =	vld.idx.msk [tilespmem:v0+s2+$0x0], $0xffff;
	[tilespmem:s15+$0xFFFFFC00] =	vst v5  }
0xf0: {  	[tilespmem:s15+$0xFFFFFC80] =	vst v1  }
0xf1: {  	[tilespmem:s15+$0xFFFFFD00] =	vst v2  }
0xf2: {  	[tilespmem:s15+$0xFFFFFD80] =	vst v3  }
0xf3: {  	[tilespmem:s15+$0xFFFFFE00] =	vst v4  }
0xf4: {  	[tilespmem:s15+$0xFFFFFE80] =	vst v6  }
0xf5: {  	[tilespmem:s15+$0xFFFFFF00] =	vst v7  }
0xf6: {  	[tilespmem:s15+$0xFFFFFF80] =	vst v8  }
0xf7: {  	[tilespmem:s15+$0x0] =	vst v9  }
0xf8: {  	[tilespmem:s15+$0x80] =	vst v10  }
0xf9: {  	[tilespmem:s15+$0x100] =	vst v11  }
0xfa: {  	[tilespmem:s15+$0x180] =	vst v12  }
0xfb: {  	[tilespmem:s15+$0x200] =	vst v13  }
0xfc: {  	[tilespmem:s15+$0x280] =	vst v14  }
0xfd: {  	[tilespmem:s15+$0x300] =	vst v15  }
0xfe: {  	[tilespmem:s15+$0x380] =	vst v0  }
0xff: {  	v0 =	vld [tilespmem:s11+$0xFFFFFFD0];
	_ =	sdelay $0x4  }
0x100: {  	v0 =	vmul.u32 $0x11, v0;
	_ =	sdelay $0x1  }
0x101: {  	v0 =	vadd.s32 s14, v0  }
0x102: {  	v12 =	vadd.s32 $0x1, v0  }
0x103: {  	v13 =	vadd.s32 $0x2, v0  }
0x104: {  	v14 =	vadd.s32 $0x3, v0  }
0x105: {  	v15 =	vadd.s32 $0x4, v0  }
0x106: {  	v16 =	vadd.s32 $0x5, v0;
	v5 =	vld.idx.msk [tilespmem:v0+s2+$0x0], $0xffff  }
0x107: {  	v17 =	vadd.s32 $0x6, v0;
	v1 =	vld.idx.msk [tilespmem:v12+s2+$0x0], $0xffff  }
0x108: {  	v18 =	vadd.s32 $0x7, v0;
	v2 =	vld.idx.msk [tilespmem:v13+s2+$0x0], $0xffff  }
0x109: {  	v19 =	vadd.s32 $0x8, v0;
	v3 =	vld.idx.msk [tilespmem:v14+s2+$0x0], $0xffff  }
0x10a: {  	v20 =	vadd.s32 $0x9, v0;
	v4 =	vld.idx.msk [tilespmem:v15+s2+$0x0], $0xffff  }
0x10b: {  	v21 =	vadd.s32 $0xA, v0;
	v6 =	vld.idx.msk [tilespmem:v16+s2+$0x0], $0xffff  }
0x10c: {  	v22 =	vadd.s32 $0xB, v0;
	v7 =	vld.idx.msk [tilespmem:v17+s2+$0x0], $0xffff  }
0x10d: {  	v23 =	vadd.s32 $0xC, v0;
	v8 =	vld.idx.msk [tilespmem:v18+s2+$0x0], $0xffff  }
0x10e: {  	v24 =	vadd.s32 $0xD, v0;
	v9 =	vld.idx.msk [tilespmem:v19+s2+$0x0], $0xffff  }
0x10f: {  	v25 =	vadd.s32 $0xE, v0;
	v10 =	vld.idx.msk [tilespmem:v20+s2+$0x0], $0xffff  }
0x110: {  	v0 =	vadd.s32 $0xF, v0;
	v11 =	vld.idx.msk [tilespmem:v21+s2+$0x0], $0xffff  }
0x111: {  	v12 =	vld.idx.msk [tilespmem:v22+s2+$0x0], $0xffff  }
0x112: {  	v13 =	vld.idx.msk [tilespmem:v23+s2+$0x0], $0xffff  }
0x113: {  	v14 =	vld.idx.msk [tilespmem:v24+s2+$0x0], $0xffff  }
0x114: {  	v15 =	vld.idx.msk [tilespmem:v25+s2+$0x0], $0xffff  }
0x115: {  	v0 =	vld.idx.msk [tilespmem:v0+s2+$0x0], $0xffff;
	[tilespmem:s15+$0xFFFFFC10] =	vst v5  }
0x116: {  	[tilespmem:s15+$0xFFFFFC90] =	vst v1  }
0x117: {  	[tilespmem:s15+$0xFFFFFD10] =	vst v2  }
0x118: {  	[tilespmem:s15+$0xFFFFFD90] =	vst v3  }
0x119: {  	[tilespmem:s15+$0xFFFFFE10] =	vst v4  }
0x11a: {  	[tilespmem:s15+$0xFFFFFE90] =	vst v6  }
0x11b: {  	[tilespmem:s15+$0xFFFFFF10] =	vst v7  }
0x11c: {  	[tilespmem:s15+$0xFFFFFF90] =	vst v8  }
0x11d: {  	[tilespmem:s15+$0x10] =	vst v9  }
0x11e: {  	[tilespmem:s15+$0x90] =	vst v10  }
0x11f: {  	[tilespmem:s15+$0x110] =	vst v11  }
0x120: {  	[tilespmem:s15+$0x190] =	vst v12  }
0x121: {  	[tilespmem:s15+$0x210] =	vst v13  }
0x122: {  	[tilespmem:s15+$0x290] =	vst v14  }
0x123: {  	[tilespmem:s15+$0x310] =	vst v15  }
0x124: {  	[tilespmem:s15+$0x390] =	vst v0  }
0x125: {  	v0 =	vld [tilespmem:s11+$0xFFFFFFE0];
	_ =	sdelay $0x4  }
0x126: {  	v0 =	vmul.u32 $0x11, v0;
	_ =	sdelay $0x1  }
0x127: {  	v0 =	vadd.s32 s14, v0  }
0x128: {  	v26 =	vadd.s32 $0x1, v0  }
0x129: {  	v27 =	vadd.s32 $0x2, v0  }
0x12a: {  	v28 =	vadd.s32 $0x3, v0  }
0x12b: {  	v29 =	vadd.s32 $0x4, v0  }
0x12c: {  	v30 =	vadd.s32 $0x5, v0;
	v5 =	vld.idx.msk [tilespmem:v0+s2+$0x0], $0xffff  }
0x12d: {  	v31 =	vadd.s32 $0x6, v0;
	v1 =	vld.idx.msk [tilespmem:v26+s2+$0x0], $0xffff  }
0x12e: {  	v32 =	vadd.s32 $0x7, v0;
	v2 =	vld.idx.msk [tilespmem:v27+s2+$0x0], $0xffff  }
0x12f: {  	v33 =	vadd.s32 $0x8, v0;
	v3 =	vld.idx.msk [tilespmem:v28+s2+$0x0], $0xffff  }
0x130: {  	v34 =	vadd.s32 $0x9, v0;
	v4 =	vld.idx.msk [tilespmem:v29+s2+$0x0], $0xffff  }
0x131: {  	v35 =	vadd.s32 $0xA, v0;
	v6 =	vld.idx.msk [tilespmem:v30+s2+$0x0], $0xffff  }
0x132: {  	v36 =	vadd.s32 $0xB, v0;
	v7 =	vld.idx.msk [tilespmem:v31+s2+$0x0], $0xffff  }
0x133: {  	v37 =	vadd.s32 $0xC, v0;
	v8 =	vld.idx.msk [tilespmem:v32+s2+$0x0], $0xffff  }
0x134: {  	v38 =	vadd.s32 $0xD, v0;
	v9 =	vld.idx.msk [tilespmem:v33+s2+$0x0], $0xffff  }
0x135: {  	v39 =	vadd.s32 $0xE, v0;
	v10 =	vld.idx.msk [tilespmem:v34+s2+$0x0], $0xffff  }
0x136: {  	v0 =	vadd.s32 $0xF, v0;
	v11 =	vld.idx.msk [tilespmem:v35+s2+$0x0], $0xffff  }
0x137: {  	v12 =	vld.idx.msk [tilespmem:v36+s2+$0x0], $0xffff  }
0x138: {  	v13 =	vld.idx.msk [tilespmem:v37+s2+$0x0], $0xffff  }
0x139: {  	v14 =	vld.idx.msk [tilespmem:v38+s2+$0x0], $0xffff  }
0x13a: {  	v15 =	vld.idx.msk [tilespmem:v39+s2+$0x0], $0xffff  }
0x13b: {  	v0 =	vld.idx.msk [tilespmem:v0+s2+$0x0], $0xffff;
	[tilespmem:s15+$0xFFFFFC20] =	vst v5  }
0x13c: {  	[tilespmem:s15+$0xFFFFFCA0] =	vst v1  }
0x13d: {  	[tilespmem:s15+$0xFFFFFD20] =	vst v2  }
0x13e: {  	[tilespmem:s15+$0xFFFFFDA0] =	vst v3  }
0x13f: {  	[tilespmem:s15+$0xFFFFFE20] =	vst v4  }
0x140: {  	[tilespmem:s15+$0xFFFFFEA0] =	vst v6  }
0x141: {  	[tilespmem:s15+$0xFFFFFF20] =	vst v7  }
0x142: {  	[tilespmem:s15+$0xFFFFFFA0] =	vst v8  }
0x143: {  	[tilespmem:s15+$0x20] =	vst v9  }
0x144: {  	[tilespmem:s15+$0xA0] =	vst v10  }
0x145: {  	[tilespmem:s15+$0x120] =	vst v11  }
0x146: {  	[tilespmem:s15+$0x1A0] =	vst v12  }
0x147: {  	[tilespmem:s15+$0x220] =	vst v13  }
0x148: {  	[tilespmem:s15+$0x2A0] =	vst v14  }
0x149: {  	[tilespmem:s15+$0x320] =	vst v15  }
0x14a: {  	[tilespmem:s15+$0x3A0] =	vst v0  }
0x14b: {  	v0 =	vld [tilespmem:s11+$0xFFFFFFF0];
	_ =	sdelay $0x4  }
0x14c: {  	v0 =	vmul.u32 $0x11, v0;
	_ =	sdelay $0x1  }
0x14d: {  	v0 =	vadd.s32 s14, v0  }
0x14e: {  	v40 =	vadd.s32 $0x1, v0  }
0x14f: {  	v41 =	vadd.s32 $0x2, v0  }
0x150: {  	v42 =	vadd.s32 $0x3, v0  }
0x151: {  	v43 =	vadd.s32 $0x4, v0  }
0x152: {  	v44 =	vadd.s32 $0x5, v0;
	v5 =	vld.idx.msk [tilespmem:v0+s2+$0x0], $0xffff  }
0x153: {  	v45 =	vadd.s32 $0x6, v0;
	v1 =	vld.idx.msk [tilespmem:v40+s2+$0x0], $0xffff  }
0x154: {  	v46 =	vadd.s32 $0x7, v0;
	v2 =	vld.idx.msk [tilespmem:v41+s2+$0x0], $0xffff  }
0x155: {  	v47 =	vadd.s32 $0x8, v0;
	v3 =	vld.idx.msk [tilespmem:v42+s2+$0x0], $0xffff  }
0x156: {  	v48 =	vadd.s32 $0x9, v0;
	v4 =	vld.idx.msk [tilespmem:v43+s2+$0x0], $0xffff  }
0x157: {  	v49 =	vadd.s32 $0xA, v0;
	v6 =	vld.idx.msk [tilespmem:v44+s2+$0x0], $0xffff  }
0x158: {  	v50 =	vadd.s32 $0xB, v0;
	v7 =	vld.idx.msk [tilespmem:v45+s2+$0x0], $0xffff  }
0x159: {  	v51 =	vadd.s32 $0xC, v0;
	v8 =	vld.idx.msk [tilespmem:v46+s2+$0x0], $0xffff  }
0x15a: {  	v52 =	vadd.s32 $0xD, v0;
	v9 =	vld.idx.msk [tilespmem:v47+s2+$0x0], $0xffff  }
0x15b: {  	v53 =	vadd.s32 $0xE, v0;
	v10 =	vld.idx.msk [tilespmem:v48+s2+$0x0], $0xffff  }
0x15c: {  	v0 =	vadd.s32 $0xF, v0;
	v11 =	vld.idx.msk [tilespmem:v49+s2+$0x0], $0xffff  }
0x15d: {  	v12 =	vld.idx.msk [tilespmem:v50+s2+$0x0], $0xffff  }
0x15e: {  	v13 =	vld.idx.msk [tilespmem:v51+s2+$0x0], $0xffff  }
0x15f: {  	v14 =	vld.idx.msk [tilespmem:v52+s2+$0x0], $0xffff  }
0x160: {  	v15 =	vld.idx.msk [tilespmem:v53+s2+$0x0], $0xffff  }
0x161: {  	v0 =	vld.idx.msk [tilespmem:v0+s2+$0x0], $0xffff;
	[tilespmem:s15+$0xFFFFFC30] =	vst v5  }
0x162: {  	[tilespmem:s15+$0xFFFFFCB0] =	vst v1  }
0x163: {  	[tilespmem:s15+$0xFFFFFD30] =	vst v2  }
0x164: {  	[tilespmem:s15+$0xFFFFFDB0] =	vst v3  }
0x165: {  	[tilespmem:s15+$0xFFFFFE30] =	vst v4  }
0x166: {  	[tilespmem:s15+$0xFFFFFEB0] =	vst v6  }
0x167: {  	[tilespmem:s15+$0xFFFFFF30] =	vst v7  }
0x168: {  	[tilespmem:s15+$0xFFFFFFB0] =	vst v8  }
0x169: {  	[tilespmem:s15+$0x30] =	vst v9  }
0x16a: {  	[tilespmem:s15+$0xB0] =	vst v10  }
0x16b: {  	[tilespmem:s15+$0x130] =	vst v11  }
0x16c: {  	[tilespmem:s15+$0x1B0] =	vst v12  }
0x16d: {  	[tilespmem:s15+$0x230] =	vst v13  }
0x16e: {  	[tilespmem:s15+$0x2B0] =	vst v14  }
0x16f: {  	[tilespmem:s15+$0x330] =	vst v15  }
0x170: {  	[tilespmem:s15+$0x3B0] =	vst v0  }
0x171: {  	v0 =	vld [tilespmem:s11+$0x0];
	_ =	sdelay $0x4  }
0x172: {  	v0 =	vmul.u32 $0x11, v0;
	_ =	sdelay $0x1  }
0x173: {  	v0 =	vadd.s32 s14, v0  }
0x174: {  	v54 =	vadd.s32 $0x1, v0  }
0x175: {  	v55 =	vadd.s32 $0x2, v0  }
0x176: {  	v56 =	vadd.s32 $0x3, v0  }
0x177: {  	v57 =	vadd.s32 $0x4, v0  }
0x178: {  	v58 =	vadd.s32 $0x5, v0;
	v5 =	vld.idx.msk [tilespmem:v0+s2+$0x0], $0xffff  }
0x179: {  	v59 =	vadd.s32 $0x6, v0;
	v1 =	vld.idx.msk [tilespmem:v54+s2+$0x0], $0xffff  }
0x17a: {  	v60 =	vadd.s32 $0x7, v0;
	v2 =	vld.idx.msk [tilespmem:v55+s2+$0x0], $0xffff  }
0x17b: {  	v61 =	vadd.s32 $0x8, v0;
	v3 =	vld.idx.msk [tilespmem:v56+s2+$0x0], $0xffff  }
0x17c: {  	v62 =	vadd.s32 $0x9, v0;
	v4 =	vld.idx.msk [tilespmem:v57+s2+$0x0], $0xffff  }
0x17d: {  	v63 =	vadd.s32 $0xA, v0;
	v6 =	vld.idx.msk [tilespmem:v58+s2+$0x0], $0xffff  }
0x17e: {  	v18 =	vadd.s32 $0xB, v0;
	v7 =	vld.idx.msk [tilespmem:v59+s2+$0x0], $0xffff  }
0x17f: {  	v19 =	vadd.s32 $0xC, v0;
	v8 =	vld.idx.msk [tilespmem:v60+s2+$0x0], $0xffff  }
0x180: {  	v20 =	vadd.s32 $0xD, v0;
	v9 =	vld.idx.msk [tilespmem:v61+s2+$0x0], $0xffff  }
0x181: {  	v21 =	vadd.s32 $0xE, v0;
	v10 =	vld.idx.msk [tilespmem:v62+s2+$0x0], $0xffff  }
0x182: {  	v0 =	vadd.s32 $0xF, v0;
	v11 =	vld.idx.msk [tilespmem:v63+s2+$0x0], $0xffff  }
0x183: {  	v12 =	vld.idx.msk [tilespmem:v18+s2+$0x0], $0xffff  }
0x184: {  	v13 =	vld.idx.msk [tilespmem:v19+s2+$0x0], $0xffff  }
0x185: {  	v14 =	vld.idx.msk [tilespmem:v20+s2+$0x0], $0xffff  }
0x186: {  	v15 =	vld.idx.msk [tilespmem:v21+s2+$0x0], $0xffff  }
0x187: {  	v0 =	vld.idx.msk [tilespmem:v0+s2+$0x0], $0xffff;
	[tilespmem:s15+$0xFFFFFC40] =	vst v5  }
0x188: {  	[tilespmem:s15+$0xFFFFFCC0] =	vst v1  }
0x189: {  	[tilespmem:s15+$0xFFFFFD40] =	vst v2  }
0x18a: {  	[tilespmem:s15+$0xFFFFFDC0] =	vst v3  }
0x18b: {  	[tilespmem:s15+$0xFFFFFE40] =	vst v4  }
0x18c: {  	[tilespmem:s15+$0xFFFFFEC0] =	vst v6  }
0x18d: {  	[tilespmem:s15+$0xFFFFFF40] =	vst v7  }
0x18e: {  	[tilespmem:s15+$0xFFFFFFC0] =	vst v8  }
0x18f: {  	[tilespmem:s15+$0x40] =	vst v9  }
0x190: {  	[tilespmem:s15+$0xC0] =	vst v10  }
0x191: {  	[tilespmem:s15+$0x140] =	vst v11  }
0x192: {  	[tilespmem:s15+$0x1C0] =	vst v12  }
0x193: {  	[tilespmem:s15+$0x240] =	vst v13  }
0x194: {  	[tilespmem:s15+$0x2C0] =	vst v14  }
0x195: {  	[tilespmem:s15+$0x340] =	vst v15  }
0x196: {  	[tilespmem:s15+$0x3C0] =	vst v0  }
0x197: {  	v0 =	vld [tilespmem:s11+$0x10];
	_ =	sdelay $0x4  }
0x198: {  	v0 =	vmul.u32 $0x11, v0;
	_ =	sdelay $0x1  }
0x199: {  	v0 =	vadd.s32 s14, v0  }
0x19a: {  	v22 =	vadd.s32 $0x1, v0  }
0x19b: {  	v23 =	vadd.s32 $0x2, v0  }
0x19c: {  	v24 =	vadd.s32 $0x3, v0  }
0x19d: {  	v25 =	vadd.s32 $0x4, v0  }
0x19e: {  	v26 =	vadd.s32 $0x5, v0;
	v5 =	vld.idx.msk [tilespmem:v0+s2+$0x0], $0xffff  }
0x19f: {  	v27 =	vadd.s32 $0x6, v0;
	v1 =	vld.idx.msk [tilespmem:v22+s2+$0x0], $0xffff  }
0x1a0: {  	v28 =	vadd.s32 $0x7, v0;
	v2 =	vld.idx.msk [tilespmem:v23+s2+$0x0], $0xffff  }
0x1a1: {  	v29 =	vadd.s32 $0x8, v0;
	v3 =	vld.idx.msk [tilespmem:v24+s2+$0x0], $0xffff  }
0x1a2: {  	v30 =	vadd.s32 $0x9, v0;
	v4 =	vld.idx.msk [tilespmem:v25+s2+$0x0], $0xffff  }
0x1a3: {  	v31 =	vadd.s32 $0xA, v0;
	v6 =	vld.idx.msk [tilespmem:v26+s2+$0x0], $0xffff  }
0x1a4: {  	v32 =	vadd.s32 $0xB, v0;
	v7 =	vld.idx.msk [tilespmem:v27+s2+$0x0], $0xffff  }
0x1a5: {  	v33 =	vadd.s32 $0xC, v0;
	v8 =	vld.idx.msk [tilespmem:v28+s2+$0x0], $0xffff  }
0x1a6: {  	v34 =	vadd.s32 $0xD, v0;
	v9 =	vld.idx.msk [tilespmem:v29+s2+$0x0], $0xffff  }
0x1a7: {  	v35 =	vadd.s32 $0xE, v0;
	v10 =	vld.idx.msk [tilespmem:v30+s2+$0x0], $0xffff  }
0x1a8: {  	v0 =	vadd.s32 $0xF, v0;
	v11 =	vld.idx.msk [tilespmem:v31+s2+$0x0], $0xffff  }
0x1a9: {  	v12 =	vld.idx.msk [tilespmem:v32+s2+$0x0], $0xffff  }
0x1aa: {  	v13 =	vld.idx.msk [tilespmem:v33+s2+$0x0], $0xffff  }
0x1ab: {  	v14 =	vld.idx.msk [tilespmem:v34+s2+$0x0], $0xffff  }
0x1ac: {  	v15 =	vld.idx.msk [tilespmem:v35+s2+$0x0], $0xffff  }
0x1ad: {  	v0 =	vld.idx.msk [tilespmem:v0+s2+$0x0], $0xffff;
	[tilespmem:s15+$0xFFFFFC50] =	vst v5  }
0x1ae: {  	[tilespmem:s15+$0xFFFFFCD0] =	vst v1  }
0x1af: {  	[tilespmem:s15+$0xFFFFFD50] =	vst v2  }
0x1b0: {  	[tilespmem:s15+$0xFFFFFDD0] =	vst v3  }
0x1b1: {  	[tilespmem:s15+$0xFFFFFE50] =	vst v4  }
0x1b2: {  	[tilespmem:s15+$0xFFFFFED0] =	vst v6  }
0x1b3: {  	[tilespmem:s15+$0xFFFFFF50] =	vst v7  }
0x1b4: {  	[tilespmem:s15+$0xFFFFFFD0] =	vst v8  }
0x1b5: {  	[tilespmem:s15+$0x50] =	vst v9  }
0x1b6: {  	[tilespmem:s15+$0xD0] =	vst v10  }
0x1b7: {  	[tilespmem:s15+$0x150] =	vst v11  }
0x1b8: {  	[tilespmem:s15+$0x1D0] =	vst v12  }
0x1b9: {  	[tilespmem:s15+$0x250] =	vst v13  }
0x1ba: {  	[tilespmem:s15+$0x2D0] =	vst v14  }
0x1bb: {  	[tilespmem:s15+$0x350] =	vst v15  }
0x1bc: {  	[tilespmem:s15+$0x3D0] =	vst v0  }
0x1bd: {  	v0 =	vld [tilespmem:s11+$0x20];
	_ =	sdelay $0x4  }
0x1be: {  	v0 =	vmul.u32 $0x11, v0;
	_ =	sdelay $0x1  }
0x1bf: {  	v0 =	vadd.s32 s14, v0  }
0x1c0: {  	v36 =	vadd.s32 $0x1, v0  }
0x1c1: {  	v37 =	vadd.s32 $0x2, v0  }
0x1c2: {  	v38 =	vadd.s32 $0x3, v0  }
0x1c3: {  	v39 =	vadd.s32 $0x4, v0  }
0x1c4: {  	v40 =	vadd.s32 $0x5, v0;
	v5 =	vld.idx.msk [tilespmem:v0+s2+$0x0], $0xffff  }
0x1c5: {  	v41 =	vadd.s32 $0x6, v0;
	v1 =	vld.idx.msk [tilespmem:v36+s2+$0x0], $0xffff  }
0x1c6: {  	v42 =	vadd.s32 $0x7, v0;
	v2 =	vld.idx.msk [tilespmem:v37+s2+$0x0], $0xffff  }
0x1c7: {  	v43 =	vadd.s32 $0x8, v0;
	v3 =	vld.idx.msk [tilespmem:v38+s2+$0x0], $0xffff  }
0x1c8: {  	v44 =	vadd.s32 $0x9, v0;
	v4 =	vld.idx.msk [tilespmem:v39+s2+$0x0], $0xffff  }
0x1c9: {  	v45 =	vadd.s32 $0xA, v0;
	v6 =	vld.idx.msk [tilespmem:v40+s2+$0x0], $0xffff  }
0x1ca: {  	v46 =	vadd.s32 $0xB, v0;
	v7 =	vld.idx.msk [tilespmem:v41+s2+$0x0], $0xffff  }
0x1cb: {  	v47 =	vadd.s32 $0xC, v0;
	v8 =	vld.idx.msk [tilespmem:v42+s2+$0x0], $0xffff  }
0x1cc: {  	v48 =	vadd.s32 $0xD, v0;
	v9 =	vld.idx.msk [tilespmem:v43+s2+$0x0], $0xffff  }
0x1cd: {  	v49 =	vadd.s32 $0xE, v0;
	v10 =	vld.idx.msk [tilespmem:v44+s2+$0x0], $0xffff  }
0x1ce: {  	v0 =	vadd.s32 $0xF, v0;
	v11 =	vld.idx.msk [tilespmem:v45+s2+$0x0], $0xffff  }
0x1cf: {  	v12 =	vld.idx.msk [tilespmem:v46+s2+$0x0], $0xffff  }
0x1d0: {  	v13 =	vld.idx.msk [tilespmem:v47+s2+$0x0], $0xffff  }
0x1d1: {  	v14 =	vld.idx.msk [tilespmem:v48+s2+$0x0], $0xffff  }
0x1d2: {  	v15 =	vld.idx.msk [tilespmem:v49+s2+$0x0], $0xffff  }
0x1d3: {  	v0 =	vld.idx.msk [tilespmem:v0+s2+$0x0], $0xffff;
	[tilespmem:s15+$0xFFFFFC60] =	vst v5  }
0x1d4: {  	[tilespmem:s15+$0xFFFFFCE0] =	vst v1  }
0x1d5: {  	[tilespmem:s15+$0xFFFFFD60] =	vst v2  }
0x1d6: {  	[tilespmem:s15+$0xFFFFFDE0] =	vst v3  }
0x1d7: {  	[tilespmem:s15+$0xFFFFFE60] =	vst v4  }
0x1d8: {  	[tilespmem:s15+$0xFFFFFEE0] =	vst v6  }
0x1d9: {  	[tilespmem:s15+$0xFFFFFF60] =	vst v7  }
0x1da: {  	[tilespmem:s15+$0xFFFFFFE0] =	vst v8  }
0x1db: {  	[tilespmem:s15+$0x60] =	vst v9  }
0x1dc: {  	[tilespmem:s15+$0xE0] =	vst v10  }
0x1dd: {  	[tilespmem:s15+$0x160] =	vst v11  }
0x1de: {  	[tilespmem:s15+$0x1E0] =	vst v12  }
0x1df: {  	[tilespmem:s15+$0x260] =	vst v13  }
0x1e0: {  	[tilespmem:s15+$0x2E0] =	vst v14  }
0x1e1: {  	[tilespmem:s15+$0x360] =	vst v15  }
0x1e2: {  	[tilespmem:s15+$0x3E0] =	vst v0  }
0x1e3: {  	v0 =	vld [tilespmem:s11+$0x30];
	_ =	sdelay $0x4  }
0x1e4: {  	v0 =	vmul.u32 $0x11, v0;
	_ =	sdelay $0x1  }
0x1e5: {  	v0 =	vadd.s32 s14, v0  }
0x1e6: {  	v50 =	vadd.s32 $0x1, v0  }
0x1e7: {  	v51 =	vadd.s32 $0x2, v0  }
0x1e8: {  	v52 =	vadd.s32 $0x3, v0  }
0x1e9: {  	v53 =	vadd.s32 $0x4, v0  }
0x1ea: {  	v54 =	vadd.s32 $0x5, v0;
	v5 =	vld.idx.msk [tilespmem:v0+s2+$0x0], $0xffff  }
0x1eb: {  	v55 =	vadd.s32 $0x6, v0;
	v1 =	vld.idx.msk [tilespmem:v50+s2+$0x0], $0xffff  }
0x1ec: {  	v56 =	vadd.s32 $0x7, v0;
	v2 =	vld.idx.msk [tilespmem:v51+s2+$0x0], $0xffff  }
0x1ed: {  	v57 =	vadd.s32 $0x8, v0;
	v3 =	vld.idx.msk [tilespmem:v52+s2+$0x0], $0xffff  }
0x1ee: {  	v58 =	vadd.s32 $0x9, v0;
	v4 =	vld.idx.msk [tilespmem:v53+s2+$0x0], $0xffff  }
0x1ef: {  	v59 =	vadd.s32 $0xA, v0;
	v6 =	vld.idx.msk [tilespmem:v54+s2+$0x0], $0xffff  }
0x1f0: {  	v60 =	vadd.s32 $0xB, v0;
	v7 =	vld.idx.msk [tilespmem:v55+s2+$0x0], $0xffff  }
0x1f1: {  	v61 =	vadd.s32 $0xC, v0;
	v8 =	vld.idx.msk [tilespmem:v56+s2+$0x0], $0xffff  }
0x1f2: {  	v62 =	vadd.s32 $0xD, v0;
	v9 =	vld.idx.msk [tilespmem:v57+s2+$0x0], $0xffff  }
0x1f3: {  	v63 =	vadd.s32 $0xE, v0;
	v10 =	vld.idx.msk [tilespmem:v58+s2+$0x0], $0xffff  }
0x1f4: {  	v0 =	vadd.s32 $0xF, v0;
	v11 =	vld.idx.msk [tilespmem:v59+s2+$0x0], $0xffff  }
0x1f5: {  	v12 =	vld.idx.msk [tilespmem:v60+s2+$0x0], $0xffff  }
0x1f6: {  	v13 =	vld.idx.msk [tilespmem:v61+s2+$0x0], $0xffff  }
0x1f7: {  	v14 =	vld.idx.msk [tilespmem:v62+s2+$0x0], $0xffff  }
0x1f8: {  	v15 =	vld.idx.msk [tilespmem:v63+s2+$0x0], $0xffff  }
0x1f9: {  	v0 =	vld.idx.msk [tilespmem:v0+s2+$0x0], $0xffff;
	[tilespmem:s15+$0xFFFFFC70] =	vst v5  }
0x1fa: {  	[tilespmem:s15+$0xFFFFFCF0] =	vst v1  }
0x1fb: {  	[tilespmem:s15+$0xFFFFFD70] =	vst v2  }
0x1fc: {  	[tilespmem:s15+$0xFFFFFDF0] =	vst v3  }
0x1fd: {  	[tilespmem:s15+$0xFFFFFE70] =	vst v4  }
0x1fe: {  	[tilespmem:s15+$0xFFFFFEF0] =	vst v6  }
0x1ff: {  	[tilespmem:s15+$0xFFFFFF70] =	vst v7  }
0x200: {  	[tilespmem:s15+$0xFFFFFFF0] =	vst v8  }
0x201: {  	[tilespmem:s15+$0x70] =	vst v9  }
0x202: {  	[tilespmem:s15+$0xF0] =	vst v10  }
0x203: {  	p1 =	sne.s32 s14, $0x5FA0;
	[tilespmem:s15+$0x170] =	vst v11  }
.Ltmp0:
0x204: {  	[tilespmem:s15+$0x1F0] =	vst v12;
	(pc) =	sbr.rel @p1 .LBB3_3-.Ltmp0, $4  }
0x205: {  	[tilespmem:s15+$0x270] =	vst v13  }
0x206: {  	[tilespmem:s15+$0x2F0] =	vst v14  }
0x207: {  	[tilespmem:s15+$0x370] =	vst v15  }
0x208: {  	s11 =	sadd.s32 $0x200, s11;
	s14 =	sadd.s32 $0x7F8, s14;
	[tilespmem:s15+$0x3F0] =	vst v0;
	s15 =	sadd.s32 $0x800, s15  }
0x209: {  	s11 =	smul.u32 $0xD000, s13;
	_ =	sdelay $0x1  }
0x20a: {  	s11 =	sshrl.u32 s11, $0x3  }
0x20b: {  	s13 =	sadd.s32 s31, s11;
	s11 =	simm.s32 @!p0 $0x2  }
0x20c: {  	[hbm4b:s13+s0] =	stream.linear.scatter [tilespmem:s5], [sflag:$0x1], $0x6800, $0x38;
	[tilespmem:$0x1D380] =	vst v63  }
0x20d: {  	_ =	swait.ge @!p0 [sflag:s11], $0x6800  }
0x20e: {  	s14 =	simm.s32 $0x0;
	[sflag:s11] =	ssyncset.done @!p0 $0x0  }
0x20f: {  	s15 =	simm.s32 $0x6798;
	[sflag:s11] =	ssyncadd.s32 @!p0 $0xFFFF9800;
	s11 =	smov.u32 s16  }
.LBB3_5:
0x210: {  	v0 =	vld [tilespmem:s11+$0xFFFFFF90];
	_ =	sdelay $0x4  }
0x211: {  	v0 =	vmul.u32 $0x11, v0;
	_ =	sdelay $0x1  }
0x212: {  	v0 =	vadd.s32 s15, v0  }
0x213: {  	v1 =	vadd.s32 $0x1, v0  }
0x214: {  	v2 =	vadd.s32 $0x2, v0  }
0x215: {  	v3 =	vadd.s32 $0x3, v0  }
0x216: {  	v4 =	vadd.s32 $0x4, v0  }
0x217: {  	v6 =	vadd.s32 $0x5, v0;
	v5 =	vld.idx.msk [tilespmem:v0+s2+$0x0], $0xffff  }
0x218: {  	v7 =	vadd.s32 $0x6, v0;
	v1 =	vld.idx.msk [tilespmem:v1+s2+$0x0], $0xffff  }
0x219: {  	v8 =	vadd.s32 $0x7, v0;
	v2 =	vld.idx.msk [tilespmem:v2+s2+$0x0], $0xffff  }
0x21a: {  	v9 =	vadd.s32 $0x8, v0;
	v3 =	vld.idx.msk [tilespmem:v3+s2+$0x0], $0xffff  }
0x21b: {  	v10 =	vadd.s32 $0x9, v0;
	v4 =	vld.idx.msk [tilespmem:v4+s2+$0x0], $0xffff  }
0x21c: {  	v11 =	vadd.s32 $0xA, v0;
	v6 =	vld.idx.msk [tilespmem:v6+s2+$0x0], $0xffff  }
0x21d: {  	v12 =	vadd.s32 $0xB, v0;
	v7 =	vld.idx.msk [tilespmem:v7+s2+$0x0], $0xffff  }
0x21e: {  	v13 =	vadd.s32 $0xC, v0;
	v8 =	vld.idx.msk [tilespmem:v8+s2+$0x0], $0xffff  }
0x21f: {  	v14 =	vadd.s32 $0xD, v0;
	v9 =	vld.idx.msk [tilespmem:v9+s2+$0x0], $0xffff  }
0x220: {  	v15 =	vadd.s32 $0xE, v0;
	v10 =	vld.idx.msk [tilespmem:v10+s2+$0x0], $0xffff  }
0x221: {  	v0 =	vadd.s32 $0xF, v0;
	v11 =	vld.idx.msk [tilespmem:v11+s2+$0x0], $0xffff  }
0x222: {  	v12 =	vld.idx.msk [tilespmem:v12+s2+$0x0], $0xffff  }
0x223: {  	v13 =	vld.idx.msk [tilespmem:v13+s2+$0x0], $0xffff  }
0x224: {  	v14 =	vld.idx.msk [tilespmem:v14+s2+$0x0], $0xffff  }
0x225: {  	s17 =	sshra.s32 s14, $0x2;
	v15 =	vld.idx.msk [tilespmem:v15+s2+$0x0], $0xffff  }
0x226: {  	v0 =	vld.idx.msk [tilespmem:v0+s2+$0x0], $0xffff;
	[tilespmem:s17+$0x16B80] =	vst v5  }
0x227: {  	[tilespmem:s17+$0x16C00] =	vst v1  }
0x228: {  	[tilespmem:s17+$0x16C80] =	vst v2  }
0x229: {  	[tilespmem:s17+$0x16D00] =	vst v3  }
0x22a: {  	[tilespmem:s17+$0x16D80] =	vst v4  }
0x22b: {  	[tilespmem:s17+$0x16E00] =	vst v6  }
0x22c: {  	[tilespmem:s17+$0x16E80] =	vst v7  }
0x22d: {  	[tilespmem:s17+$0x16F00] =	vst v8  }
0x22e: {  	[tilespmem:s17+$0x16F80] =	vst v9  }
0x22f: {  	[tilespmem:s17+$0x17000] =	vst v10  }
0x230: {  	[tilespmem:s17+$0x17080] =	vst v11  }
0x231: {  	[tilespmem:s17+$0x17100] =	vst v12  }
0x232: {  	[tilespmem:s17+$0x17180] =	vst v13  }
0x233: {  	[tilespmem:s17+$0x17200] =	vst v14  }
0x234: {  	[tilespmem:s17+$0x17280] =	vst v15  }
0x235: {  	[tilespmem:s17+$0x17300] =	vst v0  }
0x236: {  	v0 =	vld [tilespmem:s11+$0xFFFFFFA0];
	_ =	sdelay $0x4  }
0x237: {  	v0 =	vmul.u32 $0x11, v0;
	_ =	sdelay $0x1  }
0x238: {  	v0 =	vadd.s32 s15, v0  }
0x239: {  	v12 =	vadd.s32 $0x1, v0  }
0x23a: {  	v13 =	vadd.s32 $0x2, v0  }
0x23b: {  	v14 =	vadd.s32 $0x3, v0  }
0x23c: {  	v15 =	vadd.s32 $0x4, v0  }
0x23d: {  	v16 =	vadd.s32 $0x5, v0;
	v5 =	vld.idx.msk [tilespmem:v0+s2+$0x0], $0xffff  }
0x23e: {  	v17 =	vadd.s32 $0x6, v0;
	v1 =	vld.idx.msk [tilespmem:v12+s2+$0x0], $0xffff  }
0x23f: {  	v18 =	vadd.s32 $0x7, v0;
	v2 =	vld.idx.msk [tilespmem:v13+s2+$0x0], $0xffff  }
0x240: {  	v19 =	vadd.s32 $0x8, v0;
	v3 =	vld.idx.msk [tilespmem:v14+s2+$0x0], $0xffff  }
0x241: {  	v20 =	vadd.s32 $0x9, v0;
	v4 =	vld.idx.msk [tilespmem:v15+s2+$0x0], $0xffff  }
0x242: {  	v21 =	vadd.s32 $0xA, v0;
	v6 =	vld.idx.msk [tilespmem:v16+s2+$0x0], $0xffff  }
0x243: {  	v22 =	vadd.s32 $0xB, v0;
	v7 =	vld.idx.msk [tilespmem:v17+s2+$0x0], $0xffff  }
0x244: {  	v23 =	vadd.s32 $0xC, v0;
	v8 =	vld.idx.msk [tilespmem:v18+s2+$0x0], $0xffff  }
0x245: {  	v24 =	vadd.s32 $0xD, v0;
	v9 =	vld.idx.msk [tilespmem:v19+s2+$0x0], $0xffff  }
0x246: {  	v25 =	vadd.s32 $0xE, v0;
	v10 =	vld.idx.msk [tilespmem:v20+s2+$0x0], $0xffff  }
0x247: {  	v0 =	vadd.s32 $0xF, v0;
	v11 =	vld.idx.msk [tilespmem:v21+s2+$0x0], $0xffff  }
0x248: {  	v12 =	vld.idx.msk [tilespmem:v22+s2+$0x0], $0xffff  }
0x249: {  	v13 =	vld.idx.msk [tilespmem:v23+s2+$0x0], $0xffff  }
0x24a: {  	v14 =	vld.idx.msk [tilespmem:v24+s2+$0x0], $0xffff  }
0x24b: {  	v15 =	vld.idx.msk [tilespmem:v25+s2+$0x0], $0xffff  }
0x24c: {  	v0 =	vld.idx.msk [tilespmem:v0+s2+$0x0], $0xffff;
	[tilespmem:s17+$0x16B90] =	vst v5  }
0x24d: {  	[tilespmem:s17+$0x16C10] =	vst v1  }
0x24e: {  	[tilespmem:s17+$0x16C90] =	vst v2  }
0x24f: {  	[tilespmem:s17+$0x16D10] =	vst v3  }
0x250: {  	[tilespmem:s17+$0x16D90] =	vst v4  }
0x251: {  	[tilespmem:s17+$0x16E10] =	vst v6  }
0x252: {  	[tilespmem:s17+$0x16E90] =	vst v7  }
0x253: {  	[tilespmem:s17+$0x16F10] =	vst v8  }
0x254: {  	[tilespmem:s17+$0x16F90] =	vst v9  }
0x255: {  	[tilespmem:s17+$0x17010] =	vst v10  }
0x256: {  	[tilespmem:s17+$0x17090] =	vst v11  }
0x257: {  	[tilespmem:s17+$0x17110] =	vst v12  }
0x258: {  	[tilespmem:s17+$0x17190] =	vst v13  }
0x259: {  	[tilespmem:s17+$0x17210] =	vst v14  }
0x25a: {  	[tilespmem:s17+$0x17290] =	vst v15  }
0x25b: {  	[tilespmem:s17+$0x17310] =	vst v0  }
0x25c: {  	v0 =	vld [tilespmem:s11+$0xFFFFFFB0];
	_ =	sdelay $0x4  }
0x25d: {  	v0 =	vmul.u32 $0x11, v0;
	_ =	sdelay $0x1  }
0x25e: {  	v0 =	vadd.s32 s15, v0  }
0x25f: {  	v26 =	vadd.s32 $0x1, v0  }
0x260: {  	v27 =	vadd.s32 $0x2, v0  }
0x261: {  	v28 =	vadd.s32 $0x3, v0  }
0x262: {  	v29 =	vadd.s32 $0x4, v0  }
0x263: {  	v30 =	vadd.s32 $0x5, v0;
	v5 =	vld.idx.msk [tilespmem:v0+s2+$0x0], $0xffff  }
0x264: {  	v31 =	vadd.s32 $0x6, v0;
	v1 =	vld.idx.msk [tilespmem:v26+s2+$0x0], $0xffff  }
0x265: {  	v32 =	vadd.s32 $0x7, v0;
	v2 =	vld.idx.msk [tilespmem:v27+s2+$0x0], $0xffff  }
0x266: {  	v33 =	vadd.s32 $0x8, v0;
	v3 =	vld.idx.msk [tilespmem:v28+s2+$0x0], $0xffff  }
0x267: {  	v34 =	vadd.s32 $0x9, v0;
	v4 =	vld.idx.msk [tilespmem:v29+s2+$0x0], $0xffff  }
0x268: {  	v35 =	vadd.s32 $0xA, v0;
	v6 =	vld.idx.msk [tilespmem:v30+s2+$0x0], $0xffff  }
0x269: {  	v36 =	vadd.s32 $0xB, v0;
	v7 =	vld.idx.msk [tilespmem:v31+s2+$0x0], $0xffff  }
0x26a: {  	v37 =	vadd.s32 $0xC, v0;
	v8 =	vld.idx.msk [tilespmem:v32+s2+$0x0], $0xffff  }
0x26b: {  	v38 =	vadd.s32 $0xD, v0;
	v9 =	vld.idx.msk [tilespmem:v33+s2+$0x0], $0xffff  }
0x26c: {  	v39 =	vadd.s32 $0xE, v0;
	v10 =	vld.idx.msk [tilespmem:v34+s2+$0x0], $0xffff  }
0x26d: {  	v0 =	vadd.s32 $0xF, v0;
	v11 =	vld.idx.msk [tilespmem:v35+s2+$0x0], $0xffff  }
0x26e: {  	v12 =	vld.idx.msk [tilespmem:v36+s2+$0x0], $0xffff  }
0x26f: {  	v13 =	vld.idx.msk [tilespmem:v37+s2+$0x0], $0xffff  }
0x270: {  	v14 =	vld.idx.msk [tilespmem:v38+s2+$0x0], $0xffff  }
0x271: {  	v15 =	vld.idx.msk [tilespmem:v39+s2+$0x0], $0xffff  }
0x272: {  	v0 =	vld.idx.msk [tilespmem:v0+s2+$0x0], $0xffff;
	[tilespmem:s17+$0x16BA0] =	vst v5  }
0x273: {  	[tilespmem:s17+$0x16C20] =	vst v1  }
0x274: {  	[tilespmem:s17+$0x16CA0] =	vst v2  }
0x275: {  	[tilespmem:s17+$0x16D20] =	vst v3  }
0x276: {  	[tilespmem:s17+$0x16DA0] =	vst v4  }
0x277: {  	[tilespmem:s17+$0x16E20] =	vst v6  }
0x278: {  	[tilespmem:s17+$0x16EA0] =	vst v7  }
0x279: {  	[tilespmem:s17+$0x16F20] =	vst v8  }
0x27a: {  	[tilespmem:s17+$0x16FA0] =	vst v9  }
0x27b: {  	[tilespmem:s17+$0x17020] =	vst v10  }
0x27c: {  	[tilespmem:s17+$0x170A0] =	vst v11  }
0x27d: {  	[tilespmem:s17+$0x17120] =	vst v12  }
0x27e: {  	[tilespmem:s17+$0x171A0] =	vst v13  }
0x27f: {  	[tilespmem:s17+$0x17220] =	vst v14  }
0x280: {  	[tilespmem:s17+$0x172A0] =	vst v15  }
0x281: {  	[tilespmem:s17+$0x17320] =	vst v0  }
0x282: {  	v0 =	vld [tilespmem:s11+$0xFFFFFFC0];
	_ =	sdelay $0x4  }
0x283: {  	v0 =	vmul.u32 $0x11, v0;
	_ =	sdelay $0x1  }
0x284: {  	v0 =	vadd.s32 s15, v0  }
0x285: {  	v40 =	vadd.s32 $0x1, v0  }
0x286: {  	v41 =	vadd.s32 $0x2, v0  }
0x287: {  	v42 =	vadd.s32 $0x3, v0  }
0x288: {  	v43 =	vadd.s32 $0x4, v0  }
0x289: {  	v44 =	vadd.s32 $0x5, v0;
	v5 =	vld.idx.msk [tilespmem:v0+s2+$0x0], $0xffff  }
0x28a: {  	v45 =	vadd.s32 $0x6, v0;
	v1 =	vld.idx.msk [tilespmem:v40+s2+$0x0], $0xffff  }
0x28b: {  	v46 =	vadd.s32 $0x7, v0;
	v2 =	vld.idx.msk [tilespmem:v41+s2+$0x0], $0xffff  }
0x28c: {  	v47 =	vadd.s32 $0x8, v0;
	v3 =	vld.idx.msk [tilespmem:v42+s2+$0x0], $0xffff  }
0x28d: {  	v48 =	vadd.s32 $0x9, v0;
	v4 =	vld.idx.msk [tilespmem:v43+s2+$0x0], $0xffff  }
0x28e: {  	v49 =	vadd.s32 $0xA, v0;
	v6 =	vld.idx.msk [tilespmem:v44+s2+$0x0], $0xffff  }
0x28f: {  	v50 =	vadd.s32 $0xB, v0;
	v7 =	vld.idx.msk [tilespmem:v45+s2+$0x0], $0xffff  }
0x290: {  	v51 =	vadd.s32 $0xC, v0;
	v8 =	vld.idx.msk [tilespmem:v46+s2+$0x0], $0xffff  }
0x291: {  	v52 =	vadd.s32 $0xD, v0;
	v9 =	vld.idx.msk [tilespmem:v47+s2+$0x0], $0xffff  }
0x292: {  	v53 =	vadd.s32 $0xE, v0;
	v10 =	vld.idx.msk [tilespmem:v48+s2+$0x0], $0xffff  }
0x293: {  	v0 =	vadd.s32 $0xF, v0;
	v11 =	vld.idx.msk [tilespmem:v49+s2+$0x0], $0xffff  }
0x294: {  	v12 =	vld.idx.msk [tilespmem:v50+s2+$0x0], $0xffff  }
0x295: {  	v13 =	vld.idx.msk [tilespmem:v51+s2+$0x0], $0xffff  }
0x296: {  	v14 =	vld.idx.msk [tilespmem:v52+s2+$0x0], $0xffff  }
0x297: {  	v15 =	vld.idx.msk [tilespmem:v53+s2+$0x0], $0xffff  }
0x298: {  	v0 =	vld.idx.msk [tilespmem:v0+s2+$0x0], $0xffff;
	[tilespmem:s17+$0x16BB0] =	vst v5  }
0x299: {  	[tilespmem:s17+$0x16C30] =	vst v1  }
0x29a: {  	[tilespmem:s17+$0x16CB0] =	vst v2  }
0x29b: {  	[tilespmem:s17+$0x16D30] =	vst v3  }
0x29c: {  	[tilespmem:s17+$0x16DB0] =	vst v4  }
0x29d: {  	[tilespmem:s17+$0x16E30] =	vst v6  }
0x29e: {  	[tilespmem:s17+$0x16EB0] =	vst v7  }
0x29f: {  	[tilespmem:s17+$0x16F30] =	vst v8  }
0x2a0: {  	[tilespmem:s17+$0x16FB0] =	vst v9  }
0x2a1: {  	[tilespmem:s17+$0x17030] =	vst v10  }
0x2a2: {  	[tilespmem:s17+$0x170B0] =	vst v11  }
0x2a3: {  	[tilespmem:s17+$0x17130] =	vst v12  }
0x2a4: {  	[tilespmem:s17+$0x171B0] =	vst v13  }
0x2a5: {  	[tilespmem:s17+$0x17230] =	vst v14  }
0x2a6: {  	[tilespmem:s17+$0x172B0] =	vst v15  }
0x2a7: {  	[tilespmem:s17+$0x17330] =	vst v0  }
0x2a8: {  	v0 =	vld [tilespmem:s11+$0xFFFFFFD0];
	_ =	sdelay $0x4  }
0x2a9: {  	v0 =	vmul.u32 $0x11, v0;
	_ =	sdelay $0x1  }
0x2aa: {  	v0 =	vadd.s32 s15, v0  }
0x2ab: {  	v54 =	vadd.s32 $0x1, v0  }
0x2ac: {  	v55 =	vadd.s32 $0x2, v0  }
0x2ad: {  	v56 =	vadd.s32 $0x3, v0  }
0x2ae: {  	v57 =	vadd.s32 $0x4, v0  }
0x2af: {  	v58 =	vadd.s32 $0x5, v0;
	v5 =	vld.idx.msk [tilespmem:v0+s2+$0x0], $0xffff  }
0x2b0: {  	v59 =	vadd.s32 $0x6, v0;
	v1 =	vld.idx.msk [tilespmem:v54+s2+$0x0], $0xffff  }
0x2b1: {  	v60 =	vadd.s32 $0x7, v0;
	v2 =	vld.idx.msk [tilespmem:v55+s2+$0x0], $0xffff  }
0x2b2: {  	v61 =	vadd.s32 $0x8, v0;
	v3 =	vld.idx.msk [tilespmem:v56+s2+$0x0], $0xffff  }
0x2b3: {  	v62 =	vadd.s32 $0x9, v0;
	v4 =	vld.idx.msk [tilespmem:v57+s2+$0x0], $0xffff  }
0x2b4: {  	v63 =	vadd.s32 $0xA, v0;
	v6 =	vld.idx.msk [tilespmem:v58+s2+$0x0], $0xffff  }
0x2b5: {  	v18 =	vadd.s32 $0xB, v0;
	v7 =	vld.idx.msk [tilespmem:v59+s2+$0x0], $0xffff  }
0x2b6: {  	v19 =	vadd.s32 $0xC, v0;
	v8 =	vld.idx.msk [tilespmem:v60+s2+$0x0], $0xffff  }
0x2b7: {  	v20 =	vadd.s32 $0xD, v0;
	v9 =	vld.idx.msk [tilespmem:v61+s2+$0x0], $0xffff  }
0x2b8: {  	v21 =	vadd.s32 $0xE, v0;
	v10 =	vld.idx.msk [tilespmem:v62+s2+$0x0], $0xffff  }
0x2b9: {  	v0 =	vadd.s32 $0xF, v0;
	v11 =	vld.idx.msk [tilespmem:v63+s2+$0x0], $0xffff  }
0x2ba: {  	v12 =	vld.idx.msk [tilespmem:v18+s2+$0x0], $0xffff  }
0x2bb: {  	v13 =	vld.idx.msk [tilespmem:v19+s2+$0x0], $0xffff  }
0x2bc: {  	v14 =	vld.idx.msk [tilespmem:v20+s2+$0x0], $0xffff  }
0x2bd: {  	v15 =	vld.idx.msk [tilespmem:v21+s2+$0x0], $0xffff  }
0x2be: {  	v0 =	vld.idx.msk [tilespmem:v0+s2+$0x0], $0xffff;
	[tilespmem:s17+$0x16BC0] =	vst v5  }
0x2bf: {  	[tilespmem:s17+$0x16C40] =	vst v1  }
0x2c0: {  	[tilespmem:s17+$0x16CC0] =	vst v2  }
0x2c1: {  	[tilespmem:s17+$0x16D40] =	vst v3  }
0x2c2: {  	[tilespmem:s17+$0x16DC0] =	vst v4  }
0x2c3: {  	[tilespmem:s17+$0x16E40] =	vst v6  }
0x2c4: {  	[tilespmem:s17+$0x16EC0] =	vst v7  }
0x2c5: {  	[tilespmem:s17+$0x16F40] =	vst v8  }
0x2c6: {  	[tilespmem:s17+$0x16FC0] =	vst v9  }
0x2c7: {  	[tilespmem:s17+$0x17040] =	vst v10  }
0x2c8: {  	[tilespmem:s17+$0x170C0] =	vst v11  }
0x2c9: {  	[tilespmem:s17+$0x17140] =	vst v12  }
0x2ca: {  	[tilespmem:s17+$0x171C0] =	vst v13  }
0x2cb: {  	[tilespmem:s17+$0x17240] =	vst v14  }
0x2cc: {  	[tilespmem:s17+$0x172C0] =	vst v15  }
0x2cd: {  	[tilespmem:s17+$0x17340] =	vst v0  }
0x2ce: {  	v0 =	vld [tilespmem:s11+$0xFFFFFFE0];
	_ =	sdelay $0x4  }
0x2cf: {  	v0 =	vmul.u32 $0x11, v0;
	_ =	sdelay $0x1  }
0x2d0: {  	v0 =	vadd.s32 s15, v0  }
0x2d1: {  	v22 =	vadd.s32 $0x1, v0  }
0x2d2: {  	v23 =	vadd.s32 $0x2, v0  }
0x2d3: {  	v24 =	vadd.s32 $0x3, v0  }
0x2d4: {  	v25 =	vadd.s32 $0x4, v0  }
0x2d5: {  	v26 =	vadd.s32 $0x5, v0;
	v5 =	vld.idx.msk [tilespmem:v0+s2+$0x0], $0xffff  }
0x2d6: {  	v27 =	vadd.s32 $0x6, v0;
	v1 =	vld.idx.msk [tilespmem:v22+s2+$0x0], $0xffff  }
0x2d7: {  	v28 =	vadd.s32 $0x7, v0;
	v2 =	vld.idx.msk [tilespmem:v23+s2+$0x0], $0xffff  }
0x2d8: {  	v29 =	vadd.s32 $0x8, v0;
	v3 =	vld.idx.msk [tilespmem:v24+s2+$0x0], $0xffff  }
0x2d9: {  	v30 =	vadd.s32 $0x9, v0;
	v4 =	vld.idx.msk [tilespmem:v25+s2+$0x0], $0xffff  }
0x2da: {  	v31 =	vadd.s32 $0xA, v0;
	v6 =	vld.idx.msk [tilespmem:v26+s2+$0x0], $0xffff  }
0x2db: {  	v32 =	vadd.s32 $0xB, v0;
	v7 =	vld.idx.msk [tilespmem:v27+s2+$0x0], $0xffff  }
0x2dc: {  	v33 =	vadd.s32 $0xC, v0;
	v8 =	vld.idx.msk [tilespmem:v28+s2+$0x0], $0xffff  }
0x2dd: {  	v34 =	vadd.s32 $0xD, v0;
	v9 =	vld.idx.msk [tilespmem:v29+s2+$0x0], $0xffff  }
0x2de: {  	v35 =	vadd.s32 $0xE, v0;
	v10 =	vld.idx.msk [tilespmem:v30+s2+$0x0], $0xffff  }
0x2df: {  	v0 =	vadd.s32 $0xF, v0;
	v11 =	vld.idx.msk [tilespmem:v31+s2+$0x0], $0xffff  }
0x2e0: {  	v12 =	vld.idx.msk [tilespmem:v32+s2+$0x0], $0xffff  }
0x2e1: {  	v13 =	vld.idx.msk [tilespmem:v33+s2+$0x0], $0xffff  }
0x2e2: {  	v14 =	vld.idx.msk [tilespmem:v34+s2+$0x0], $0xffff  }
0x2e3: {  	v15 =	vld.idx.msk [tilespmem:v35+s2+$0x0], $0xffff  }
0x2e4: {  	v0 =	vld.idx.msk [tilespmem:v0+s2+$0x0], $0xffff;
	[tilespmem:s17+$0x16BD0] =	vst v5  }
0x2e5: {  	[tilespmem:s17+$0x16C50] =	vst v1  }
0x2e6: {  	[tilespmem:s17+$0x16CD0] =	vst v2  }
0x2e7: {  	[tilespmem:s17+$0x16D50] =	vst v3  }
0x2e8: {  	[tilespmem:s17+$0x16DD0] =	vst v4  }
0x2e9: {  	[tilespmem:s17+$0x16E50] =	vst v6  }
0x2ea: {  	[tilespmem:s17+$0x16ED0] =	vst v7  }
0x2eb: {  	[tilespmem:s17+$0x16F50] =	vst v8  }
0x2ec: {  	[tilespmem:s17+$0x16FD0] =	vst v9  }
0x2ed: {  	[tilespmem:s17+$0x17050] =	vst v10  }
0x2ee: {  	[tilespmem:s17+$0x170D0] =	vst v11  }
0x2ef: {  	[tilespmem:s17+$0x17150] =	vst v12  }
0x2f0: {  	[tilespmem:s17+$0x171D0] =	vst v13  }
0x2f1: {  	[tilespmem:s17+$0x17250] =	vst v14  }
0x2f2: {  	[tilespmem:s17+$0x172D0] =	vst v15  }
0x2f3: {  	[tilespmem:s17+$0x17350] =	vst v0  }
0x2f4: {  	v0 =	vld [tilespmem:s11+$0xFFFFFFF0];
	_ =	sdelay $0x4  }
0x2f5: {  	v0 =	vmul.u32 $0x11, v0;
	_ =	sdelay $0x1  }
0x2f6: {  	v0 =	vadd.s32 s15, v0  }
0x2f7: {  	v36 =	vadd.s32 $0x1, v0  }
0x2f8: {  	v37 =	vadd.s32 $0x2, v0  }
0x2f9: {  	v38 =	vadd.s32 $0x3, v0  }
0x2fa: {  	v39 =	vadd.s32 $0x4, v0  }
0x2fb: {  	v40 =	vadd.s32 $0x5, v0;
	v5 =	vld.idx.msk [tilespmem:v0+s2+$0x0], $0xffff  }
0x2fc: {  	v41 =	vadd.s32 $0x6, v0;
	v1 =	vld.idx.msk [tilespmem:v36+s2+$0x0], $0xffff  }
0x2fd: {  	v42 =	vadd.s32 $0x7, v0;
	v2 =	vld.idx.msk [tilespmem:v37+s2+$0x0], $0xffff  }
0x2fe: {  	v43 =	vadd.s32 $0x8, v0;
	v3 =	vld.idx.msk [tilespmem:v38+s2+$0x0], $0xffff  }
0x2ff: {  	v44 =	vadd.s32 $0x9, v0;
	v4 =	vld.idx.msk [tilespmem:v39+s2+$0x0], $0xffff  }
0x300: {  	v45 =	vadd.s32 $0xA, v0;
	v6 =	vld.idx.msk [tilespmem:v40+s2+$0x0], $0xffff  }
0x301: {  	v46 =	vadd.s32 $0xB, v0;
	v7 =	vld.idx.msk [tilespmem:v41+s2+$0x0], $0xffff  }
0x302: {  	v47 =	vadd.s32 $0xC, v0;
	v8 =	vld.idx.msk [tilespmem:v42+s2+$0x0], $0xffff  }
0x303: {  	v48 =	vadd.s32 $0xD, v0;
	v9 =	vld.idx.msk [tilespmem:v43+s2+$0x0], $0xffff  }
0x304: {  	v49 =	vadd.s32 $0xE, v0;
	v10 =	vld.idx.msk [tilespmem:v44+s2+$0x0], $0xffff  }
0x305: {  	v0 =	vadd.s32 $0xF, v0;
	v11 =	vld.idx.msk [tilespmem:v45+s2+$0x0], $0xffff  }
0x306: {  	v12 =	vld.idx.msk [tilespmem:v46+s2+$0x0], $0xffff  }
0x307: {  	v13 =	vld.idx.msk [tilespmem:v47+s2+$0x0], $0xffff  }
0x308: {  	v14 =	vld.idx.msk [tilespmem:v48+s2+$0x0], $0xffff  }
0x309: {  	v15 =	vld.idx.msk [tilespmem:v49+s2+$0x0], $0xffff  }
0x30a: {  	v0 =	vld.idx.msk [tilespmem:v0+s2+$0x0], $0xffff;
	[tilespmem:s17+$0x16BE0] =	vst v5  }
0x30b: {  	[tilespmem:s17+$0x16C60] =	vst v1  }
0x30c: {  	[tilespmem:s17+$0x16CE0] =	vst v2  }
0x30d: {  	[tilespmem:s17+$0x16D60] =	vst v3  }
0x30e: {  	[tilespmem:s17+$0x16DE0] =	vst v4  }
0x30f: {  	[tilespmem:s17+$0x16E60] =	vst v6  }
0x310: {  	[tilespmem:s17+$0x16EE0] =	vst v7  }
0x311: {  	[tilespmem:s17+$0x16F60] =	vst v8  }
0x312: {  	[tilespmem:s17+$0x16FE0] =	vst v9  }
0x313: {  	[tilespmem:s17+$0x17060] =	vst v10  }
0x314: {  	[tilespmem:s17+$0x170E0] =	vst v11  }
0x315: {  	[tilespmem:s17+$0x17160] =	vst v12  }
0x316: {  	[tilespmem:s17+$0x171E0] =	vst v13  }
0x317: {  	[tilespmem:s17+$0x17260] =	vst v14  }
0x318: {  	[tilespmem:s17+$0x172E0] =	vst v15  }
0x319: {  	[tilespmem:s17+$0x17360] =	vst v0  }
0x31a: {  	v0 =	vld [tilespmem:s11+$0x0];
	_ =	sdelay $0x4  }
0x31b: {  	v0 =	vmul.u32 $0x11, v0;
	_ =	sdelay $0x1  }
0x31c: {  	v0 =	vadd.s32 s15, v0  }
0x31d: {  	v50 =	vadd.s32 $0x1, v0  }
0x31e: {  	v51 =	vadd.s32 $0x2, v0  }
0x31f: {  	v52 =	vadd.s32 $0x3, v0  }
0x320: {  	v53 =	vadd.s32 $0x4, v0  }
0x321: {  	v54 =	vadd.s32 $0x5, v0;
	v5 =	vld.idx.msk [tilespmem:v0+s2+$0x0], $0xffff  }
0x322: {  	v55 =	vadd.s32 $0x6, v0;
	v1 =	vld.idx.msk [tilespmem:v50+s2+$0x0], $0xffff  }
0x323: {  	v56 =	vadd.s32 $0x7, v0;
	v2 =	vld.idx.msk [tilespmem:v51+s2+$0x0], $0xffff  }
0x324: {  	v57 =	vadd.s32 $0x8, v0;
	v3 =	vld.idx.msk [tilespmem:v52+s2+$0x0], $0xffff  }
0x325: {  	v58 =	vadd.s32 $0x9, v0;
	v4 =	vld.idx.msk [tilespmem:v53+s2+$0x0], $0xffff  }
0x326: {  	v59 =	vadd.s32 $0xA, v0;
	v6 =	vld.idx.msk [tilespmem:v54+s2+$0x0], $0xffff  }
0x327: {  	v60 =	vadd.s32 $0xB, v0;
	v7 =	vld.idx.msk [tilespmem:v55+s2+$0x0], $0xffff  }
0x328: {  	v61 =	vadd.s32 $0xC, v0;
	v8 =	vld.idx.msk [tilespmem:v56+s2+$0x0], $0xffff  }
0x329: {  	v62 =	vadd.s32 $0xD, v0;
	v9 =	vld.idx.msk [tilespmem:v57+s2+$0x0], $0xffff  }
0x32a: {  	v63 =	vadd.s32 $0xE, v0;
	v10 =	vld.idx.msk [tilespmem:v58+s2+$0x0], $0xffff  }
0x32b: {  	v0 =	vadd.s32 $0xF, v0;
	v11 =	vld.idx.msk [tilespmem:v59+s2+$0x0], $0xffff  }
0x32c: {  	v12 =	vld.idx.msk [tilespmem:v60+s2+$0x0], $0xffff  }
0x32d: {  	v13 =	vld.idx.msk [tilespmem:v61+s2+$0x0], $0xffff  }
0x32e: {  	v14 =	vld.idx.msk [tilespmem:v62+s2+$0x0], $0xffff  }
0x32f: {  	v15 =	vld.idx.msk [tilespmem:v63+s2+$0x0], $0xffff  }
0x330: {  	v0 =	vld.idx.msk [tilespmem:v0+s2+$0x0], $0xffff;
	[tilespmem:s17+$0x16BF0] =	vst v5  }
0x331: {  	[tilespmem:s17+$0x16C70] =	vst v1  }
0x332: {  	[tilespmem:s17+$0x16CF0] =	vst v2  }
0x333: {  	[tilespmem:s17+$0x16D70] =	vst v3  }
0x334: {  	[tilespmem:s17+$0x16DF0] =	vst v4  }
0x335: {  	[tilespmem:s17+$0x16E70] =	vst v6  }
0x336: {  	[tilespmem:s17+$0x16EF0] =	vst v7  }
0x337: {  	[tilespmem:s17+$0x16F70] =	vst v8  }
0x338: {  	[tilespmem:s17+$0x16FF0] =	vst v9  }
0x339: {  	[tilespmem:s17+$0x17070] =	vst v10  }
0x33a: {  	p0 =	sne.s32 s14, $0x18000;
	[tilespmem:s17+$0x170F0] =	vst v11  }
.Ltmp1:
0x33b: {  	[tilespmem:s17+$0x17170] =	vst v12;
	(pc) =	sbr.rel @p0 .LBB3_5-.Ltmp1, $4  }
0x33c: {  	[tilespmem:s17+$0x171F0] =	vst v13  }
0x33d: {  	[tilespmem:s17+$0x17270] =	vst v14  }
0x33e: {  	[tilespmem:s17+$0x172F0] =	vst v15  }
0x33f: {  	s14 =	sadd.s32 $0x2000, s14;
	s11 =	sadd.s32 $0x200, s11;
	s15 =	sadd.s32 $0x7F8, s15;
	[tilespmem:s17+$0x17370] =	vst v0  }
0x340: {  	s12 =	sadd.s32 $0x1, s12  }
0x341: {  	p0 =	sne.s32 s12, $0x4  }
.Ltmp2:
0x342: {  	_ = 	snop;
	(pc) =	sbr.rel @p0 .LBB3_2-.Ltmp2, $3  }
0x343: {  	_ =	sdelay $0x1  }
0x344: {  	s11 =	sadd.s32 $0xD00, s13;
	s10 =	sadd.s32 $0x80, s10;
	s16 =	sadd.s32 $0x80, s16  }
0x345: {  	[hbm4b:s11+s0] =	stream.linear.scatter [tilespmem:s6], [sflag:$0x2], $0x6800, $0x38;
	[tilespmem:$0x1D380] =	vst v63  }
0x346: {  	s9 =	sadd.s32 $0x1, s9  }
0x347: {  	_ =	swait.ge [sflag:s7], $0x6800;
	p0 =	sne.s32 s9, s22  }
.Ltmp3:
0x348: {  	[sflag:s7] =	ssyncset.done $0x0;
	(pc) =	sbr.rel @p0 .LBB3_1-.Ltmp3, $4  }
0x349: {  	[sflag:s7] =	ssyncadd.s32 $0xFFFF9800  }
0x34a: {  	_ =	swait.ge [sflag:s8], $0x6800  }
0x34b: {  	[sflag:s8] =	ssyncset.done $0x0  }
0x34c: {  	[sflag:s8] =	ssyncadd.s32 $0xFFFF9800  }
0x34d: {  	_ =	sfence.sel $0x180000  }
0x34e: {  	[bflag:$0x0] =	sbarrier.arrive $0xFFFF  }
0x34f: {  	_ =	strace $0x90000047  }
0x350: {  	s0 =	stileid.u32;
	[bflag:$0x2] =	sbarrier.arrive $0xFFFF  }
0x351: {  	p0 =	sne.s32 s0, $0x0;
	s0 =	rddreg [dreg:$0x1e]  }
0x352: {  	s0 =	sadd.s32 @!p0 $0x100000, s0  }
0x353: {  	[sflag:s0] =	ssyncadd.tile.s32 @!p0 $0x1;
	_ =	shalt  }
.Lfunc_end3:
_tile_overlayer_lowered:
.L_overlay_start_3:
0x354: {  	(tag) =	ssettag $0x3  }
0x355: {  	s0 =	rddreg [dreg:$0x0];
	s2 =	stileid.u32  }
0x356: {  	s1 =	rddreg [dreg:$0x1];
	p0 =	sne.s32 s2, $0x0  }
0x357: {  	s3 =	rddreg [dreg:$0x2];
	[bflag:$0x3] =	sbarrier.arrive $0xFFFF;
	s2 =	simm.s32 @!p0 $0x1C04  }
0x358: {  	[timem:s3], [sflag:s2] =	dma.local @!p0 [hbm:s0], s1  }
0x359: {  	s0 =	simm.s32 @!p0 $0x4  }
0x35a: {  	_ =	swait.ge @!p0 [sflag:s0], s1  }
0x35b: {  	s1 =	ssub.s32 @!p0 $0x0, s1;
	[sflag:s0] =	ssyncset.done @!p0 $0x0  }
0x35c: {  	[sflag:s0] =	ssyncadd.s32 @!p0 s1  }
0x35d: {  	[bflag:$0x3] =	sbarrier.arrive $0xFFFF  }
0x35e: {  	_ =	shalt  }

</sc_bundles>
